<compile_context>
chip_gen: v7x
topology: tpu7x:2x2x1
jax: 0.10.2.dev20260603
libtpu: 0.0.44.dev20260713+nightly
codegen_flags: <defaults>
</compile_context>

<pallas_src>
import functools

import jax
import jax.numpy as jnp
from jax import lax
from jax.experimental import pallas as pl
from jax.experimental.pallas import tpu as pltpu
from jax.experimental.pallas import tpu_sc as plsc

B, L, D = 16, 512, 256
F = 256
NBINS = 256
T = 4096
TBL = (B + 1) * L
ZROW = B * L
ROWS = B * T

NC, NS = 2, 16
NW = NC * NS
RPW = ROWS // NW
CH = 128
NCH = RPW // CH


def _ln(h, g, b):
    m = jnp.mean(h, axis=-1, keepdims=True)
    v = jnp.mean(h * h, axis=-1, keepdims=True) - m * m
    return (h - m) / jnp.sqrt(v + 1e-5) * g + b


def _conv3(x, w_ref):
    z = jnp.zeros((1, x.shape[-1]), jnp.float32)
    xm = jnp.concatenate([z, x[:-1, :]], axis=0)
    xp = jnp.concatenate([x[1:, :], z], axis=0)
    return (jnp.dot(xm, w_ref[0], preferred_element_type=jnp.float32)
            + jnp.dot(x, w_ref[1], preferred_element_type=jnp.float32)
            + jnp.dot(xp, w_ref[2], preferred_element_type=jnp.float32))


def _vp(x, m1, W1r, b1r, g1r, be1r, W2r, b2r, g2r, be2r, Wlr, blr):
    h = _ln(jax.nn.relu(_conv3(x, W1r) + b1r[...]), g1r[...], be1r[...])
    h = _ln(jax.nn.relu(_conv3(h, W2r) + b2r[...]), g2r[...], be2r[...])
    return (jnp.dot(h, Wlr[...], preferred_element_type=jnp.float32)
            + blr[...]) * m1


def _bucket_embed(t, bins_ref, emb_ref):
    idx = jnp.sum((bins_ref[...] < t).astype(jnp.int32), axis=1,
                  keepdims=True)
    lanes = lax.broadcasted_iota(jnp.int32, (1, NBINS), 1)
    oh = (idx == lanes).astype(jnp.float32)
    return jnp.dot(oh, emb_ref[...], preferred_element_type=jnp.float32)


def _dur_kernel(x_ref, m_ref, W1, b1, g1, be1, W2, b2, g2, be2, Wl, bl,
                pred_ref):
    pred_ref[0] = _vp(x_ref[0], 1.0 - m_ref[0], W1, b1, g1, be1,
                      W2, b2, g2, be2, Wl, bl)


def _pitch_kernel(x_ref, m_ref, t_ref, bins_ref, emb_ref,
                  W1, b1, g1, be1, W2, b2, g2, be2, Wl, bl,
                  pred_ref, x1_ref):
    x = x_ref[0]
    pred_ref[0] = _vp(x, 1.0 - m_ref[0], W1, b1, g1, be1,
                      W2, b2, g2, be2, Wl, bl)
    x1_ref[0] = x + _bucket_embed(t_ref[0], bins_ref, emb_ref)


def _energy_kernel(x_ref, m_ref, t_ref, bins_ref, emb_ref,
                   W1, b1, g1, be1, W2, b2, g2, be2, Wl, bl,
                   pred_ref, x2_ref):
    x = x_ref[0]
    pred_ref[0] = _vp(x, 1.0 - m_ref[0], W1, b1, g1, be1,
                      W2, b2, g2, be2, Wl, bl)
    live = (pl.program_id(0) < B).astype(jnp.float32)
    x2_ref[...] = (x + _bucket_embed(t_ref[0], bins_ref, emb_ref)) * live


def _index_body(d_ref, ml_ref, gidx_ref, mel_ref):
    b = pl.program_id(0)
    d = d_ref[0]
    row = lax.broadcasted_iota(jnp.int32, (L, L), 0)
    col = lax.broadcasted_iota(jnp.int32, (L, L), 1)
    cum = jnp.dot(d, (row <= col).astype(jnp.float32),
                  preferred_element_type=jnp.float32)
    mel_ref[0] = cum[:, L - 1:L].astype(jnp.int32)
    ml_f = ml_ref[0, 0].astype(jnp.float32)
    base = b.astype(jnp.float32) * L
    chunks = []
    for tb in range(T // L):
        pos = (lax.broadcasted_iota(jnp.int32, (L, 1), 0)
               .astype(jnp.float32) + float(tb * L))
        idx = jnp.sum((cum <= pos).astype(jnp.float32), axis=1,
                      keepdims=True)
        valid = (idx < float(L)) & (pos < ml_f)
        chunks.append(jnp.where(valid, idx + base, float(ZROW)))
    gidx_ref[0] = jnp.concatenate(chunks, axis=0).astype(jnp.int32)


SLAB = 64


def _expand_kernel(table, gidx, out, idx_all, slab, ob, zrow, ssems, wsems,
                   fsem):
    wid = lax.axis_index("s") * NC + lax.axis_index("c")

    iota16 = lax.iota(jnp.int32, 16)
    NR = CH // 16

    def stage_idx(c, carry):
        pltpu.sync_copy(gidx.at[c].at[wid], idx_all.at[pl.ds(c * CH, CH)])
        return carry

    lax.fori_loop(0, NCH, stage_idx, 0)

    def chunk_lo(c):
        return idx_all[pl.ds(c * CH, 16)][0]

    def slab_half(p):
        return slab.at[pl.ds(pl.multiple_of(p * (SLAB * D), D), SLAB * D)]

    def start_slab(c, p):
        @pl.when(chunk_lo(c) < ZROW)
        def _():
            src = table.at[pl.ds(pl.multiple_of(chunk_lo(c) * D, D),
                                 SLAB * D)]
            pltpu.async_copy(src, slab_half(p), ssems.at[p])

    def drain_writes(p):
        def drn(g, carry2):
            for _ in range(16):
                pltpu.make_async_copy(ob.at[pl.ds(0, D)], out.at[pl.ds(0, D)],
                                      wsems.at[p]).wait()
            return carry2

        lax.fori_loop(0, NR, drn, 0)

    pltpu.sync_copy(table.at[pl.ds(ZROW * D, D)], zrow)
    start_slab(0, 0)

    def do_chunk(c, carry):
        p = jnp.bitwise_and(c, 1)

        @pl.when((c >= 1) & (c + 1 < NCH))
        def _():
            drain_writes(1 - p)

        @pl.when(c + 1 < NCH)
        def _():
            start_slab(c + 1, 1 - p)

        lo = chunk_lo(c)
        live = lo < ZROW

        @pl.when(live)
        def _():
            pltpu.make_async_copy(table.at[pl.ds(0, SLAB * D)], slab_half(p),
                                  ssems.at[p]).wait()

        hi = idx_all[pl.ds(c * CH + CH - 16, 16)][15]
        fits = (hi - lo) < SLAB
        pbase_s = p * (SLAB * D)
        pbase_o = p * (CH * D)
        obase = (c * NW + wid) * (CH * D)

        @pl.when(live & fits)
        def _():
            def grp(g, carry2):
                off = (idx_all[pl.ds(c * CH + g * 16, 16)] - lo) * D + pbase_s
                for j in range(16):
                    src = pl.multiple_of(off[j], D)
                    dst = pl.multiple_of(obase + (g * 16 + j) * D, D)
                    pltpu.async_copy(slab.at[pl.ds(src, D)],
                                     out.at[pl.ds(dst, D)], wsems.at[p])
                return carry2

            lax.fori_loop(0, NR, grp, 0)

        @pl.when(live & jnp.logical_not(fits))
        def _():
            def rd(g, carry2):
                rows = idx_all[pl.ds(c * CH + g * 16, 16)] * D
                for j in range(16):
                    src = pl.multiple_of(rows[j], D)
                    dst = pl.multiple_of((g * 16 + j) * D + pbase_o, D)
                    pltpu.async_copy(table.at[pl.ds(src, D)],
                                     ob.at[pl.ds(dst, D)], fsem)
                return carry2

            lax.fori_loop(0, NR, rd, 0)

            def drn(g, carry2):
                for _ in range(16):
                    pltpu.make_async_copy(table.at[pl.ds(0, D)],
                                          ob.at[pl.ds(0, D)], fsem).wait()
                return carry2

            lax.fori_loop(0, NR, drn, 0)

            def wr(g, carry2):
                for j in range(16):
                    srcd = pl.multiple_of((g * 16 + j) * D + pbase_o, D)
                    dstd = pl.multiple_of(obase + (g * 16 + j) * D, D)
                    pltpu.async_copy(ob.at[pl.ds(srcd, D)],
                                     out.at[pl.ds(dstd, D)], wsems.at[p])
                return carry2

            lax.fori_loop(0, NR, wr, 0)

        @pl.when(jnp.logical_not(live))
        def _():
            def zr(g, carry2):
                for j in range(16):
                    dst = pl.multiple_of(obase + (g * 16 + j) * D, D)
                    pltpu.async_copy(zrow, out.at[pl.ds(dst, D)],
                                     wsems.at[p])
                return carry2

            lax.fori_loop(0, NR, zr, 0)

        return carry

    lax.fori_loop(0, NCH, do_chunk, 0)
    drain_writes(0)
    drain_writes(1)


def _full(a):
    return pl.BlockSpec(a.shape, lambda b: (0,) * a.ndim)


def _vp_specs(p):
    ws = [p["W1"], p["b1"], p["g1"], p["be1"], p["W2"], p["b2"], p["g2"],
          p["be2"], p["Wl"], p["bl"]]
    return ws, [_full(w) for w in ws]


def _prep(p):
    return {
        "W1": p["W1"], "W2": p["W2"],
        "b1": p["b1"].reshape(1, F), "g1": p["g1"].reshape(1, F),
        "be1": p["be1"].reshape(1, F),
        "b2": p["b2"].reshape(1, F), "g2": p["g2"].reshape(1, F),
        "be2": p["be2"].reshape(1, F),
        "Wl": p["Wl"], "bl": p["bl"].reshape(1, 1),
    }


def kernel(x, src_mask, pitch_target, energy_target, duration_target,
           max_len, params):
    maskf = src_mask.astype(jnp.float32).reshape(B, L, 1)
    pt = pitch_target.reshape(B, L, 1)
    et = energy_target.reshape(B, L, 1)
    durf = duration_target.astype(jnp.float32).reshape(B, 1, L)
    mlen = jnp.asarray(max_len, jnp.int32).reshape(1, 1)
    inf = jnp.full((1,), jnp.inf, jnp.float32)
    pbins = jnp.concatenate([params["pitch_bins"].astype(jnp.float32), inf]
                            ).reshape(1, NBINS)
    ebins = jnp.concatenate([params["energy_bins"].astype(jnp.float32), inf]
                            ).reshape(1, NBINS)

    xspec = pl.BlockSpec((1, L, D), lambda b: (b, 0, 0))
    cspec = pl.BlockSpec((1, L, 1), lambda b: (b, 0, 0))

    pp = _prep(params["pitch"])
    pw, pwspecs = _vp_specs(pp)
    pitch_pred3, x1 = pl.pallas_call(
        _pitch_kernel,
        grid=(B,),
        in_specs=[xspec, cspec, cspec, _full(pbins),
                  _full(params["pitch_emb"])] + pwspecs,
        out_specs=[cspec, xspec],
        out_shape=[jax.ShapeDtypeStruct((B, L, 1), jnp.float32),
                   jax.ShapeDtypeStruct((B, L, D), jnp.float32)],
    )(x, maskf, pt, pbins, params["pitch_emb"], *pw)

    gidx, mel3 = pl.pallas_call(
        _index_body,
        grid=(B,),
        in_specs=[pl.BlockSpec((1, 1, L), lambda b: (b, 0, 0)),
                  pl.BlockSpec(memory_space=pltpu.SMEM)],
        out_specs=[pl.BlockSpec((1, T, 1), lambda b: (b, 0, 0)),
                   pl.BlockSpec((1, 1, 1), lambda b: (b, 0, 0))],
        out_shape=[jax.ShapeDtypeStruct((B, T, 1), jnp.int32),
                   jax.ShapeDtypeStruct((B, 1, 1), jnp.int32)],
    )(durf, mlen)

    ep = _prep(params["energy"])
    ew, ewspecs = _vp_specs(ep)
    cl = lambda b: (jnp.minimum(b, B - 1), 0, 0)
    energy_pred3, x2p = pl.pallas_call(
        _energy_kernel,
        grid=(B + 1,),
        in_specs=[pl.BlockSpec((1, L, D), cl), pl.BlockSpec((1, L, 1), cl),
                  pl.BlockSpec((1, L, 1), cl), _full(ebins),
                  _full(params["energy_emb"])] + ewspecs,
        out_specs=[pl.BlockSpec((1, L, 1), cl),
                   pl.BlockSpec((L, D), lambda b: (b, 0))],
        out_shape=[jax.ShapeDtypeStruct((B, L, 1), jnp.float32),
                   jax.ShapeDtypeStruct((TBL, D), jnp.float32)],
    )(x1, maskf, et, ebins, params["energy_emb"], *ew)

    expand = pl.kernel(
        _expand_kernel,
        out_type=jax.ShapeDtypeStruct((ROWS * D,), jnp.float32),
        mesh=plsc.VectorSubcoreMesh(core_axis_name="c", subcore_axis_name="s"),
        scratch_types=[pltpu.VMEM((NCH * CH,), jnp.int32),
                       pltpu.VMEM((2 * SLAB * D,), jnp.float32),
                       pltpu.VMEM((2 * CH * D,), jnp.float32),
                       pltpu.VMEM((D,), jnp.float32),
                       pltpu.SemaphoreType.DMA((2,)),
                       pltpu.SemaphoreType.DMA((2,)),
                       pltpu.SemaphoreType.DMA],
        compiler_params=pltpu.CompilerParams(use_tc_tiling_on_sc=False),
    )
    out_flat = expand(x2p.reshape(TBL * D), gidx.reshape(NCH, NW, CH))

    dp = _prep(params["dur"])
    dw, dwspecs = _vp_specs(dp)
    log_dur3 = pl.pallas_call(
        _dur_kernel,
        grid=(B,),
        in_specs=[xspec, cspec] + dwspecs,
        out_specs=cspec,
        out_shape=jax.ShapeDtypeStruct((B, L, 1), jnp.float32),
    )(x, maskf, *dw)

    return (out_flat.reshape(B, T, D),
            pitch_pred3.reshape(B, L),
            energy_pred3.reshape(B, L),
            log_dur3.reshape(B, L),
            duration_target,
            mel3.reshape(B))

# --- scband reference (transcript-rebuilt; emitter-appended) ---
"""Pipeline reference for scband-variance-adaptor-45629732552877 (READ-ONLY COPY).

The authoritative reference and input builder live on the scoring server;
editing this copy changes nothing except your own understanding.
"""

import jax, jax.numpy as jnp
import numpy as np

B, L, D = 16, 512, 256
F = 256
K = 3
NBINS = 256
MAXLEN = 4096


def _ln(x, g, b):
    m = jnp.mean(x, axis=-1, keepdims=True)
    v = jnp.var(x, axis=-1, keepdims=True)
    return (x - m) / jnp.sqrt(v + 1e-5) * g + b


def _vp_params(k, in_dim):
    k1, k2, k3 = jax.random.split(k, 3)
    return {
        "W1": jax.random.normal(k1, (K, in_dim, F), jnp.float32) * 0.05,
        "b1": jnp.zeros((F,), jnp.float32),
        "g1": jnp.ones((F,), jnp.float32),
        "be1": jnp.zeros((F,), jnp.float32),
        "W2": jax.random.normal(k2, (K, F, F), jnp.float32) * 0.05,
        "b2": jnp.zeros((F,), jnp.float32),
        "g2": jnp.ones((F,), jnp.float32),
        "be2": jnp.zeros((F,), jnp.float32),
        "Wl": jax.random.normal(k3, (F, 1), jnp.float32) * 0.05,
        "bl": jnp.zeros((1,), jnp.float32),
    }


def setup_inputs(seed: int = 0):
    key = jax.random.key(seed)
    ks = jax.random.split(key, 8)
    x = jax.random.normal(ks[0], (B, L, D), jnp.float32)
    src_mask = jnp.zeros((B, L), dtype=bool)
    pitch_target = jax.random.normal(ks[1], (B, L), jnp.float32)
    energy_target = jax.random.uniform(ks[2], (B, L), jnp.float32)
    duration_target = jax.random.randint(ks[3], (B, L), 0, 8).astype(jnp.int32)
    params = {
        "dur": _vp_params(ks[4], D),
        "pitch": _vp_params(ks[5], D),
        "energy": _vp_params(ks[6], D),
        "pitch_bins": jnp.linspace(-1.0, 1.0, NBINS - 1),
        "energy_bins": jnp.linspace(0.0, 1.0, NBINS - 1),
        "pitch_emb": jax.random.normal(ks[7], (NBINS, D), jnp.float32) * 0.02,
        "energy_emb": jax.random.normal(jax.random.fold_in(key, 99), (NBINS, D), jnp.float32) * 0.02,
    }
    return {"x": x, "src_mask": src_mask, "pitch_target": pitch_target,
            "energy_target": energy_target, "duration_target": duration_target,
            "max_len": MAXLEN, "params": params}


def _variance_predictor(p, x, mask):
    h = jax.lax.conv_general_dilated(x, p["W1"], (1,), "SAME", dimension_numbers=("NWC", "WIO", "NWC")) + p["b1"]
    h = _ln(jax.nn.relu(h), p["g1"], p["be1"])
    h = jax.lax.conv_general_dilated(h, p["W2"], (1,), "SAME", dimension_numbers=("NWC", "WIO", "NWC")) + p["b2"]
    h = _ln(jax.nn.relu(h), p["g2"], p["be2"])
    out = (h @ p["Wl"] + p["bl"])[..., 0]
    return jnp.where(mask, 0.0, out)


def _length_regulate(x, duration, max_len):
    # vectorized equivalent of LengthRegulator: repeat phoneme vectors by duration, pad to max_len
    cum = jnp.cumsum(duration, axis=1)  # [B, L]
    mel_len = cum[:, -1]
    pos = jnp.arange(MAXLEN)
    idx = jax.vmap(lambda c: jnp.searchsorted(c, pos, side="right"))(cum)  # [B, T]
    idx = jnp.clip(idx, 0, x.shape[1] - 1)
    out = jnp.take_along_axis(x, idx[:, :, None], axis=1)  # gather expansion
    out = out * ((pos[None, :] < mel_len[:, None]) & (pos[None, :] < max_len))[:, :, None]
    return out, mel_len


def reference(x, src_mask, pitch_target, energy_target, duration_target, max_len, params):
    log_dur = _variance_predictor(params["dur"], x, src_mask)
    # phoneme-level pitch
    pitch_pred = _variance_predictor(params["pitch"], x, src_mask)
    p_idx = jnp.searchsorted(params["pitch_bins"], pitch_target, side="left")  # torch.bucketize
    x = x + jnp.take(params["pitch_emb"], p_idx, axis=0)
    # phoneme-level energy (uses updated x, matching torch)
    energy_pred = _variance_predictor(params["energy"], x, src_mask)
    e_idx = jnp.searchsorted(params["energy_bins"], energy_target, side="left")
    x = x + jnp.take(params["energy_emb"], e_idx, axis=0)
    out, mel_len = _length_regulate(x, duration_target, max_len)
    return (out, pitch_pred, energy_pred, log_dur, duration_target, mel_len)

if __name__ == "__main__":
    import jax
    _d = setup_inputs()
    print(jax.jit(kernel)(*tuple(_d.values())))

</pallas_src>

<mosaic_0001>
#map = affine_map<(d0, d1) -> (0)>
#map1 = affine_map<(d0, d1) -> (0, 0, 0)>
module attributes {stable_mosaic.version = 14 : i64} {
  func.func @_expand_kernel(%arg0: i32, %arg1: i32, %arg2: memref<2228224xf32, #tpu.memory_space<hbm>>, %arg3: memref<16x32x128xi32, #tpu.memory_space<hbm>>, %arg4: memref<16777216xf32, #tpu.memory_space<hbm>>, %arg5: memref<2048xi32, #tpu.memory_space<vmem>>, %arg6: memref<32768xf32, #tpu.memory_space<vmem>>, %arg7: memref<65536xf32, #tpu.memory_space<vmem>>, %arg8: memref<256xf32, #tpu.memory_space<vmem>>, %arg9: memref<2x!tpu.dma_semaphore, #tpu.memory_space<semaphore_mem>>, %arg10: memref<2x!tpu.dma_semaphore, #tpu.memory_space<semaphore_mem>>, %arg11: memref<!tpu.dma_semaphore, #tpu.memory_space<semaphore_mem>>) attributes {dimension_semantics = [#tpu.dimension_semantics<core_parallel>, #tpu.dimension_semantics<subcore_parallel>], iteration_bounds = array<i64: 2, 16>, scalar_prefetch = 0 : i64, scratch_operands = 7 : i64, tpu.core_type = #tpu.core_type<sc_vector_subcore>, window_params = [{transform_indices = #map}, {transform_indices = #map1}, {transform_indices = #map}]} {
    %mul3A = arith.constant 2 : i32
    %mul3A_0 = arith.muli %arg1, %mul3A : i32
    %add3A = arith.addi %mul3A_0, %arg0 : i32
    %iota3A = tpu.iota {dimensions = array<i32: 0>} : vector<16xi32>
    %scan3A = arith.constant 0 : i32
    %scan3A_1 = arith.constant 0 : i32
    %scan3A_2 = arith.constant 16 : i32
    %scan3A_3 = arith.addi %scan3A_1, %scan3A_2 : i32
    %scan3A_4 = arith.constant 1 : i32
    scf.for %scan3A_28 = %scan3A_1 to %scan3A_3 step %scan3A_4  : i32 {
      %mul3A_29 = arith.constant 128 : i32
      %mul3A_30 = arith.muli %scan3A_28, %mul3A_29 : i32
      "tpu.region"() ({
        %run_scoped3A = tpu.sem_alloc : memref<!tpu.dma_semaphore, #tpu.memory_space<semaphore_mem>>
        %dma_start3A = tpu.memref_slice %arg5[%mul3A_30] : memref<2048xi32, #tpu.memory_space<vmem>> -> memref<128xi32, #tpu.memory_space<vmem>>
        %dma_start3A_31 = arith.constant 0 : i32
        %dma_start3A_32 = arith.constant 0 : i32
        %dma_start3A_33 = tpu.memref_slice %arg3[%scan3A_28, %dma_start3A_31, %dma_start3A_32] : memref<16x32x128xi32, #tpu.memory_space<hbm>> -> memref<1x32x128xi32, #tpu.memory_space<hbm>>
        %dma_start3A_34 = tpu.memref_squeeze %dma_start3A_33 : memref<1x32x128xi32, #tpu.memory_space<hbm>> -> memref<32x128xi32, #tpu.memory_space<hbm>>
        %dma_start3A_35 = arith.constant 0 : i32
        %dma_start3A_36 = tpu.memref_slice %dma_start3A_34[%add3A, %dma_start3A_35] : memref<32x128xi32, #tpu.memory_space<hbm>> -> memref<1x128xi32, #tpu.memory_space<hbm>>
        %dma_start3A_37 = tpu.memref_squeeze %dma_start3A_36 : memref<1x128xi32, #tpu.memory_space<hbm>> -> memref<128xi32, #tpu.memory_space<hbm>>
        %dma_start3A_38 = tpu.memref_slice %arg5[%mul3A_30] : memref<2048xi32, #tpu.memory_space<vmem>> -> memref<128xi32, #tpu.memory_space<vmem>>
        %dma_start3A_39 = arith.constant 0 : i32
        %dma_start3A_40 = arith.constant 0 : i32
        %dma_start3A_41 = tpu.memref_slice %arg3[%scan3A_28, %dma_start3A_39, %dma_start3A_40] : memref<16x32x128xi32, #tpu.memory_space<hbm>> -> memref<1x32x128xi32, #tpu.memory_space<hbm>>
        %dma_start3A_42 = tpu.memref_squeeze %dma_start3A_41 : memref<1x32x128xi32, #tpu.memory_space<hbm>> -> memref<32x128xi32, #tpu.memory_space<hbm>>
        %dma_start3A_43 = arith.constant 0 : i32
        %dma_start3A_44 = tpu.memref_slice %dma_start3A_42[%add3A, %dma_start3A_43] : memref<32x128xi32, #tpu.memory_space<hbm>> -> memref<1x128xi32, #tpu.memory_space<hbm>>
        %dma_start3A_45 = tpu.memref_squeeze %dma_start3A_44 : memref<1x128xi32, #tpu.memory_space<hbm>> -> memref<128xi32, #tpu.memory_space<hbm>>
        tpu.enqueue_dma source(%dma_start3A_45 : memref<128xi32, #tpu.memory_space<hbm>>) target(%dma_start3A_38 : memref<128xi32, #tpu.memory_space<vmem>>) target_semaphore(%run_scoped3A : memref<!tpu.dma_semaphore, #tpu.memory_space<semaphore_mem>>)
        %dma_wait3A = tpu.memref_slice %arg5[%mul3A_30] : memref<2048xi32, #tpu.memory_space<vmem>> -> memref<128xi32, #tpu.memory_space<vmem>>
        %dma_wait3A_46 = arith.constant 0 : i32
        %dma_wait3A_47 = arith.constant 0 : i32
        %dma_wait3A_48 = tpu.memref_slice %arg3[%scan3A_28, %dma_wait3A_46, %dma_wait3A_47] : memref<16x32x128xi32, #tpu.memory_space<hbm>> -> memref<1x32x128xi32, #tpu.memory_space<hbm>>
        %dma_wait3A_49 = tpu.memref_squeeze %dma_wait3A_48 : memref<1x32x128xi32, #tpu.memory_space<hbm>> -> memref<32x128xi32, #tpu.memory_space<hbm>>
        %dma_wait3A_50 = arith.constant 0 : i32
        %dma_wait3A_51 = tpu.memref_slice %dma_wait3A_49[%add3A, %dma_wait3A_50] : memref<32x128xi32, #tpu.memory_space<hbm>> -> memref<1x128xi32, #tpu.memory_space<hbm>>
        %dma_wait3A_52 = tpu.memref_squeeze %dma_wait3A_51 : memref<1x128xi32, #tpu.memory_space<hbm>> -> memref<128xi32, #tpu.memory_space<hbm>>
        %dma_wait3A_53 = tpu.memref_slice %arg5[%mul3A_30] : memref<2048xi32, #tpu.memory_space<vmem>> -> memref<128xi32, #tpu.memory_space<vmem>>
        %dma_wait3A_54 = arith.constant 0 : i32
        %dma_wait3A_55 = arith.constant 0 : i32
        %dma_wait3A_56 = tpu.memref_slice %arg3[%scan3A_28, %dma_wait3A_54, %dma_wait3A_55] : memref<16x32x128xi32, #tpu.memory_space<hbm>> -> memref<1x32x128xi32, #tpu.memory_space<hbm>>
        %dma_wait3A_57 = tpu.memref_squeeze %dma_wait3A_56 : memref<1x32x128xi32, #tpu.memory_space<hbm>> -> memref<32x128xi32, #tpu.memory_space<hbm>>
        %dma_wait3A_58 = arith.constant 0 : i32
        %dma_wait3A_59 = tpu.memref_slice %dma_wait3A_57[%add3A, %dma_wait3A_58] : memref<32x128xi32, #tpu.memory_space<hbm>> -> memref<1x128xi32, #tpu.memory_space<hbm>>
        %dma_wait3A_60 = tpu.memref_squeeze %dma_wait3A_59 : memref<1x128xi32, #tpu.memory_space<hbm>> -> memref<128xi32, #tpu.memory_space<hbm>>
        tpu.wait_dma2 semaphore(%run_scoped3A : memref<!tpu.dma_semaphore, #tpu.memory_space<semaphore_mem>>) src(%dma_wait3A_60 : memref<128xi32, #tpu.memory_space<hbm>>) dst(%dma_wait3A_53 : memref<128xi32, #tpu.memory_space<vmem>>)
        tpu.yield
      }) : () -> ()
    }
    %scan3A_5 = arith.constant 16 : i32
    "tpu.region"() ({
      %run_scoped3A = tpu.sem_alloc : memref<!tpu.dma_semaphore, #tpu.memory_space<semaphore_mem>>
      %dma_start3A = arith.constant 2097152 : i32
      %dma_start3A_28 = tpu.memref_slice %arg2[%dma_start3A] : memref<2228224xf32, #tpu.memory_space<hbm>> -> memref<256xf32, #tpu.memory_space<hbm>>
      %dma_start3A_29 = arith.constant 2097152 : i32
      %dma_start3A_30 = tpu.memref_slice %arg2[%dma_start3A_29] : memref<2228224xf32, #tpu.memory_space<hbm>> -> memref<256xf32, #tpu.memory_space<hbm>>
      tpu.enqueue_dma source(%dma_start3A_30 : memref<256xf32, #tpu.memory_space<hbm>>) target(%arg8 : memref<256xf32, #tpu.memory_space<vmem>>) target_semaphore(%run_scoped3A : memref<!tpu.dma_semaphore, #tpu.memory_space<semaphore_mem>>)
      %dma_wait3A = arith.constant 2097152 : i32
      %dma_wait3A_31 = tpu.memref_slice %arg2[%dma_wait3A] : memref<2228224xf32, #tpu.memory_space<hbm>> -> memref<256xf32, #tpu.memory_space<hbm>>
      %dma_wait3A_32 = arith.constant 2097152 : i32
      %dma_wait3A_33 = tpu.memref_slice %arg2[%dma_wait3A_32] : memref<2228224xf32, #tpu.memory_space<hbm>> -> memref<256xf32, #tpu.memory_space<hbm>>
      tpu.wait_dma2 semaphore(%run_scoped3A : memref<!tpu.dma_semaphore, #tpu.memory_space<semaphore_mem>>) src(%dma_wait3A_33 : memref<256xf32, #tpu.memory_space<hbm>>) dst(%arg8 : memref<256xf32, #tpu.memory_space<vmem>>)
      tpu.yield
    }) : () -> ()
    %get3A = arith.constant 0 : index
    %get3A_6 = tpu.vector_load %arg5[%get3A] {strides = array<i32>} : memref<2048xi32, #tpu.memory_space<vmem>>, vector<16xi32>,
    %get3A_7 = vector.shape_cast %get3A_6 : vector<16xi32> to vector<16xi32>
    %slice3A = vector.extract_strided_slice %get3A_7 {offsets = [0], sizes = [1], strides = [1]} : vector<16xi32> to vector<1xi32>
    %squeeze3A = vector.extract %slice3A[0] : i32 from vector<1xi32>
    %lt3A = arith.constant 8192 : i32
    %lt3A_8 = arith.cmpi slt, %squeeze3A, %lt3A : i32
    %convert_element_type3A = arith.extui %lt3A_8 : i1 to i32
    %cond3A = arith.constant 0 : i32
    %cond3A_9 = arith.cmpi ne, %convert_element_type3A, %cond3A : i32
    scf.if %cond3A_9 {
      %get3A_28 = arith.constant 0 : index
      %get3A_29 = tpu.vector_load %arg5[%get3A_28] {strides = array<i32>} : memref<2048xi32, #tpu.memory_space<vmem>>, vector<16xi32>,
      %get3A_30 = vector.shape_cast %get3A_29 : vector<16xi32> to vector<16xi32>
      %slice3A_31 = vector.extract_strided_slice %get3A_30 {offsets = [0], sizes = [1], strides = [1]} : vector<16xi32> to vector<1xi32>
      %squeeze3A_32 = vector.extract %slice3A_31[0] : i32 from vector<1xi32>
      %mul3A_33 = arith.constant 256 : i32
      %mul3A_34 = arith.muli %squeeze3A_32, %mul3A_33 : i32
      %multiple_of3A = tpu.assume_multiple %mul3A_34, 256 : i32
      %multiple_of3A_35 = arith.constant 0 : i32
      %multiple_of3A_36 = tpu.assume_multiple %multiple_of3A_35, 256 : i32
      %dma_start3A = arith.constant 0 : i32
      %dma_start3A_37 = tpu.memref_slice %arg6[%multiple_of3A_36] : memref<32768xf32, #tpu.memory_space<vmem>> -> memref<16384xf32, #tpu.memory_space<vmem>>
      %dma_start3A_38 = tpu.memref_slice %arg2[%multiple_of3A] : memref<2228224xf32, #tpu.memory_space<hbm>> -> memref<16384xf32, #tpu.memory_space<hbm>>
      %dma_start3A_39 = tpu.memref_slice %arg9[%dma_start3A] : memref<2x!tpu.dma_semaphore, #tpu.memory_space<semaphore_mem>> -> memref<1x!tpu.dma_semaphore, #tpu.memory_space<semaphore_mem>>
      %dma_start3A_40 = tpu.memref_squeeze %dma_start3A_39 : memref<1x!tpu.dma_semaphore, #tpu.memory_space<semaphore_mem>> -> memref<!tpu.dma_semaphore, #tpu.memory_space<semaphore_mem>>
      %dma_start3A_41 = tpu.memref_slice %arg6[%multiple_of3A_36] : memref<32768xf32, #tpu.memory_space<vmem>> -> memref<16384xf32, #tpu.memory_space<vmem>>
      %dma_start3A_42 = tpu.memref_slice %arg2[%multiple_of3A] : memref<2228224xf32, #tpu.memory_space<hbm>> -> memref<16384xf32, #tpu.memory_space<hbm>>
      tpu.enqueue_dma source(%dma_start3A_42 : memref<16384xf32, #tpu.memory_space<hbm>>) target(%dma_start3A_41 : memref<16384xf32, #tpu.memory_space<vmem>>) target_semaphore(%dma_start3A_40 : memref<!tpu.dma_semaphore, #tpu.memory_space<semaphore_mem>>)
    } else {
    }
    %scan3A_10 = arith.constant 0 : i32
    %scan3A_11 = arith.constant 0 : i32
    %scan3A_12 = arith.constant 16 : i32
    %scan3A_13 = arith.addi %scan3A_11, %scan3A_12 : i32
    %scan3A_14 = arith.constant 1 : i32
    scf.for %scan3A_28 = %scan3A_11 to %scan3A_13 step %scan3A_14  : i32 {
      %and3A = arith.constant 1 : i32
      %and3A_29 = arith.andi %scan3A_28, %and3A : i32
      %ge3A = arith.constant 1 : i32
      %ge3A_30 = arith.cmpi sge, %scan3A_28, %ge3A : i32
      %add3A_31 = arith.constant 1 : i32
      %add3A_32 = arith.addi %scan3A_28, %add3A_31 : i32
      %lt3A_33 = arith.constant 16 : i32
      %lt3A_34 = arith.cmpi slt, %add3A_32, %lt3A_33 : i32
      %and3A_35 = arith.andi %ge3A_30, %lt3A_34 : i1
      %convert_element_type3A_36 = arith.extui %and3A_35 : i1 to i32
      %cond3A_37 = arith.constant 0 : i32
      %cond3A_38 = arith.cmpi ne, %convert_element_type3A_36, %cond3A_37 : i32
      scf.if %cond3A_38 {
        %sub3A_94 = arith.constant 1 : i32
        %sub3A_95 = arith.subi %sub3A_94, %and3A_29 : i32
        %scan3A_96 = arith.constant 0 : i32
        %scan3A_97 = arith.constant 0 : i32
        %scan3A_98 = arith.constant 8 : i32
        %scan3A_99 = arith.addi %scan3A_97, %scan3A_98 : i32
        %scan3A_100 = arith.constant 1 : i32
        scf.for %scan3A_102 = %scan3A_97 to %scan3A_99 step %scan3A_100  : i32 {
          %dma_wait3A = arith.constant 0 : i32
          %dma_wait3A_103 = tpu.memref_slice %arg7[%dma_wait3A] : memref<65536xf32, #tpu.memory_space<vmem>> -> memref<256xf32, #tpu.memory_space<vmem>>
          %dma_wait3A_104 = arith.constant 0 : i32
          %dma_wait3A_105 = tpu.memref_slice %arg4[%dma_wait3A_104] : memref<16777216xf32, #tpu.memory_space<hbm>> -> memref<256xf32, #tpu.memory_space<hbm>>
          %dma_wait3A_106 = tpu.memref_slice %arg10[%sub3A_95] : memref<2x!tpu.dma_semaphore, #tpu.memory_space<semaphore_mem>> -> memref<1x!tpu.dma_semaphore, #tpu.memory_space<semaphore_mem>>
          %dma_wait3A_107 = tpu.memref_squeeze %dma_wait3A_106 : memref<1x!tpu.dma_semaphore, #tpu.memory_space<semaphore_mem>> -> memref<!tpu.dma_semaphore, #tpu.memory_space<semaphore_mem>>
          %dma_wait3A_108 = arith.constant 0 : i32
          %dma_wait3A_109 = tpu.memref_slice %arg4[%dma_wait3A_108] : memref<16777216xf32, #tpu.memory_space<hbm>> -> memref<256xf32, #tpu.memory_space<hbm>>
          %dma_wait3A_110 = arith.constant 0 : i32
          %dma_wait3A_111 = tpu.memref_slice %arg7[%dma_wait3A_110] : memref<65536xf32, #tpu.memory_space<vmem>> -> memref<256xf32, #tpu.memory_space<vmem>>
          tpu.wait_dma2 semaphore(%dma_wait3A_107 : memref<!tpu.dma_semaphore, #tpu.memory_space<semaphore_mem>>) src(%dma_wait3A_111 : memref<256xf32, #tpu.memory_space<vmem>>) dst(%dma_wait3A_109 : memref<256xf32, #tpu.memory_space<hbm>>)
          %dma_wait3A_112 = arith.constant 0 : i32
          %dma_wait3A_113 = tpu.memref_slice %arg7[%dma_wait3A_112] : memref<65536xf32, #tpu.memory_space<vmem>> -> memref<256xf32, #tpu.memory_space<vmem>>
          %dma_wait3A_114 = arith.constant 0 : i32
          %dma_wait3A_115 = tpu.memref_slice %arg4[%dma_wait3A_114] : memref<16777216xf32, #tpu.memory_space<hbm>> -> memref<256xf32, #tpu.memory_space<hbm>>
          %dma_wait3A_116 = tpu.memref_slice %arg10[%sub3A_95] : memref<2x!tpu.dma_semaphore, #tpu.memory_space<semaphore_mem>> -> memref<1x!tpu.dma_semaphore, #tpu.memory_space<semaphore_mem>>
          %dma_wait3A_117 = tpu.memref_squeeze %dma_wait3A_116 : memref<1x!tpu.dma_semaphore, #tpu.memory_space<semaphore_mem>> -> memref<!tpu.dma_semaphore, #tpu.memory_space<semaphore_mem>>
          %dma_wait3A_118 = arith.constant 0 : i32
          %dma_wait3A_119 = tpu.memref_slice %arg4[%dma_wait3A_118] : memref<16777216xf32, #tpu.memory_space<hbm>> -> memref<256xf32, #tpu.memory_space<hbm>>
          %dma_wait3A_120 = arith.constant 0 : i32
          %dma_wait3A_121 = tpu.memref_slice %arg7[%dma_wait3A_120] : memref<65536xf32, #tpu.memory_space<vmem>> -> memref<256xf32, #tpu.memory_space<vmem>>
          tpu.wait_dma2 semaphore(%dma_wait3A_117 : memref<!tpu.dma_semaphore, #tpu.memory_space<semaphore_mem>>) src(%dma_wait3A_121 : memref<256xf32, #tpu.memory_space<vmem>>) dst(%dma_wait3A_119 : memref<256xf32, #tpu.memory_space<hbm>>)
          %dma_wait3A_122 = arith.constant 0 : i32
          %dma_wait3A_123 = tpu.memref_slice %arg7[%dma_wait3A_122] : memref<65536xf32, #tpu.memory_space<vmem>> -> memref<256xf32, #tpu.memory_space<vmem>>
          %dma_wait3A_124 = arith.constant 0 : i32
          %dma_wait3A_125 = tpu.memref_slice %arg4[%dma_wait3A_124] : memref<16777216xf32, #tpu.memory_space<hbm>> -> memref<256xf32, #tpu.memory_space<hbm>>
          %dma_wait3A_126 = tpu.memref_slice %arg10[%sub3A_95] : memref<2x!tpu.dma_semaphore, #tpu.memory_space<semaphore_mem>> -> memref<1x!tpu.dma_semaphore, #tpu.memory_space<semaphore_mem>>
          %dma_wait3A_127 = tpu.memref_squeeze %dma_wait3A_126 : memref<1x!tpu.dma_semaphore, #tpu.memory_space<semaphore_mem>> -> memref<!tpu.dma_semaphore, #tpu.memory_space<semaphore_mem>>
          %dma_wait3A_128 = arith.constant 0 : i32
          %dma_wait3A_129 = tpu.memref_slice %arg4[%dma_wait3A_128] : memref<16777216xf32, #tpu.memory_space<hbm>> -> memref<256xf32, #tpu.memory_space<hbm>>
          %dma_wait3A_130 = arith.constant 0 : i32
          %dma_wait3A_131 = tpu.memref_slice %arg7[%dma_wait3A_130] : memref<65536xf32, #tpu.memory_space<vmem>> -> memref<256xf32, #tpu.memory_space<vmem>>
          tpu.wait_dma2 semaphore(%dma_wait3A_127 : memref<!tpu.dma_semaphore, #tpu.memory_space<semaphore_mem>>) src(%dma_wait3A_131 : memref<256xf32, #tpu.memory_space<vmem>>) dst(%dma_wait3A_129 : memref<256xf32, #tpu.memory_space<hbm>>)
          %dma_wait3A_132 = arith.constant 0 : i32
          %dma_wait3A_133 = tpu.memref_slice %arg7[%dma_wait3A_132] : memref<65536xf32, #tpu.memory_space<vmem>> -> memref<256xf32, #tpu.memory_space<vmem>>
          %dma_wait3A_134 = arith.constant 0 : i32
          %dma_wait3A_135 = tpu.memref_slice %arg4[%dma_wait3A_134] : memref<16777216xf32, #tpu.memory_space<hbm>> -> memref<256xf32, #tpu.memory_space<hbm>>
          %dma_wait3A_136 = tpu.memref_slice %arg10[%sub3A_95] : memref<2x!tpu.dma_semaphore, #tpu.memory_space<semaphore_mem>> -> memref<1x!tpu.dma_semaphore, #tpu.memory_space<semaphore_mem>>
          %dma_wait3A_137 = tpu.memref_squeeze %dma_wait3A_136 : memref<1x!tpu.dma_semaphore, #tpu.memory_space<semaphore_mem>> -> memref<!tpu.dma_semaphore, #tpu.memory_space<semaphore_mem>>
          %dma_wait3A_138 = arith.constant 0 : i32
          %dma_wait3A_139 = tpu.memref_slice %arg4[%dma_wait3A_138] : memref<16777216xf32, #tpu.memory_space<hbm>> -> memref<256xf32, #tpu.memory_space<hbm>>
          %dma_wait3A_140 = arith.constant 0 : i32
          %dma_wait3A_141 = tpu.memref_slice %arg7[%dma_wait3A_140] : memref<65536xf32, #tpu.memory_space<vmem>> -> memref<256xf32, #tpu.memory_space<vmem>>
          tpu.wait_dma2 semaphore(%dma_wait3A_137 : memref<!tpu.dma_semaphore, #tpu.memory_space<semaphore_mem>>) src(%dma_wait3A_141 : memref<256xf32, #tpu.memory_space<vmem>>) dst(%dma_wait3A_139 : memref<256xf32, #tpu.memory_space<hbm>>)
          %dma_wait3A_142 = arith.constant 0 : i32
          %dma_wait3A_143 = tpu.memref_slice %arg7[%dma_wait3A_142] : memref<65536xf32, #tpu.memory_space<vmem>> -> memref<256xf32, #tpu.memory_space<vmem>>
          %dma_wait3A_144 = arith.constant 0 : i32
          %dma_wait3A_145 = tpu.memref_slice %arg4[%dma_wait3A_144] : memref<16777216xf32, #tpu.memory_space<hbm>> -> memref<256xf32, #tpu.memory_space<hbm>>
          %dma_wait3A_146 = tpu.memref_slice %arg10[%sub3A_95] : memref<2x!tpu.dma_semaphore, #tpu.memory_space<semaphore_mem>> -> memref<1x!tpu.dma_semaphore, #tpu.memory_space<semaphore_mem>>
          %dma_wait3A_147 = tpu.memref_squeeze %dma_wait3A_146 : memref<1x!tpu.dma_semaphore, #tpu.memory_space<semaphore_mem>> -> memref<!tpu.dma_semaphore, #tpu.memory_space<semaphore_mem>>
          %dma_wait3A_148 = arith.constant 0 : i32
          %dma_wait3A_149 = tpu.memref_slice %arg4[%dma_wait3A_148] : memref<16777216xf32, #tpu.memory_space<hbm>> -> memref<256xf32, #tpu.memory_space<hbm>>
          %dma_wait3A_150 = arith.constant 0 : i32
          %dma_wait3A_151 = tpu.memref_slice %arg7[%dma_wait3A_150] : memref<65536xf32, #tpu.memory_space<vmem>> -> memref<256xf32, #tpu.memory_space<vmem>>
          tpu.wait_dma2 semaphore(%dma_wait3A_147 : memref<!tpu.dma_semaphore, #tpu.memory_space<semaphore_mem>>) src(%dma_wait3A_151 : memref<256xf32, #tpu.memory_space<vmem>>) dst(%dma_wait3A_149 : memref<256xf32, #tpu.memory_space<hbm>>)
          %dma_wait3A_152 = arith.constant 0 : i32
          %dma_wait3A_153 = tpu.memref_slice %arg7[%dma_wait3A_152] : memref<65536xf32, #tpu.memory_space<vmem>> -> memref<256xf32, #tpu.memory_space<vmem>>
          %dma_wait3A_154 = arith.constant 0 : i32
          %dma_wait3A_155 = tpu.memref_slice %arg4[%dma_wait3A_154] : memref<16777216xf32, #tpu.memory_space<hbm>> -> memref<256xf32, #tpu.memory_space<hbm>>
          %dma_wait3A_156 = tpu.memref_slice %arg10[%sub3A_95] : memref<2x!tpu.dma_semaphore, #tpu.memory_space<semaphore_mem>> -> memref<1x!tpu.dma_semaphore, #tpu.memory_space<semaphore_mem>>
          %dma_wait3A_157 = tpu.memref_squeeze %dma_wait3A_156 : memref<1x!tpu.dma_semaphore, #tpu.memory_space<semaphore_mem>> -> memref<!tpu.dma_semaphore, #tpu.memory_space<semaphore_mem>>
          %dma_wait3A_158 = arith.constant 0 : i32
          %dma_wait3A_159 = tpu.memref_slice %arg4[%dma_wait3A_158] : memref<16777216xf32, #tpu.memory_space<hbm>> -> memref<256xf32, #tpu.memory_space<hbm>>
          %dma_wait3A_160 = arith.constant 0 : i32
          %dma_wait3A_161 = tpu.memref_slice %arg7[%dma_wait3A_160] : memref<65536xf32, #tpu.memory_space<vmem>> -> memref<256xf32, #tpu.memory_space<vmem>>
          tpu.wait_dma2 semaphore(%dma_wait3A_157 : memref<!tpu.dma_semaphore, #tpu.memory_space<semaphore_mem>>) src(%dma_wait3A_161 : memref<256xf32, #tpu.memory_space<vmem>>) dst(%dma_wait3A_159 : memref<256xf32, #tpu.memory_space<hbm>>)
          %dma_wait3A_162 = arith.constant 0 : i32
          %dma_wait3A_163 = tpu.memref_slice %arg7[%dma_wait3A_162] : memref<65536xf32, #tpu.memory_space<vmem>> -> memref<256xf32, #tpu.memory_space<vmem>>
          %dma_wait3A_164 = arith.constant 0 : i32
          %dma_wait3A_165 = tpu.memref_slice %arg4[%dma_wait3A_164] : memref<16777216xf32, #tpu.memory_space<hbm>> -> memref<256xf32, #tpu.memory_space<hbm>>
          %dma_wait3A_166 = tpu.memref_slice %arg10[%sub3A_95] : memref<2x!tpu.dma_semaphore, #tpu.memory_space<semaphore_mem>> -> memref<1x!tpu.dma_semaphore, #tpu.memory_space<semaphore_mem>>
          %dma_wait3A_167 = tpu.memref_squeeze %dma_wait3A_166 : memref<1x!tpu.dma_semaphore, #tpu.memory_space<semaphore_mem>> -> memref<!tpu.dma_semaphore, #tpu.memory_space<semaphore_mem>>
          %dma_wait3A_168 = arith.constant 0 : i32
          %dma_wait3A_169 = tpu.memref_slice %arg4[%dma_wait3A_168] : memref<16777216xf32, #tpu.memory_space<hbm>> -> memref<256xf32, #tpu.memory_space<hbm>>
          %dma_wait3A_170 = arith.constant 0 : i32
          %dma_wait3A_171 = tpu.memref_slice %arg7[%dma_wait3A_170] : memref<65536xf32, #tpu.memory_space<vmem>> -> memref<256xf32, #tpu.memory_space<vmem>>
          tpu.wait_dma2 semaphore(%dma_wait3A_167 : memref<!tpu.dma_semaphore, #tpu.memory_space<semaphore_mem>>) src(%dma_wait3A_171 : memref<256xf32, #tpu.memory_space<vmem>>) dst(%dma_wait3A_169 : memref<256xf32, #tpu.memory_space<hbm>>)
          %dma_wait3A_172 = arith.constant 0 : i32
          %dma_wait3A_173 = tpu.memref_slice %arg7[%dma_wait3A_172] : memref<65536xf32, #tpu.memory_space<vmem>> -> memref<256xf32, #tpu.memory_space<vmem>>
          %dma_wait3A_174 = arith.constant 0 : i32
          %dma_wait3A_175 = tpu.memref_slice %arg4[%dma_wait3A_174] : memref<16777216xf32, #tpu.memory_space<hbm>> -> memref<256xf32, #tpu.memory_space<hbm>>
          %dma_wait3A_176 = tpu.memref_slice %arg10[%sub3A_95] : memref<2x!tpu.dma_semaphore, #tpu.memory_space<semaphore_mem>> -> memref<1x!tpu.dma_semaphore, #tpu.memory_space<semaphore_mem>>
          %dma_wait3A_177 = tpu.memref_squeeze %dma_wait3A_176 : memref<1x!tpu.dma_semaphore, #tpu.memory_space<semaphore_mem>> -> memref<!tpu.dma_semaphore, #tpu.memory_space<semaphore_mem>>
          %dma_wait3A_178 = arith.constant 0 : i32
          %dma_wait3A_179 = tpu.memref_slice %arg4[%dma_wait3A_178] : memref<16777216xf32, #tpu.memory_space<hbm>> -> memref<256xf32, #tpu.memory_space<hbm>>
          %dma_wait3A_180 = arith.constant 0 : i32
          %dma_wait3A_181 = tpu.memref_slice %arg7[%dma_wait3A_180] : memref<65536xf32, #tpu.memory_space<vmem>> -> memref<256xf32, #tpu.memory_space<vmem>>
          tpu.wait_dma2 semaphore(%dma_wait3A_177 : memref<!tpu.dma_semaphore, #tpu.memory_space<semaphore_mem>>) src(%dma_wait3A_181 : memref<256xf32, #tpu.memory_space<vmem>>) dst(%dma_wait3A_179 : memref<256xf32, #tpu.memory_space<hbm>>)
          %dma_wait3A_182 = arith.constant 0 : i32
          %dma_wait3A_183 = tpu.memref_slice %arg7[%dma_wait3A_182] : memref<65536xf32, #tpu.memory_space<vmem>> -> memref<256xf32, #tpu.memory_space<vmem>>
          %dma_wait3A_184 = arith.constant 0 : i32
          %dma_wait3A_185 = tpu.memref_slice %arg4[%dma_wait3A_184] : memref<16777216xf32, #tpu.memory_space<hbm>> -> memref<256xf32, #tpu.memory_space<hbm>>
          %dma_wait3A_186 = tpu.memref_slice %arg10[%sub3A_95] : memref<2x!tpu.dma_semaphore, #tpu.memory_space<semaphore_mem>> -> memref<1x!tpu.dma_semaphore, #tpu.memory_space<semaphore_mem>>
          %dma_wait3A_187 = tpu.memref_squeeze %dma_wait3A_186 : memref<1x!tpu.dma_semaphore, #tpu.memory_space<semaphore_mem>> -> memref<!tpu.dma_semaphore, #tpu.memory_space<semaphore_mem>>
          %dma_wait3A_188 = arith.constant 0 : i32
          %dma_wait3A_189 = tpu.memref_slice %arg4[%dma_wait3A_188] : memref<16777216xf32, #tpu.memory_space<hbm>> -> memref<256xf32, #tpu.memory_space<hbm>>
          %dma_wait3A_190 = arith.constant 0 : i32
          %dma_wait3A_191 = tpu.memref_slice %arg7[%dma_wait3A_190] : memref<65536xf32, #tpu.memory_space<vmem>> -> memref<256xf32, #tpu.memory_space<vmem>>
          tpu.wait_dma2 semaphore(%dma_wait3A_187 : memref<!tpu.dma_semaphore, #tpu.memory_space<semaphore_mem>>) src(%dma_wait3A_191 : memref<256xf32, #tpu.memory_space<vmem>>) dst(%dma_wait3A_189 : memref<256xf32, #tpu.memory_space<hbm>>)
          %dma_wait3A_192 = arith.constant 0 : i32
          %dma_wait3A_193 = tpu.memref_slice %arg7[%dma_wait3A_192] : memref<65536xf32, #tpu.memory_space<vmem>> -> memref<256xf32, #tpu.memory_space<vmem>>
          %dma_wait3A_194 = arith.constant 0 : i32
          %dma_wait3A_195 = tpu.memref_slice %arg4[%dma_wait3A_194] : memref<16777216xf32, #tpu.memory_space<hbm>> -> memref<256xf32, #tpu.memory_space<hbm>>
          %dma_wait3A_196 = tpu.memref_slice %arg10[%sub3A_95] : memref<2x!tpu.dma_semaphore, #tpu.memory_space<semaphore_mem>> -> memref<1x!tpu.dma_semaphore, #tpu.memory_space<semaphore_mem>>
          %dma_wait3A_197 = tpu.memref_squeeze %dma_wait3A_196 : memref<1x!tpu.dma_semaphore, #tpu.memory_space<semaphore_mem>> -> memref<!tpu.dma_semaphore, #tpu.memory_space<semaphore_mem>>
          %dma_wait3A_198 = arith.constant 0 : i32
          %dma_wait3A_199 = tpu.memref_slice %arg4[%dma_wait3A_198] : memref<16777216xf32, #tpu.memory_space<hbm>> -> memref<256xf32, #tpu.memory_space<hbm>>
          %dma_wait3A_200 = arith.constant 0 : i32
          %dma_wait3A_201 = tpu.memref_slice %arg7[%dma_wait3A_200] : memref<65536xf32, #tpu.memory_space<vmem>> -> memref<256xf32, #tpu.memory_space<vmem>>
          tpu.wait_dma2 semaphore(%dma_wait3A_197 : memref<!tpu.dma_semaphore, #tpu.memory_space<semaphore_mem>>) src(%dma_wait3A_201 : memref<256xf32, #tpu.memory_space<vmem>>) dst(%dma_wait3A_199 : memref<256xf32, #tpu.memory_space<hbm>>)
          %dma_wait3A_202 = arith.constant 0 : i32
          %dma_wait3A_203 = tpu.memref_slice %arg7[%dma_wait3A_202] : memref<65536xf32, #tpu.memory_space<vmem>> -> memref<256xf32, #tpu.memory_space<vmem>>
          %dma_wait3A_204 = arith.constant 0 : i32
          %dma_wait3A_205 = tpu.memref_slice %arg4[%dma_wait3A_204] : memref<16777216xf32, #tpu.memory_space<hbm>> -> memref<256xf32, #tpu.memory_space<hbm>>
          %dma_wait3A_206 = tpu.memref_slice %arg10[%sub3A_95] : memref<2x!tpu.dma_semaphore, #tpu.memory_space<semaphore_mem>> -> memref<1x!tpu.dma_semaphore, #tpu.memory_space<semaphore_mem>>
          %dma_wait3A_207 = tpu.memref_squeeze %dma_wait3A_206 : memref<1x!tpu.dma_semaphore, #tpu.memory_space<semaphore_mem>> -> memref<!tpu.dma_semaphore, #tpu.memory_space<semaphore_mem>>
          %dma_wait3A_208 = arith.constant 0 : i32
          %dma_wait3A_209 = tpu.memref_slice %arg4[%dma_wait3A_208] : memref<16777216xf32, #tpu.memory_space<hbm>> -> memref<256xf32, #tpu.memory_space<hbm>>
          %dma_wait3A_210 = arith.constant 0 : i32
          %dma_wait3A_211 = tpu.memref_slice %arg7[%dma_wait3A_210] : memref<65536xf32, #tpu.memory_space<vmem>> -> memref<256xf32, #tpu.memory_space<vmem>>
          tpu.wait_dma2 semaphore(%dma_wait3A_207 : memref<!tpu.dma_semaphore, #tpu.memory_space<semaphore_mem>>) src(%dma_wait3A_211 : memref<256xf32, #tpu.memory_space<vmem>>) dst(%dma_wait3A_209 : memref<256xf32, #tpu.memory_space<hbm>>)
          %dma_wait3A_212 = arith.constant 0 : i32
          %dma_wait3A_213 = tpu.memref_slice %arg7[%dma_wait3A_212] : memref<65536xf32, #tpu.memory_space<vmem>> -> memref<256xf32, #tpu.memory_space<vmem>>
          %dma_wait3A_214 = arith.constant 0 : i32
          %dma_wait3A_215 = tpu.memref_slice %arg4[%dma_wait3A_214] : memref<16777216xf32, #tpu.memory_space<hbm>> -> memref<256xf32, #tpu.memory_space<hbm>>
          %dma_wait3A_216 = tpu.memref_slice %arg10[%sub3A_95] : memref<2x!tpu.dma_semaphore, #tpu.memory_space<semaphore_mem>> -> memref<1x!tpu.dma_semaphore, #tpu.memory_space<semaphore_mem>>
          %dma_wait3A_217 = tpu.memref_squeeze %dma_wait3A_216 : memref<1x!tpu.dma_semaphore, #tpu.memory_space<semaphore_mem>> -> memref<!tpu.dma_semaphore, #tpu.memory_space<semaphore_mem>>
          %dma_wait3A_218 = arith.constant 0 : i32
          %dma_wait3A_219 = tpu.memref_slice %arg4[%dma_wait3A_218] : memref<16777216xf32, #tpu.memory_space<hbm>> -> memref<256xf32, #tpu.memory_space<hbm>>
          %dma_wait3A_220 = arith.constant 0 : i32
          %dma_wait3A_221 = tpu.memref_slice %arg7[%dma_wait3A_220] : memref<65536xf32, #tpu.memory_space<vmem>> -> memref<256xf32, #tpu.memory_space<vmem>>
          tpu.wait_dma2 semaphore(%dma_wait3A_217 : memref<!tpu.dma_semaphore, #tpu.memory_space<semaphore_mem>>) src(%dma_wait3A_221 : memref<256xf32, #tpu.memory_space<vmem>>) dst(%dma_wait3A_219 : memref<256xf32, #tpu.memory_space<hbm>>)
          %dma_wait3A_222 = arith.constant 0 : i32
          %dma_wait3A_223 = tpu.memref_slice %arg7[%dma_wait3A_222] : memref<65536xf32, #tpu.memory_space<vmem>> -> memref<256xf32, #tpu.memory_space<vmem>>
          %dma_wait3A_224 = arith.constant 0 : i32
          %dma_wait3A_225 = tpu.memref_slice %arg4[%dma_wait3A_224] : memref<16777216xf32, #tpu.memory_space<hbm>> -> memref<256xf32, #tpu.memory_space<hbm>>
          %dma_wait3A_226 = tpu.memref_slice %arg10[%sub3A_95] : memref<2x!tpu.dma_semaphore, #tpu.memory_space<semaphore_mem>> -> memref<1x!tpu.dma_semaphore, #tpu.memory_space<semaphore_mem>>
          %dma_wait3A_227 = tpu.memref_squeeze %dma_wait3A_226 : memref<1x!tpu.dma_semaphore, #tpu.memory_space<semaphore_mem>> -> memref<!tpu.dma_semaphore, #tpu.memory_space<semaphore_mem>>
          %dma_wait3A_228 = arith.constant 0 : i32
          %dma_wait3A_229 = tpu.memref_slice %arg4[%dma_wait3A_228] : memref<16777216xf32, #tpu.memory_space<hbm>> -> memref<256xf32, #tpu.memory_space<hbm>>
          %dma_wait3A_230 = arith.constant 0 : i32
          %dma_wait3A_231 = tpu.memref_slice %arg7[%dma_wait3A_230] : memref<65536xf32, #tpu.memory_space<vmem>> -> memref<256xf32, #tpu.memory_space<vmem>>
          tpu.wait_dma2 semaphore(%dma_wait3A_227 : memref<!tpu.dma_semaphore, #tpu.memory_space<semaphore_mem>>) src(%dma_wait3A_231 : memref<256xf32, #tpu.memory_space<vmem>>) dst(%dma_wait3A_229 : memref<256xf32, #tpu.memory_space<hbm>>)
          %dma_wait3A_232 = arith.constant 0 : i32
          %dma_wait3A_233 = tpu.memref_slice %arg7[%dma_wait3A_232] : memref<65536xf32, #tpu.memory_space<vmem>> -> memref<256xf32, #tpu.memory_space<vmem>>
          %dma_wait3A_234 = arith.constant 0 : i32
          %dma_wait3A_235 = tpu.memref_slice %arg4[%dma_wait3A_234] : memref<16777216xf32, #tpu.memory_space<hbm>> -> memref<256xf32, #tpu.memory_space<hbm>>
          %dma_wait3A_236 = tpu.memref_slice %arg10[%sub3A_95] : memref<2x!tpu.dma_semaphore, #tpu.memory_space<semaphore_mem>> -> memref<1x!tpu.dma_semaphore, #tpu.memory_space<semaphore_mem>>
          %dma_wait3A_237 = tpu.memref_squeeze %dma_wait3A_236 : memref<1x!tpu.dma_semaphore, #tpu.memory_space<semaphore_mem>> -> memref<!tpu.dma_semaphore, #tpu.memory_space<semaphore_mem>>
          %dma_wait3A_238 = arith.constant 0 : i32
          %dma_wait3A_239 = tpu.memref_slice %arg4[%dma_wait3A_238] : memref<16777216xf32, #tpu.memory_space<hbm>> -> memref<256xf32, #tpu.memory_space<hbm>>
          %dma_wait3A_240 = arith.constant 0 : i32
          %dma_wait3A_241 = tpu.memref_slice %arg7[%dma_wait3A_240] : memref<65536xf32, #tpu.memory_space<vmem>> -> memref<256xf32, #tpu.memory_space<vmem>>
          tpu.wait_dma2 semaphore(%dma_wait3A_237 : memref<!tpu.dma_semaphore, #tpu.memory_space<semaphore_mem>>) src(%dma_wait3A_241 : memref<256xf32, #tpu.memory_space<vmem>>) dst(%dma_wait3A_239 : memref<256xf32, #tpu.memory_space<hbm>>)
          %dma_wait3A_242 = arith.constant 0 : i32
          %dma_wait3A_243 = tpu.memref_slice %arg7[%dma_wait3A_242] : memref<65536xf32, #tpu.memory_space<vmem>> -> memref<256xf32, #tpu.memory_space<vmem>>
          %dma_wait3A_244 = arith.constant 0 : i32
          %dma_wait3A_245 = tpu.memref_slice %arg4[%dma_wait3A_244] : memref<16777216xf32, #tpu.memory_space<hbm>> -> memref<256xf32, #tpu.memory_space<hbm>>
          %dma_wait3A_246 = tpu.memref_slice %arg10[%sub3A_95] : memref<2x!tpu.dma_semaphore, #tpu.memory_space<semaphore_mem>> -> memref<1x!tpu.dma_semaphore, #tpu.memory_space<semaphore_mem>>
          %dma_wait3A_247 = tpu.memref_squeeze %dma_wait3A_246 : memref<1x!tpu.dma_semaphore, #tpu.memory_space<semaphore_mem>> -> memref<!tpu.dma_semaphore, #tpu.memory_space<semaphore_mem>>
          %dma_wait3A_248 = arith.constant 0 : i32
          %dma_wait3A_249 = tpu.memref_slice %arg4[%dma_wait3A_248] : memref<16777216xf32, #tpu.memory_space<hbm>> -> memref<256xf32, #tpu.memory_space<hbm>>
          %dma_wait3A_250 = arith.constant 0 : i32
          %dma_wait3A_251 = tpu.memref_slice %arg7[%dma_wait3A_250] : memref<65536xf32, #tpu.memory_space<vmem>> -> memref<256xf32, #tpu.memory_space<vmem>>
          tpu.wait_dma2 semaphore(%dma_wait3A_247 : memref<!tpu.dma_semaphore, #tpu.memory_space<semaphore_mem>>) src(%dma_wait3A_251 : memref<256xf32, #tpu.memory_space<vmem>>) dst(%dma_wait3A_249 : memref<256xf32, #tpu.memory_space<hbm>>)
          %dma_wait3A_252 = arith.constant 0 : i32
          %dma_wait3A_253 = tpu.memref_slice %arg7[%dma_wait3A_252] : memref<65536xf32, #tpu.memory_space<vmem>> -> memref<256xf32, #tpu.memory_space<vmem>>
          %dma_wait3A_254 = arith.constant 0 : i32
          %dma_wait3A_255 = tpu.memref_slice %arg4[%dma_wait3A_254] : memref<16777216xf32, #tpu.memory_space<hbm>> -> memref<256xf32, #tpu.memory_space<hbm>>
          %dma_wait3A_256 = tpu.memref_slice %arg10[%sub3A_95] : memref<2x!tpu.dma_semaphore, #tpu.memory_space<semaphore_mem>> -> memref<1x!tpu.dma_semaphore, #tpu.memory_space<semaphore_mem>>
          %dma_wait3A_257 = tpu.memref_squeeze %dma_wait3A_256 : memref<1x!tpu.dma_semaphore, #tpu.memory_space<semaphore_mem>> -> memref<!tpu.dma_semaphore, #tpu.memory_space<semaphore_mem>>
          %dma_wait3A_258 = arith.constant 0 : i32
          %dma_wait3A_259 = tpu.memref_slice %arg4[%dma_wait3A_258] : memref<16777216xf32, #tpu.memory_space<hbm>> -> memref<256xf32, #tpu.memory_space<hbm>>
          %dma_wait3A_260 = arith.constant 0 : i32
          %dma_wait3A_261 = tpu.memref_slice %arg7[%dma_wait3A_260] : memref<65536xf32, #tpu.memory_space<vmem>> -> memref<256xf32, #tpu.memory_space<vmem>>
          tpu.wait_dma2 semaphore(%dma_wait3A_257 : memref<!tpu.dma_semaphore, #tpu.memory_space<semaphore_mem>>) src(%dma_wait3A_261 : memref<256xf32, #tpu.memory_space<vmem>>) dst(%dma_wait3A_259 : memref<256xf32, #tpu.memory_space<hbm>>)
        }
        %scan3A_101 = arith.constant 8 : i32
      } else {
      }
      %add3A_39 = arith.constant 1 : i32
      %add3A_40 = arith.addi %scan3A_28, %add3A_39 : i32
      %lt3A_41 = arith.constant 16 : i32
      %lt3A_42 = arith.cmpi slt, %add3A_40, %lt3A_41 : i32
      %convert_element_type3A_43 = arith.extui %lt3A_42 : i1 to i32
      %cond3A_44 = arith.constant 0 : i32
      %cond3A_45 = arith.cmpi ne, %convert_element_type3A_43, %cond3A_44 : i32
      scf.if %cond3A_45 {
        %add3A_94 = arith.constant 1 : i32
        %add3A_95 = arith.addi %scan3A_28, %add3A_94 : i32
        %sub3A_96 = arith.constant 1 : i32
        %sub3A_97 = arith.subi %sub3A_96, %and3A_29 : i32
        %mul3A_98 = arith.constant 128 : i32
        %mul3A_99 = arith.muli %add3A_95, %mul3A_98 : i32
        %get3A_100 = arith.index_cast %mul3A_99 : i32 to index
        %get3A_101 = tpu.vector_load %arg5[%get3A_100] {strides = array<i32>} : memref<2048xi32, #tpu.memory_space<vmem>>, vector<16xi32>,
        %get3A_102 = vector.shape_cast %get3A_101 : vector<16xi32> to vector<16xi32>
        %slice3A_103 = vector.extract_strided_slice %get3A_102 {offsets = [0], sizes = [1], strides = [1]} : vector<16xi32> to vector<1xi32>
        %squeeze3A_104 = vector.extract %slice3A_103[0] : i32 from vector<1xi32>
        %lt3A_105 = arith.constant 8192 : i32
        %lt3A_106 = arith.cmpi slt, %squeeze3A_104, %lt3A_105 : i32
        %convert_element_type3A_107 = arith.extui %lt3A_106 : i1 to i32
        %cond3A_108 = arith.constant 0 : i32
        %cond3A_109 = arith.cmpi ne, %convert_element_type3A_107, %cond3A_108 : i32
        scf.if %cond3A_109 {
          %mul3A_110 = arith.constant 128 : i32
          %mul3A_111 = arith.muli %add3A_95, %mul3A_110 : i32
          %get3A_112 = arith.index_cast %mul3A_111 : i32 to index
          %get3A_113 = tpu.vector_load %arg5[%get3A_112] {strides = array<i32>} : memref<2048xi32, #tpu.memory_space<vmem>>, vector<16xi32>,
          %get3A_114 = vector.shape_cast %get3A_113 : vector<16xi32> to vector<16xi32>
          %slice3A_115 = vector.extract_strided_slice %get3A_114 {offsets = [0], sizes = [1], strides = [1]} : vector<16xi32> to vector<1xi32>
          %squeeze3A_116 = vector.extract %slice3A_115[0] : i32 from vector<1xi32>
          %mul3A_117 = arith.constant 256 : i32
          %mul3A_118 = arith.muli %squeeze3A_116, %mul3A_117 : i32
          %multiple_of3A = tpu.assume_multiple %mul3A_118, 256 : i32
          %mul3A_119 = arith.constant 16384 : i32
          %mul3A_120 = arith.muli %sub3A_97, %mul3A_119 : i32
          %multiple_of3A_121 = tpu.assume_multiple %mul3A_120, 256 : i32
          %dma_start3A = tpu.memref_slice %arg6[%multiple_of3A_121] : memref<32768xf32, #tpu.memory_space<vmem>> -> memref<16384xf32, #tpu.memory_space<vmem>>
          %dma_start3A_122 = tpu.memref_slice %arg2[%multiple_of3A] : memref<2228224xf32, #tpu.memory_space<hbm>> -> memref<16384xf32, #tpu.memory_space<hbm>>
          %dma_start3A_123 = tpu.memref_slice %arg9[%sub3A_97] : memref<2x!tpu.dma_semaphore, #tpu.memory_space<semaphore_mem>> -> memref<1x!tpu.dma_semaphore, #tpu.memory_space<semaphore_mem>>
          %dma_start3A_124 = tpu.memref_squeeze %dma_start3A_123 : memref<1x!tpu.dma_semaphore, #tpu.memory_space<semaphore_mem>> -> memref<!tpu.dma_semaphore, #tpu.memory_space<semaphore_mem>>
          %dma_start3A_125 = tpu.memref_slice %arg6[%multiple_of3A_121] : memref<32768xf32, #tpu.memory_space<vmem>> -> memref<16384xf32, #tpu.memory_space<vmem>>
          %dma_start3A_126 = tpu.memref_slice %arg2[%multiple_of3A] : memref<2228224xf32, #tpu.memory_space<hbm>> -> memref<16384xf32, #tpu.memory_space<hbm>>
          tpu.enqueue_dma source(%dma_start3A_126 : memref<16384xf32, #tpu.memory_space<hbm>>) target(%dma_start3A_125 : memref<16384xf32, #tpu.memory_space<vmem>>) target_semaphore(%dma_start3A_124 : memref<!tpu.dma_semaphore, #tpu.memory_space<semaphore_mem>>)
        } else {
        }
      } else {
      }
      %mul3A_46 = arith.constant 128 : i32
      %mul3A_47 = arith.muli %scan3A_28, %mul3A_46 : i32
      %get3A_48 = arith.index_cast %mul3A_47 : i32 to index
      %get3A_49 = tpu.vector_load %arg5[%get3A_48] {strides = array<i32>} : memref<2048xi32, #tpu.memory_space<vmem>>, vector<16xi32>,
      %get3A_50 = vector.shape_cast %get3A_49 : vector<16xi32> to vector<16xi32>
      %slice3A_51 = vector.extract_strided_slice %get3A_50 {offsets = [0], sizes = [1], strides = [1]} : vector<16xi32> to vector<1xi32>
      %squeeze3A_52 = vector.extract %slice3A_51[0] : i32 from vector<1xi32>
      %lt3A_53 = arith.constant 8192 : i32
      %lt3A_54 = arith.cmpi slt, %squeeze3A_52, %lt3A_53 : i32
      %convert_element_type3A_55 = arith.extui %lt3A_54 : i1 to i32
      %cond3A_56 = arith.constant 0 : i32
      %cond3A_57 = arith.cmpi ne, %convert_element_type3A_55, %cond3A_56 : i32
      scf.if %cond3A_57 {
        %mul3A_94 = arith.constant 16384 : i32
        %mul3A_95 = arith.muli %and3A_29, %mul3A_94 : i32
        %multiple_of3A = tpu.assume_multiple %mul3A_95, 256 : i32
        %dma_wait3A = tpu.memref_slice %arg6[%multiple_of3A] : memref<32768xf32, #tpu.memory_space<vmem>> -> memref<16384xf32, #tpu.memory_space<vmem>>
        %dma_wait3A_96 = arith.constant 0 : i32
        %dma_wait3A_97 = tpu.memref_slice %arg2[%dma_wait3A_96] : memref<2228224xf32, #tpu.memory_space<hbm>> -> memref<16384xf32, #tpu.memory_space<hbm>>
        %dma_wait3A_98 = tpu.memref_slice %arg9[%and3A_29] : memref<2x!tpu.dma_semaphore, #tpu.memory_space<semaphore_mem>> -> memref<1x!tpu.dma_semaphore, #tpu.memory_space<semaphore_mem>>
        %dma_wait3A_99 = tpu.memref_squeeze %dma_wait3A_98 : memref<1x!tpu.dma_semaphore, #tpu.memory_space<semaphore_mem>> -> memref<!tpu.dma_semaphore, #tpu.memory_space<semaphore_mem>>
        %dma_wait3A_100 = tpu.memref_slice %arg6[%multiple_of3A] : memref<32768xf32, #tpu.memory_space<vmem>> -> memref<16384xf32, #tpu.memory_space<vmem>>
        %dma_wait3A_101 = arith.constant 0 : i32
        %dma_wait3A_102 = tpu.memref_slice %arg2[%dma_wait3A_101] : memref<2228224xf32, #tpu.memory_space<hbm>> -> memref<16384xf32, #tpu.memory_space<hbm>>
        tpu.wait_dma2 semaphore(%dma_wait3A_99 : memref<!tpu.dma_semaphore, #tpu.memory_space<semaphore_mem>>) src(%dma_wait3A_102 : memref<16384xf32, #tpu.memory_space<hbm>>) dst(%dma_wait3A_100 : memref<16384xf32, #tpu.memory_space<vmem>>)
      } else {
      }
      %mul3A_58 = arith.constant 128 : i32
      %mul3A_59 = arith.muli %scan3A_28, %mul3A_58 : i32
      %add3A_60 = arith.constant 128 : i32
      %add3A_61 = arith.addi %mul3A_59, %add3A_60 : i32
      %sub3A = arith.constant 16 : i32
      %sub3A_62 = arith.subi %add3A_61, %sub3A : i32
      %get3A_63 = arith.index_cast %sub3A_62 : i32 to index
      %get3A_64 = tpu.vector_load %arg5[%get3A_63] {strides = array<i32>} : memref<2048xi32, #tpu.memory_space<vmem>>, vector<16xi32>,
      %get3A_65 = vector.shape_cast %get3A_64 : vector<16xi32> to vector<16xi32>
      %slice3A_66 = vector.extract_strided_slice %get3A_65 {offsets = [15], sizes = [1], strides = [1]} : vector<16xi32> to vector<1xi32>
      %squeeze3A_67 = vector.extract %slice3A_66[0] : i32 from vector<1xi32>
      %sub3A_68 = arith.subi %squeeze3A_67, %squeeze3A_52 : i32
      %lt3A_69 = arith.constant 64 : i32
      %lt3A_70 = arith.cmpi slt, %sub3A_68, %lt3A_69 : i32
      %mul3A_71 = arith.constant 16384 : i32
      %mul3A_72 = arith.muli %and3A_29, %mul3A_71 : i32
      %mul3A_73 = arith.constant 32768 : i32
      %mul3A_74 = arith.muli %and3A_29, %mul3A_73 : i32
      %mul3A_75 = arith.constant 32 : i32
      %mul3A_76 = arith.muli %scan3A_28, %mul3A_75 : i32
      %add3A_77 = arith.addi %mul3A_76, %add3A : i32
      %mul3A_78 = arith.constant 32768 : i32
      %mul3A_79 = arith.muli %add3A_77, %mul3A_78 : i32
      %and3A_80 = arith.andi %lt3A_54, %lt3A_70 : i1
      %convert_element_type3A_81 = arith.extui %and3A_80 : i1 to i32
      %cond3A_82 = arith.constant 0 : i32
      %cond3A_83 = arith.cmpi ne, %convert_element_type3A_81, %cond3A_82 : i32
      scf.if %cond3A_83 {
        %scan3A_94 = arith.constant 0 : i32
        %scan3A_95 = arith.constant 0 : i32
        %scan3A_96 = arith.constant 8 : i32
        %scan3A_97 = arith.addi %scan3A_95, %scan3A_96 : i32
        %scan3A_98 = arith.constant 1 : i32
        scf.for %scan3A_100 = %scan3A_95 to %scan3A_97 step %scan3A_98  : i32 {
          %mul3A_101 = arith.constant 128 : i32
          %mul3A_102 = arith.muli %scan3A_28, %mul3A_101 : i32
          %mul3A_103 = arith.constant 16 : i32
          %mul3A_104 = arith.muli %scan3A_100, %mul3A_103 : i32
          %add3A_105 = arith.addi %mul3A_102, %mul3A_104 : i32
          %get3A_106 = arith.index_cast %add3A_105 : i32 to index
          %get3A_107 = tpu.vector_load %arg5[%get3A_106] {strides = array<i32>} : memref<2048xi32, #tpu.memory_space<vmem>>, vector<16xi32>,
          %get3A_108 = vector.shape_cast %get3A_107 : vector<16xi32> to vector<16xi32>
          %sub3A_109 = vector.broadcast %squeeze3A_52 : i32 to vector<16xi32>
          %sub3A_110 = arith.subi %get3A_108, %sub3A_109 : vector<16xi32>
          %mul3A_111 = arith.constant 256 : i32
          %mul3A_112 = vector.broadcast %mul3A_111 : i32 to vector<16xi32>
          %mul3A_113 = arith.muli %sub3A_110, %mul3A_112 : vector<16xi32>
          %add3A_114 = vector.broadcast %mul3A_72 : i32 to vector<16xi32>
          %add3A_115 = arith.addi %mul3A_113, %add3A_114 : vector<16xi32>
          %slice3A_116 = vector.extract_strided_slice %add3A_115 {offsets = [0], sizes = [1], strides = [1]} : vector<16xi32> to vector<1xi32>
          %squeeze3A_117 = vector.extract %slice3A_116[0] : i32 from vector<1xi32>
          %multiple_of3A = tpu.assume_multiple %squeeze3A_117, 256 : i32
          %mul3A_118 = arith.constant 16 : i32
          %mul3A_119 = arith.muli %scan3A_100, %mul3A_118 : i32
          %add3A_120 = arith.constant 0 : i32
          %add3A_121 = arith.addi %mul3A_119, %add3A_120 : i32
          %mul3A_122 = arith.constant 256 : i32
          %mul3A_123 = arith.muli %add3A_121, %mul3A_122 : i32
          %add3A_124 = arith.addi %mul3A_79, %mul3A_123 : i32
          %multiple_of3A_125 = tpu.assume_multiple %add3A_124, 256 : i32
          %dma_start3A = tpu.memref_slice %arg6[%multiple_of3A] : memref<32768xf32, #tpu.memory_space<vmem>> -> memref<256xf32, #tpu.memory_space<vmem>>
          %dma_start3A_126 = tpu.memref_slice %arg4[%multiple_of3A_125] : memref<16777216xf32, #tpu.memory_space<hbm>> -> memref<256xf32, #tpu.memory_space<hbm>>
          %dma_start3A_127 = tpu.memref_slice %arg10[%and3A_29] : memref<2x!tpu.dma_semaphore, #tpu.memory_space<semaphore_mem>> -> memref<1x!tpu.dma_semaphore, #tpu.memory_space<semaphore_mem>>
          %dma_start3A_128 = tpu.memref_squeeze %dma_start3A_127 : memref<1x!tpu.dma_semaphore, #tpu.memory_space<semaphore_mem>> -> memref<!tpu.dma_semaphore, #tpu.memory_space<semaphore_mem>>
          %dma_start3A_129 = tpu.memref_slice %arg4[%multiple_of3A_125] : memref<16777216xf32, #tpu.memory_space<hbm>> -> memref<256xf32, #tpu.memory_space<hbm>>
          %dma_start3A_130 = tpu.memref_slice %arg6[%multiple_of3A] : memref<32768xf32, #tpu.memory_space<vmem>> -> memref<256xf32, #tpu.memory_space<vmem>>
          tpu.enqueue_dma source(%dma_start3A_130 : memref<256xf32, #tpu.memory_space<vmem>>) target(%dma_start3A_129 : memref<256xf32, #tpu.memory_space<hbm>>) target_semaphore(%dma_start3A_128 : memref<!tpu.dma_semaphore, #tpu.memory_space<semaphore_mem>>)
          %slice3A_131 = vector.extract_strided_slice %add3A_115 {offsets = [1], sizes = [1], strides = [1]} : vector<16xi32> to vector<1xi32>
          %squeeze3A_132 = vector.extract %slice3A_131[0] : i32 from vector<1xi32>
          %multiple_of3A_133 = tpu.assume_multiple %squeeze3A_132, 256 : i32
          %mul3A_134 = arith.constant 16 : i32
          %mul3A_135 = arith.muli %scan3A_100, %mul3A_134 : i32
          %add3A_136 = arith.constant 1 : i32
          %add3A_137 = arith.addi %mul3A_135, %add3A_136 : i32
          %mul3A_138 = arith.constant 256 : i32
          %mul3A_139 = arith.muli %add3A_137, %mul3A_138 : i32
          %add3A_140 = arith.addi %mul3A_79, %mul3A_139 : i32
          %multiple_of3A_141 = tpu.assume_multiple %add3A_140, 256 : i32
          %dma_start3A_142 = tpu.memref_slice %arg6[%multiple_of3A_133] : memref<32768xf32, #tpu.memory_space<vmem>> -> memref<256xf32, #tpu.memory_space<vmem>>
          %dma_start3A_143 = tpu.memref_slice %arg4[%multiple_of3A_141] : memref<16777216xf32, #tpu.memory_space<hbm>> -> memref<256xf32, #tpu.memory_space<hbm>>
          %dma_start3A_144 = tpu.memref_slice %arg10[%and3A_29] : memref<2x!tpu.dma_semaphore, #tpu.memory_space<semaphore_mem>> -> memref<1x!tpu.dma_semaphore, #tpu.memory_space<semaphore_mem>>
          %dma_start3A_145 = tpu.memref_squeeze %dma_start3A_144 : memref<1x!tpu.dma_semaphore, #tpu.memory_space<semaphore_mem>> -> memref<!tpu.dma_semaphore, #tpu.memory_space<semaphore_mem>>
          %dma_start3A_146 = tpu.memref_slice %arg4[%multiple_of3A_141] : memref<16777216xf32, #tpu.memory_space<hbm>> -> memref<256xf32, #tpu.memory_space<hbm>>
          %dma_start3A_147 = tpu.memref_slice %arg6[%multiple_of3A_133] : memref<32768xf32, #tpu.memory_space<vmem>> -> memref<256xf32, #tpu.memory_space<vmem>>
          tpu.enqueue_dma source(%dma_start3A_147 : memref<256xf32, #tpu.memory_space<vmem>>) target(%dma_start3A_146 : memref<256xf32, #tpu.memory_space<hbm>>) target_semaphore(%dma_start3A_145 : memref<!tpu.dma_semaphore, #tpu.memory_space<semaphore_mem>>)
          %slice3A_148 = vector.extract_strided_slice %add3A_115 {offsets = [2], sizes = [1], strides = [1]} : vector<16xi32> to vector<1xi32>
          %squeeze3A_149 = vector.extract %slice3A_148[0] : i32 from vector<1xi32>
          %multiple_of3A_150 = tpu.assume_multiple %squeeze3A_149, 256 : i32
          %mul3A_151 = arith.constant 16 : i32
          %mul3A_152 = arith.muli %scan3A_100, %mul3A_151 : i32
          %add3A_153 = arith.constant 2 : i32
          %add3A_154 = arith.addi %mul3A_152, %add3A_153 : i32
          %mul3A_155 = arith.constant 256 : i32
          %mul3A_156 = arith.muli %add3A_154, %mul3A_155 : i32
          %add3A_157 = arith.addi %mul3A_79, %mul3A_156 : i32
          %multiple_of3A_158 = tpu.assume_multiple %add3A_157, 256 : i32
          %dma_start3A_159 = tpu.memref_slice %arg6[%multiple_of3A_150] : memref<32768xf32, #tpu.memory_space<vmem>> -> memref<256xf32, #tpu.memory_space<vmem>>
          %dma_start3A_160 = tpu.memref_slice %arg4[%multiple_of3A_158] : memref<16777216xf32, #tpu.memory_space<hbm>> -> memref<256xf32, #tpu.memory_space<hbm>>
          %dma_start3A_161 = tpu.memref_slice %arg10[%and3A_29] : memref<2x!tpu.dma_semaphore, #tpu.memory_space<semaphore_mem>> -> memref<1x!tpu.dma_semaphore, #tpu.memory_space<semaphore_mem>>
          %dma_start3A_162 = tpu.memref_squeeze %dma_start3A_161 : memref<1x!tpu.dma_semaphore, #tpu.memory_space<semaphore_mem>> -> memref<!tpu.dma_semaphore, #tpu.memory_space<semaphore_mem>>
          %dma_start3A_163 = tpu.memref_slice %arg4[%multiple_of3A_158] : memref<16777216xf32, #tpu.memory_space<hbm>> -> memref<256xf32, #tpu.memory_space<hbm>>
          %dma_start3A_164 = tpu.memref_slice %arg6[%multiple_of3A_150] : memref<32768xf32, #tpu.memory_space<vmem>> -> memref<256xf32, #tpu.memory_space<vmem>>
          tpu.enqueue_dma source(%dma_start3A_164 : memref<256xf32, #tpu.memory_space<vmem>>) target(%dma_start3A_163 : memref<256xf32, #tpu.memory_space<hbm>>) target_semaphore(%dma_start3A_162 : memref<!tpu.dma_semaphore, #tpu.memory_space<semaphore_mem>>)
          %slice3A_165 = vector.extract_strided_slice %add3A_115 {offsets = [3], sizes = [1], strides = [1]} : vector<16xi32> to vector<1xi32>
          %squeeze3A_166 = vector.extract %slice3A_165[0] : i32 from vector<1xi32>
          %multiple_of3A_167 = tpu.assume_multiple %squeeze3A_166, 256 : i32
          %mul3A_168 = arith.constant 16 : i32
          %mul3A_169 = arith.muli %scan3A_100, %mul3A_168 : i32
          %add3A_170 = arith.constant 3 : i32
          %add3A_171 = arith.addi %mul3A_169, %add3A_170 : i32
          %mul3A_172 = arith.constant 256 : i32
          %mul3A_173 = arith.muli %add3A_171, %mul3A_172 : i32
          %add3A_174 = arith.addi %mul3A_79, %mul3A_173 : i32
          %multiple_of3A_175 = tpu.assume_multiple %add3A_174, 256 : i32
          %dma_start3A_176 = tpu.memref_slice %arg6[%multiple_of3A_167] : memref<32768xf32, #tpu.memory_space<vmem>> -> memref<256xf32, #tpu.memory_space<vmem>>
          %dma_start3A_177 = tpu.memref_slice %arg4[%multiple_of3A_175] : memref<16777216xf32, #tpu.memory_space<hbm>> -> memref<256xf32, #tpu.memory_space<hbm>>
          %dma_start3A_178 = tpu.memref_slice %arg10[%and3A_29] : memref<2x!tpu.dma_semaphore, #tpu.memory_space<semaphore_mem>> -> memref<1x!tpu.dma_semaphore, #tpu.memory_space<semaphore_mem>>
          %dma_start3A_179 = tpu.memref_squeeze %dma_start3A_178 : memref<1x!tpu.dma_semaphore, #tpu.memory_space<semaphore_mem>> -> memref<!tpu.dma_semaphore, #tpu.memory_space<semaphore_mem>>
          %dma_start3A_180 = tpu.memref_slice %arg4[%multiple_of3A_175] : memref<16777216xf32, #tpu.memory_space<hbm>> -> memref<256xf32, #tpu.memory_space<hbm>>
          %dma_start3A_181 = tpu.memref_slice %arg6[%multiple_of3A_167] : memref<32768xf32, #tpu.memory_space<vmem>> -> memref<256xf32, #tpu.memory_space<vmem>>
          tpu.enqueue_dma source(%dma_start3A_181 : memref<256xf32, #tpu.memory_space<vmem>>) target(%dma_start3A_180 : memref<256xf32, #tpu.memory_space<hbm>>) target_semaphore(%dma_start3A_179 : memref<!tpu.dma_semaphore, #tpu.memory_space<semaphore_mem>>)
          %slice3A_182 = vector.extract_strided_slice %add3A_115 {offsets = [4], sizes = [1], strides = [1]} : vector<16xi32> to vector<1xi32>
          %squeeze3A_183 = vector.extract %slice3A_182[0] : i32 from vector<1xi32>
          %multiple_of3A_184 = tpu.assume_multiple %squeeze3A_183, 256 : i32
          %mul3A_185 = arith.constant 16 : i32
          %mul3A_186 = arith.muli %scan3A_100, %mul3A_185 : i32
          %add3A_187 = arith.constant 4 : i32
          %add3A_188 = arith.addi %mul3A_186, %add3A_187 : i32
          %mul3A_189 = arith.constant 256 : i32
          %mul3A_190 = arith.muli %add3A_188, %mul3A_189 : i32
          %add3A_191 = arith.addi %mul3A_79, %mul3A_190 : i32
          %multiple_of3A_192 = tpu.assume_multiple %add3A_191, 256 : i32
          %dma_start3A_193 = tpu.memref_slice %arg6[%multiple_of3A_184] : memref<32768xf32, #tpu.memory_space<vmem>> -> memref<256xf32, #tpu.memory_space<vmem>>
          %dma_start3A_194 = tpu.memref_slice %arg4[%multiple_of3A_192] : memref<16777216xf32, #tpu.memory_space<hbm>> -> memref<256xf32, #tpu.memory_space<hbm>>
          %dma_start3A_195 = tpu.memref_slice %arg10[%and3A_29] : memref<2x!tpu.dma_semaphore, #tpu.memory_space<semaphore_mem>> -> memref<1x!tpu.dma_semaphore, #tpu.memory_space<semaphore_mem>>
          %dma_start3A_196 = tpu.memref_squeeze %dma_start3A_195 : memref<1x!tpu.dma_semaphore, #tpu.memory_space<semaphore_mem>> -> memref<!tpu.dma_semaphore, #tpu.memory_space<semaphore_mem>>
          %dma_start3A_197 = tpu.memref_slice %arg4[%multiple_of3A_192] : memref<16777216xf32, #tpu.memory_space<hbm>> -> memref<256xf32, #tpu.memory_space<hbm>>
          %dma_start3A_198 = tpu.memref_slice %arg6[%multiple_of3A_184] : memref<32768xf32, #tpu.memory_space<vmem>> -> memref<256xf32, #tpu.memory_space<vmem>>
          tpu.enqueue_dma source(%dma_start3A_198 : memref<256xf32, #tpu.memory_space<vmem>>) target(%dma_start3A_197 : memref<256xf32, #tpu.memory_space<hbm>>) target_semaphore(%dma_start3A_196 : memref<!tpu.dma_semaphore, #tpu.memory_space<semaphore_mem>>)
          %slice3A_199 = vector.extract_strided_slice %add3A_115 {offsets = [5], sizes = [1], strides = [1]} : vector<16xi32> to vector<1xi32>
          %squeeze3A_200 = vector.extract %slice3A_199[0] : i32 from vector<1xi32>
          %multiple_of3A_201 = tpu.assume_multiple %squeeze3A_200, 256 : i32
          %mul3A_202 = arith.constant 16 : i32
          %mul3A_203 = arith.muli %scan3A_100, %mul3A_202 : i32
          %add3A_204 = arith.constant 5 : i32
          %add3A_205 = arith.addi %mul3A_203, %add3A_204 : i32
          %mul3A_206 = arith.constant 256 : i32
          %mul3A_207 = arith.muli %add3A_205, %mul3A_206 : i32
          %add3A_208 = arith.addi %mul3A_79, %mul3A_207 : i32
          %multiple_of3A_209 = tpu.assume_multiple %add3A_208, 256 : i32
          %dma_start3A_210 = tpu.memref_slice %arg6[%multiple_of3A_201] : memref<32768xf32, #tpu.memory_space<vmem>> -> memref<256xf32, #tpu.memory_space<vmem>>
          %dma_start3A_211 = tpu.memref_slice %arg4[%multiple_of3A_209] : memref<16777216xf32, #tpu.memory_space<hbm>> -> memref<256xf32, #tpu.memory_space<hbm>>
          %dma_start3A_212 = tpu.memref_slice %arg10[%and3A_29] : memref<2x!tpu.dma_semaphore, #tpu.memory_space<semaphore_mem>> -> memref<1x!tpu.dma_semaphore, #tpu.memory_space<semaphore_mem>>
          %dma_start3A_213 = tpu.memref_squeeze %dma_start3A_212 : memref<1x!tpu.dma_semaphore, #tpu.memory_space<semaphore_mem>> -> memref<!tpu.dma_semaphore, #tpu.memory_space<semaphore_mem>>
          %dma_start3A_214 = tpu.memref_slice %arg4[%multiple_of3A_209] : memref<16777216xf32, #tpu.memory_space<hbm>> -> memref<256xf32, #tpu.memory_space<hbm>>
          %dma_start3A_215 = tpu.memref_slice %arg6[%multiple_of3A_201] : memref<32768xf32, #tpu.memory_space<vmem>> -> memref<256xf32, #tpu.memory_space<vmem>>
          tpu.enqueue_dma source(%dma_start3A_215 : memref<256xf32, #tpu.memory_space<vmem>>) target(%dma_start3A_214 : memref<256xf32, #tpu.memory_space<hbm>>) target_semaphore(%dma_start3A_213 : memref<!tpu.dma_semaphore, #tpu.memory_space<semaphore_mem>>)
          %slice3A_216 = vector.extract_strided_slice %add3A_115 {offsets = [6], sizes = [1], strides = [1]} : vector<16xi32> to vector<1xi32>
          %squeeze3A_217 = vector.extract %slice3A_216[0] : i32 from vector<1xi32>
          %multiple_of3A_218 = tpu.assume_multiple %squeeze3A_217, 256 : i32
          %mul3A_219 = arith.constant 16 : i32
          %mul3A_220 = arith.muli %scan3A_100, %mul3A_219 : i32
          %add3A_221 = arith.constant 6 : i32
          %add3A_222 = arith.addi %mul3A_220, %add3A_221 : i32
          %mul3A_223 = arith.constant 256 : i32
          %mul3A_224 = arith.muli %add3A_222, %mul3A_223 : i32
          %add3A_225 = arith.addi %mul3A_79, %mul3A_224 : i32
          %multiple_of3A_226 = tpu.assume_multiple %add3A_225, 256 : i32
          %dma_start3A_227 = tpu.memref_slice %arg6[%multiple_of3A_218] : memref<32768xf32, #tpu.memory_space<vmem>> -> memref<256xf32, #tpu.memory_space<vmem>>
          %dma_start3A_228 = tpu.memref_slice %arg4[%multiple_of3A_226] : memref<16777216xf32, #tpu.memory_space<hbm>> -> memref<256xf32, #tpu.memory_space<hbm>>
          %dma_start3A_229 = tpu.memref_slice %arg10[%and3A_29] : memref<2x!tpu.dma_semaphore, #tpu.memory_space<semaphore_mem>> -> memref<1x!tpu.dma_semaphore, #tpu.memory_space<semaphore_mem>>
          %dma_start3A_230 = tpu.memref_squeeze %dma_start3A_229 : memref<1x!tpu.dma_semaphore, #tpu.memory_space<semaphore_mem>> -> memref<!tpu.dma_semaphore, #tpu.memory_space<semaphore_mem>>
          %dma_start3A_231 = tpu.memref_slice %arg4[%multiple_of3A_226] : memref<16777216xf32, #tpu.memory_space<hbm>> -> memref<256xf32, #tpu.memory_space<hbm>>
          %dma_start3A_232 = tpu.memref_slice %arg6[%multiple_of3A_218] : memref<32768xf32, #tpu.memory_space<vmem>> -> memref<256xf32, #tpu.memory_space<vmem>>
          tpu.enqueue_dma source(%dma_start3A_232 : memref<256xf32, #tpu.memory_space<vmem>>) target(%dma_start3A_231 : memref<256xf32, #tpu.memory_space<hbm>>) target_semaphore(%dma_start3A_230 : memref<!tpu.dma_semaphore, #tpu.memory_space<semaphore_mem>>)
          %slice3A_233 = vector.extract_strided_slice %add3A_115 {offsets = [7], sizes = [1], strides = [1]} : vector<16xi32> to vector<1xi32>
          %squeeze3A_234 = vector.extract %slice3A_233[0] : i32 from vector<1xi32>
          %multiple_of3A_235 = tpu.assume_multiple %squeeze3A_234, 256 : i32
          %mul3A_236 = arith.constant 16 : i32
          %mul3A_237 = arith.muli %scan3A_100, %mul3A_236 : i32
          %add3A_238 = arith.constant 7 : i32
          %add3A_239 = arith.addi %mul3A_237, %add3A_238 : i32
          %mul3A_240 = arith.constant 256 : i32
          %mul3A_241 = arith.muli %add3A_239, %mul3A_240 : i32
          %add3A_242 = arith.addi %mul3A_79, %mul3A_241 : i32
          %multiple_of3A_243 = tpu.assume_multiple %add3A_242, 256 : i32
          %dma_start3A_244 = tpu.memref_slice %arg6[%multiple_of3A_235] : memref<32768xf32, #tpu.memory_space<vmem>> -> memref<256xf32, #tpu.memory_space<vmem>>
          %dma_start3A_245 = tpu.memref_slice %arg4[%multiple_of3A_243] : memref<16777216xf32, #tpu.memory_space<hbm>> -> memref<256xf32, #tpu.memory_space<hbm>>
          %dma_start3A_246 = tpu.memref_slice %arg10[%and3A_29] : memref<2x!tpu.dma_semaphore, #tpu.memory_space<semaphore_mem>> -> memref<1x!tpu.dma_semaphore, #tpu.memory_space<semaphore_mem>>
          %dma_start3A_247 = tpu.memref_squeeze %dma_start3A_246 : memref<1x!tpu.dma_semaphore, #tpu.memory_space<semaphore_mem>> -> memref<!tpu.dma_semaphore, #tpu.memory_space<semaphore_mem>>
          %dma_start3A_248 = tpu.memref_slice %arg4[%multiple_of3A_243] : memref<16777216xf32, #tpu.memory_space<hbm>> -> memref<256xf32, #tpu.memory_space<hbm>>
          %dma_start3A_249 = tpu.memref_slice %arg6[%multiple_of3A_235] : memref<32768xf32, #tpu.memory_space<vmem>> -> memref<256xf32, #tpu.memory_space<vmem>>
          tpu.enqueue_dma source(%dma_start3A_249 : memref<256xf32, #tpu.memory_space<vmem>>) target(%dma_start3A_248 : memref<256xf32, #tpu.memory_space<hbm>>) target_semaphore(%dma_start3A_247 : memref<!tpu.dma_semaphore, #tpu.memory_space<semaphore_mem>>)
          %slice3A_250 = vector.extract_strided_slice %add3A_115 {offsets = [8], sizes = [1], strides = [1]} : vector<16xi32> to vector<1xi32>
          %squeeze3A_251 = vector.extract %slice3A_250[0] : i32 from vector<1xi32>
          %multiple_of3A_252 = tpu.assume_multiple %squeeze3A_251, 256 : i32
          %mul3A_253 = arith.constant 16 : i32
          %mul3A_254 = arith.muli %scan3A_100, %mul3A_253 : i32
          %add3A_255 = arith.constant 8 : i32
          %add3A_256 = arith.addi %mul3A_254, %add3A_255 : i32
          %mul3A_257 = arith.constant 256 : i32
          %mul3A_258 = arith.muli %add3A_256, %mul3A_257 : i32
          %add3A_259 = arith.addi %mul3A_79, %mul3A_258 : i32
          %multiple_of3A_260 = tpu.assume_multiple %add3A_259, 256 : i32
          %dma_start3A_261 = tpu.memref_slice %arg6[%multiple_of3A_252] : memref<32768xf32, #tpu.memory_space<vmem>> -> memref<256xf32, #tpu.memory_space<vmem>>
          %dma_start3A_262 = tpu.memref_slice %arg4[%multiple_of3A_260] : memref<16777216xf32, #tpu.memory_space<hbm>> -> memref<256xf32, #tpu.memory_space<hbm>>
          %dma_start3A_263 = tpu.memref_slice %arg10[%and3A_29] : memref<2x!tpu.dma_semaphore, #tpu.memory_space<semaphore_mem>> -> memref<1x!tpu.dma_semaphore, #tpu.memory_space<semaphore_mem>>
          %dma_start3A_264 = tpu.memref_squeeze %dma_start3A_263 : memref<1x!tpu.dma_semaphore, #tpu.memory_space<semaphore_mem>> -> memref<!tpu.dma_semaphore, #tpu.memory_space<semaphore_mem>>
          %dma_start3A_265 = tpu.memref_slice %arg4[%multiple_of3A_260] : memref<16777216xf32, #tpu.memory_space<hbm>> -> memref<256xf32, #tpu.memory_space<hbm>>
          %dma_start3A_266 = tpu.memref_slice %arg6[%multiple_of3A_252] : memref<32768xf32, #tpu.memory_space<vmem>> -> memref<256xf32, #tpu.memory_space<vmem>>
          tpu.enqueue_dma source(%dma_start3A_266 : memref<256xf32, #tpu.memory_space<vmem>>) target(%dma_start3A_265 : memref<256xf32, #tpu.memory_space<hbm>>) target_semaphore(%dma_start3A_264 : memref<!tpu.dma_semaphore, #tpu.memory_space<semaphore_mem>>)
          %slice3A_267 = vector.extract_strided_slice %add3A_115 {offsets = [9], sizes = [1], strides = [1]} : vector<16xi32> to vector<1xi32>
          %squeeze3A_268 = vector.extract %slice3A_267[0] : i32 from vector<1xi32>
          %multiple_of3A_269 = tpu.assume_multiple %squeeze3A_268, 256 : i32
          %mul3A_270 = arith.constant 16 : i32
          %mul3A_271 = arith.muli %scan3A_100, %mul3A_270 : i32
          %add3A_272 = arith.constant 9 : i32
          %add3A_273 = arith.addi %mul3A_271, %add3A_272 : i32
          %mul3A_274 = arith.constant 256 : i32
          %mul3A_275 = arith.muli %add3A_273, %mul3A_274 : i32
          %add3A_276 = arith.addi %mul3A_79, %mul3A_275 : i32
          %multiple_of3A_277 = tpu.assume_multiple %add3A_276, 256 : i32
          %dma_start3A_278 = tpu.memref_slice %arg6[%multiple_of3A_269] : memref<32768xf32, #tpu.memory_space<vmem>> -> memref<256xf32, #tpu.memory_space<vmem>>
          %dma_start3A_279 = tpu.memref_slice %arg4[%multiple_of3A_277] : memref<16777216xf32, #tpu.memory_space<hbm>> -> memref<256xf32, #tpu.memory_space<hbm>>
          %dma_start3A_280 = tpu.memref_slice %arg10[%and3A_29] : memref<2x!tpu.dma_semaphore, #tpu.memory_space<semaphore_mem>> -> memref<1x!tpu.dma_semaphore, #tpu.memory_space<semaphore_mem>>
          %dma_start3A_281 = tpu.memref_squeeze %dma_start3A_280 : memref<1x!tpu.dma_semaphore, #tpu.memory_space<semaphore_mem>> -> memref<!tpu.dma_semaphore, #tpu.memory_space<semaphore_mem>>
          %dma_start3A_282 = tpu.memref_slice %arg4[%multiple_of3A_277] : memref<16777216xf32, #tpu.memory_space<hbm>> -> memref<256xf32, #tpu.memory_space<hbm>>
          %dma_start3A_283 = tpu.memref_slice %arg6[%multiple_of3A_269] : memref<32768xf32, #tpu.memory_space<vmem>> -> memref<256xf32, #tpu.memory_space<vmem>>
          tpu.enqueue_dma source(%dma_start3A_283 : memref<256xf32, #tpu.memory_space<vmem>>) target(%dma_start3A_282 : memref<256xf32, #tpu.memory_space<hbm>>) target_semaphore(%dma_start3A_281 : memref<!tpu.dma_semaphore, #tpu.memory_space<semaphore_mem>>)
          %slice3A_284 = vector.extract_strided_slice %add3A_115 {offsets = [10], sizes = [1], strides = [1]} : vector<16xi32> to vector<1xi32>
          %squeeze3A_285 = vector.extract %slice3A_284[0] : i32 from vector<1xi32>
          %multiple_of3A_286 = tpu.assume_multiple %squeeze3A_285, 256 : i32
          %mul3A_287 = arith.constant 16 : i32
          %mul3A_288 = arith.muli %scan3A_100, %mul3A_287 : i32
          %add3A_289 = arith.constant 10 : i32
          %add3A_290 = arith.addi %mul3A_288, %add3A_289 : i32
          %mul3A_291 = arith.constant 256 : i32
          %mul3A_292 = arith.muli %add3A_290, %mul3A_291 : i32
          %add3A_293 = arith.addi %mul3A_79, %mul3A_292 : i32
          %multiple_of3A_294 = tpu.assume_multiple %add3A_293, 256 : i32
          %dma_start3A_295 = tpu.memref_slice %arg6[%multiple_of3A_286] : memref<32768xf32, #tpu.memory_space<vmem>> -> memref<256xf32, #tpu.memory_space<vmem>>
          %dma_start3A_296 = tpu.memref_slice %arg4[%multiple_of3A_294] : memref<16777216xf32, #tpu.memory_space<hbm>> -> memref<256xf32, #tpu.memory_space<hbm>>
          %dma_start3A_297 = tpu.memref_slice %arg10[%and3A_29] : memref<2x!tpu.dma_semaphore, #tpu.memory_space<semaphore_mem>> -> memref<1x!tpu.dma_semaphore, #tpu.memory_space<semaphore_mem>>
          %dma_start3A_298 = tpu.memref_squeeze %dma_start3A_297 : memref<1x!tpu.dma_semaphore, #tpu.memory_space<semaphore_mem>> -> memref<!tpu.dma_semaphore, #tpu.memory_space<semaphore_mem>>
          %dma_start3A_299 = tpu.memref_slice %arg4[%multiple_of3A_294] : memref<16777216xf32, #tpu.memory_space<hbm>> -> memref<256xf32, #tpu.memory_space<hbm>>
          %dma_start3A_300 = tpu.memref_slice %arg6[%multiple_of3A_286] : memref<32768xf32, #tpu.memory_space<vmem>> -> memref<256xf32, #tpu.memory_space<vmem>>
          tpu.enqueue_dma source(%dma_start3A_300 : memref<256xf32, #tpu.memory_space<vmem>>) target(%dma_start3A_299 : memref<256xf32, #tpu.memory_space<hbm>>) target_semaphore(%dma_start3A_298 : memref<!tpu.dma_semaphore, #tpu.memory_space<semaphore_mem>>)
          %slice3A_301 = vector.extract_strided_slice %add3A_115 {offsets = [11], sizes = [1], strides = [1]} : vector<16xi32> to vector<1xi32>
          %squeeze3A_302 = vector.extract %slice3A_301[0] : i32 from vector<1xi32>
          %multiple_of3A_303 = tpu.assume_multiple %squeeze3A_302, 256 : i32
          %mul3A_304 = arith.constant 16 : i32
          %mul3A_305 = arith.muli %scan3A_100, %mul3A_304 : i32
          %add3A_306 = arith.constant 11 : i32
          %add3A_307 = arith.addi %mul3A_305, %add3A_306 : i32
          %mul3A_308 = arith.constant 256 : i32
          %mul3A_309 = arith.muli %add3A_307, %mul3A_308 : i32
          %add3A_310 = arith.addi %mul3A_79, %mul3A_309 : i32
          %multiple_of3A_311 = tpu.assume_multiple %add3A_310, 256 : i32
          %dma_start3A_312 = tpu.memref_slice %arg6[%multiple_of3A_303] : memref<32768xf32, #tpu.memory_space<vmem>> -> memref<256xf32, #tpu.memory_space<vmem>>
          %dma_start3A_313 = tpu.memref_slice %arg4[%multiple_of3A_311] : memref<16777216xf32, #tpu.memory_space<hbm>> -> memref<256xf32, #tpu.memory_space<hbm>>
          %dma_start3A_314 = tpu.memref_slice %arg10[%and3A_29] : memref<2x!tpu.dma_semaphore, #tpu.memory_space<semaphore_mem>> -> memref<1x!tpu.dma_semaphore, #tpu.memory_space<semaphore_mem>>
          %dma_start3A_315 = tpu.memref_squeeze %dma_start3A_314 : memref<1x!tpu.dma_semaphore, #tpu.memory_space<semaphore_mem>> -> memref<!tpu.dma_semaphore, #tpu.memory_space<semaphore_mem>>
          %dma_start3A_316 = tpu.memref_slice %arg4[%multiple_of3A_311] : memref<16777216xf32, #tpu.memory_space<hbm>> -> memref<256xf32, #tpu.memory_space<hbm>>
          %dma_start3A_317 = tpu.memref_slice %arg6[%multiple_of3A_303] : memref<32768xf32, #tpu.memory_space<vmem>> -> memref<256xf32, #tpu.memory_space<vmem>>
          tpu.enqueue_dma source(%dma_start3A_317 : memref<256xf32, #tpu.memory_space<vmem>>) target(%dma_start3A_316 : memref<256xf32, #tpu.memory_space<hbm>>) target_semaphore(%dma_start3A_315 : memref<!tpu.dma_semaphore, #tpu.memory_space<semaphore_mem>>)
          %slice3A_318 = vector.extract_strided_slice %add3A_115 {offsets = [12], sizes = [1], strides = [1]} : vector<16xi32> to vector<1xi32>
          %squeeze3A_319 = vector.extract %slice3A_318[0] : i32 from vector<1xi32>
          %multiple_of3A_320 = tpu.assume_multiple %squeeze3A_319, 256 : i32
          %mul3A_321 = arith.constant 16 : i32
          %mul3A_322 = arith.muli %scan3A_100, %mul3A_321 : i32
          %add3A_323 = arith.constant 12 : i32
          %add3A_324 = arith.addi %mul3A_322, %add3A_323 : i32
          %mul3A_325 = arith.constant 256 : i32
          %mul3A_326 = arith.muli %add3A_324, %mul3A_325 : i32
          %add3A_327 = arith.addi %mul3A_79, %mul3A_326 : i32
          %multiple_of3A_328 = tpu.assume_multiple %add3A_327, 256 : i32
          %dma_start3A_329 = tpu.memref_slice %arg6[%multiple_of3A_320] : memref<32768xf32, #tpu.memory_space<vmem>> -> memref<256xf32, #tpu.memory_space<vmem>>
          %dma_start3A_330 = tpu.memref_slice %arg4[%multiple_of3A_328] : memref<16777216xf32, #tpu.memory_space<hbm>> -> memref<256xf32, #tpu.memory_space<hbm>>
          %dma_start3A_331 = tpu.memref_slice %arg10[%and3A_29] : memref<2x!tpu.dma_semaphore, #tpu.memory_space<semaphore_mem>> -> memref<1x!tpu.dma_semaphore, #tpu.memory_space<semaphore_mem>>
          %dma_start3A_332 = tpu.memref_squeeze %dma_start3A_331 : memref<1x!tpu.dma_semaphore, #tpu.memory_space<semaphore_mem>> -> memref<!tpu.dma_semaphore, #tpu.memory_space<semaphore_mem>>
          %dma_start3A_333 = tpu.memref_slice %arg4[%multiple_of3A_328] : memref<16777216xf32, #tpu.memory_space<hbm>> -> memref<256xf32, #tpu.memory_space<hbm>>
          %dma_start3A_334 = tpu.memref_slice %arg6[%multiple_of3A_320] : memref<32768xf32, #tpu.memory_space<vmem>> -> memref<256xf32, #tpu.memory_space<vmem>>
          tpu.enqueue_dma source(%dma_start3A_334 : memref<256xf32, #tpu.memory_space<vmem>>) target(%dma_start3A_333 : memref<256xf32, #tpu.memory_space<hbm>>) target_semaphore(%dma_start3A_332 : memref<!tpu.dma_semaphore, #tpu.memory_space<semaphore_mem>>)
          %slice3A_335 = vector.extract_strided_slice %add3A_115 {offsets = [13], sizes = [1], strides = [1]} : vector<16xi32> to vector<1xi32>
          %squeeze3A_336 = vector.extract %slice3A_335[0] : i32 from vector<1xi32>
          %multiple_of3A_337 = tpu.assume_multiple %squeeze3A_336, 256 : i32
          %mul3A_338 = arith.constant 16 : i32
          %mul3A_339 = arith.muli %scan3A_100, %mul3A_338 : i32
          %add3A_340 = arith.constant 13 : i32
          %add3A_341 = arith.addi %mul3A_339, %add3A_340 : i32
          %mul3A_342 = arith.constant 256 : i32
          %mul3A_343 = arith.muli %add3A_341, %mul3A_342 : i32
          %add3A_344 = arith.addi %mul3A_79, %mul3A_343 : i32
          %multiple_of3A_345 = tpu.assume_multiple %add3A_344, 256 : i32
          %dma_start3A_346 = tpu.memref_slice %arg6[%multiple_of3A_337] : memref<32768xf32, #tpu.memory_space<vmem>> -> memref<256xf32, #tpu.memory_space<vmem>>
          %dma_start3A_347 = tpu.memref_slice %arg4[%multiple_of3A_345] : memref<16777216xf32, #tpu.memory_space<hbm>> -> memref<256xf32, #tpu.memory_space<hbm>>
          %dma_start3A_348 = tpu.memref_slice %arg10[%and3A_29] : memref<2x!tpu.dma_semaphore, #tpu.memory_space<semaphore_mem>> -> memref<1x!tpu.dma_semaphore, #tpu.memory_space<semaphore_mem>>
          %dma_start3A_349 = tpu.memref_squeeze %dma_start3A_348 : memref<1x!tpu.dma_semaphore, #tpu.memory_space<semaphore_mem>> -> memref<!tpu.dma_semaphore, #tpu.memory_space<semaphore_mem>>
          %dma_start3A_350 = tpu.memref_slice %arg4[%multiple_of3A_345] : memref<16777216xf32, #tpu.memory_space<hbm>> -> memref<256xf32, #tpu.memory_space<hbm>>
          %dma_start3A_351 = tpu.memref_slice %arg6[%multiple_of3A_337] : memref<32768xf32, #tpu.memory_space<vmem>> -> memref<256xf32, #tpu.memory_space<vmem>>
          tpu.enqueue_dma source(%dma_start3A_351 : memref<256xf32, #tpu.memory_space<vmem>>) target(%dma_start3A_350 : memref<256xf32, #tpu.memory_space<hbm>>) target_semaphore(%dma_start3A_349 : memref<!tpu.dma_semaphore, #tpu.memory_space<semaphore_mem>>)
          %slice3A_352 = vector.extract_strided_slice %add3A_115 {offsets = [14], sizes = [1], strides = [1]} : vector<16xi32> to vector<1xi32>
          %squeeze3A_353 = vector.extract %slice3A_352[0] : i32 from vector<1xi32>
          %multiple_of3A_354 = tpu.assume_multiple %squeeze3A_353, 256 : i32
          %mul3A_355 = arith.constant 16 : i32
          %mul3A_356 = arith.muli %scan3A_100, %mul3A_355 : i32
          %add3A_357 = arith.constant 14 : i32
          %add3A_358 = arith.addi %mul3A_356, %add3A_357 : i32
          %mul3A_359 = arith.constant 256 : i32
          %mul3A_360 = arith.muli %add3A_358, %mul3A_359 : i32
          %add3A_361 = arith.addi %mul3A_79, %mul3A_360 : i32
          %multiple_of3A_362 = tpu.assume_multiple %add3A_361, 256 : i32
          %dma_start3A_363 = tpu.memref_slice %arg6[%multiple_of3A_354] : memref<32768xf32, #tpu.memory_space<vmem>> -> memref<256xf32, #tpu.memory_space<vmem>>
          %dma_start3A_364 = tpu.memref_slice %arg4[%multiple_of3A_362] : memref<16777216xf32, #tpu.memory_space<hbm>> -> memref<256xf32, #tpu.memory_space<hbm>>
          %dma_start3A_365 = tpu.memref_slice %arg10[%and3A_29] : memref<2x!tpu.dma_semaphore, #tpu.memory_space<semaphore_mem>> -> memref<1x!tpu.dma_semaphore, #tpu.memory_space<semaphore_mem>>
          %dma_start3A_366 = tpu.memref_squeeze %dma_start3A_365 : memref<1x!tpu.dma_semaphore, #tpu.memory_space<semaphore_mem>> -> memref<!tpu.dma_semaphore, #tpu.memory_space<semaphore_mem>>
          %dma_start3A_367 = tpu.memref_slice %arg4[%multiple_of3A_362] : memref<16777216xf32, #tpu.memory_space<hbm>> -> memref<256xf32, #tpu.memory_space<hbm>>
          %dma_start3A_368 = tpu.memref_slice %arg6[%multiple_of3A_354] : memref<32768xf32, #tpu.memory_space<vmem>> -> memref<256xf32, #tpu.memory_space<vmem>>
          tpu.enqueue_dma source(%dma_start3A_368 : memref<256xf32, #tpu.memory_space<vmem>>) target(%dma_start3A_367 : memref<256xf32, #tpu.memory_space<hbm>>) target_semaphore(%dma_start3A_366 : memref<!tpu.dma_semaphore, #tpu.memory_space<semaphore_mem>>)
          %slice3A_369 = vector.extract_strided_slice %add3A_115 {offsets = [15], sizes = [1], strides = [1]} : vector<16xi32> to vector<1xi32>
          %squeeze3A_370 = vector.extract %slice3A_369[0] : i32 from vector<1xi32>
          %multiple_of3A_371 = tpu.assume_multiple %squeeze3A_370, 256 : i32
          %mul3A_372 = arith.constant 16 : i32
          %mul3A_373 = arith.muli %scan3A_100, %mul3A_372 : i32
          %add3A_374 = arith.constant 15 : i32
          %add3A_375 = arith.addi %mul3A_373, %add3A_374 : i32
          %mul3A_376 = arith.constant 256 : i32
          %mul3A_377 = arith.muli %add3A_375, %mul3A_376 : i32
          %add3A_378 = arith.addi %mul3A_79, %mul3A_377 : i32
          %multiple_of3A_379 = tpu.assume_multiple %add3A_378, 256 : i32
          %dma_start3A_380 = tpu.memref_slice %arg6[%multiple_of3A_371] : memref<32768xf32, #tpu.memory_space<vmem>> -> memref<256xf32, #tpu.memory_space<vmem>>
          %dma_start3A_381 = tpu.memref_slice %arg4[%multiple_of3A_379] : memref<16777216xf32, #tpu.memory_space<hbm>> -> memref<256xf32, #tpu.memory_space<hbm>>
          %dma_start3A_382 = tpu.memref_slice %arg10[%and3A_29] : memref<2x!tpu.dma_semaphore, #tpu.memory_space<semaphore_mem>> -> memref<1x!tpu.dma_semaphore, #tpu.memory_space<semaphore_mem>>
          %dma_start3A_383 = tpu.memref_squeeze %dma_start3A_382 : memref<1x!tpu.dma_semaphore, #tpu.memory_space<semaphore_mem>> -> memref<!tpu.dma_semaphore, #tpu.memory_space<semaphore_mem>>
          %dma_start3A_384 = tpu.memref_slice %arg4[%multiple_of3A_379] : memref<16777216xf32, #tpu.memory_space<hbm>> -> memref<256xf32, #tpu.memory_space<hbm>>
          %dma_start3A_385 = tpu.memref_slice %arg6[%multiple_of3A_371] : memref<32768xf32, #tpu.memory_space<vmem>> -> memref<256xf32, #tpu.memory_space<vmem>>
          tpu.enqueue_dma source(%dma_start3A_385 : memref<256xf32, #tpu.memory_space<vmem>>) target(%dma_start3A_384 : memref<256xf32, #tpu.memory_space<hbm>>) target_semaphore(%dma_start3A_383 : memref<!tpu.dma_semaphore, #tpu.memory_space<semaphore_mem>>)
        }
        %scan3A_99 = arith.constant 8 : i32
      } else {
      }
      %not3A = arith.constant true
      %not3A_84 = arith.xori %lt3A_70, %not3A : i1
      %and3A_85 = arith.andi %lt3A_54, %not3A_84 : i1
      %convert_element_type3A_86 = arith.extui %and3A_85 : i1 to i32
      %cond3A_87 = arith.constant 0 : i32
      %cond3A_88 = arith.cmpi ne, %convert_element_type3A_86, %cond3A_87 : i32
      scf.if %cond3A_88 {
        %scan3A_94 = arith.constant 0 : i32
        %scan3A_95 = arith.constant 0 : i32
        %scan3A_96 = arith.constant 8 : i32
        %scan3A_97 = arith.addi %scan3A_95, %scan3A_96 : i32
        %scan3A_98 = arith.constant 1 : i32
        scf.for %scan3A_112 = %scan3A_95 to %scan3A_97 step %scan3A_98  : i32 {
          %mul3A_113 = arith.constant 128 : i32
          %mul3A_114 = arith.muli %scan3A_28, %mul3A_113 : i32
          %mul3A_115 = arith.constant 16 : i32
          %mul3A_116 = arith.muli %scan3A_112, %mul3A_115 : i32
          %add3A_117 = arith.addi %mul3A_114, %mul3A_116 : i32
          %get3A_118 = arith.index_cast %add3A_117 : i32 to index
          %get3A_119 = tpu.vector_load %arg5[%get3A_118] {strides = array<i32>} : memref<2048xi32, #tpu.memory_space<vmem>>, vector<16xi32>,
          %get3A_120 = vector.shape_cast %get3A_119 : vector<16xi32> to vector<16xi32>
          %mul3A_121 = arith.constant 256 : i32
          %mul3A_122 = vector.broadcast %mul3A_121 : i32 to vector<16xi32>
          %mul3A_123 = arith.muli %get3A_120, %mul3A_122 : vector<16xi32>
          %slice3A_124 = vector.extract_strided_slice %mul3A_123 {offsets = [0], sizes = [1], strides = [1]} : vector<16xi32> to vector<1xi32>
          %squeeze3A_125 = vector.extract %slice3A_124[0] : i32 from vector<1xi32>
          %multiple_of3A = tpu.assume_multiple %squeeze3A_125, 256 : i32
          %mul3A_126 = arith.constant 16 : i32
          %mul3A_127 = arith.muli %scan3A_112, %mul3A_126 : i32
          %add3A_128 = arith.constant 0 : i32
          %add3A_129 = arith.addi %mul3A_127, %add3A_128 : i32
          %mul3A_130 = arith.constant 256 : i32
          %mul3A_131 = arith.muli %add3A_129, %mul3A_130 : i32
          %add3A_132 = arith.addi %mul3A_131, %mul3A_74 : i32
          %multiple_of3A_133 = tpu.assume_multiple %add3A_132, 256 : i32
          %dma_start3A = tpu.memref_slice %arg7[%multiple_of3A_133] : memref<65536xf32, #tpu.memory_space<vmem>> -> memref<256xf32, #tpu.memory_space<vmem>>
          %dma_start3A_134 = tpu.memref_slice %arg2[%multiple_of3A] : memref<2228224xf32, #tpu.memory_space<hbm>> -> memref<256xf32, #tpu.memory_space<hbm>>
          %dma_start3A_135 = tpu.memref_slice %arg7[%multiple_of3A_133] : memref<65536xf32, #tpu.memory_space<vmem>> -> memref<256xf32, #tpu.memory_space<vmem>>
          %dma_start3A_136 = tpu.memref_slice %arg2[%multiple_of3A] : memref<2228224xf32, #tpu.memory_space<hbm>> -> memref<256xf32, #tpu.memory_space<hbm>>
          tpu.enqueue_dma source(%dma_start3A_136 : memref<256xf32, #tpu.memory_space<hbm>>) target(%dma_start3A_135 : memref<256xf32, #tpu.memory_space<vmem>>) target_semaphore(%arg11 : memref<!tpu.dma_semaphore, #tpu.memory_space<semaphore_mem>>)
          %slice3A_137 = vector.extract_strided_slice %mul3A_123 {offsets = [1], sizes = [1], strides = [1]} : vector<16xi32> to vector<1xi32>
          %squeeze3A_138 = vector.extract %slice3A_137[0] : i32 from vector<1xi32>
          %multiple_of3A_139 = tpu.assume_multiple %squeeze3A_138, 256 : i32
          %mul3A_140 = arith.constant 16 : i32
          %mul3A_141 = arith.muli %scan3A_112, %mul3A_140 : i32
          %add3A_142 = arith.constant 1 : i32
          %add3A_143 = arith.addi %mul3A_141, %add3A_142 : i32
          %mul3A_144 = arith.constant 256 : i32
          %mul3A_145 = arith.muli %add3A_143, %mul3A_144 : i32
          %add3A_146 = arith.addi %mul3A_145, %mul3A_74 : i32
          %multiple_of3A_147 = tpu.assume_multiple %add3A_146, 256 : i32
          %dma_start3A_148 = tpu.memref_slice %arg7[%multiple_of3A_147] : memref<65536xf32, #tpu.memory_space<vmem>> -> memref<256xf32, #tpu.memory_space<vmem>>
          %dma_start3A_149 = tpu.memref_slice %arg2[%multiple_of3A_139] : memref<2228224xf32, #tpu.memory_space<hbm>> -> memref<256xf32, #tpu.memory_space<hbm>>
          %dma_start3A_150 = tpu.memref_slice %arg7[%multiple_of3A_147] : memref<65536xf32, #tpu.memory_space<vmem>> -> memref<256xf32, #tpu.memory_space<vmem>>
          %dma_start3A_151 = tpu.memref_slice %arg2[%multiple_of3A_139] : memref<2228224xf32, #tpu.memory_space<hbm>> -> memref<256xf32, #tpu.memory_space<hbm>>
          tpu.enqueue_dma source(%dma_start3A_151 : memref<256xf32, #tpu.memory_space<hbm>>) target(%dma_start3A_150 : memref<256xf32, #tpu.memory_space<vmem>>) target_semaphore(%arg11 : memref<!tpu.dma_semaphore, #tpu.memory_space<semaphore_mem>>)
          %slice3A_152 = vector.extract_strided_slice %mul3A_123 {offsets = [2], sizes = [1], strides = [1]} : vector<16xi32> to vector<1xi32>
          %squeeze3A_153 = vector.extract %slice3A_152[0] : i32 from vector<1xi32>
          %multiple_of3A_154 = tpu.assume_multiple %squeeze3A_153, 256 : i32
          %mul3A_155 = arith.constant 16 : i32
          %mul3A_156 = arith.muli %scan3A_112, %mul3A_155 : i32
          %add3A_157 = arith.constant 2 : i32
          %add3A_158 = arith.addi %mul3A_156, %add3A_157 : i32
          %mul3A_159 = arith.constant 256 : i32
          %mul3A_160 = arith.muli %add3A_158, %mul3A_159 : i32
          %add3A_161 = arith.addi %mul3A_160, %mul3A_74 : i32
          %multiple_of3A_162 = tpu.assume_multiple %add3A_161, 256 : i32
          %dma_start3A_163 = tpu.memref_slice %arg7[%multiple_of3A_162] : memref<65536xf32, #tpu.memory_space<vmem>> -> memref<256xf32, #tpu.memory_space<vmem>>
          %dma_start3A_164 = tpu.memref_slice %arg2[%multiple_of3A_154] : memref<2228224xf32, #tpu.memory_space<hbm>> -> memref<256xf32, #tpu.memory_space<hbm>>
          %dma_start3A_165 = tpu.memref_slice %arg7[%multiple_of3A_162] : memref<65536xf32, #tpu.memory_space<vmem>> -> memref<256xf32, #tpu.memory_space<vmem>>
          %dma_start3A_166 = tpu.memref_slice %arg2[%multiple_of3A_154] : memref<2228224xf32, #tpu.memory_space<hbm>> -> memref<256xf32, #tpu.memory_space<hbm>>
          tpu.enqueue_dma source(%dma_start3A_166 : memref<256xf32, #tpu.memory_space<hbm>>) target(%dma_start3A_165 : memref<256xf32, #tpu.memory_space<vmem>>) target_semaphore(%arg11 : memref<!tpu.dma_semaphore, #tpu.memory_space<semaphore_mem>>)
          %slice3A_167 = vector.extract_strided_slice %mul3A_123 {offsets = [3], sizes = [1], strides = [1]} : vector<16xi32> to vector<1xi32>
          %squeeze3A_168 = vector.extract %slice3A_167[0] : i32 from vector<1xi32>
          %multiple_of3A_169 = tpu.assume_multiple %squeeze3A_168, 256 : i32
          %mul3A_170 = arith.constant 16 : i32
          %mul3A_171 = arith.muli %scan3A_112, %mul3A_170 : i32
          %add3A_172 = arith.constant 3 : i32
          %add3A_173 = arith.addi %mul3A_171, %add3A_172 : i32
          %mul3A_174 = arith.constant 256 : i32
          %mul3A_175 = arith.muli %add3A_173, %mul3A_174 : i32
          %add3A_176 = arith.addi %mul3A_175, %mul3A_74 : i32
          %multiple_of3A_177 = tpu.assume_multiple %add3A_176, 256 : i32
          %dma_start3A_178 = tpu.memref_slice %arg7[%multiple_of3A_177] : memref<65536xf32, #tpu.memory_space<vmem>> -> memref<256xf32, #tpu.memory_space<vmem>>
          %dma_start3A_179 = tpu.memref_slice %arg2[%multiple_of3A_169] : memref<2228224xf32, #tpu.memory_space<hbm>> -> memref<256xf32, #tpu.memory_space<hbm>>
          %dma_start3A_180 = tpu.memref_slice %arg7[%multiple_of3A_177] : memref<65536xf32, #tpu.memory_space<vmem>> -> memref<256xf32, #tpu.memory_space<vmem>>
          %dma_start3A_181 = tpu.memref_slice %arg2[%multiple_of3A_169] : memref<2228224xf32, #tpu.memory_space<hbm>> -> memref<256xf32, #tpu.memory_space<hbm>>
          tpu.enqueue_dma source(%dma_start3A_181 : memref<256xf32, #tpu.memory_space<hbm>>) target(%dma_start3A_180 : memref<256xf32, #tpu.memory_space<vmem>>) target_semaphore(%arg11 : memref<!tpu.dma_semaphore, #tpu.memory_space<semaphore_mem>>)
          %slice3A_182 = vector.extract_strided_slice %mul3A_123 {offsets = [4], sizes = [1], strides = [1]} : vector<16xi32> to vector<1xi32>
          %squeeze3A_183 = vector.extract %slice3A_182[0] : i32 from vector<1xi32>
          %multiple_of3A_184 = tpu.assume_multiple %squeeze3A_183, 256 : i32
          %mul3A_185 = arith.constant 16 : i32
          %mul3A_186 = arith.muli %scan3A_112, %mul3A_185 : i32
          %add3A_187 = arith.constant 4 : i32
          %add3A_188 = arith.addi %mul3A_186, %add3A_187 : i32
          %mul3A_189 = arith.constant 256 : i32
          %mul3A_190 = arith.muli %add3A_188, %mul3A_189 : i32
          %add3A_191 = arith.addi %mul3A_190, %mul3A_74 : i32
          %multiple_of3A_192 = tpu.assume_multiple %add3A_191, 256 : i32
          %dma_start3A_193 = tpu.memref_slice %arg7[%multiple_of3A_192] : memref<65536xf32, #tpu.memory_space<vmem>> -> memref<256xf32, #tpu.memory_space<vmem>>
          %dma_start3A_194 = tpu.memref_slice %arg2[%multiple_of3A_184] : memref<2228224xf32, #tpu.memory_space<hbm>> -> memref<256xf32, #tpu.memory_space<hbm>>
          %dma_start3A_195 = tpu.memref_slice %arg7[%multiple_of3A_192] : memref<65536xf32, #tpu.memory_space<vmem>> -> memref<256xf32, #tpu.memory_space<vmem>>
          %dma_start3A_196 = tpu.memref_slice %arg2[%multiple_of3A_184] : memref<2228224xf32, #tpu.memory_space<hbm>> -> memref<256xf32, #tpu.memory_space<hbm>>
          tpu.enqueue_dma source(%dma_start3A_196 : memref<256xf32, #tpu.memory_space<hbm>>) target(%dma_start3A_195 : memref<256xf32, #tpu.memory_space<vmem>>) target_semaphore(%arg11 : memref<!tpu.dma_semaphore, #tpu.memory_space<semaphore_mem>>)
          %slice3A_197 = vector.extract_strided_slice %mul3A_123 {offsets = [5], sizes = [1], strides = [1]} : vector<16xi32> to vector<1xi32>
          %squeeze3A_198 = vector.extract %slice3A_197[0] : i32 from vector<1xi32>
          %multiple_of3A_199 = tpu.assume_multiple %squeeze3A_198, 256 : i32
          %mul3A_200 = arith.constant 16 : i32
          %mul3A_201 = arith.muli %scan3A_112, %mul3A_200 : i32
          %add3A_202 = arith.constant 5 : i32
          %add3A_203 = arith.addi %mul3A_201, %add3A_202 : i32
          %mul3A_204 = arith.constant 256 : i32
          %mul3A_205 = arith.muli %add3A_203, %mul3A_204 : i32
          %add3A_206 = arith.addi %mul3A_205, %mul3A_74 : i32
          %multiple_of3A_207 = tpu.assume_multiple %add3A_206, 256 : i32
          %dma_start3A_208 = tpu.memref_slice %arg7[%multiple_of3A_207] : memref<65536xf32, #tpu.memory_space<vmem>> -> memref<256xf32, #tpu.memory_space<vmem>>
          %dma_start3A_209 = tpu.memref_slice %arg2[%multiple_of3A_199] : memref<2228224xf32, #tpu.memory_space<hbm>> -> memref<256xf32, #tpu.memory_space<hbm>>
          %dma_start3A_210 = tpu.memref_slice %arg7[%multiple_of3A_207] : memref<65536xf32, #tpu.memory_space<vmem>> -> memref<256xf32, #tpu.memory_space<vmem>>
          %dma_start3A_211 = tpu.memref_slice %arg2[%multiple_of3A_199] : memref<2228224xf32, #tpu.memory_space<hbm>> -> memref<256xf32, #tpu.memory_space<hbm>>
          tpu.enqueue_dma source(%dma_start3A_211 : memref<256xf32, #tpu.memory_space<hbm>>) target(%dma_start3A_210 : memref<256xf32, #tpu.memory_space<vmem>>) target_semaphore(%arg11 : memref<!tpu.dma_semaphore, #tpu.memory_space<semaphore_mem>>)
          %slice3A_212 = vector.extract_strided_slice %mul3A_123 {offsets = [6], sizes = [1], strides = [1]} : vector<16xi32> to vector<1xi32>
          %squeeze3A_213 = vector.extract %slice3A_212[0] : i32 from vector<1xi32>
          %multiple_of3A_214 = tpu.assume_multiple %squeeze3A_213, 256 : i32
          %mul3A_215 = arith.constant 16 : i32
          %mul3A_216 = arith.muli %scan3A_112, %mul3A_215 : i32
          %add3A_217 = arith.constant 6 : i32
          %add3A_218 = arith.addi %mul3A_216, %add3A_217 : i32
          %mul3A_219 = arith.constant 256 : i32
          %mul3A_220 = arith.muli %add3A_218, %mul3A_219 : i32
          %add3A_221 = arith.addi %mul3A_220, %mul3A_74 : i32
          %multiple_of3A_222 = tpu.assume_multiple %add3A_221, 256 : i32
          %dma_start3A_223 = tpu.memref_slice %arg7[%multiple_of3A_222] : memref<65536xf32, #tpu.memory_space<vmem>> -> memref<256xf32, #tpu.memory_space<vmem>>
          %dma_start3A_224 = tpu.memref_slice %arg2[%multiple_of3A_214] : memref<2228224xf32, #tpu.memory_space<hbm>> -> memref<256xf32, #tpu.memory_space<hbm>>
          %dma_start3A_225 = tpu.memref_slice %arg7[%multiple_of3A_222] : memref<65536xf32, #tpu.memory_space<vmem>> -> memref<256xf32, #tpu.memory_space<vmem>>
          %dma_start3A_226 = tpu.memref_slice %arg2[%multiple_of3A_214] : memref<2228224xf32, #tpu.memory_space<hbm>> -> memref<256xf32, #tpu.memory_space<hbm>>
          tpu.enqueue_dma source(%dma_start3A_226 : memref<256xf32, #tpu.memory_space<hbm>>) target(%dma_start3A_225 : memref<256xf32, #tpu.memory_space<vmem>>) target_semaphore(%arg11 : memref<!tpu.dma_semaphore, #tpu.memory_space<semaphore_mem>>)
          %slice3A_227 = vector.extract_strided_slice %mul3A_123 {offsets = [7], sizes = [1], strides = [1]} : vector<16xi32> to vector<1xi32>
          %squeeze3A_228 = vector.extract %slice3A_227[0] : i32 from vector<1xi32>
          %multiple_of3A_229 = tpu.assume_multiple %squeeze3A_228, 256 : i32
          %mul3A_230 = arith.constant 16 : i32
          %mul3A_231 = arith.muli %scan3A_112, %mul3A_230 : i32
          %add3A_232 = arith.constant 7 : i32
          %add3A_233 = arith.addi %mul3A_231, %add3A_232 : i32
          %mul3A_234 = arith.constant 256 : i32
          %mul3A_235 = arith.muli %add3A_233, %mul3A_234 : i32
          %add3A_236 = arith.addi %mul3A_235, %mul3A_74 : i32
          %multiple_of3A_237 = tpu.assume_multiple %add3A_236, 256 : i32
          %dma_start3A_238 = tpu.memref_slice %arg7[%multiple_of3A_237] : memref<65536xf32, #tpu.memory_space<vmem>> -> memref<256xf32, #tpu.memory_space<vmem>>
          %dma_start3A_239 = tpu.memref_slice %arg2[%multiple_of3A_229] : memref<2228224xf32, #tpu.memory_space<hbm>> -> memref<256xf32, #tpu.memory_space<hbm>>
          %dma_start3A_240 = tpu.memref_slice %arg7[%multiple_of3A_237] : memref<65536xf32, #tpu.memory_space<vmem>> -> memref<256xf32, #tpu.memory_space<vmem>>
          %dma_start3A_241 = tpu.memref_slice %arg2[%multiple_of3A_229] : memref<2228224xf32, #tpu.memory_space<hbm>> -> memref<256xf32, #tpu.memory_space<hbm>>
          tpu.enqueue_dma source(%dma_start3A_241 : memref<256xf32, #tpu.memory_space<hbm>>) target(%dma_start3A_240 : memref<256xf32, #tpu.memory_space<vmem>>) target_semaphore(%arg11 : memref<!tpu.dma_semaphore, #tpu.memory_space<semaphore_mem>>)
          %slice3A_242 = vector.extract_strided_slice %mul3A_123 {offsets = [8], sizes = [1], strides = [1]} : vector<16xi32> to vector<1xi32>
          %squeeze3A_243 = vector.extract %slice3A_242[0] : i32 from vector<1xi32>
          %multiple_of3A_244 = tpu.assume_multiple %squeeze3A_243, 256 : i32
          %mul3A_245 = arith.constant 16 : i32
          %mul3A_246 = arith.muli %scan3A_112, %mul3A_245 : i32
          %add3A_247 = arith.constant 8 : i32
          %add3A_248 = arith.addi %mul3A_246, %add3A_247 : i32
          %mul3A_249 = arith.constant 256 : i32
          %mul3A_250 = arith.muli %add3A_248, %mul3A_249 : i32
          %add3A_251 = arith.addi %mul3A_250, %mul3A_74 : i32
          %multiple_of3A_252 = tpu.assume_multiple %add3A_251, 256 : i32
          %dma_start3A_253 = tpu.memref_slice %arg7[%multiple_of3A_252] : memref<65536xf32, #tpu.memory_space<vmem>> -> memref<256xf32, #tpu.memory_space<vmem>>
          %dma_start3A_254 = tpu.memref_slice %arg2[%multiple_of3A_244] : memref<2228224xf32, #tpu.memory_space<hbm>> -> memref<256xf32, #tpu.memory_space<hbm>>
          %dma_start3A_255 = tpu.memref_slice %arg7[%multiple_of3A_252] : memref<65536xf32, #tpu.memory_space<vmem>> -> memref<256xf32, #tpu.memory_space<vmem>>
          %dma_start3A_256 = tpu.memref_slice %arg2[%multiple_of3A_244] : memref<2228224xf32, #tpu.memory_space<hbm>> -> memref<256xf32, #tpu.memory_space<hbm>>
          tpu.enqueue_dma source(%dma_start3A_256 : memref<256xf32, #tpu.memory_space<hbm>>) target(%dma_start3A_255 : memref<256xf32, #tpu.memory_space<vmem>>) target_semaphore(%arg11 : memref<!tpu.dma_semaphore, #tpu.memory_space<semaphore_mem>>)
          %slice3A_257 = vector.extract_strided_slice %mul3A_123 {offsets = [9], sizes = [1], strides = [1]} : vector<16xi32> to vector<1xi32>
          %squeeze3A_258 = vector.extract %slice3A_257[0] : i32 from vector<1xi32>
          %multiple_of3A_259 = tpu.assume_multiple %squeeze3A_258, 256 : i32
          %mul3A_260 = arith.constant 16 : i32
          %mul3A_261 = arith.muli %scan3A_112, %mul3A_260 : i32
          %add3A_262 = arith.constant 9 : i32
          %add3A_263 = arith.addi %mul3A_261, %add3A_262 : i32
          %mul3A_264 = arith.constant 256 : i32
          %mul3A_265 = arith.muli %add3A_263, %mul3A_264 : i32
          %add3A_266 = arith.addi %mul3A_265, %mul3A_74 : i32
          %multiple_of3A_267 = tpu.assume_multiple %add3A_266, 256 : i32
          %dma_start3A_268 = tpu.memref_slice %arg7[%multiple_of3A_267] : memref<65536xf32, #tpu.memory_space<vmem>> -> memref<256xf32, #tpu.memory_space<vmem>>
          %dma_start3A_269 = tpu.memref_slice %arg2[%multiple_of3A_259] : memref<2228224xf32, #tpu.memory_space<hbm>> -> memref<256xf32, #tpu.memory_space<hbm>>
          %dma_start3A_270 = tpu.memref_slice %arg7[%multiple_of3A_267] : memref<65536xf32, #tpu.memory_space<vmem>> -> memref<256xf32, #tpu.memory_space<vmem>>
          %dma_start3A_271 = tpu.memref_slice %arg2[%multiple_of3A_259] : memref<2228224xf32, #tpu.memory_space<hbm>> -> memref<256xf32, #tpu.memory_space<hbm>>
          tpu.enqueue_dma source(%dma_start3A_271 : memref<256xf32, #tpu.memory_space<hbm>>) target(%dma_start3A_270 : memref<256xf32, #tpu.memory_space<vmem>>) target_semaphore(%arg11 : memref<!tpu.dma_semaphore, #tpu.memory_space<semaphore_mem>>)
          %slice3A_272 = vector.extract_strided_slice %mul3A_123 {offsets = [10], sizes = [1], strides = [1]} : vector<16xi32> to vector<1xi32>
          %squeeze3A_273 = vector.extract %slice3A_272[0] : i32 from vector<1xi32>
          %multiple_of3A_274 = tpu.assume_multiple %squeeze3A_273, 256 : i32
          %mul3A_275 = arith.constant 16 : i32
          %mul3A_276 = arith.muli %scan3A_112, %mul3A_275 : i32
          %add3A_277 = arith.constant 10 : i32
          %add3A_278 = arith.addi %mul3A_276, %add3A_277 : i32
          %mul3A_279 = arith.constant 256 : i32
          %mul3A_280 = arith.muli %add3A_278, %mul3A_279 : i32
          %add3A_281 = arith.addi %mul3A_280, %mul3A_74 : i32
          %multiple_of3A_282 = tpu.assume_multiple %add3A_281, 256 : i32
          %dma_start3A_283 = tpu.memref_slice %arg7[%multiple_of3A_282] : memref<65536xf32, #tpu.memory_space<vmem>> -> memref<256xf32, #tpu.memory_space<vmem>>
          %dma_start3A_284 = tpu.memref_slice %arg2[%multiple_of3A_274] : memref<2228224xf32, #tpu.memory_space<hbm>> -> memref<256xf32, #tpu.memory_space<hbm>>
          %dma_start3A_285 = tpu.memref_slice %arg7[%multiple_of3A_282] : memref<65536xf32, #tpu.memory_space<vmem>> -> memref<256xf32, #tpu.memory_space<vmem>>
          %dma_start3A_286 = tpu.memref_slice %arg2[%multiple_of3A_274] : memref<2228224xf32, #tpu.memory_space<hbm>> -> memref<256xf32, #tpu.memory_space<hbm>>
          tpu.enqueue_dma source(%dma_start3A_286 : memref<256xf32, #tpu.memory_space<hbm>>) target(%dma_start3A_285 : memref<256xf32, #tpu.memory_space<vmem>>) target_semaphore(%arg11 : memref<!tpu.dma_semaphore, #tpu.memory_space<semaphore_mem>>)
          %slice3A_287 = vector.extract_strided_slice %mul3A_123 {offsets = [11], sizes = [1], strides = [1]} : vector<16xi32> to vector<1xi32>
          %squeeze3A_288 = vector.extract %slice3A_287[0] : i32 from vector<1xi32>
          %multiple_of3A_289 = tpu.assume_multiple %squeeze3A_288, 256 : i32
          %mul3A_290 = arith.constant 16 : i32
          %mul3A_291 = arith.muli %scan3A_112, %mul3A_290 : i32
          %add3A_292 = arith.constant 11 : i32
          %add3A_293 = arith.addi %mul3A_291, %add3A_292 : i32
          %mul3A_294 = arith.constant 256 : i32
          %mul3A_295 = arith.muli %add3A_293, %mul3A_294 : i32
          %add3A_296 = arith.addi %mul3A_295, %mul3A_74 : i32
          %multiple_of3A_297 = tpu.assume_multiple %add3A_296, 256 : i32
          %dma_start3A_298 = tpu.memref_slice %arg7[%multiple_of3A_297] : memref<65536xf32, #tpu.memory_space<vmem>> -> memref<256xf32, #tpu.memory_space<vmem>>
          %dma_start3A_299 = tpu.memref_slice %arg2[%multiple_of3A_289] : memref<2228224xf32, #tpu.memory_space<hbm>> -> memref<256xf32, #tpu.memory_space<hbm>>
          %dma_start3A_300 = tpu.memref_slice %arg7[%multiple_of3A_297] : memref<65536xf32, #tpu.memory_space<vmem>> -> memref<256xf32, #tpu.memory_space<vmem>>
          %dma_start3A_301 = tpu.memref_slice %arg2[%multiple_of3A_289] : memref<2228224xf32, #tpu.memory_space<hbm>> -> memref<256xf32, #tpu.memory_space<hbm>>
          tpu.enqueue_dma source(%dma_start3A_301 : memref<256xf32, #tpu.memory_space<hbm>>) target(%dma_start3A_300 : memref<256xf32, #tpu.memory_space<vmem>>) target_semaphore(%arg11 : memref<!tpu.dma_semaphore, #tpu.memory_space<semaphore_mem>>)
          %slice3A_302 = vector.extract_strided_slice %mul3A_123 {offsets = [12], sizes = [1], strides = [1]} : vector<16xi32> to vector<1xi32>
          %squeeze3A_303 = vector.extract %slice3A_302[0] : i32 from vector<1xi32>
          %multiple_of3A_304 = tpu.assume_multiple %squeeze3A_303, 256 : i32
          %mul3A_305 = arith.constant 16 : i32
          %mul3A_306 = arith.muli %scan3A_112, %mul3A_305 : i32
          %add3A_307 = arith.constant 12 : i32
          %add3A_308 = arith.addi %mul3A_306, %add3A_307 : i32
          %mul3A_309 = arith.constant 256 : i32
          %mul3A_310 = arith.muli %add3A_308, %mul3A_309 : i32
          %add3A_311 = arith.addi %mul3A_310, %mul3A_74 : i32
          %multiple_of3A_312 = tpu.assume_multiple %add3A_311, 256 : i32
          %dma_start3A_313 = tpu.memref_slice %arg7[%multiple_of3A_312] : memref<65536xf32, #tpu.memory_space<vmem>> -> memref<256xf32, #tpu.memory_space<vmem>>
          %dma_start3A_314 = tpu.memref_slice %arg2[%multiple_of3A_304] : memref<2228224xf32, #tpu.memory_space<hbm>> -> memref<256xf32, #tpu.memory_space<hbm>>
          %dma_start3A_315 = tpu.memref_slice %arg7[%multiple_of3A_312] : memref<65536xf32, #tpu.memory_space<vmem>> -> memref<256xf32, #tpu.memory_space<vmem>>
          %dma_start3A_316 = tpu.memref_slice %arg2[%multiple_of3A_304] : memref<2228224xf32, #tpu.memory_space<hbm>> -> memref<256xf32, #tpu.memory_space<hbm>>
          tpu.enqueue_dma source(%dma_start3A_316 : memref<256xf32, #tpu.memory_space<hbm>>) target(%dma_start3A_315 : memref<256xf32, #tpu.memory_space<vmem>>) target_semaphore(%arg11 : memref<!tpu.dma_semaphore, #tpu.memory_space<semaphore_mem>>)
          %slice3A_317 = vector.extract_strided_slice %mul3A_123 {offsets = [13], sizes = [1], strides = [1]} : vector<16xi32> to vector<1xi32>
          %squeeze3A_318 = vector.extract %slice3A_317[0] : i32 from vector<1xi32>
          %multiple_of3A_319 = tpu.assume_multiple %squeeze3A_318, 256 : i32
          %mul3A_320 = arith.constant 16 : i32
          %mul3A_321 = arith.muli %scan3A_112, %mul3A_320 : i32
          %add3A_322 = arith.constant 13 : i32
          %add3A_323 = arith.addi %mul3A_321, %add3A_322 : i32
          %mul3A_324 = arith.constant 256 : i32
          %mul3A_325 = arith.muli %add3A_323, %mul3A_324 : i32
          %add3A_326 = arith.addi %mul3A_325, %mul3A_74 : i32
          %multiple_of3A_327 = tpu.assume_multiple %add3A_326, 256 : i32
          %dma_start3A_328 = tpu.memref_slice %arg7[%multiple_of3A_327] : memref<65536xf32, #tpu.memory_space<vmem>> -> memref<256xf32, #tpu.memory_space<vmem>>
          %dma_start3A_329 = tpu.memref_slice %arg2[%multiple_of3A_319] : memref<2228224xf32, #tpu.memory_space<hbm>> -> memref<256xf32, #tpu.memory_space<hbm>>
          %dma_start3A_330 = tpu.memref_slice %arg7[%multiple_of3A_327] : memref<65536xf32, #tpu.memory_space<vmem>> -> memref<256xf32, #tpu.memory_space<vmem>>
          %dma_start3A_331 = tpu.memref_slice %arg2[%multiple_of3A_319] : memref<2228224xf32, #tpu.memory_space<hbm>> -> memref<256xf32, #tpu.memory_space<hbm>>
          tpu.enqueue_dma source(%dma_start3A_331 : memref<256xf32, #tpu.memory_space<hbm>>) target(%dma_start3A_330 : memref<256xf32, #tpu.memory_space<vmem>>) target_semaphore(%arg11 : memref<!tpu.dma_semaphore, #tpu.memory_space<semaphore_mem>>)
          %slice3A_332 = vector.extract_strided_slice %mul3A_123 {offsets = [14], sizes = [1], strides = [1]} : vector<16xi32> to vector<1xi32>
          %squeeze3A_333 = vector.extract %slice3A_332[0] : i32 from vector<1xi32>
          %multiple_of3A_334 = tpu.assume_multiple %squeeze3A_333, 256 : i32
          %mul3A_335 = arith.constant 16 : i32
          %mul3A_336 = arith.muli %scan3A_112, %mul3A_335 : i32
          %add3A_337 = arith.constant 14 : i32
          %add3A_338 = arith.addi %mul3A_336, %add3A_337 : i32
          %mul3A_339 = arith.constant 256 : i32
          %mul3A_340 = arith.muli %add3A_338, %mul3A_339 : i32
          %add3A_341 = arith.addi %mul3A_340, %mul3A_74 : i32
          %multiple_of3A_342 = tpu.assume_multiple %add3A_341, 256 : i32
          %dma_start3A_343 = tpu.memref_slice %arg7[%multiple_of3A_342] : memref<65536xf32, #tpu.memory_space<vmem>> -> memref<256xf32, #tpu.memory_space<vmem>>
          %dma_start3A_344 = tpu.memref_slice %arg2[%multiple_of3A_334] : memref<2228224xf32, #tpu.memory_space<hbm>> -> memref<256xf32, #tpu.memory_space<hbm>>
          %dma_start3A_345 = tpu.memref_slice %arg7[%multiple_of3A_342] : memref<65536xf32, #tpu.memory_space<vmem>> -> memref<256xf32, #tpu.memory_space<vmem>>
          %dma_start3A_346 = tpu.memref_slice %arg2[%multiple_of3A_334] : memref<2228224xf32, #tpu.memory_space<hbm>> -> memref<256xf32, #tpu.memory_space<hbm>>
          tpu.enqueue_dma source(%dma_start3A_346 : memref<256xf32, #tpu.memory_space<hbm>>) target(%dma_start3A_345 : memref<256xf32, #tpu.memory_space<vmem>>) target_semaphore(%arg11 : memref<!tpu.dma_semaphore, #tpu.memory_space<semaphore_mem>>)
          %slice3A_347 = vector.extract_strided_slice %mul3A_123 {offsets = [15], sizes = [1], strides = [1]} : vector<16xi32> to vector<1xi32>
          %squeeze3A_348 = vector.extract %slice3A_347[0] : i32 from vector<1xi32>
          %multiple_of3A_349 = tpu.assume_multiple %squeeze3A_348, 256 : i32
          %mul3A_350 = arith.constant 16 : i32
          %mul3A_351 = arith.muli %scan3A_112, %mul3A_350 : i32
          %add3A_352 = arith.constant 15 : i32
          %add3A_353 = arith.addi %mul3A_351, %add3A_352 : i32
          %mul3A_354 = arith.constant 256 : i32
          %mul3A_355 = arith.muli %add3A_353, %mul3A_354 : i32
          %add3A_356 = arith.addi %mul3A_355, %mul3A_74 : i32
          %multiple_of3A_357 = tpu.assume_multiple %add3A_356, 256 : i32
          %dma_start3A_358 = tpu.memref_slice %arg7[%multiple_of3A_357] : memref<65536xf32, #tpu.memory_space<vmem>> -> memref<256xf32, #tpu.memory_space<vmem>>
          %dma_start3A_359 = tpu.memref_slice %arg2[%multiple_of3A_349] : memref<2228224xf32, #tpu.memory_space<hbm>> -> memref<256xf32, #tpu.memory_space<hbm>>
          %dma_start3A_360 = tpu.memref_slice %arg7[%multiple_of3A_357] : memref<65536xf32, #tpu.memory_space<vmem>> -> memref<256xf32, #tpu.memory_space<vmem>>
          %dma_start3A_361 = tpu.memref_slice %arg2[%multiple_of3A_349] : memref<2228224xf32, #tpu.memory_space<hbm>> -> memref<256xf32, #tpu.memory_space<hbm>>
          tpu.enqueue_dma source(%dma_start3A_361 : memref<256xf32, #tpu.memory_space<hbm>>) target(%dma_start3A_360 : memref<256xf32, #tpu.memory_space<vmem>>) target_semaphore(%arg11 : memref<!tpu.dma_semaphore, #tpu.memory_space<semaphore_mem>>)
        }
        %scan3A_99 = arith.constant 8 : i32
        %scan3A_100 = arith.constant 0 : i32
        %scan3A_101 = arith.constant 0 : i32
        %scan3A_102 = arith.constant 8 : i32
        %scan3A_103 = arith.addi %scan3A_101, %scan3A_102 : i32
        %scan3A_104 = arith.constant 1 : i32
        scf.for %scan3A_112 = %scan3A_101 to %scan3A_103 step %scan3A_104  : i32 {
          %dma_wait3A = arith.constant 0 : i32
          %dma_wait3A_113 = tpu.memref_slice %arg7[%dma_wait3A] : memref<65536xf32, #tpu.memory_space<vmem>> -> memref<256xf32, #tpu.memory_space<vmem>>
          %dma_wait3A_114 = arith.constant 0 : i32
          %dma_wait3A_115 = tpu.memref_slice %arg2[%dma_wait3A_114] : memref<2228224xf32, #tpu.memory_space<hbm>> -> memref<256xf32, #tpu.memory_space<hbm>>
          %dma_wait3A_116 = arith.constant 0 : i32
          %dma_wait3A_117 = tpu.memref_slice %arg7[%dma_wait3A_116] : memref<65536xf32, #tpu.memory_space<vmem>> -> memref<256xf32, #tpu.memory_space<vmem>>
          %dma_wait3A_118 = arith.constant 0 : i32
          %dma_wait3A_119 = tpu.memref_slice %arg2[%dma_wait3A_118] : memref<2228224xf32, #tpu.memory_space<hbm>> -> memref<256xf32, #tpu.memory_space<hbm>>
          tpu.wait_dma2 semaphore(%arg11 : memref<!tpu.dma_semaphore, #tpu.memory_space<semaphore_mem>>) src(%dma_wait3A_119 : memref<256xf32, #tpu.memory_space<hbm>>) dst(%dma_wait3A_117 : memref<256xf32, #tpu.memory_space<vmem>>)
          %dma_wait3A_120 = arith.constant 0 : i32
          %dma_wait3A_121 = tpu.memref_slice %arg7[%dma_wait3A_120] : memref<65536xf32, #tpu.memory_space<vmem>> -> memref<256xf32, #tpu.memory_space<vmem>>
          %dma_wait3A_122 = arith.constant 0 : i32
          %dma_wait3A_123 = tpu.memref_slice %arg2[%dma_wait3A_122] : memref<2228224xf32, #tpu.memory_space<hbm>> -> memref<256xf32, #tpu.memory_space<hbm>>
          %dma_wait3A_124 = arith.constant 0 : i32
          %dma_wait3A_125 = tpu.memref_slice %arg7[%dma_wait3A_124] : memref<65536xf32, #tpu.memory_space<vmem>> -> memref<256xf32, #tpu.memory_space<vmem>>
          %dma_wait3A_126 = arith.constant 0 : i32
          %dma_wait3A_127 = tpu.memref_slice %arg2[%dma_wait3A_126] : memref<2228224xf32, #tpu.memory_space<hbm>> -> memref<256xf32, #tpu.memory_space<hbm>>
          tpu.wait_dma2 semaphore(%arg11 : memref<!tpu.dma_semaphore, #tpu.memory_space<semaphore_mem>>) src(%dma_wait3A_127 : memref<256xf32, #tpu.memory_space<hbm>>) dst(%dma_wait3A_125 : memref<256xf32, #tpu.memory_space<vmem>>)
          %dma_wait3A_128 = arith.constant 0 : i32
          %dma_wait3A_129 = tpu.memref_slice %arg7[%dma_wait3A_128] : memref<65536xf32, #tpu.memory_space<vmem>> -> memref<256xf32, #tpu.memory_space<vmem>>
          %dma_wait3A_130 = arith.constant 0 : i32
          %dma_wait3A_131 = tpu.memref_slice %arg2[%dma_wait3A_130] : memref<2228224xf32, #tpu.memory_space<hbm>> -> memref<256xf32, #tpu.memory_space<hbm>>
          %dma_wait3A_132 = arith.constant 0 : i32
          %dma_wait3A_133 = tpu.memref_slice %arg7[%dma_wait3A_132] : memref<65536xf32, #tpu.memory_space<vmem>> -> memref<256xf32, #tpu.memory_space<vmem>>
          %dma_wait3A_134 = arith.constant 0 : i32
          %dma_wait3A_135 = tpu.memref_slice %arg2[%dma_wait3A_134] : memref<2228224xf32, #tpu.memory_space<hbm>> -> memref<256xf32, #tpu.memory_space<hbm>>
          tpu.wait_dma2 semaphore(%arg11 : memref<!tpu.dma_semaphore, #tpu.memory_space<semaphore_mem>>) src(%dma_wait3A_135 : memref<256xf32, #tpu.memory_space<hbm>>) dst(%dma_wait3A_133 : memref<256xf32, #tpu.memory_space<vmem>>)
          %dma_wait3A_136 = arith.constant 0 : i32
          %dma_wait3A_137 = tpu.memref_slice %arg7[%dma_wait3A_136] : memref<65536xf32, #tpu.memory_space<vmem>> -> memref<256xf32, #tpu.memory_space<vmem>>
          %dma_wait3A_138 = arith.constant 0 : i32
          %dma_wait3A_139 = tpu.memref_slice %arg2[%dma_wait3A_138] : memref<2228224xf32, #tpu.memory_space<hbm>> -> memref<256xf32, #tpu.memory_space<hbm>>
          %dma_wait3A_140 = arith.constant 0 : i32
          %dma_wait3A_141 = tpu.memref_slice %arg7[%dma_wait3A_140] : memref<65536xf32, #tpu.memory_space<vmem>> -> memref<256xf32, #tpu.memory_space<vmem>>
          %dma_wait3A_142 = arith.constant 0 : i32
          %dma_wait3A_143 = tpu.memref_slice %arg2[%dma_wait3A_142] : memref<2228224xf32, #tpu.memory_space<hbm>> -> memref<256xf32, #tpu.memory_space<hbm>>
          tpu.wait_dma2 semaphore(%arg11 : memref<!tpu.dma_semaphore, #tpu.memory_space<semaphore_mem>>) src(%dma_wait3A_143 : memref<256xf32, #tpu.memory_space<hbm>>) dst(%dma_wait3A_141 : memref<256xf32, #tpu.memory_space<vmem>>)
          %dma_wait3A_144 = arith.constant 0 : i32
          %dma_wait3A_145 = tpu.memref_slice %arg7[%dma_wait3A_144] : memref<65536xf32, #tpu.memory_space<vmem>> -> memref<256xf32, #tpu.memory_space<vmem>>
          %dma_wait3A_146 = arith.constant 0 : i32
          %dma_wait3A_147 = tpu.memref_slice %arg2[%dma_wait3A_146] : memref<2228224xf32, #tpu.memory_space<hbm>> -> memref<256xf32, #tpu.memory_space<hbm>>
          %dma_wait3A_148 = arith.constant 0 : i32
          %dma_wait3A_149 = tpu.memref_slice %arg7[%dma_wait3A_148] : memref<65536xf32, #tpu.memory_space<vmem>> -> memref<256xf32, #tpu.memory_space<vmem>>
          %dma_wait3A_150 = arith.constant 0 : i32
          %dma_wait3A_151 = tpu.memref_slice %arg2[%dma_wait3A_150] : memref<2228224xf32, #tpu.memory_space<hbm>> -> memref<256xf32, #tpu.memory_space<hbm>>
          tpu.wait_dma2 semaphore(%arg11 : memref<!tpu.dma_semaphore, #tpu.memory_space<semaphore_mem>>) src(%dma_wait3A_151 : memref<256xf32, #tpu.memory_space<hbm>>) dst(%dma_wait3A_149 : memref<256xf32, #tpu.memory_space<vmem>>)
          %dma_wait3A_152 = arith.constant 0 : i32
          %dma_wait3A_153 = tpu.memref_slice %arg7[%dma_wait3A_152] : memref<65536xf32, #tpu.memory_space<vmem>> -> memref<256xf32, #tpu.memory_space<vmem>>
          %dma_wait3A_154 = arith.constant 0 : i32
          %dma_wait3A_155 = tpu.memref_slice %arg2[%dma_wait3A_154] : memref<2228224xf32, #tpu.memory_space<hbm>> -> memref<256xf32, #tpu.memory_space<hbm>>
          %dma_wait3A_156 = arith.constant 0 : i32
          %dma_wait3A_157 = tpu.memref_slice %arg7[%dma_wait3A_156] : memref<65536xf32, #tpu.memory_space<vmem>> -> memref<256xf32, #tpu.memory_space<vmem>>
          %dma_wait3A_158 = arith.constant 0 : i32
          %dma_wait3A_159 = tpu.memref_slice %arg2[%dma_wait3A_158] : memref<2228224xf32, #tpu.memory_space<hbm>> -> memref<256xf32, #tpu.memory_space<hbm>>
          tpu.wait_dma2 semaphore(%arg11 : memref<!tpu.dma_semaphore, #tpu.memory_space<semaphore_mem>>) src(%dma_wait3A_159 : memref<256xf32, #tpu.memory_space<hbm>>) dst(%dma_wait3A_157 : memref<256xf32, #tpu.memory_space<vmem>>)
          %dma_wait3A_160 = arith.constant 0 : i32
          %dma_wait3A_161 = tpu.memref_slice %arg7[%dma_wait3A_160] : memref<65536xf32, #tpu.memory_space<vmem>> -> memref<256xf32, #tpu.memory_space<vmem>>
          %dma_wait3A_162 = arith.constant 0 : i32
          %dma_wait3A_163 = tpu.memref_slice %arg2[%dma_wait3A_162] : memref<2228224xf32, #tpu.memory_space<hbm>> -> memref<256xf32, #tpu.memory_space<hbm>>
          %dma_wait3A_164 = arith.constant 0 : i32
          %dma_wait3A_165 = tpu.memref_slice %arg7[%dma_wait3A_164] : memref<65536xf32, #tpu.memory_space<vmem>> -> memref<256xf32, #tpu.memory_space<vmem>>
          %dma_wait3A_166 = arith.constant 0 : i32
          %dma_wait3A_167 = tpu.memref_slice %arg2[%dma_wait3A_166] : memref<2228224xf32, #tpu.memory_space<hbm>> -> memref<256xf32, #tpu.memory_space<hbm>>
          tpu.wait_dma2 semaphore(%arg11 : memref<!tpu.dma_semaphore, #tpu.memory_space<semaphore_mem>>) src(%dma_wait3A_167 : memref<256xf32, #tpu.memory_space<hbm>>) dst(%dma_wait3A_165 : memref<256xf32, #tpu.memory_space<vmem>>)
          %dma_wait3A_168 = arith.constant 0 : i32
          %dma_wait3A_169 = tpu.memref_slice %arg7[%dma_wait3A_168] : memref<65536xf32, #tpu.memory_space<vmem>> -> memref<256xf32, #tpu.memory_space<vmem>>
          %dma_wait3A_170 = arith.constant 0 : i32
          %dma_wait3A_171 = tpu.memref_slice %arg2[%dma_wait3A_170] : memref<2228224xf32, #tpu.memory_space<hbm>> -> memref<256xf32, #tpu.memory_space<hbm>>
          %dma_wait3A_172 = arith.constant 0 : i32
          %dma_wait3A_173 = tpu.memref_slice %arg7[%dma_wait3A_172] : memref<65536xf32, #tpu.memory_space<vmem>> -> memref<256xf32, #tpu.memory_space<vmem>>
          %dma_wait3A_174 = arith.constant 0 : i32
          %dma_wait3A_175 = tpu.memref_slice %arg2[%dma_wait3A_174] : memref<2228224xf32, #tpu.memory_space<hbm>> -> memref<256xf32, #tpu.memory_space<hbm>>
          tpu.wait_dma2 semaphore(%arg11 : memref<!tpu.dma_semaphore, #tpu.memory_space<semaphore_mem>>) src(%dma_wait3A_175 : memref<256xf32, #tpu.memory_space<hbm>>) dst(%dma_wait3A_173 : memref<256xf32, #tpu.memory_space<vmem>>)
          %dma_wait3A_176 = arith.constant 0 : i32
          %dma_wait3A_177 = tpu.memref_slice %arg7[%dma_wait3A_176] : memref<65536xf32, #tpu.memory_space<vmem>> -> memref<256xf32, #tpu.memory_space<vmem>>
          %dma_wait3A_178 = arith.constant 0 : i32
          %dma_wait3A_179 = tpu.memref_slice %arg2[%dma_wait3A_178] : memref<2228224xf32, #tpu.memory_space<hbm>> -> memref<256xf32, #tpu.memory_space<hbm>>
          %dma_wait3A_180 = arith.constant 0 : i32
          %dma_wait3A_181 = tpu.memref_slice %arg7[%dma_wait3A_180] : memref<65536xf32, #tpu.memory_space<vmem>> -> memref<256xf32, #tpu.memory_space<vmem>>
          %dma_wait3A_182 = arith.constant 0 : i32
          %dma_wait3A_183 = tpu.memref_slice %arg2[%dma_wait3A_182] : memref<2228224xf32, #tpu.memory_space<hbm>> -> memref<256xf32, #tpu.memory_space<hbm>>
          tpu.wait_dma2 semaphore(%arg11 : memref<!tpu.dma_semaphore, #tpu.memory_space<semaphore_mem>>) src(%dma_wait3A_183 : memref<256xf32, #tpu.memory_space<hbm>>) dst(%dma_wait3A_181 : memref<256xf32, #tpu.memory_space<vmem>>)
          %dma_wait3A_184 = arith.constant 0 : i32
          %dma_wait3A_185 = tpu.memref_slice %arg7[%dma_wait3A_184] : memref<65536xf32, #tpu.memory_space<vmem>> -> memref<256xf32, #tpu.memory_space<vmem>>
          %dma_wait3A_186 = arith.constant 0 : i32
          %dma_wait3A_187 = tpu.memref_slice %arg2[%dma_wait3A_186] : memref<2228224xf32, #tpu.memory_space<hbm>> -> memref<256xf32, #tpu.memory_space<hbm>>
          %dma_wait3A_188 = arith.constant 0 : i32
          %dma_wait3A_189 = tpu.memref_slice %arg7[%dma_wait3A_188] : memref<65536xf32, #tpu.memory_space<vmem>> -> memref<256xf32, #tpu.memory_space<vmem>>
          %dma_wait3A_190 = arith.constant 0 : i32
          %dma_wait3A_191 = tpu.memref_slice %arg2[%dma_wait3A_190] : memref<2228224xf32, #tpu.memory_space<hbm>> -> memref<256xf32, #tpu.memory_space<hbm>>
          tpu.wait_dma2 semaphore(%arg11 : memref<!tpu.dma_semaphore, #tpu.memory_space<semaphore_mem>>) src(%dma_wait3A_191 : memref<256xf32, #tpu.memory_space<hbm>>) dst(%dma_wait3A_189 : memref<256xf32, #tpu.memory_space<vmem>>)
          %dma_wait3A_192 = arith.constant 0 : i32
          %dma_wait3A_193 = tpu.memref_slice %arg7[%dma_wait3A_192] : memref<65536xf32, #tpu.memory_space<vmem>> -> memref<256xf32, #tpu.memory_space<vmem>>
          %dma_wait3A_194 = arith.constant 0 : i32
          %dma_wait3A_195 = tpu.memref_slice %arg2[%dma_wait3A_194] : memref<2228224xf32, #tpu.memory_space<hbm>> -> memref<256xf32, #tpu.memory_space<hbm>>
          %dma_wait3A_196 = arith.constant 0 : i32
          %dma_wait3A_197 = tpu.memref_slice %arg7[%dma_wait3A_196] : memref<65536xf32, #tpu.memory_space<vmem>> -> memref<256xf32, #tpu.memory_space<vmem>>
          %dma_wait3A_198 = arith.constant 0 : i32
          %dma_wait3A_199 = tpu.memref_slice %arg2[%dma_wait3A_198] : memref<2228224xf32, #tpu.memory_space<hbm>> -> memref<256xf32, #tpu.memory_space<hbm>>
          tpu.wait_dma2 semaphore(%arg11 : memref<!tpu.dma_semaphore, #tpu.memory_space<semaphore_mem>>) src(%dma_wait3A_199 : memref<256xf32, #tpu.memory_space<hbm>>) dst(%dma_wait3A_197 : memref<256xf32, #tpu.memory_space<vmem>>)
          %dma_wait3A_200 = arith.constant 0 : i32
          %dma_wait3A_201 = tpu.memref_slice %arg7[%dma_wait3A_200] : memref<65536xf32, #tpu.memory_space<vmem>> -> memref<256xf32, #tpu.memory_space<vmem>>
          %dma_wait3A_202 = arith.constant 0 : i32
          %dma_wait3A_203 = tpu.memref_slice %arg2[%dma_wait3A_202] : memref<2228224xf32, #tpu.memory_space<hbm>> -> memref<256xf32, #tpu.memory_space<hbm>>
          %dma_wait3A_204 = arith.constant 0 : i32
          %dma_wait3A_205 = tpu.memref_slice %arg7[%dma_wait3A_204] : memref<65536xf32, #tpu.memory_space<vmem>> -> memref<256xf32, #tpu.memory_space<vmem>>
          %dma_wait3A_206 = arith.constant 0 : i32
          %dma_wait3A_207 = tpu.memref_slice %arg2[%dma_wait3A_206] : memref<2228224xf32, #tpu.memory_space<hbm>> -> memref<256xf32, #tpu.memory_space<hbm>>
          tpu.wait_dma2 semaphore(%arg11 : memref<!tpu.dma_semaphore, #tpu.memory_space<semaphore_mem>>) src(%dma_wait3A_207 : memref<256xf32, #tpu.memory_space<hbm>>) dst(%dma_wait3A_205 : memref<256xf32, #tpu.memory_space<vmem>>)
          %dma_wait3A_208 = arith.constant 0 : i32
          %dma_wait3A_209 = tpu.memref_slice %arg7[%dma_wait3A_208] : memref<65536xf32, #tpu.memory_space<vmem>> -> memref<256xf32, #tpu.memory_space<vmem>>
          %dma_wait3A_210 = arith.constant 0 : i32
          %dma_wait3A_211 = tpu.memref_slice %arg2[%dma_wait3A_210] : memref<2228224xf32, #tpu.memory_space<hbm>> -> memref<256xf32, #tpu.memory_space<hbm>>
          %dma_wait3A_212 = arith.constant 0 : i32
          %dma_wait3A_213 = tpu.memref_slice %arg7[%dma_wait3A_212] : memref<65536xf32, #tpu.memory_space<vmem>> -> memref<256xf32, #tpu.memory_space<vmem>>
          %dma_wait3A_214 = arith.constant 0 : i32
          %dma_wait3A_215 = tpu.memref_slice %arg2[%dma_wait3A_214] : memref<2228224xf32, #tpu.memory_space<hbm>> -> memref<256xf32, #tpu.memory_space<hbm>>
          tpu.wait_dma2 semaphore(%arg11 : memref<!tpu.dma_semaphore, #tpu.memory_space<semaphore_mem>>) src(%dma_wait3A_215 : memref<256xf32, #tpu.memory_space<hbm>>) dst(%dma_wait3A_213 : memref<256xf32, #tpu.memory_space<vmem>>)
          %dma_wait3A_216 = arith.constant 0 : i32
          %dma_wait3A_217 = tpu.memref_slice %arg7[%dma_wait3A_216] : memref<65536xf32, #tpu.memory_space<vmem>> -> memref<256xf32, #tpu.memory_space<vmem>>
          %dma_wait3A_218 = arith.constant 0 : i32
          %dma_wait3A_219 = tpu.memref_slice %arg2[%dma_wait3A_218] : memref<2228224xf32, #tpu.memory_space<hbm>> -> memref<256xf32, #tpu.memory_space<hbm>>
          %dma_wait3A_220 = arith.constant 0 : i32
          %dma_wait3A_221 = tpu.memref_slice %arg7[%dma_wait3A_220] : memref<65536xf32, #tpu.memory_space<vmem>> -> memref<256xf32, #tpu.memory_space<vmem>>
          %dma_wait3A_222 = arith.constant 0 : i32
          %dma_wait3A_223 = tpu.memref_slice %arg2[%dma_wait3A_222] : memref<2228224xf32, #tpu.memory_space<hbm>> -> memref<256xf32, #tpu.memory_space<hbm>>
          tpu.wait_dma2 semaphore(%arg11 : memref<!tpu.dma_semaphore, #tpu.memory_space<semaphore_mem>>) src(%dma_wait3A_223 : memref<256xf32, #tpu.memory_space<hbm>>) dst(%dma_wait3A_221 : memref<256xf32, #tpu.memory_space<vmem>>)
          %dma_wait3A_224 = arith.constant 0 : i32
          %dma_wait3A_225 = tpu.memref_slice %arg7[%dma_wait3A_224] : memref<65536xf32, #tpu.memory_space<vmem>> -> memref<256xf32, #tpu.memory_space<vmem>>
          %dma_wait3A_226 = arith.constant 0 : i32
          %dma_wait3A_227 = tpu.memref_slice %arg2[%dma_wait3A_226] : memref<2228224xf32, #tpu.memory_space<hbm>> -> memref<256xf32, #tpu.memory_space<hbm>>
          %dma_wait3A_228 = arith.constant 0 : i32
          %dma_wait3A_229 = tpu.memref_slice %arg7[%dma_wait3A_228] : memref<65536xf32, #tpu.memory_space<vmem>> -> memref<256xf32, #tpu.memory_space<vmem>>
          %dma_wait3A_230 = arith.constant 0 : i32
          %dma_wait3A_231 = tpu.memref_slice %arg2[%dma_wait3A_230] : memref<2228224xf32, #tpu.memory_space<hbm>> -> memref<256xf32, #tpu.memory_space<hbm>>
          tpu.wait_dma2 semaphore(%arg11 : memref<!tpu.dma_semaphore, #tpu.memory_space<semaphore_mem>>) src(%dma_wait3A_231 : memref<256xf32, #tpu.memory_space<hbm>>) dst(%dma_wait3A_229 : memref<256xf32, #tpu.memory_space<vmem>>)
          %dma_wait3A_232 = arith.constant 0 : i32
          %dma_wait3A_233 = tpu.memref_slice %arg7[%dma_wait3A_232] : memref<65536xf32, #tpu.memory_space<vmem>> -> memref<256xf32, #tpu.memory_space<vmem>>
          %dma_wait3A_234 = arith.constant 0 : i32
          %dma_wait3A_235 = tpu.memref_slice %arg2[%dma_wait3A_234] : memref<2228224xf32, #tpu.memory_space<hbm>> -> memref<256xf32, #tpu.memory_space<hbm>>
          %dma_wait3A_236 = arith.constant 0 : i32
          %dma_wait3A_237 = tpu.memref_slice %arg7[%dma_wait3A_236] : memref<65536xf32, #tpu.memory_space<vmem>> -> memref<256xf32, #tpu.memory_space<vmem>>
          %dma_wait3A_238 = arith.constant 0 : i32
          %dma_wait3A_239 = tpu.memref_slice %arg2[%dma_wait3A_238] : memref<2228224xf32, #tpu.memory_space<hbm>> -> memref<256xf32, #tpu.memory_space<hbm>>
          tpu.wait_dma2 semaphore(%arg11 : memref<!tpu.dma_semaphore, #tpu.memory_space<semaphore_mem>>) src(%dma_wait3A_239 : memref<256xf32, #tpu.memory_space<hbm>>) dst(%dma_wait3A_237 : memref<256xf32, #tpu.memory_space<vmem>>)
        }
        %scan3A_105 = arith.constant 8 : i32
        %scan3A_106 = arith.constant 0 : i32
        %scan3A_107 = arith.constant 0 : i32
        %scan3A_108 = arith.constant 8 : i32
        %scan3A_109 = arith.addi %scan3A_107, %scan3A_108 : i32
        %scan3A_110 = arith.constant 1 : i32
        scf.for %scan3A_112 = %scan3A_107 to %scan3A_109 step %scan3A_110  : i32 {
          %mul3A_113 = arith.constant 16 : i32
          %mul3A_114 = arith.muli %scan3A_112, %mul3A_113 : i32
          %add3A_115 = arith.constant 0 : i32
          %add3A_116 = arith.addi %mul3A_114, %add3A_115 : i32
          %mul3A_117 = arith.constant 256 : i32
          %mul3A_118 = arith.muli %add3A_116, %mul3A_117 : i32
          %add3A_119 = arith.addi %mul3A_118, %mul3A_74 : i32
          %multiple_of3A = tpu.assume_multiple %add3A_119, 256 : i32
          %mul3A_120 = arith.constant 16 : i32
          %mul3A_121 = arith.muli %scan3A_112, %mul3A_120 : i32
          %add3A_122 = arith.constant 0 : i32
          %add3A_123 = arith.addi %mul3A_121, %add3A_122 : i32
          %mul3A_124 = arith.constant 256 : i32
          %mul3A_125 = arith.muli %add3A_123, %mul3A_124 : i32
          %add3A_126 = arith.addi %mul3A_79, %mul3A_125 : i32
          %multiple_of3A_127 = tpu.assume_multiple %add3A_126, 256 : i32
          %dma_start3A = tpu.memref_slice %arg7[%multiple_of3A] : memref<65536xf32, #tpu.memory_space<vmem>> -> memref<256xf32, #tpu.memory_space<vmem>>
          %dma_start3A_128 = tpu.memref_slice %arg4[%multiple_of3A_127] : memref<16777216xf32, #tpu.memory_space<hbm>> -> memref<256xf32, #tpu.memory_space<hbm>>
          %dma_start3A_129 = tpu.memref_slice %arg10[%and3A_29] : memref<2x!tpu.dma_semaphore, #tpu.memory_space<semaphore_mem>> -> memref<1x!tpu.dma_semaphore, #tpu.memory_space<semaphore_mem>>
          %dma_start3A_130 = tpu.memref_squeeze %dma_start3A_129 : memref<1x!tpu.dma_semaphore, #tpu.memory_space<semaphore_mem>> -> memref<!tpu.dma_semaphore, #tpu.memory_space<semaphore_mem>>
          %dma_start3A_131 = tpu.memref_slice %arg4[%multiple_of3A_127] : memref<16777216xf32, #tpu.memory_space<hbm>> -> memref<256xf32, #tpu.memory_space<hbm>>
          %dma_start3A_132 = tpu.memref_slice %arg7[%multiple_of3A] : memref<65536xf32, #tpu.memory_space<vmem>> -> memref<256xf32, #tpu.memory_space<vmem>>
          tpu.enqueue_dma source(%dma_start3A_132 : memref<256xf32, #tpu.memory_space<vmem>>) target(%dma_start3A_131 : memref<256xf32, #tpu.memory_space<hbm>>) target_semaphore(%dma_start3A_130 : memref<!tpu.dma_semaphore, #tpu.memory_space<semaphore_mem>>)
          %mul3A_133 = arith.constant 16 : i32
          %mul3A_134 = arith.muli %scan3A_112, %mul3A_133 : i32
          %add3A_135 = arith.constant 1 : i32
          %add3A_136 = arith.addi %mul3A_134, %add3A_135 : i32
          %mul3A_137 = arith.constant 256 : i32
          %mul3A_138 = arith.muli %add3A_136, %mul3A_137 : i32
          %add3A_139 = arith.addi %mul3A_138, %mul3A_74 : i32
          %multiple_of3A_140 = tpu.assume_multiple %add3A_139, 256 : i32
          %mul3A_141 = arith.constant 16 : i32
          %mul3A_142 = arith.muli %scan3A_112, %mul3A_141 : i32
          %add3A_143 = arith.constant 1 : i32
          %add3A_144 = arith.addi %mul3A_142, %add3A_143 : i32
          %mul3A_145 = arith.constant 256 : i32
          %mul3A_146 = arith.muli %add3A_144, %mul3A_145 : i32
          %add3A_147 = arith.addi %mul3A_79, %mul3A_146 : i32
          %multiple_of3A_148 = tpu.assume_multiple %add3A_147, 256 : i32
          %dma_start3A_149 = tpu.memref_slice %arg7[%multiple_of3A_140] : memref<65536xf32, #tpu.memory_space<vmem>> -> memref<256xf32, #tpu.memory_space<vmem>>
          %dma_start3A_150 = tpu.memref_slice %arg4[%multiple_of3A_148] : memref<16777216xf32, #tpu.memory_space<hbm>> -> memref<256xf32, #tpu.memory_space<hbm>>
          %dma_start3A_151 = tpu.memref_slice %arg10[%and3A_29] : memref<2x!tpu.dma_semaphore, #tpu.memory_space<semaphore_mem>> -> memref<1x!tpu.dma_semaphore, #tpu.memory_space<semaphore_mem>>
          %dma_start3A_152 = tpu.memref_squeeze %dma_start3A_151 : memref<1x!tpu.dma_semaphore, #tpu.memory_space<semaphore_mem>> -> memref<!tpu.dma_semaphore, #tpu.memory_space<semaphore_mem>>
          %dma_start3A_153 = tpu.memref_slice %arg4[%multiple_of3A_148] : memref<16777216xf32, #tpu.memory_space<hbm>> -> memref<256xf32, #tpu.memory_space<hbm>>
          %dma_start3A_154 = tpu.memref_slice %arg7[%multiple_of3A_140] : memref<65536xf32, #tpu.memory_space<vmem>> -> memref<256xf32, #tpu.memory_space<vmem>>
          tpu.enqueue_dma source(%dma_start3A_154 : memref<256xf32, #tpu.memory_space<vmem>>) target(%dma_start3A_153 : memref<256xf32, #tpu.memory_space<hbm>>) target_semaphore(%dma_start3A_152 : memref<!tpu.dma_semaphore, #tpu.memory_space<semaphore_mem>>)
          %mul3A_155 = arith.constant 16 : i32
          %mul3A_156 = arith.muli %scan3A_112, %mul3A_155 : i32
          %add3A_157 = arith.constant 2 : i32
          %add3A_158 = arith.addi %mul3A_156, %add3A_157 : i32
          %mul3A_159 = arith.constant 256 : i32
          %mul3A_160 = arith.muli %add3A_158, %mul3A_159 : i32
          %add3A_161 = arith.addi %mul3A_160, %mul3A_74 : i32
          %multiple_of3A_162 = tpu.assume_multiple %add3A_161, 256 : i32
          %mul3A_163 = arith.constant 16 : i32
          %mul3A_164 = arith.muli %scan3A_112, %mul3A_163 : i32
          %add3A_165 = arith.constant 2 : i32
          %add3A_166 = arith.addi %mul3A_164, %add3A_165 : i32
          %mul3A_167 = arith.constant 256 : i32
          %mul3A_168 = arith.muli %add3A_166, %mul3A_167 : i32
          %add3A_169 = arith.addi %mul3A_79, %mul3A_168 : i32
          %multiple_of3A_170 = tpu.assume_multiple %add3A_169, 256 : i32
          %dma_start3A_171 = tpu.memref_slice %arg7[%multiple_of3A_162] : memref<65536xf32, #tpu.memory_space<vmem>> -> memref<256xf32, #tpu.memory_space<vmem>>
          %dma_start3A_172 = tpu.memref_slice %arg4[%multiple_of3A_170] : memref<16777216xf32, #tpu.memory_space<hbm>> -> memref<256xf32, #tpu.memory_space<hbm>>
          %dma_start3A_173 = tpu.memref_slice %arg10[%and3A_29] : memref<2x!tpu.dma_semaphore, #tpu.memory_space<semaphore_mem>> -> memref<1x!tpu.dma_semaphore, #tpu.memory_space<semaphore_mem>>
          %dma_start3A_174 = tpu.memref_squeeze %dma_start3A_173 : memref<1x!tpu.dma_semaphore, #tpu.memory_space<semaphore_mem>> -> memref<!tpu.dma_semaphore, #tpu.memory_space<semaphore_mem>>
          %dma_start3A_175 = tpu.memref_slice %arg4[%multiple_of3A_170] : memref<16777216xf32, #tpu.memory_space<hbm>> -> memref<256xf32, #tpu.memory_space<hbm>>
          %dma_start3A_176 = tpu.memref_slice %arg7[%multiple_of3A_162] : memref<65536xf32, #tpu.memory_space<vmem>> -> memref<256xf32, #tpu.memory_space<vmem>>
          tpu.enqueue_dma source(%dma_start3A_176 : memref<256xf32, #tpu.memory_space<vmem>>) target(%dma_start3A_175 : memref<256xf32, #tpu.memory_space<hbm>>) target_semaphore(%dma_start3A_174 : memref<!tpu.dma_semaphore, #tpu.memory_space<semaphore_mem>>)
          %mul3A_177 = arith.constant 16 : i32
          %mul3A_178 = arith.muli %scan3A_112, %mul3A_177 : i32
          %add3A_179 = arith.constant 3 : i32
          %add3A_180 = arith.addi %mul3A_178, %add3A_179 : i32
          %mul3A_181 = arith.constant 256 : i32
          %mul3A_182 = arith.muli %add3A_180, %mul3A_181 : i32
          %add3A_183 = arith.addi %mul3A_182, %mul3A_74 : i32
          %multiple_of3A_184 = tpu.assume_multiple %add3A_183, 256 : i32
          %mul3A_185 = arith.constant 16 : i32
          %mul3A_186 = arith.muli %scan3A_112, %mul3A_185 : i32
          %add3A_187 = arith.constant 3 : i32
          %add3A_188 = arith.addi %mul3A_186, %add3A_187 : i32
          %mul3A_189 = arith.constant 256 : i32
          %mul3A_190 = arith.muli %add3A_188, %mul3A_189 : i32
          %add3A_191 = arith.addi %mul3A_79, %mul3A_190 : i32
          %multiple_of3A_192 = tpu.assume_multiple %add3A_191, 256 : i32
          %dma_start3A_193 = tpu.memref_slice %arg7[%multiple_of3A_184] : memref<65536xf32, #tpu.memory_space<vmem>> -> memref<256xf32, #tpu.memory_space<vmem>>
          %dma_start3A_194 = tpu.memref_slice %arg4[%multiple_of3A_192] : memref<16777216xf32, #tpu.memory_space<hbm>> -> memref<256xf32, #tpu.memory_space<hbm>>
          %dma_start3A_195 = tpu.memref_slice %arg10[%and3A_29] : memref<2x!tpu.dma_semaphore, #tpu.memory_space<semaphore_mem>> -> memref<1x!tpu.dma_semaphore, #tpu.memory_space<semaphore_mem>>
          %dma_start3A_196 = tpu.memref_squeeze %dma_start3A_195 : memref<1x!tpu.dma_semaphore, #tpu.memory_space<semaphore_mem>> -> memref<!tpu.dma_semaphore, #tpu.memory_space<semaphore_mem>>
          %dma_start3A_197 = tpu.memref_slice %arg4[%multiple_of3A_192] : memref<16777216xf32, #tpu.memory_space<hbm>> -> memref<256xf32, #tpu.memory_space<hbm>>
          %dma_start3A_198 = tpu.memref_slice %arg7[%multiple_of3A_184] : memref<65536xf32, #tpu.memory_space<vmem>> -> memref<256xf32, #tpu.memory_space<vmem>>
          tpu.enqueue_dma source(%dma_start3A_198 : memref<256xf32, #tpu.memory_space<vmem>>) target(%dma_start3A_197 : memref<256xf32, #tpu.memory_space<hbm>>) target_semaphore(%dma_start3A_196 : memref<!tpu.dma_semaphore, #tpu.memory_space<semaphore_mem>>)
          %mul3A_199 = arith.constant 16 : i32
          %mul3A_200 = arith.muli %scan3A_112, %mul3A_199 : i32
          %add3A_201 = arith.constant 4 : i32
          %add3A_202 = arith.addi %mul3A_200, %add3A_201 : i32
          %mul3A_203 = arith.constant 256 : i32
          %mul3A_204 = arith.muli %add3A_202, %mul3A_203 : i32
          %add3A_205 = arith.addi %mul3A_204, %mul3A_74 : i32
          %multiple_of3A_206 = tpu.assume_multiple %add3A_205, 256 : i32
          %mul3A_207 = arith.constant 16 : i32
          %mul3A_208 = arith.muli %scan3A_112, %mul3A_207 : i32
          %add3A_209 = arith.constant 4 : i32
          %add3A_210 = arith.addi %mul3A_208, %add3A_209 : i32
          %mul3A_211 = arith.constant 256 : i32
          %mul3A_212 = arith.muli %add3A_210, %mul3A_211 : i32
          %add3A_213 = arith.addi %mul3A_79, %mul3A_212 : i32
          %multiple_of3A_214 = tpu.assume_multiple %add3A_213, 256 : i32
          %dma_start3A_215 = tpu.memref_slice %arg7[%multiple_of3A_206] : memref<65536xf32, #tpu.memory_space<vmem>> -> memref<256xf32, #tpu.memory_space<vmem>>
          %dma_start3A_216 = tpu.memref_slice %arg4[%multiple_of3A_214] : memref<16777216xf32, #tpu.memory_space<hbm>> -> memref<256xf32, #tpu.memory_space<hbm>>
          %dma_start3A_217 = tpu.memref_slice %arg10[%and3A_29] : memref<2x!tpu.dma_semaphore, #tpu.memory_space<semaphore_mem>> -> memref<1x!tpu.dma_semaphore, #tpu.memory_space<semaphore_mem>>
          %dma_start3A_218 = tpu.memref_squeeze %dma_start3A_217 : memref<1x!tpu.dma_semaphore, #tpu.memory_space<semaphore_mem>> -> memref<!tpu.dma_semaphore, #tpu.memory_space<semaphore_mem>>
          %dma_start3A_219 = tpu.memref_slice %arg4[%multiple_of3A_214] : memref<16777216xf32, #tpu.memory_space<hbm>> -> memref<256xf32, #tpu.memory_space<hbm>>
          %dma_start3A_220 = tpu.memref_slice %arg7[%multiple_of3A_206] : memref<65536xf32, #tpu.memory_space<vmem>> -> memref<256xf32, #tpu.memory_space<vmem>>
          tpu.enqueue_dma source(%dma_start3A_220 : memref<256xf32, #tpu.memory_space<vmem>>) target(%dma_start3A_219 : memref<256xf32, #tpu.memory_space<hbm>>) target_semaphore(%dma_start3A_218 : memref<!tpu.dma_semaphore, #tpu.memory_space<semaphore_mem>>)
          %mul3A_221 = arith.constant 16 : i32
          %mul3A_222 = arith.muli %scan3A_112, %mul3A_221 : i32
          %add3A_223 = arith.constant 5 : i32
          %add3A_224 = arith.addi %mul3A_222, %add3A_223 : i32
          %mul3A_225 = arith.constant 256 : i32
          %mul3A_226 = arith.muli %add3A_224, %mul3A_225 : i32
          %add3A_227 = arith.addi %mul3A_226, %mul3A_74 : i32
          %multiple_of3A_228 = tpu.assume_multiple %add3A_227, 256 : i32
          %mul3A_229 = arith.constant 16 : i32
          %mul3A_230 = arith.muli %scan3A_112, %mul3A_229 : i32
          %add3A_231 = arith.constant 5 : i32
          %add3A_232 = arith.addi %mul3A_230, %add3A_231 : i32
          %mul3A_233 = arith.constant 256 : i32
          %mul3A_234 = arith.muli %add3A_232, %mul3A_233 : i32
          %add3A_235 = arith.addi %mul3A_79, %mul3A_234 : i32
          %multiple_of3A_236 = tpu.assume_multiple %add3A_235, 256 : i32
          %dma_start3A_237 = tpu.memref_slice %arg7[%multiple_of3A_228] : memref<65536xf32, #tpu.memory_space<vmem>> -> memref<256xf32, #tpu.memory_space<vmem>>
          %dma_start3A_238 = tpu.memref_slice %arg4[%multiple_of3A_236] : memref<16777216xf32, #tpu.memory_space<hbm>> -> memref<256xf32, #tpu.memory_space<hbm>>
          %dma_start3A_239 = tpu.memref_slice %arg10[%and3A_29] : memref<2x!tpu.dma_semaphore, #tpu.memory_space<semaphore_mem>> -> memref<1x!tpu.dma_semaphore, #tpu.memory_space<semaphore_mem>>
          %dma_start3A_240 = tpu.memref_squeeze %dma_start3A_239 : memref<1x!tpu.dma_semaphore, #tpu.memory_space<semaphore_mem>> -> memref<!tpu.dma_semaphore, #tpu.memory_space<semaphore_mem>>
          %dma_start3A_241 = tpu.memref_slice %arg4[%multiple_of3A_236] : memref<16777216xf32, #tpu.memory_space<hbm>> -> memref<256xf32, #tpu.memory_space<hbm>>
          %dma_start3A_242 = tpu.memref_slice %arg7[%multiple_of3A_228] : memref<65536xf32, #tpu.memory_space<vmem>> -> memref<256xf32, #tpu.memory_space<vmem>>
          tpu.enqueue_dma source(%dma_start3A_242 : memref<256xf32, #tpu.memory_space<vmem>>) target(%dma_start3A_241 : memref<256xf32, #tpu.memory_space<hbm>>) target_semaphore(%dma_start3A_240 : memref<!tpu.dma_semaphore, #tpu.memory_space<semaphore_mem>>)
          %mul3A_243 = arith.constant 16 : i32
          %mul3A_244 = arith.muli %scan3A_112, %mul3A_243 : i32
          %add3A_245 = arith.constant 6 : i32
          %add3A_246 = arith.addi %mul3A_244, %add3A_245 : i32
          %mul3A_247 = arith.constant 256 : i32
          %mul3A_248 = arith.muli %add3A_246, %mul3A_247 : i32
          %add3A_249 = arith.addi %mul3A_248, %mul3A_74 : i32
          %multiple_of3A_250 = tpu.assume_multiple %add3A_249, 256 : i32
          %mul3A_251 = arith.constant 16 : i32
          %mul3A_252 = arith.muli %scan3A_112, %mul3A_251 : i32
          %add3A_253 = arith.constant 6 : i32
          %add3A_254 = arith.addi %mul3A_252, %add3A_253 : i32
          %mul3A_255 = arith.constant 256 : i32
          %mul3A_256 = arith.muli %add3A_254, %mul3A_255 : i32
          %add3A_257 = arith.addi %mul3A_79, %mul3A_256 : i32
          %multiple_of3A_258 = tpu.assume_multiple %add3A_257, 256 : i32
          %dma_start3A_259 = tpu.memref_slice %arg7[%multiple_of3A_250] : memref<65536xf32, #tpu.memory_space<vmem>> -> memref<256xf32, #tpu.memory_space<vmem>>
          %dma_start3A_260 = tpu.memref_slice %arg4[%multiple_of3A_258] : memref<16777216xf32, #tpu.memory_space<hbm>> -> memref<256xf32, #tpu.memory_space<hbm>>
          %dma_start3A_261 = tpu.memref_slice %arg10[%and3A_29] : memref<2x!tpu.dma_semaphore, #tpu.memory_space<semaphore_mem>> -> memref<1x!tpu.dma_semaphore, #tpu.memory_space<semaphore_mem>>
          %dma_start3A_262 = tpu.memref_squeeze %dma_start3A_261 : memref<1x!tpu.dma_semaphore, #tpu.memory_space<semaphore_mem>> -> memref<!tpu.dma_semaphore, #tpu.memory_space<semaphore_mem>>
          %dma_start3A_263 = tpu.memref_slice %arg4[%multiple_of3A_258] : memref<16777216xf32, #tpu.memory_space<hbm>> -> memref<256xf32, #tpu.memory_space<hbm>>
          %dma_start3A_264 = tpu.memref_slice %arg7[%multiple_of3A_250] : memref<65536xf32, #tpu.memory_space<vmem>> -> memref<256xf32, #tpu.memory_space<vmem>>
          tpu.enqueue_dma source(%dma_start3A_264 : memref<256xf32, #tpu.memory_space<vmem>>) target(%dma_start3A_263 : memref<256xf32, #tpu.memory_space<hbm>>) target_semaphore(%dma_start3A_262 : memref<!tpu.dma_semaphore, #tpu.memory_space<semaphore_mem>>)
          %mul3A_265 = arith.constant 16 : i32
          %mul3A_266 = arith.muli %scan3A_112, %mul3A_265 : i32
          %add3A_267 = arith.constant 7 : i32
          %add3A_268 = arith.addi %mul3A_266, %add3A_267 : i32
          %mul3A_269 = arith.constant 256 : i32
          %mul3A_270 = arith.muli %add3A_268, %mul3A_269 : i32
          %add3A_271 = arith.addi %mul3A_270, %mul3A_74 : i32
          %multiple_of3A_272 = tpu.assume_multiple %add3A_271, 256 : i32
          %mul3A_273 = arith.constant 16 : i32
          %mul3A_274 = arith.muli %scan3A_112, %mul3A_273 : i32
          %add3A_275 = arith.constant 7 : i32
          %add3A_276 = arith.addi %mul3A_274, %add3A_275 : i32
          %mul3A_277 = arith.constant 256 : i32
          %mul3A_278 = arith.muli %add3A_276, %mul3A_277 : i32
          %add3A_279 = arith.addi %mul3A_79, %mul3A_278 : i32
          %multiple_of3A_280 = tpu.assume_multiple %add3A_279, 256 : i32
          %dma_start3A_281 = tpu.memref_slice %arg7[%multiple_of3A_272] : memref<65536xf32, #tpu.memory_space<vmem>> -> memref<256xf32, #tpu.memory_space<vmem>>
          %dma_start3A_282 = tpu.memref_slice %arg4[%multiple_of3A_280] : memref<16777216xf32, #tpu.memory_space<hbm>> -> memref<256xf32, #tpu.memory_space<hbm>>
          %dma_start3A_283 = tpu.memref_slice %arg10[%and3A_29] : memref<2x!tpu.dma_semaphore, #tpu.memory_space<semaphore_mem>> -> memref<1x!tpu.dma_semaphore, #tpu.memory_space<semaphore_mem>>
          %dma_start3A_284 = tpu.memref_squeeze %dma_start3A_283 : memref<1x!tpu.dma_semaphore, #tpu.memory_space<semaphore_mem>> -> memref<!tpu.dma_semaphore, #tpu.memory_space<semaphore_mem>>
          %dma_start3A_285 = tpu.memref_slice %arg4[%multiple_of3A_280] : memref<16777216xf32, #tpu.memory_space<hbm>> -> memref<256xf32, #tpu.memory_space<hbm>>
          %dma_start3A_286 = tpu.memref_slice %arg7[%multiple_of3A_272] : memref<65536xf32, #tpu.memory_space<vmem>> -> memref<256xf32, #tpu.memory_space<vmem>>
          tpu.enqueue_dma source(%dma_start3A_286 : memref<256xf32, #tpu.memory_space<vmem>>) target(%dma_start3A_285 : memref<256xf32, #tpu.memory_space<hbm>>) target_semaphore(%dma_start3A_284 : memref<!tpu.dma_semaphore, #tpu.memory_space<semaphore_mem>>)
          %mul3A_287 = arith.constant 16 : i32
          %mul3A_288 = arith.muli %scan3A_112, %mul3A_287 : i32
          %add3A_289 = arith.constant 8 : i32
          %add3A_290 = arith.addi %mul3A_288, %add3A_289 : i32
          %mul3A_291 = arith.constant 256 : i32
          %mul3A_292 = arith.muli %add3A_290, %mul3A_291 : i32
          %add3A_293 = arith.addi %mul3A_292, %mul3A_74 : i32
          %multiple_of3A_294 = tpu.assume_multiple %add3A_293, 256 : i32
          %mul3A_295 = arith.constant 16 : i32
          %mul3A_296 = arith.muli %scan3A_112, %mul3A_295 : i32
          %add3A_297 = arith.constant 8 : i32
          %add3A_298 = arith.addi %mul3A_296, %add3A_297 : i32
          %mul3A_299 = arith.constant 256 : i32
          %mul3A_300 = arith.muli %add3A_298, %mul3A_299 : i32
          %add3A_301 = arith.addi %mul3A_79, %mul3A_300 : i32
          %multiple_of3A_302 = tpu.assume_multiple %add3A_301, 256 : i32
          %dma_start3A_303 = tpu.memref_slice %arg7[%multiple_of3A_294] : memref<65536xf32, #tpu.memory_space<vmem>> -> memref<256xf32, #tpu.memory_space<vmem>>
          %dma_start3A_304 = tpu.memref_slice %arg4[%multiple_of3A_302] : memref<16777216xf32, #tpu.memory_space<hbm>> -> memref<256xf32, #tpu.memory_space<hbm>>
          %dma_start3A_305 = tpu.memref_slice %arg10[%and3A_29] : memref<2x!tpu.dma_semaphore, #tpu.memory_space<semaphore_mem>> -> memref<1x!tpu.dma_semaphore, #tpu.memory_space<semaphore_mem>>
          %dma_start3A_306 = tpu.memref_squeeze %dma_start3A_305 : memref<1x!tpu.dma_semaphore, #tpu.memory_space<semaphore_mem>> -> memref<!tpu.dma_semaphore, #tpu.memory_space<semaphore_mem>>
          %dma_start3A_307 = tpu.memref_slice %arg4[%multiple_of3A_302] : memref<16777216xf32, #tpu.memory_space<hbm>> -> memref<256xf32, #tpu.memory_space<hbm>>
          %dma_start3A_308 = tpu.memref_slice %arg7[%multiple_of3A_294] : memref<65536xf32, #tpu.memory_space<vmem>> -> memref<256xf32, #tpu.memory_space<vmem>>
          tpu.enqueue_dma source(%dma_start3A_308 : memref<256xf32, #tpu.memory_space<vmem>>) target(%dma_start3A_307 : memref<256xf32, #tpu.memory_space<hbm>>) target_semaphore(%dma_start3A_306 : memref<!tpu.dma_semaphore, #tpu.memory_space<semaphore_mem>>)
          %mul3A_309 = arith.constant 16 : i32
          %mul3A_310 = arith.muli %scan3A_112, %mul3A_309 : i32
          %add3A_311 = arith.constant 9 : i32
          %add3A_312 = arith.addi %mul3A_310, %add3A_311 : i32
          %mul3A_313 = arith.constant 256 : i32
          %mul3A_314 = arith.muli %add3A_312, %mul3A_313 : i32
          %add3A_315 = arith.addi %mul3A_314, %mul3A_74 : i32
          %multiple_of3A_316 = tpu.assume_multiple %add3A_315, 256 : i32
          %mul3A_317 = arith.constant 16 : i32
          %mul3A_318 = arith.muli %scan3A_112, %mul3A_317 : i32
          %add3A_319 = arith.constant 9 : i32
          %add3A_320 = arith.addi %mul3A_318, %add3A_319 : i32
          %mul3A_321 = arith.constant 256 : i32
          %mul3A_322 = arith.muli %add3A_320, %mul3A_321 : i32
          %add3A_323 = arith.addi %mul3A_79, %mul3A_322 : i32
          %multiple_of3A_324 = tpu.assume_multiple %add3A_323, 256 : i32
          %dma_start3A_325 = tpu.memref_slice %arg7[%multiple_of3A_316] : memref<65536xf32, #tpu.memory_space<vmem>> -> memref<256xf32, #tpu.memory_space<vmem>>
          %dma_start3A_326 = tpu.memref_slice %arg4[%multiple_of3A_324] : memref<16777216xf32, #tpu.memory_space<hbm>> -> memref<256xf32, #tpu.memory_space<hbm>>
          %dma_start3A_327 = tpu.memref_slice %arg10[%and3A_29] : memref<2x!tpu.dma_semaphore, #tpu.memory_space<semaphore_mem>> -> memref<1x!tpu.dma_semaphore, #tpu.memory_space<semaphore_mem>>
          %dma_start3A_328 = tpu.memref_squeeze %dma_start3A_327 : memref<1x!tpu.dma_semaphore, #tpu.memory_space<semaphore_mem>> -> memref<!tpu.dma_semaphore, #tpu.memory_space<semaphore_mem>>
          %dma_start3A_329 = tpu.memref_slice %arg4[%multiple_of3A_324] : memref<16777216xf32, #tpu.memory_space<hbm>> -> memref<256xf32, #tpu.memory_space<hbm>>
          %dma_start3A_330 = tpu.memref_slice %arg7[%multiple_of3A_316] : memref<65536xf32, #tpu.memory_space<vmem>> -> memref<256xf32, #tpu.memory_space<vmem>>
          tpu.enqueue_dma source(%dma_start3A_330 : memref<256xf32, #tpu.memory_space<vmem>>) target(%dma_start3A_329 : memref<256xf32, #tpu.memory_space<hbm>>) target_semaphore(%dma_start3A_328 : memref<!tpu.dma_semaphore, #tpu.memory_space<semaphore_mem>>)
          %mul3A_331 = arith.constant 16 : i32
          %mul3A_332 = arith.muli %scan3A_112, %mul3A_331 : i32
          %add3A_333 = arith.constant 10 : i32
          %add3A_334 = arith.addi %mul3A_332, %add3A_333 : i32
          %mul3A_335 = arith.constant 256 : i32
          %mul3A_336 = arith.muli %add3A_334, %mul3A_335 : i32
          %add3A_337 = arith.addi %mul3A_336, %mul3A_74 : i32
          %multiple_of3A_338 = tpu.assume_multiple %add3A_337, 256 : i32
          %mul3A_339 = arith.constant 16 : i32
          %mul3A_340 = arith.muli %scan3A_112, %mul3A_339 : i32
          %add3A_341 = arith.constant 10 : i32
          %add3A_342 = arith.addi %mul3A_340, %add3A_341 : i32
          %mul3A_343 = arith.constant 256 : i32
          %mul3A_344 = arith.muli %add3A_342, %mul3A_343 : i32
          %add3A_345 = arith.addi %mul3A_79, %mul3A_344 : i32
          %multiple_of3A_346 = tpu.assume_multiple %add3A_345, 256 : i32
          %dma_start3A_347 = tpu.memref_slice %arg7[%multiple_of3A_338] : memref<65536xf32, #tpu.memory_space<vmem>> -> memref<256xf32, #tpu.memory_space<vmem>>
          %dma_start3A_348 = tpu.memref_slice %arg4[%multiple_of3A_346] : memref<16777216xf32, #tpu.memory_space<hbm>> -> memref<256xf32, #tpu.memory_space<hbm>>
          %dma_start3A_349 = tpu.memref_slice %arg10[%and3A_29] : memref<2x!tpu.dma_semaphore, #tpu.memory_space<semaphore_mem>> -> memref<1x!tpu.dma_semaphore, #tpu.memory_space<semaphore_mem>>
          %dma_start3A_350 = tpu.memref_squeeze %dma_start3A_349 : memref<1x!tpu.dma_semaphore, #tpu.memory_space<semaphore_mem>> -> memref<!tpu.dma_semaphore, #tpu.memory_space<semaphore_mem>>
          %dma_start3A_351 = tpu.memref_slice %arg4[%multiple_of3A_346] : memref<16777216xf32, #tpu.memory_space<hbm>> -> memref<256xf32, #tpu.memory_space<hbm>>
          %dma_start3A_352 = tpu.memref_slice %arg7[%multiple_of3A_338] : memref<65536xf32, #tpu.memory_space<vmem>> -> memref<256xf32, #tpu.memory_space<vmem>>
          tpu.enqueue_dma source(%dma_start3A_352 : memref<256xf32, #tpu.memory_space<vmem>>) target(%dma_start3A_351 : memref<256xf32, #tpu.memory_space<hbm>>) target_semaphore(%dma_start3A_350 : memref<!tpu.dma_semaphore, #tpu.memory_space<semaphore_mem>>)
          %mul3A_353 = arith.constant 16 : i32
          %mul3A_354 = arith.muli %scan3A_112, %mul3A_353 : i32
          %add3A_355 = arith.constant 11 : i32
          %add3A_356 = arith.addi %mul3A_354, %add3A_355 : i32
          %mul3A_357 = arith.constant 256 : i32
          %mul3A_358 = arith.muli %add3A_356, %mul3A_357 : i32
          %add3A_359 = arith.addi %mul3A_358, %mul3A_74 : i32
          %multiple_of3A_360 = tpu.assume_multiple %add3A_359, 256 : i32
          %mul3A_361 = arith.constant 16 : i32
          %mul3A_362 = arith.muli %scan3A_112, %mul3A_361 : i32
          %add3A_363 = arith.constant 11 : i32
          %add3A_364 = arith.addi %mul3A_362, %add3A_363 : i32
          %mul3A_365 = arith.constant 256 : i32
          %mul3A_366 = arith.muli %add3A_364, %mul3A_365 : i32
          %add3A_367 = arith.addi %mul3A_79, %mul3A_366 : i32
          %multiple_of3A_368 = tpu.assume_multiple %add3A_367, 256 : i32
          %dma_start3A_369 = tpu.memref_slice %arg7[%multiple_of3A_360] : memref<65536xf32, #tpu.memory_space<vmem>> -> memref<256xf32, #tpu.memory_space<vmem>>
          %dma_start3A_370 = tpu.memref_slice %arg4[%multiple_of3A_368] : memref<16777216xf32, #tpu.memory_space<hbm>> -> memref<256xf32, #tpu.memory_space<hbm>>
          %dma_start3A_371 = tpu.memref_slice %arg10[%and3A_29] : memref<2x!tpu.dma_semaphore, #tpu.memory_space<semaphore_mem>> -> memref<1x!tpu.dma_semaphore, #tpu.memory_space<semaphore_mem>>
          %dma_start3A_372 = tpu.memref_squeeze %dma_start3A_371 : memref<1x!tpu.dma_semaphore, #tpu.memory_space<semaphore_mem>> -> memref<!tpu.dma_semaphore, #tpu.memory_space<semaphore_mem>>
          %dma_start3A_373 = tpu.memref_slice %arg4[%multiple_of3A_368] : memref<16777216xf32, #tpu.memory_space<hbm>> -> memref<256xf32, #tpu.memory_space<hbm>>
          %dma_start3A_374 = tpu.memref_slice %arg7[%multiple_of3A_360] : memref<65536xf32, #tpu.memory_space<vmem>> -> memref<256xf32, #tpu.memory_space<vmem>>
          tpu.enqueue_dma source(%dma_start3A_374 : memref<256xf32, #tpu.memory_space<vmem>>) target(%dma_start3A_373 : memref<256xf32, #tpu.memory_space<hbm>>) target_semaphore(%dma_start3A_372 : memref<!tpu.dma_semaphore, #tpu.memory_space<semaphore_mem>>)
          %mul3A_375 = arith.constant 16 : i32
          %mul3A_376 = arith.muli %scan3A_112, %mul3A_375 : i32
          %add3A_377 = arith.constant 12 : i32
          %add3A_378 = arith.addi %mul3A_376, %add3A_377 : i32
          %mul3A_379 = arith.constant 256 : i32
          %mul3A_380 = arith.muli %add3A_378, %mul3A_379 : i32
          %add3A_381 = arith.addi %mul3A_380, %mul3A_74 : i32
          %multiple_of3A_382 = tpu.assume_multiple %add3A_381, 256 : i32
          %mul3A_383 = arith.constant 16 : i32
          %mul3A_384 = arith.muli %scan3A_112, %mul3A_383 : i32
          %add3A_385 = arith.constant 12 : i32
          %add3A_386 = arith.addi %mul3A_384, %add3A_385 : i32
          %mul3A_387 = arith.constant 256 : i32
          %mul3A_388 = arith.muli %add3A_386, %mul3A_387 : i32
          %add3A_389 = arith.addi %mul3A_79, %mul3A_388 : i32
          %multiple_of3A_390 = tpu.assume_multiple %add3A_389, 256 : i32
          %dma_start3A_391 = tpu.memref_slice %arg7[%multiple_of3A_382] : memref<65536xf32, #tpu.memory_space<vmem>> -> memref<256xf32, #tpu.memory_space<vmem>>
          %dma_start3A_392 = tpu.memref_slice %arg4[%multiple_of3A_390] : memref<16777216xf32, #tpu.memory_space<hbm>> -> memref<256xf32, #tpu.memory_space<hbm>>
          %dma_start3A_393 = tpu.memref_slice %arg10[%and3A_29] : memref<2x!tpu.dma_semaphore, #tpu.memory_space<semaphore_mem>> -> memref<1x!tpu.dma_semaphore, #tpu.memory_space<semaphore_mem>>
          %dma_start3A_394 = tpu.memref_squeeze %dma_start3A_393 : memref<1x!tpu.dma_semaphore, #tpu.memory_space<semaphore_mem>> -> memref<!tpu.dma_semaphore, #tpu.memory_space<semaphore_mem>>
          %dma_start3A_395 = tpu.memref_slice %arg4[%multiple_of3A_390] : memref<16777216xf32, #tpu.memory_space<hbm>> -> memref<256xf32, #tpu.memory_space<hbm>>
          %dma_start3A_396 = tpu.memref_slice %arg7[%multiple_of3A_382] : memref<65536xf32, #tpu.memory_space<vmem>> -> memref<256xf32, #tpu.memory_space<vmem>>
          tpu.enqueue_dma source(%dma_start3A_396 : memref<256xf32, #tpu.memory_space<vmem>>) target(%dma_start3A_395 : memref<256xf32, #tpu.memory_space<hbm>>) target_semaphore(%dma_start3A_394 : memref<!tpu.dma_semaphore, #tpu.memory_space<semaphore_mem>>)
          %mul3A_397 = arith.constant 16 : i32
          %mul3A_398 = arith.muli %scan3A_112, %mul3A_397 : i32
          %add3A_399 = arith.constant 13 : i32
          %add3A_400 = arith.addi %mul3A_398, %add3A_399 : i32
          %mul3A_401 = arith.constant 256 : i32
          %mul3A_402 = arith.muli %add3A_400, %mul3A_401 : i32
          %add3A_403 = arith.addi %mul3A_402, %mul3A_74 : i32
          %multiple_of3A_404 = tpu.assume_multiple %add3A_403, 256 : i32
          %mul3A_405 = arith.constant 16 : i32
          %mul3A_406 = arith.muli %scan3A_112, %mul3A_405 : i32
          %add3A_407 = arith.constant 13 : i32
          %add3A_408 = arith.addi %mul3A_406, %add3A_407 : i32
          %mul3A_409 = arith.constant 256 : i32
          %mul3A_410 = arith.muli %add3A_408, %mul3A_409 : i32
          %add3A_411 = arith.addi %mul3A_79, %mul3A_410 : i32
          %multiple_of3A_412 = tpu.assume_multiple %add3A_411, 256 : i32
          %dma_start3A_413 = tpu.memref_slice %arg7[%multiple_of3A_404] : memref<65536xf32, #tpu.memory_space<vmem>> -> memref<256xf32, #tpu.memory_space<vmem>>
          %dma_start3A_414 = tpu.memref_slice %arg4[%multiple_of3A_412] : memref<16777216xf32, #tpu.memory_space<hbm>> -> memref<256xf32, #tpu.memory_space<hbm>>
          %dma_start3A_415 = tpu.memref_slice %arg10[%and3A_29] : memref<2x!tpu.dma_semaphore, #tpu.memory_space<semaphore_mem>> -> memref<1x!tpu.dma_semaphore, #tpu.memory_space<semaphore_mem>>
          %dma_start3A_416 = tpu.memref_squeeze %dma_start3A_415 : memref<1x!tpu.dma_semaphore, #tpu.memory_space<semaphore_mem>> -> memref<!tpu.dma_semaphore, #tpu.memory_space<semaphore_mem>>
          %dma_start3A_417 = tpu.memref_slice %arg4[%multiple_of3A_412] : memref<16777216xf32, #tpu.memory_space<hbm>> -> memref<256xf32, #tpu.memory_space<hbm>>
          %dma_start3A_418 = tpu.memref_slice %arg7[%multiple_of3A_404] : memref<65536xf32, #tpu.memory_space<vmem>> -> memref<256xf32, #tpu.memory_space<vmem>>
          tpu.enqueue_dma source(%dma_start3A_418 : memref<256xf32, #tpu.memory_space<vmem>>) target(%dma_start3A_417 : memref<256xf32, #tpu.memory_space<hbm>>) target_semaphore(%dma_start3A_416 : memref<!tpu.dma_semaphore, #tpu.memory_space<semaphore_mem>>)
          %mul3A_419 = arith.constant 16 : i32
          %mul3A_420 = arith.muli %scan3A_112, %mul3A_419 : i32
          %add3A_421 = arith.constant 14 : i32
          %add3A_422 = arith.addi %mul3A_420, %add3A_421 : i32
          %mul3A_423 = arith.constant 256 : i32
          %mul3A_424 = arith.muli %add3A_422, %mul3A_423 : i32
          %add3A_425 = arith.addi %mul3A_424, %mul3A_74 : i32
          %multiple_of3A_426 = tpu.assume_multiple %add3A_425, 256 : i32
          %mul3A_427 = arith.constant 16 : i32
          %mul3A_428 = arith.muli %scan3A_112, %mul3A_427 : i32
          %add3A_429 = arith.constant 14 : i32
          %add3A_430 = arith.addi %mul3A_428, %add3A_429 : i32
          %mul3A_431 = arith.constant 256 : i32
          %mul3A_432 = arith.muli %add3A_430, %mul3A_431 : i32
          %add3A_433 = arith.addi %mul3A_79, %mul3A_432 : i32
          %multiple_of3A_434 = tpu.assume_multiple %add3A_433, 256 : i32
          %dma_start3A_435 = tpu.memref_slice %arg7[%multiple_of3A_426] : memref<65536xf32, #tpu.memory_space<vmem>> -> memref<256xf32, #tpu.memory_space<vmem>>
          %dma_start3A_436 = tpu.memref_slice %arg4[%multiple_of3A_434] : memref<16777216xf32, #tpu.memory_space<hbm>> -> memref<256xf32, #tpu.memory_space<hbm>>
          %dma_start3A_437 = tpu.memref_slice %arg10[%and3A_29] : memref<2x!tpu.dma_semaphore, #tpu.memory_space<semaphore_mem>> -> memref<1x!tpu.dma_semaphore, #tpu.memory_space<semaphore_mem>>
          %dma_start3A_438 = tpu.memref_squeeze %dma_start3A_437 : memref<1x!tpu.dma_semaphore, #tpu.memory_space<semaphore_mem>> -> memref<!tpu.dma_semaphore, #tpu.memory_space<semaphore_mem>>
          %dma_start3A_439 = tpu.memref_slice %arg4[%multiple_of3A_434] : memref<16777216xf32, #tpu.memory_space<hbm>> -> memref<256xf32, #tpu.memory_space<hbm>>
          %dma_start3A_440 = tpu.memref_slice %arg7[%multiple_of3A_426] : memref<65536xf32, #tpu.memory_space<vmem>> -> memref<256xf32, #tpu.memory_space<vmem>>
          tpu.enqueue_dma source(%dma_start3A_440 : memref<256xf32, #tpu.memory_space<vmem>>) target(%dma_start3A_439 : memref<256xf32, #tpu.memory_space<hbm>>) target_semaphore(%dma_start3A_438 : memref<!tpu.dma_semaphore, #tpu.memory_space<semaphore_mem>>)
          %mul3A_441 = arith.constant 16 : i32
          %mul3A_442 = arith.muli %scan3A_112, %mul3A_441 : i32
          %add3A_443 = arith.constant 15 : i32
          %add3A_444 = arith.addi %mul3A_442, %add3A_443 : i32
          %mul3A_445 = arith.constant 256 : i32
          %mul3A_446 = arith.muli %add3A_444, %mul3A_445 : i32
          %add3A_447 = arith.addi %mul3A_446, %mul3A_74 : i32
          %multiple_of3A_448 = tpu.assume_multiple %add3A_447, 256 : i32
          %mul3A_449 = arith.constant 16 : i32
          %mul3A_450 = arith.muli %scan3A_112, %mul3A_449 : i32
          %add3A_451 = arith.constant 15 : i32
          %add3A_452 = arith.addi %mul3A_450, %add3A_451 : i32
          %mul3A_453 = arith.constant 256 : i32
          %mul3A_454 = arith.muli %add3A_452, %mul3A_453 : i32
          %add3A_455 = arith.addi %mul3A_79, %mul3A_454 : i32
          %multiple_of3A_456 = tpu.assume_multiple %add3A_455, 256 : i32
          %dma_start3A_457 = tpu.memref_slice %arg7[%multiple_of3A_448] : memref<65536xf32, #tpu.memory_space<vmem>> -> memref<256xf32, #tpu.memory_space<vmem>>
          %dma_start3A_458 = tpu.memref_slice %arg4[%multiple_of3A_456] : memref<16777216xf32, #tpu.memory_space<hbm>> -> memref<256xf32, #tpu.memory_space<hbm>>
          %dma_start3A_459 = tpu.memref_slice %arg10[%and3A_29] : memref<2x!tpu.dma_semaphore, #tpu.memory_space<semaphore_mem>> -> memref<1x!tpu.dma_semaphore, #tpu.memory_space<semaphore_mem>>
          %dma_start3A_460 = tpu.memref_squeeze %dma_start3A_459 : memref<1x!tpu.dma_semaphore, #tpu.memory_space<semaphore_mem>> -> memref<!tpu.dma_semaphore, #tpu.memory_space<semaphore_mem>>
          %dma_start3A_461 = tpu.memref_slice %arg4[%multiple_of3A_456] : memref<16777216xf32, #tpu.memory_space<hbm>> -> memref<256xf32, #tpu.memory_space<hbm>>
          %dma_start3A_462 = tpu.memref_slice %arg7[%multiple_of3A_448] : memref<65536xf32, #tpu.memory_space<vmem>> -> memref<256xf32, #tpu.memory_space<vmem>>
          tpu.enqueue_dma source(%dma_start3A_462 : memref<256xf32, #tpu.memory_space<vmem>>) target(%dma_start3A_461 : memref<256xf32, #tpu.memory_space<hbm>>) target_semaphore(%dma_start3A_460 : memref<!tpu.dma_semaphore, #tpu.memory_space<semaphore_mem>>)
        }
        %scan3A_111 = arith.constant 8 : i32
      } else {
      }
      %not3A_89 = arith.constant true
      %not3A_90 = arith.xori %lt3A_54, %not3A_89 : i1
      %convert_element_type3A_91 = arith.extui %not3A_90 : i1 to i32
      %cond3A_92 = arith.constant 0 : i32
      %cond3A_93 = arith.cmpi ne, %convert_element_type3A_91, %cond3A_92 : i32
      scf.if %cond3A_93 {
        %scan3A_94 = arith.constant 0 : i32
        %scan3A_95 = arith.constant 0 : i32
        %scan3A_96 = arith.constant 8 : i32
        %scan3A_97 = arith.addi %scan3A_95, %scan3A_96 : i32
        %scan3A_98 = arith.constant 1 : i32
        scf.for %scan3A_100 = %scan3A_95 to %scan3A_97 step %scan3A_98  : i32 {
          %mul3A_101 = arith.constant 16 : i32
          %mul3A_102 = arith.muli %scan3A_100, %mul3A_101 : i32
          %add3A_103 = arith.constant 0 : i32
          %add3A_104 = arith.addi %mul3A_102, %add3A_103 : i32
          %mul3A_105 = arith.constant 256 : i32
          %mul3A_106 = arith.muli %add3A_104, %mul3A_105 : i32
          %add3A_107 = arith.addi %mul3A_79, %mul3A_106 : i32
          %multiple_of3A = tpu.assume_multiple %add3A_107, 256 : i32
          %dma_start3A = tpu.memref_slice %arg4[%multiple_of3A] : memref<16777216xf32, #tpu.memory_space<hbm>> -> memref<256xf32, #tpu.memory_space<hbm>>
          %dma_start3A_108 = tpu.memref_slice %arg10[%and3A_29] : memref<2x!tpu.dma_semaphore, #tpu.memory_space<semaphore_mem>> -> memref<1x!tpu.dma_semaphore, #tpu.memory_space<semaphore_mem>>
          %dma_start3A_109 = tpu.memref_squeeze %dma_start3A_108 : memref<1x!tpu.dma_semaphore, #tpu.memory_space<semaphore_mem>> -> memref<!tpu.dma_semaphore, #tpu.memory_space<semaphore_mem>>
          %dma_start3A_110 = tpu.memref_slice %arg4[%multiple_of3A] : memref<16777216xf32, #tpu.memory_space<hbm>> -> memref<256xf32, #tpu.memory_space<hbm>>
          tpu.enqueue_dma source(%arg8 : memref<256xf32, #tpu.memory_space<vmem>>) target(%dma_start3A_110 : memref<256xf32, #tpu.memory_space<hbm>>) target_semaphore(%dma_start3A_109 : memref<!tpu.dma_semaphore, #tpu.memory_space<semaphore_mem>>)
          %mul3A_111 = arith.constant 16 : i32
          %mul3A_112 = arith.muli %scan3A_100, %mul3A_111 : i32
          %add3A_113 = arith.constant 1 : i32
          %add3A_114 = arith.addi %mul3A_112, %add3A_113 : i32
          %mul3A_115 = arith.constant 256 : i32
          %mul3A_116 = arith.muli %add3A_114, %mul3A_115 : i32
          %add3A_117 = arith.addi %mul3A_79, %mul3A_116 : i32
          %multiple_of3A_118 = tpu.assume_multiple %add3A_117, 256 : i32
          %dma_start3A_119 = tpu.memref_slice %arg4[%multiple_of3A_118] : memref<16777216xf32, #tpu.memory_space<hbm>> -> memref<256xf32, #tpu.memory_space<hbm>>
          %dma_start3A_120 = tpu.memref_slice %arg10[%and3A_29] : memref<2x!tpu.dma_semaphore, #tpu.memory_space<semaphore_mem>> -> memref<1x!tpu.dma_semaphore, #tpu.memory_space<semaphore_mem>>
          %dma_start3A_121 = tpu.memref_squeeze %dma_start3A_120 : memref<1x!tpu.dma_semaphore, #tpu.memory_space<semaphore_mem>> -> memref<!tpu.dma_semaphore, #tpu.memory_space<semaphore_mem>>
          %dma_start3A_122 = tpu.memref_slice %arg4[%multiple_of3A_118] : memref<16777216xf32, #tpu.memory_space<hbm>> -> memref<256xf32, #tpu.memory_space<hbm>>
          tpu.enqueue_dma source(%arg8 : memref<256xf32, #tpu.memory_space<vmem>>) target(%dma_start3A_122 : memref<256xf32, #tpu.memory_space<hbm>>) target_semaphore(%dma_start3A_121 : memref<!tpu.dma_semaphore, #tpu.memory_space<semaphore_mem>>)
          %mul3A_123 = arith.constant 16 : i32
          %mul3A_124 = arith.muli %scan3A_100, %mul3A_123 : i32
          %add3A_125 = arith.constant 2 : i32
          %add3A_126 = arith.addi %mul3A_124, %add3A_125 : i32
          %mul3A_127 = arith.constant 256 : i32
          %mul3A_128 = arith.muli %add3A_126, %mul3A_127 : i32
          %add3A_129 = arith.addi %mul3A_79, %mul3A_128 : i32
          %multiple_of3A_130 = tpu.assume_multiple %add3A_129, 256 : i32
          %dma_start3A_131 = tpu.memref_slice %arg4[%multiple_of3A_130] : memref<16777216xf32, #tpu.memory_space<hbm>> -> memref<256xf32, #tpu.memory_space<hbm>>
          %dma_start3A_132 = tpu.memref_slice %arg10[%and3A_29] : memref<2x!tpu.dma_semaphore, #tpu.memory_space<semaphore_mem>> -> memref<1x!tpu.dma_semaphore, #tpu.memory_space<semaphore_mem>>
          %dma_start3A_133 = tpu.memref_squeeze %dma_start3A_132 : memref<1x!tpu.dma_semaphore, #tpu.memory_space<semaphore_mem>> -> memref<!tpu.dma_semaphore, #tpu.memory_space<semaphore_mem>>
          %dma_start3A_134 = tpu.memref_slice %arg4[%multiple_of3A_130] : memref<16777216xf32, #tpu.memory_space<hbm>> -> memref<256xf32, #tpu.memory_space<hbm>>
          tpu.enqueue_dma source(%arg8 : memref<256xf32, #tpu.memory_space<vmem>>) target(%dma_start3A_134 : memref<256xf32, #tpu.memory_space<hbm>>) target_semaphore(%dma_start3A_133 : memref<!tpu.dma_semaphore, #tpu.memory_space<semaphore_mem>>)
          %mul3A_135 = arith.constant 16 : i32
          %mul3A_136 = arith.muli %scan3A_100, %mul3A_135 : i32
          %add3A_137 = arith.constant 3 : i32
          %add3A_138 = arith.addi %mul3A_136, %add3A_137 : i32
          %mul3A_139 = arith.constant 256 : i32
          %mul3A_140 = arith.muli %add3A_138, %mul3A_139 : i32
          %add3A_141 = arith.addi %mul3A_79, %mul3A_140 : i32
          %multiple_of3A_142 = tpu.assume_multiple %add3A_141, 256 : i32
          %dma_start3A_143 = tpu.memref_slice %arg4[%multiple_of3A_142] : memref<16777216xf32, #tpu.memory_space<hbm>> -> memref<256xf32, #tpu.memory_space<hbm>>
          %dma_start3A_144 = tpu.memref_slice %arg10[%and3A_29] : memref<2x!tpu.dma_semaphore, #tpu.memory_space<semaphore_mem>> -> memref<1x!tpu.dma_semaphore, #tpu.memory_space<semaphore_mem>>
          %dma_start3A_145 = tpu.memref_squeeze %dma_start3A_144 : memref<1x!tpu.dma_semaphore, #tpu.memory_space<semaphore_mem>> -> memref<!tpu.dma_semaphore, #tpu.memory_space<semaphore_mem>>
          %dma_start3A_146 = tpu.memref_slice %arg4[%multiple_of3A_142] : memref<16777216xf32, #tpu.memory_space<hbm>> -> memref<256xf32, #tpu.memory_space<hbm>>
          tpu.enqueue_dma source(%arg8 : memref<256xf32, #tpu.memory_space<vmem>>) target(%dma_start3A_146 : memref<256xf32, #tpu.memory_space<hbm>>) target_semaphore(%dma_start3A_145 : memref<!tpu.dma_semaphore, #tpu.memory_space<semaphore_mem>>)
          %mul3A_147 = arith.constant 16 : i32
          %mul3A_148 = arith.muli %scan3A_100, %mul3A_147 : i32
          %add3A_149 = arith.constant 4 : i32
          %add3A_150 = arith.addi %mul3A_148, %add3A_149 : i32
          %mul3A_151 = arith.constant 256 : i32
          %mul3A_152 = arith.muli %add3A_150, %mul3A_151 : i32
          %add3A_153 = arith.addi %mul3A_79, %mul3A_152 : i32
          %multiple_of3A_154 = tpu.assume_multiple %add3A_153, 256 : i32
          %dma_start3A_155 = tpu.memref_slice %arg4[%multiple_of3A_154] : memref<16777216xf32, #tpu.memory_space<hbm>> -> memref<256xf32, #tpu.memory_space<hbm>>
          %dma_start3A_156 = tpu.memref_slice %arg10[%and3A_29] : memref<2x!tpu.dma_semaphore, #tpu.memory_space<semaphore_mem>> -> memref<1x!tpu.dma_semaphore, #tpu.memory_space<semaphore_mem>>
          %dma_start3A_157 = tpu.memref_squeeze %dma_start3A_156 : memref<1x!tpu.dma_semaphore, #tpu.memory_space<semaphore_mem>> -> memref<!tpu.dma_semaphore, #tpu.memory_space<semaphore_mem>>
          %dma_start3A_158 = tpu.memref_slice %arg4[%multiple_of3A_154] : memref<16777216xf32, #tpu.memory_space<hbm>> -> memref<256xf32, #tpu.memory_space<hbm>>
          tpu.enqueue_dma source(%arg8 : memref<256xf32, #tpu.memory_space<vmem>>) target(%dma_start3A_158 : memref<256xf32, #tpu.memory_space<hbm>>) target_semaphore(%dma_start3A_157 : memref<!tpu.dma_semaphore, #tpu.memory_space<semaphore_mem>>)
          %mul3A_159 = arith.constant 16 : i32
          %mul3A_160 = arith.muli %scan3A_100, %mul3A_159 : i32
          %add3A_161 = arith.constant 5 : i32
          %add3A_162 = arith.addi %mul3A_160, %add3A_161 : i32
          %mul3A_163 = arith.constant 256 : i32
          %mul3A_164 = arith.muli %add3A_162, %mul3A_163 : i32
          %add3A_165 = arith.addi %mul3A_79, %mul3A_164 : i32
          %multiple_of3A_166 = tpu.assume_multiple %add3A_165, 256 : i32
          %dma_start3A_167 = tpu.memref_slice %arg4[%multiple_of3A_166] : memref<16777216xf32, #tpu.memory_space<hbm>> -> memref<256xf32, #tpu.memory_space<hbm>>
          %dma_start3A_168 = tpu.memref_slice %arg10[%and3A_29] : memref<2x!tpu.dma_semaphore, #tpu.memory_space<semaphore_mem>> -> memref<1x!tpu.dma_semaphore, #tpu.memory_space<semaphore_mem>>
          %dma_start3A_169 = tpu.memref_squeeze %dma_start3A_168 : memref<1x!tpu.dma_semaphore, #tpu.memory_space<semaphore_mem>> -> memref<!tpu.dma_semaphore, #tpu.memory_space<semaphore_mem>>
          %dma_start3A_170 = tpu.memref_slice %arg4[%multiple_of3A_166] : memref<16777216xf32, #tpu.memory_space<hbm>> -> memref<256xf32, #tpu.memory_space<hbm>>
          tpu.enqueue_dma source(%arg8 : memref<256xf32, #tpu.memory_space<vmem>>) target(%dma_start3A_170 : memref<256xf32, #tpu.memory_space<hbm>>) target_semaphore(%dma_start3A_169 : memref<!tpu.dma_semaphore, #tpu.memory_space<semaphore_mem>>)
          %mul3A_171 = arith.constant 16 : i32
          %mul3A_172 = arith.muli %scan3A_100, %mul3A_171 : i32
          %add3A_173 = arith.constant 6 : i32
          %add3A_174 = arith.addi %mul3A_172, %add3A_173 : i32
          %mul3A_175 = arith.constant 256 : i32
          %mul3A_176 = arith.muli %add3A_174, %mul3A_175 : i32
          %add3A_177 = arith.addi %mul3A_79, %mul3A_176 : i32
          %multiple_of3A_178 = tpu.assume_multiple %add3A_177, 256 : i32
          %dma_start3A_179 = tpu.memref_slice %arg4[%multiple_of3A_178] : memref<16777216xf32, #tpu.memory_space<hbm>> -> memref<256xf32, #tpu.memory_space<hbm>>
          %dma_start3A_180 = tpu.memref_slice %arg10[%and3A_29] : memref<2x!tpu.dma_semaphore, #tpu.memory_space<semaphore_mem>> -> memref<1x!tpu.dma_semaphore, #tpu.memory_space<semaphore_mem>>
          %dma_start3A_181 = tpu.memref_squeeze %dma_start3A_180 : memref<1x!tpu.dma_semaphore, #tpu.memory_space<semaphore_mem>> -> memref<!tpu.dma_semaphore, #tpu.memory_space<semaphore_mem>>
          %dma_start3A_182 = tpu.memref_slice %arg4[%multiple_of3A_178] : memref<16777216xf32, #tpu.memory_space<hbm>> -> memref<256xf32, #tpu.memory_space<hbm>>
          tpu.enqueue_dma source(%arg8 : memref<256xf32, #tpu.memory_space<vmem>>) target(%dma_start3A_182 : memref<256xf32, #tpu.memory_space<hbm>>) target_semaphore(%dma_start3A_181 : memref<!tpu.dma_semaphore, #tpu.memory_space<semaphore_mem>>)
          %mul3A_183 = arith.constant 16 : i32
          %mul3A_184 = arith.muli %scan3A_100, %mul3A_183 : i32
          %add3A_185 = arith.constant 7 : i32
          %add3A_186 = arith.addi %mul3A_184, %add3A_185 : i32
          %mul3A_187 = arith.constant 256 : i32
          %mul3A_188 = arith.muli %add3A_186, %mul3A_187 : i32
          %add3A_189 = arith.addi %mul3A_79, %mul3A_188 : i32
          %multiple_of3A_190 = tpu.assume_multiple %add3A_189, 256 : i32
          %dma_start3A_191 = tpu.memref_slice %arg4[%multiple_of3A_190] : memref<16777216xf32, #tpu.memory_space<hbm>> -> memref<256xf32, #tpu.memory_space<hbm>>
          %dma_start3A_192 = tpu.memref_slice %arg10[%and3A_29] : memref<2x!tpu.dma_semaphore, #tpu.memory_space<semaphore_mem>> -> memref<1x!tpu.dma_semaphore, #tpu.memory_space<semaphore_mem>>
          %dma_start3A_193 = tpu.memref_squeeze %dma_start3A_192 : memref<1x!tpu.dma_semaphore, #tpu.memory_space<semaphore_mem>> -> memref<!tpu.dma_semaphore, #tpu.memory_space<semaphore_mem>>
          %dma_start3A_194 = tpu.memref_slice %arg4[%multiple_of3A_190] : memref<16777216xf32, #tpu.memory_space<hbm>> -> memref<256xf32, #tpu.memory_space<hbm>>
          tpu.enqueue_dma source(%arg8 : memref<256xf32, #tpu.memory_space<vmem>>) target(%dma_start3A_194 : memref<256xf32, #tpu.memory_space<hbm>>) target_semaphore(%dma_start3A_193 : memref<!tpu.dma_semaphore, #tpu.memory_space<semaphore_mem>>)
          %mul3A_195 = arith.constant 16 : i32
          %mul3A_196 = arith.muli %scan3A_100, %mul3A_195 : i32
          %add3A_197 = arith.constant 8 : i32
          %add3A_198 = arith.addi %mul3A_196, %add3A_197 : i32
          %mul3A_199 = arith.constant 256 : i32
          %mul3A_200 = arith.muli %add3A_198, %mul3A_199 : i32
          %add3A_201 = arith.addi %mul3A_79, %mul3A_200 : i32
          %multiple_of3A_202 = tpu.assume_multiple %add3A_201, 256 : i32
          %dma_start3A_203 = tpu.memref_slice %arg4[%multiple_of3A_202] : memref<16777216xf32, #tpu.memory_space<hbm>> -> memref<256xf32, #tpu.memory_space<hbm>>
          %dma_start3A_204 = tpu.memref_slice %arg10[%and3A_29] : memref<2x!tpu.dma_semaphore, #tpu.memory_space<semaphore_mem>> -> memref<1x!tpu.dma_semaphore, #tpu.memory_space<semaphore_mem>>
          %dma_start3A_205 = tpu.memref_squeeze %dma_start3A_204 : memref<1x!tpu.dma_semaphore, #tpu.memory_space<semaphore_mem>> -> memref<!tpu.dma_semaphore, #tpu.memory_space<semaphore_mem>>
          %dma_start3A_206 = tpu.memref_slice %arg4[%multiple_of3A_202] : memref<16777216xf32, #tpu.memory_space<hbm>> -> memref<256xf32, #tpu.memory_space<hbm>>
          tpu.enqueue_dma source(%arg8 : memref<256xf32, #tpu.memory_space<vmem>>) target(%dma_start3A_206 : memref<256xf32, #tpu.memory_space<hbm>>) target_semaphore(%dma_start3A_205 : memref<!tpu.dma_semaphore, #tpu.memory_space<semaphore_mem>>)
          %mul3A_207 = arith.constant 16 : i32
          %mul3A_208 = arith.muli %scan3A_100, %mul3A_207 : i32
          %add3A_209 = arith.constant 9 : i32
          %add3A_210 = arith.addi %mul3A_208, %add3A_209 : i32
          %mul3A_211 = arith.constant 256 : i32
          %mul3A_212 = arith.muli %add3A_210, %mul3A_211 : i32
          %add3A_213 = arith.addi %mul3A_79, %mul3A_212 : i32
          %multiple_of3A_214 = tpu.assume_multiple %add3A_213, 256 : i32
          %dma_start3A_215 = tpu.memref_slice %arg4[%multiple_of3A_214] : memref<16777216xf32, #tpu.memory_space<hbm>> -> memref<256xf32, #tpu.memory_space<hbm>>
          %dma_start3A_216 = tpu.memref_slice %arg10[%and3A_29] : memref<2x!tpu.dma_semaphore, #tpu.memory_space<semaphore_mem>> -> memref<1x!tpu.dma_semaphore, #tpu.memory_space<semaphore_mem>>
          %dma_start3A_217 = tpu.memref_squeeze %dma_start3A_216 : memref<1x!tpu.dma_semaphore, #tpu.memory_space<semaphore_mem>> -> memref<!tpu.dma_semaphore, #tpu.memory_space<semaphore_mem>>
          %dma_start3A_218 = tpu.memref_slice %arg4[%multiple_of3A_214] : memref<16777216xf32, #tpu.memory_space<hbm>> -> memref<256xf32, #tpu.memory_space<hbm>>
          tpu.enqueue_dma source(%arg8 : memref<256xf32, #tpu.memory_space<vmem>>) target(%dma_start3A_218 : memref<256xf32, #tpu.memory_space<hbm>>) target_semaphore(%dma_start3A_217 : memref<!tpu.dma_semaphore, #tpu.memory_space<semaphore_mem>>)
          %mul3A_219 = arith.constant 16 : i32
          %mul3A_220 = arith.muli %scan3A_100, %mul3A_219 : i32
          %add3A_221 = arith.constant 10 : i32
          %add3A_222 = arith.addi %mul3A_220, %add3A_221 : i32
          %mul3A_223 = arith.constant 256 : i32
          %mul3A_224 = arith.muli %add3A_222, %mul3A_223 : i32
          %add3A_225 = arith.addi %mul3A_79, %mul3A_224 : i32
          %multiple_of3A_226 = tpu.assume_multiple %add3A_225, 256 : i32
          %dma_start3A_227 = tpu.memref_slice %arg4[%multiple_of3A_226] : memref<16777216xf32, #tpu.memory_space<hbm>> -> memref<256xf32, #tpu.memory_space<hbm>>
          %dma_start3A_228 = tpu.memref_slice %arg10[%and3A_29] : memref<2x!tpu.dma_semaphore, #tpu.memory_space<semaphore_mem>> -> memref<1x!tpu.dma_semaphore, #tpu.memory_space<semaphore_mem>>
          %dma_start3A_229 = tpu.memref_squeeze %dma_start3A_228 : memref<1x!tpu.dma_semaphore, #tpu.memory_space<semaphore_mem>> -> memref<!tpu.dma_semaphore, #tpu.memory_space<semaphore_mem>>
          %dma_start3A_230 = tpu.memref_slice %arg4[%multiple_of3A_226] : memref<16777216xf32, #tpu.memory_space<hbm>> -> memref<256xf32, #tpu.memory_space<hbm>>
          tpu.enqueue_dma source(%arg8 : memref<256xf32, #tpu.memory_space<vmem>>) target(%dma_start3A_230 : memref<256xf32, #tpu.memory_space<hbm>>) target_semaphore(%dma_start3A_229 : memref<!tpu.dma_semaphore, #tpu.memory_space<semaphore_mem>>)
          %mul3A_231 = arith.constant 16 : i32
          %mul3A_232 = arith.muli %scan3A_100, %mul3A_231 : i32
          %add3A_233 = arith.constant 11 : i32
          %add3A_234 = arith.addi %mul3A_232, %add3A_233 : i32
          %mul3A_235 = arith.constant 256 : i32
          %mul3A_236 = arith.muli %add3A_234, %mul3A_235 : i32
          %add3A_237 = arith.addi %mul3A_79, %mul3A_236 : i32
          %multiple_of3A_238 = tpu.assume_multiple %add3A_237, 256 : i32
          %dma_start3A_239 = tpu.memref_slice %arg4[%multiple_of3A_238] : memref<16777216xf32, #tpu.memory_space<hbm>> -> memref<256xf32, #tpu.memory_space<hbm>>
          %dma_start3A_240 = tpu.memref_slice %arg10[%and3A_29] : memref<2x!tpu.dma_semaphore, #tpu.memory_space<semaphore_mem>> -> memref<1x!tpu.dma_semaphore, #tpu.memory_space<semaphore_mem>>
          %dma_start3A_241 = tpu.memref_squeeze %dma_start3A_240 : memref<1x!tpu.dma_semaphore, #tpu.memory_space<semaphore_mem>> -> memref<!tpu.dma_semaphore, #tpu.memory_space<semaphore_mem>>
          %dma_start3A_242 = tpu.memref_slice %arg4[%multiple_of3A_238] : memref<16777216xf32, #tpu.memory_space<hbm>> -> memref<256xf32, #tpu.memory_space<hbm>>
          tpu.enqueue_dma source(%arg8 : memref<256xf32, #tpu.memory_space<vmem>>) target(%dma_start3A_242 : memref<256xf32, #tpu.memory_space<hbm>>) target_semaphore(%dma_start3A_241 : memref<!tpu.dma_semaphore, #tpu.memory_space<semaphore_mem>>)
          %mul3A_243 = arith.constant 16 : i32
          %mul3A_244 = arith.muli %scan3A_100, %mul3A_243 : i32
          %add3A_245 = arith.constant 12 : i32
          %add3A_246 = arith.addi %mul3A_244, %add3A_245 : i32
          %mul3A_247 = arith.constant 256 : i32
          %mul3A_248 = arith.muli %add3A_246, %mul3A_247 : i32
          %add3A_249 = arith.addi %mul3A_79, %mul3A_248 : i32
          %multiple_of3A_250 = tpu.assume_multiple %add3A_249, 256 : i32
          %dma_start3A_251 = tpu.memref_slice %arg4[%multiple_of3A_250] : memref<16777216xf32, #tpu.memory_space<hbm>> -> memref<256xf32, #tpu.memory_space<hbm>>
          %dma_start3A_252 = tpu.memref_slice %arg10[%and3A_29] : memref<2x!tpu.dma_semaphore, #tpu.memory_space<semaphore_mem>> -> memref<1x!tpu.dma_semaphore, #tpu.memory_space<semaphore_mem>>
          %dma_start3A_253 = tpu.memref_squeeze %dma_start3A_252 : memref<1x!tpu.dma_semaphore, #tpu.memory_space<semaphore_mem>> -> memref<!tpu.dma_semaphore, #tpu.memory_space<semaphore_mem>>
          %dma_start3A_254 = tpu.memref_slice %arg4[%multiple_of3A_250] : memref<16777216xf32, #tpu.memory_space<hbm>> -> memref<256xf32, #tpu.memory_space<hbm>>
          tpu.enqueue_dma source(%arg8 : memref<256xf32, #tpu.memory_space<vmem>>) target(%dma_start3A_254 : memref<256xf32, #tpu.memory_space<hbm>>) target_semaphore(%dma_start3A_253 : memref<!tpu.dma_semaphore, #tpu.memory_space<semaphore_mem>>)
          %mul3A_255 = arith.constant 16 : i32
          %mul3A_256 = arith.muli %scan3A_100, %mul3A_255 : i32
          %add3A_257 = arith.constant 13 : i32
          %add3A_258 = arith.addi %mul3A_256, %add3A_257 : i32
          %mul3A_259 = arith.constant 256 : i32
          %mul3A_260 = arith.muli %add3A_258, %mul3A_259 : i32
          %add3A_261 = arith.addi %mul3A_79, %mul3A_260 : i32
          %multiple_of3A_262 = tpu.assume_multiple %add3A_261, 256 : i32
          %dma_start3A_263 = tpu.memref_slice %arg4[%multiple_of3A_262] : memref<16777216xf32, #tpu.memory_space<hbm>> -> memref<256xf32, #tpu.memory_space<hbm>>
          %dma_start3A_264 = tpu.memref_slice %arg10[%and3A_29] : memref<2x!tpu.dma_semaphore, #tpu.memory_space<semaphore_mem>> -> memref<1x!tpu.dma_semaphore, #tpu.memory_space<semaphore_mem>>
          %dma_start3A_265 = tpu.memref_squeeze %dma_start3A_264 : memref<1x!tpu.dma_semaphore, #tpu.memory_space<semaphore_mem>> -> memref<!tpu.dma_semaphore, #tpu.memory_space<semaphore_mem>>
          %dma_start3A_266 = tpu.memref_slice %arg4[%multiple_of3A_262] : memref<16777216xf32, #tpu.memory_space<hbm>> -> memref<256xf32, #tpu.memory_space<hbm>>
          tpu.enqueue_dma source(%arg8 : memref<256xf32, #tpu.memory_space<vmem>>) target(%dma_start3A_266 : memref<256xf32, #tpu.memory_space<hbm>>) target_semaphore(%dma_start3A_265 : memref<!tpu.dma_semaphore, #tpu.memory_space<semaphore_mem>>)
          %mul3A_267 = arith.constant 16 : i32
          %mul3A_268 = arith.muli %scan3A_100, %mul3A_267 : i32
          %add3A_269 = arith.constant 14 : i32
          %add3A_270 = arith.addi %mul3A_268, %add3A_269 : i32
          %mul3A_271 = arith.constant 256 : i32
          %mul3A_272 = arith.muli %add3A_270, %mul3A_271 : i32
          %add3A_273 = arith.addi %mul3A_79, %mul3A_272 : i32
          %multiple_of3A_274 = tpu.assume_multiple %add3A_273, 256 : i32
          %dma_start3A_275 = tpu.memref_slice %arg4[%multiple_of3A_274] : memref<16777216xf32, #tpu.memory_space<hbm>> -> memref<256xf32, #tpu.memory_space<hbm>>
          %dma_start3A_276 = tpu.memref_slice %arg10[%and3A_29] : memref<2x!tpu.dma_semaphore, #tpu.memory_space<semaphore_mem>> -> memref<1x!tpu.dma_semaphore, #tpu.memory_space<semaphore_mem>>
          %dma_start3A_277 = tpu.memref_squeeze %dma_start3A_276 : memref<1x!tpu.dma_semaphore, #tpu.memory_space<semaphore_mem>> -> memref<!tpu.dma_semaphore, #tpu.memory_space<semaphore_mem>>
          %dma_start3A_278 = tpu.memref_slice %arg4[%multiple_of3A_274] : memref<16777216xf32, #tpu.memory_space<hbm>> -> memref<256xf32, #tpu.memory_space<hbm>>
          tpu.enqueue_dma source(%arg8 : memref<256xf32, #tpu.memory_space<vmem>>) target(%dma_start3A_278 : memref<256xf32, #tpu.memory_space<hbm>>) target_semaphore(%dma_start3A_277 : memref<!tpu.dma_semaphore, #tpu.memory_space<semaphore_mem>>)
          %mul3A_279 = arith.constant 16 : i32
          %mul3A_280 = arith.muli %scan3A_100, %mul3A_279 : i32
          %add3A_281 = arith.constant 15 : i32
          %add3A_282 = arith.addi %mul3A_280, %add3A_281 : i32
          %mul3A_283 = arith.constant 256 : i32
          %mul3A_284 = arith.muli %add3A_282, %mul3A_283 : i32
          %add3A_285 = arith.addi %mul3A_79, %mul3A_284 : i32
          %multiple_of3A_286 = tpu.assume_multiple %add3A_285, 256 : i32
          %dma_start3A_287 = tpu.memref_slice %arg4[%multiple_of3A_286] : memref<16777216xf32, #tpu.memory_space<hbm>> -> memref<256xf32, #tpu.memory_space<hbm>>
          %dma_start3A_288 = tpu.memref_slice %arg10[%and3A_29] : memref<2x!tpu.dma_semaphore, #tpu.memory_space<semaphore_mem>> -> memref<1x!tpu.dma_semaphore, #tpu.memory_space<semaphore_mem>>
          %dma_start3A_289 = tpu.memref_squeeze %dma_start3A_288 : memref<1x!tpu.dma_semaphore, #tpu.memory_space<semaphore_mem>> -> memref<!tpu.dma_semaphore, #tpu.memory_space<semaphore_mem>>
          %dma_start3A_290 = tpu.memref_slice %arg4[%multiple_of3A_286] : memref<16777216xf32, #tpu.memory_space<hbm>> -> memref<256xf32, #tpu.memory_space<hbm>>
          tpu.enqueue_dma source(%arg8 : memref<256xf32, #tpu.memory_space<vmem>>) target(%dma_start3A_290 : memref<256xf32, #tpu.memory_space<hbm>>) target_semaphore(%dma_start3A_289 : memref<!tpu.dma_semaphore, #tpu.memory_space<semaphore_mem>>)
        }
        %scan3A_99 = arith.constant 8 : i32
      } else {
      }
    }
    %scan3A_15 = arith.constant 16 : i32
    %scan3A_16 = arith.constant 0 : i32
    %scan3A_17 = arith.constant 0 : i32
    %scan3A_18 = arith.constant 8 : i32
    %scan3A_19 = arith.addi %scan3A_17, %scan3A_18 : i32
    %scan3A_20 = arith.constant 1 : i32
    scf.for %scan3A_28 = %scan3A_17 to %scan3A_19 step %scan3A_20  : i32 {
      %dma_wait3A = arith.constant 0 : i32
      %dma_wait3A_29 = arith.constant 0 : i32
      %dma_wait3A_30 = tpu.memref_slice %arg7[%dma_wait3A_29] : memref<65536xf32, #tpu.memory_space<vmem>> -> memref<256xf32, #tpu.memory_space<vmem>>
      %dma_wait3A_31 = arith.constant 0 : i32
      %dma_wait3A_32 = tpu.memref_slice %arg4[%dma_wait3A_31] : memref<16777216xf32, #tpu.memory_space<hbm>> -> memref<256xf32, #tpu.memory_space<hbm>>
      %dma_wait3A_33 = tpu.memref_slice %arg10[%dma_wait3A] : memref<2x!tpu.dma_semaphore, #tpu.memory_space<semaphore_mem>> -> memref<1x!tpu.dma_semaphore, #tpu.memory_space<semaphore_mem>>
      %dma_wait3A_34 = tpu.memref_squeeze %dma_wait3A_33 : memref<1x!tpu.dma_semaphore, #tpu.memory_space<semaphore_mem>> -> memref<!tpu.dma_semaphore, #tpu.memory_space<semaphore_mem>>
      %dma_wait3A_35 = arith.constant 0 : i32
      %dma_wait3A_36 = tpu.memref_slice %arg4[%dma_wait3A_35] : memref<16777216xf32, #tpu.memory_space<hbm>> -> memref<256xf32, #tpu.memory_space<hbm>>
      %dma_wait3A_37 = arith.constant 0 : i32
      %dma_wait3A_38 = tpu.memref_slice %arg7[%dma_wait3A_37] : memref<65536xf32, #tpu.memory_space<vmem>> -> memref<256xf32, #tpu.memory_space<vmem>>
      tpu.wait_dma2 semaphore(%dma_wait3A_34 : memref<!tpu.dma_semaphore, #tpu.memory_space<semaphore_mem>>) src(%dma_wait3A_38 : memref<256xf32, #tpu.memory_space<vmem>>) dst(%dma_wait3A_36 : memref<256xf32, #tpu.memory_space<hbm>>)
      %dma_wait3A_39 = arith.constant 0 : i32
      %dma_wait3A_40 = arith.constant 0 : i32
      %dma_wait3A_41 = tpu.memref_slice %arg7[%dma_wait3A_40] : memref<65536xf32, #tpu.memory_space<vmem>> -> memref<256xf32, #tpu.memory_space<vmem>>
      %dma_wait3A_42 = arith.constant 0 : i32
      %dma_wait3A_43 = tpu.memref_slice %arg4[%dma_wait3A_42] : memref<16777216xf32, #tpu.memory_space<hbm>> -> memref<256xf32, #tpu.memory_space<hbm>>
      %dma_wait3A_44 = tpu.memref_slice %arg10[%dma_wait3A_39] : memref<2x!tpu.dma_semaphore, #tpu.memory_space<semaphore_mem>> -> memref<1x!tpu.dma_semaphore, #tpu.memory_space<semaphore_mem>>
      %dma_wait3A_45 = tpu.memref_squeeze %dma_wait3A_44 : memref<1x!tpu.dma_semaphore, #tpu.memory_space<semaphore_mem>> -> memref<!tpu.dma_semaphore, #tpu.memory_space<semaphore_mem>>
      %dma_wait3A_46 = arith.constant 0 : i32
      %dma_wait3A_47 = tpu.memref_slice %arg4[%dma_wait3A_46] : memref<16777216xf32, #tpu.memory_space<hbm>> -> memref<256xf32, #tpu.memory_space<hbm>>
      %dma_wait3A_48 = arith.constant 0 : i32
      %dma_wait3A_49 = tpu.memref_slice %arg7[%dma_wait3A_48] : memref<65536xf32, #tpu.memory_space<vmem>> -> memref<256xf32, #tpu.memory_space<vmem>>
      tpu.wait_dma2 semaphore(%dma_wait3A_45 : memref<!tpu.dma_semaphore, #tpu.memory_space<semaphore_mem>>) src(%dma_wait3A_49 : memref<256xf32, #tpu.memory_space<vmem>>) dst(%dma_wait3A_47 : memref<256xf32, #tpu.memory_space<hbm>>)
      %dma_wait3A_50 = arith.constant 0 : i32
      %dma_wait3A_51 = arith.constant 0 : i32
      %dma_wait3A_52 = tpu.memref_slice %arg7[%dma_wait3A_51] : memref<65536xf32, #tpu.memory_space<vmem>> -> memref<256xf32, #tpu.memory_space<vmem>>
      %dma_wait3A_53 = arith.constant 0 : i32
      %dma_wait3A_54 = tpu.memref_slice %arg4[%dma_wait3A_53] : memref<16777216xf32, #tpu.memory_space<hbm>> -> memref<256xf32, #tpu.memory_space<hbm>>
      %dma_wait3A_55 = tpu.memref_slice %arg10[%dma_wait3A_50] : memref<2x!tpu.dma_semaphore, #tpu.memory_space<semaphore_mem>> -> memref<1x!tpu.dma_semaphore, #tpu.memory_space<semaphore_mem>>
      %dma_wait3A_56 = tpu.memref_squeeze %dma_wait3A_55 : memref<1x!tpu.dma_semaphore, #tpu.memory_space<semaphore_mem>> -> memref<!tpu.dma_semaphore, #tpu.memory_space<semaphore_mem>>
      %dma_wait3A_57 = arith.constant 0 : i32
      %dma_wait3A_58 = tpu.memref_slice %arg4[%dma_wait3A_57] : memref<16777216xf32, #tpu.memory_space<hbm>> -> memref<256xf32, #tpu.memory_space<hbm>>
      %dma_wait3A_59 = arith.constant 0 : i32
      %dma_wait3A_60 = tpu.memref_slice %arg7[%dma_wait3A_59] : memref<65536xf32, #tpu.memory_space<vmem>> -> memref<256xf32, #tpu.memory_space<vmem>>
      tpu.wait_dma2 semaphore(%dma_wait3A_56 : memref<!tpu.dma_semaphore, #tpu.memory_space<semaphore_mem>>) src(%dma_wait3A_60 : memref<256xf32, #tpu.memory_space<vmem>>) dst(%dma_wait3A_58 : memref<256xf32, #tpu.memory_space<hbm>>)
      %dma_wait3A_61 = arith.constant 0 : i32
      %dma_wait3A_62 = arith.constant 0 : i32
      %dma_wait3A_63 = tpu.memref_slice %arg7[%dma_wait3A_62] : memref<65536xf32, #tpu.memory_space<vmem>> -> memref<256xf32, #tpu.memory_space<vmem>>
      %dma_wait3A_64 = arith.constant 0 : i32
      %dma_wait3A_65 = tpu.memref_slice %arg4[%dma_wait3A_64] : memref<16777216xf32, #tpu.memory_space<hbm>> -> memref<256xf32, #tpu.memory_space<hbm>>
      %dma_wait3A_66 = tpu.memref_slice %arg10[%dma_wait3A_61] : memref<2x!tpu.dma_semaphore, #tpu.memory_space<semaphore_mem>> -> memref<1x!tpu.dma_semaphore, #tpu.memory_space<semaphore_mem>>
      %dma_wait3A_67 = tpu.memref_squeeze %dma_wait3A_66 : memref<1x!tpu.dma_semaphore, #tpu.memory_space<semaphore_mem>> -> memref<!tpu.dma_semaphore, #tpu.memory_space<semaphore_mem>>
      %dma_wait3A_68 = arith.constant 0 : i32
      %dma_wait3A_69 = tpu.memref_slice %arg4[%dma_wait3A_68] : memref<16777216xf32, #tpu.memory_space<hbm>> -> memref<256xf32, #tpu.memory_space<hbm>>
      %dma_wait3A_70 = arith.constant 0 : i32
      %dma_wait3A_71 = tpu.memref_slice %arg7[%dma_wait3A_70] : memref<65536xf32, #tpu.memory_space<vmem>> -> memref<256xf32, #tpu.memory_space<vmem>>
      tpu.wait_dma2 semaphore(%dma_wait3A_67 : memref<!tpu.dma_semaphore, #tpu.memory_space<semaphore_mem>>) src(%dma_wait3A_71 : memref<256xf32, #tpu.memory_space<vmem>>) dst(%dma_wait3A_69 : memref<256xf32, #tpu.memory_space<hbm>>)
      %dma_wait3A_72 = arith.constant 0 : i32
      %dma_wait3A_73 = arith.constant 0 : i32
      %dma_wait3A_74 = tpu.memref_slice %arg7[%dma_wait3A_73] : memref<65536xf32, #tpu.memory_space<vmem>> -> memref<256xf32, #tpu.memory_space<vmem>>
      %dma_wait3A_75 = arith.constant 0 : i32
      %dma_wait3A_76 = tpu.memref_slice %arg4[%dma_wait3A_75] : memref<16777216xf32, #tpu.memory_space<hbm>> -> memref<256xf32, #tpu.memory_space<hbm>>
      %dma_wait3A_77 = tpu.memref_slice %arg10[%dma_wait3A_72] : memref<2x!tpu.dma_semaphore, #tpu.memory_space<semaphore_mem>> -> memref<1x!tpu.dma_semaphore, #tpu.memory_space<semaphore_mem>>
      %dma_wait3A_78 = tpu.memref_squeeze %dma_wait3A_77 : memref<1x!tpu.dma_semaphore, #tpu.memory_space<semaphore_mem>> -> memref<!tpu.dma_semaphore, #tpu.memory_space<semaphore_mem>>
      %dma_wait3A_79 = arith.constant 0 : i32
      %dma_wait3A_80 = tpu.memref_slice %arg4[%dma_wait3A_79] : memref<16777216xf32, #tpu.memory_space<hbm>> -> memref<256xf32, #tpu.memory_space<hbm>>
      %dma_wait3A_81 = arith.constant 0 : i32
      %dma_wait3A_82 = tpu.memref_slice %arg7[%dma_wait3A_81] : memref<65536xf32, #tpu.memory_space<vmem>> -> memref<256xf32, #tpu.memory_space<vmem>>
      tpu.wait_dma2 semaphore(%dma_wait3A_78 : memref<!tpu.dma_semaphore, #tpu.memory_space<semaphore_mem>>) src(%dma_wait3A_82 : memref<256xf32, #tpu.memory_space<vmem>>) dst(%dma_wait3A_80 : memref<256xf32, #tpu.memory_space<hbm>>)
      %dma_wait3A_83 = arith.constant 0 : i32
      %dma_wait3A_84 = arith.constant 0 : i32
      %dma_wait3A_85 = tpu.memref_slice %arg7[%dma_wait3A_84] : memref<65536xf32, #tpu.memory_space<vmem>> -> memref<256xf32, #tpu.memory_space<vmem>>
      %dma_wait3A_86 = arith.constant 0 : i32
      %dma_wait3A_87 = tpu.memref_slice %arg4[%dma_wait3A_86] : memref<16777216xf32, #tpu.memory_space<hbm>> -> memref<256xf32, #tpu.memory_space<hbm>>
      %dma_wait3A_88 = tpu.memref_slice %arg10[%dma_wait3A_83] : memref<2x!tpu.dma_semaphore, #tpu.memory_space<semaphore_mem>> -> memref<1x!tpu.dma_semaphore, #tpu.memory_space<semaphore_mem>>
      %dma_wait3A_89 = tpu.memref_squeeze %dma_wait3A_88 : memref<1x!tpu.dma_semaphore, #tpu.memory_space<semaphore_mem>> -> memref<!tpu.dma_semaphore, #tpu.memory_space<semaphore_mem>>
      %dma_wait3A_90 = arith.constant 0 : i32
      %dma_wait3A_91 = tpu.memref_slice %arg4[%dma_wait3A_90] : memref<16777216xf32, #tpu.memory_space<hbm>> -> memref<256xf32, #tpu.memory_space<hbm>>
      %dma_wait3A_92 = arith.constant 0 : i32
      %dma_wait3A_93 = tpu.memref_slice %arg7[%dma_wait3A_92] : memref<65536xf32, #tpu.memory_space<vmem>> -> memref<256xf32, #tpu.memory_space<vmem>>
      tpu.wait_dma2 semaphore(%dma_wait3A_89 : memref<!tpu.dma_semaphore, #tpu.memory_space<semaphore_mem>>) src(%dma_wait3A_93 : memref<256xf32, #tpu.memory_space<vmem>>) dst(%dma_wait3A_91 : memref<256xf32, #tpu.memory_space<hbm>>)
      %dma_wait3A_94 = arith.constant 0 : i32
      %dma_wait3A_95 = arith.constant 0 : i32
      %dma_wait3A_96 = tpu.memref_slice %arg7[%dma_wait3A_95] : memref<65536xf32, #tpu.memory_space<vmem>> -> memref<256xf32, #tpu.memory_space<vmem>>
      %dma_wait3A_97 = arith.constant 0 : i32
      %dma_wait3A_98 = tpu.memref_slice %arg4[%dma_wait3A_97] : memref<16777216xf32, #tpu.memory_space<hbm>> -> memref<256xf32, #tpu.memory_space<hbm>>
      %dma_wait3A_99 = tpu.memref_slice %arg10[%dma_wait3A_94] : memref<2x!tpu.dma_semaphore, #tpu.memory_space<semaphore_mem>> -> memref<1x!tpu.dma_semaphore, #tpu.memory_space<semaphore_mem>>
      %dma_wait3A_100 = tpu.memref_squeeze %dma_wait3A_99 : memref<1x!tpu.dma_semaphore, #tpu.memory_space<semaphore_mem>> -> memref<!tpu.dma_semaphore, #tpu.memory_space<semaphore_mem>>
      %dma_wait3A_101 = arith.constant 0 : i32
      %dma_wait3A_102 = tpu.memref_slice %arg4[%dma_wait3A_101] : memref<16777216xf32, #tpu.memory_space<hbm>> -> memref<256xf32, #tpu.memory_space<hbm>>
      %dma_wait3A_103 = arith.constant 0 : i32
      %dma_wait3A_104 = tpu.memref_slice %arg7[%dma_wait3A_103] : memref<65536xf32, #tpu.memory_space<vmem>> -> memref<256xf32, #tpu.memory_space<vmem>>
      tpu.wait_dma2 semaphore(%dma_wait3A_100 : memref<!tpu.dma_semaphore, #tpu.memory_space<semaphore_mem>>) src(%dma_wait3A_104 : memref<256xf32, #tpu.memory_space<vmem>>) dst(%dma_wait3A_102 : memref<256xf32, #tpu.memory_space<hbm>>)
      %dma_wait3A_105 = arith.constant 0 : i32
      %dma_wait3A_106 = arith.constant 0 : i32
      %dma_wait3A_107 = tpu.memref_slice %arg7[%dma_wait3A_106] : memref<65536xf32, #tpu.memory_space<vmem>> -> memref<256xf32, #tpu.memory_space<vmem>>
      %dma_wait3A_108 = arith.constant 0 : i32
      %dma_wait3A_109 = tpu.memref_slice %arg4[%dma_wait3A_108] : memref<16777216xf32, #tpu.memory_space<hbm>> -> memref<256xf32, #tpu.memory_space<hbm>>
      %dma_wait3A_110 = tpu.memref_slice %arg10[%dma_wait3A_105] : memref<2x!tpu.dma_semaphore, #tpu.memory_space<semaphore_mem>> -> memref<1x!tpu.dma_semaphore, #tpu.memory_space<semaphore_mem>>
      %dma_wait3A_111 = tpu.memref_squeeze %dma_wait3A_110 : memref<1x!tpu.dma_semaphore, #tpu.memory_space<semaphore_mem>> -> memref<!tpu.dma_semaphore, #tpu.memory_space<semaphore_mem>>
      %dma_wait3A_112 = arith.constant 0 : i32
      %dma_wait3A_113 = tpu.memref_slice %arg4[%dma_wait3A_112] : memref<16777216xf32, #tpu.memory_space<hbm>> -> memref<256xf32, #tpu.memory_space<hbm>>
      %dma_wait3A_114 = arith.constant 0 : i32
      %dma_wait3A_115 = tpu.memref_slice %arg7[%dma_wait3A_114] : memref<65536xf32, #tpu.memory_space<vmem>> -> memref<256xf32, #tpu.memory_space<vmem>>
      tpu.wait_dma2 semaphore(%dma_wait3A_111 : memref<!tpu.dma_semaphore, #tpu.memory_space<semaphore_mem>>) src(%dma_wait3A_115 : memref<256xf32, #tpu.memory_space<vmem>>) dst(%dma_wait3A_113 : memref<256xf32, #tpu.memory_space<hbm>>)
      %dma_wait3A_116 = arith.constant 0 : i32
      %dma_wait3A_117 = arith.constant 0 : i32
      %dma_wait3A_118 = tpu.memref_slice %arg7[%dma_wait3A_117] : memref<65536xf32, #tpu.memory_space<vmem>> -> memref<256xf32, #tpu.memory_space<vmem>>
      %dma_wait3A_119 = arith.constant 0 : i32
      %dma_wait3A_120 = tpu.memref_slice %arg4[%dma_wait3A_119] : memref<16777216xf32, #tpu.memory_space<hbm>> -> memref<256xf32, #tpu.memory_space<hbm>>
      %dma_wait3A_121 = tpu.memref_slice %arg10[%dma_wait3A_116] : memref<2x!tpu.dma_semaphore, #tpu.memory_space<semaphore_mem>> -> memref<1x!tpu.dma_semaphore, #tpu.memory_space<semaphore_mem>>
      %dma_wait3A_122 = tpu.memref_squeeze %dma_wait3A_121 : memref<1x!tpu.dma_semaphore, #tpu.memory_space<semaphore_mem>> -> memref<!tpu.dma_semaphore, #tpu.memory_space<semaphore_mem>>
      %dma_wait3A_123 = arith.constant 0 : i32
      %dma_wait3A_124 = tpu.memref_slice %arg4[%dma_wait3A_123] : memref<16777216xf32, #tpu.memory_space<hbm>> -> memref<256xf32, #tpu.memory_space<hbm>>
      %dma_wait3A_125 = arith.constant 0 : i32
      %dma_wait3A_126 = tpu.memref_slice %arg7[%dma_wait3A_125] : memref<65536xf32, #tpu.memory_space<vmem>> -> memref<256xf32, #tpu.memory_space<vmem>>
      tpu.wait_dma2 semaphore(%dma_wait3A_122 : memref<!tpu.dma_semaphore, #tpu.memory_space<semaphore_mem>>) src(%dma_wait3A_126 : memref<256xf32, #tpu.memory_space<vmem>>) dst(%dma_wait3A_124 : memref<256xf32, #tpu.memory_space<hbm>>)
      %dma_wait3A_127 = arith.constant 0 : i32
      %dma_wait3A_128 = arith.constant 0 : i32
      %dma_wait3A_129 = tpu.memref_slice %arg7[%dma_wait3A_128] : memref<65536xf32, #tpu.memory_space<vmem>> -> memref<256xf32, #tpu.memory_space<vmem>>
      %dma_wait3A_130 = arith.constant 0 : i32
      %dma_wait3A_131 = tpu.memref_slice %arg4[%dma_wait3A_130] : memref<16777216xf32, #tpu.memory_space<hbm>> -> memref<256xf32, #tpu.memory_space<hbm>>
      %dma_wait3A_132 = tpu.memref_slice %arg10[%dma_wait3A_127] : memref<2x!tpu.dma_semaphore, #tpu.memory_space<semaphore_mem>> -> memref<1x!tpu.dma_semaphore, #tpu.memory_space<semaphore_mem>>
      %dma_wait3A_133 = tpu.memref_squeeze %dma_wait3A_132 : memref<1x!tpu.dma_semaphore, #tpu.memory_space<semaphore_mem>> -> memref<!tpu.dma_semaphore, #tpu.memory_space<semaphore_mem>>
      %dma_wait3A_134 = arith.constant 0 : i32
      %dma_wait3A_135 = tpu.memref_slice %arg4[%dma_wait3A_134] : memref<16777216xf32, #tpu.memory_space<hbm>> -> memref<256xf32, #tpu.memory_space<hbm>>
      %dma_wait3A_136 = arith.constant 0 : i32
      %dma_wait3A_137 = tpu.memref_slice %arg7[%dma_wait3A_136] : memref<65536xf32, #tpu.memory_space<vmem>> -> memref<256xf32, #tpu.memory_space<vmem>>
      tpu.wait_dma2 semaphore(%dma_wait3A_133 : memref<!tpu.dma_semaphore, #tpu.memory_space<semaphore_mem>>) src(%dma_wait3A_137 : memref<256xf32, #tpu.memory_space<vmem>>) dst(%dma_wait3A_135 : memref<256xf32, #tpu.memory_space<hbm>>)
      %dma_wait3A_138 = arith.constant 0 : i32
      %dma_wait3A_139 = arith.constant 0 : i32
      %dma_wait3A_140 = tpu.memref_slice %arg7[%dma_wait3A_139] : memref<65536xf32, #tpu.memory_space<vmem>> -> memref<256xf32, #tpu.memory_space<vmem>>
      %dma_wait3A_141 = arith.constant 0 : i32
      %dma_wait3A_142 = tpu.memref_slice %arg4[%dma_wait3A_141] : memref<16777216xf32, #tpu.memory_space<hbm>> -> memref<256xf32, #tpu.memory_space<hbm>>
      %dma_wait3A_143 = tpu.memref_slice %arg10[%dma_wait3A_138] : memref<2x!tpu.dma_semaphore, #tpu.memory_space<semaphore_mem>> -> memref<1x!tpu.dma_semaphore, #tpu.memory_space<semaphore_mem>>
      %dma_wait3A_144 = tpu.memref_squeeze %dma_wait3A_143 : memref<1x!tpu.dma_semaphore, #tpu.memory_space<semaphore_mem>> -> memref<!tpu.dma_semaphore, #tpu.memory_space<semaphore_mem>>
      %dma_wait3A_145 = arith.constant 0 : i32
      %dma_wait3A_146 = tpu.memref_slice %arg4[%dma_wait3A_145] : memref<16777216xf32, #tpu.memory_space<hbm>> -> memref<256xf32, #tpu.memory_space<hbm>>
      %dma_wait3A_147 = arith.constant 0 : i32
      %dma_wait3A_148 = tpu.memref_slice %arg7[%dma_wait3A_147] : memref<65536xf32, #tpu.memory_space<vmem>> -> memref<256xf32, #tpu.memory_space<vmem>>
      tpu.wait_dma2 semaphore(%dma_wait3A_144 : memref<!tpu.dma_semaphore, #tpu.memory_space<semaphore_mem>>) src(%dma_wait3A_148 : memref<256xf32, #tpu.memory_space<vmem>>) dst(%dma_wait3A_146 : memref<256xf32, #tpu.memory_space<hbm>>)
      %dma_wait3A_149 = arith.constant 0 : i32
      %dma_wait3A_150 = arith.constant 0 : i32
      %dma_wait3A_151 = tpu.memref_slice %arg7[%dma_wait3A_150] : memref<65536xf32, #tpu.memory_space<vmem>> -> memref<256xf32, #tpu.memory_space<vmem>>
      %dma_wait3A_152 = arith.constant 0 : i32
      %dma_wait3A_153 = tpu.memref_slice %arg4[%dma_wait3A_152] : memref<16777216xf32, #tpu.memory_space<hbm>> -> memref<256xf32, #tpu.memory_space<hbm>>
      %dma_wait3A_154 = tpu.memref_slice %arg10[%dma_wait3A_149] : memref<2x!tpu.dma_semaphore, #tpu.memory_space<semaphore_mem>> -> memref<1x!tpu.dma_semaphore, #tpu.memory_space<semaphore_mem>>
      %dma_wait3A_155 = tpu.memref_squeeze %dma_wait3A_154 : memref<1x!tpu.dma_semaphore, #tpu.memory_space<semaphore_mem>> -> memref<!tpu.dma_semaphore, #tpu.memory_space<semaphore_mem>>
      %dma_wait3A_156 = arith.constant 0 : i32
      %dma_wait3A_157 = tpu.memref_slice %arg4[%dma_wait3A_156] : memref<16777216xf32, #tpu.memory_space<hbm>> -> memref<256xf32, #tpu.memory_space<hbm>>
      %dma_wait3A_158 = arith.constant 0 : i32
      %dma_wait3A_159 = tpu.memref_slice %arg7[%dma_wait3A_158] : memref<65536xf32, #tpu.memory_space<vmem>> -> memref<256xf32, #tpu.memory_space<vmem>>
      tpu.wait_dma2 semaphore(%dma_wait3A_155 : memref<!tpu.dma_semaphore, #tpu.memory_space<semaphore_mem>>) src(%dma_wait3A_159 : memref<256xf32, #tpu.memory_space<vmem>>) dst(%dma_wait3A_157 : memref<256xf32, #tpu.memory_space<hbm>>)
      %dma_wait3A_160 = arith.constant 0 : i32
      %dma_wait3A_161 = arith.constant 0 : i32
      %dma_wait3A_162 = tpu.memref_slice %arg7[%dma_wait3A_161] : memref<65536xf32, #tpu.memory_space<vmem>> -> memref<256xf32, #tpu.memory_space<vmem>>
      %dma_wait3A_163 = arith.constant 0 : i32
      %dma_wait3A_164 = tpu.memref_slice %arg4[%dma_wait3A_163] : memref<16777216xf32, #tpu.memory_space<hbm>> -> memref<256xf32, #tpu.memory_space<hbm>>
      %dma_wait3A_165 = tpu.memref_slice %arg10[%dma_wait3A_160] : memref<2x!tpu.dma_semaphore, #tpu.memory_space<semaphore_mem>> -> memref<1x!tpu.dma_semaphore, #tpu.memory_space<semaphore_mem>>
      %dma_wait3A_166 = tpu.memref_squeeze %dma_wait3A_165 : memref<1x!tpu.dma_semaphore, #tpu.memory_space<semaphore_mem>> -> memref<!tpu.dma_semaphore, #tpu.memory_space<semaphore_mem>>
      %dma_wait3A_167 = arith.constant 0 : i32
      %dma_wait3A_168 = tpu.memref_slice %arg4[%dma_wait3A_167] : memref<16777216xf32, #tpu.memory_space<hbm>> -> memref<256xf32, #tpu.memory_space<hbm>>
      %dma_wait3A_169 = arith.constant 0 : i32
      %dma_wait3A_170 = tpu.memref_slice %arg7[%dma_wait3A_169] : memref<65536xf32, #tpu.memory_space<vmem>> -> memref<256xf32, #tpu.memory_space<vmem>>
      tpu.wait_dma2 semaphore(%dma_wait3A_166 : memref<!tpu.dma_semaphore, #tpu.memory_space<semaphore_mem>>) src(%dma_wait3A_170 : memref<256xf32, #tpu.memory_space<vmem>>) dst(%dma_wait3A_168 : memref<256xf32, #tpu.memory_space<hbm>>)
      %dma_wait3A_171 = arith.constant 0 : i32
      %dma_wait3A_172 = arith.constant 0 : i32
      %dma_wait3A_173 = tpu.memref_slice %arg7[%dma_wait3A_172] : memref<65536xf32, #tpu.memory_space<vmem>> -> memref<256xf32, #tpu.memory_space<vmem>>
      %dma_wait3A_174 = arith.constant 0 : i32
      %dma_wait3A_175 = tpu.memref_slice %arg4[%dma_wait3A_174] : memref<16777216xf32, #tpu.memory_space<hbm>> -> memref<256xf32, #tpu.memory_space<hbm>>
      %dma_wait3A_176 = tpu.memref_slice %arg10[%dma_wait3A_171] : memref<2x!tpu.dma_semaphore, #tpu.memory_space<semaphore_mem>> -> memref<1x!tpu.dma_semaphore, #tpu.memory_space<semaphore_mem>>
      %dma_wait3A_177 = tpu.memref_squeeze %dma_wait3A_176 : memref<1x!tpu.dma_semaphore, #tpu.memory_space<semaphore_mem>> -> memref<!tpu.dma_semaphore, #tpu.memory_space<semaphore_mem>>
      %dma_wait3A_178 = arith.constant 0 : i32
      %dma_wait3A_179 = tpu.memref_slice %arg4[%dma_wait3A_178] : memref<16777216xf32, #tpu.memory_space<hbm>> -> memref<256xf32, #tpu.memory_space<hbm>>
      %dma_wait3A_180 = arith.constant 0 : i32
      %dma_wait3A_181 = tpu.memref_slice %arg7[%dma_wait3A_180] : memref<65536xf32, #tpu.memory_space<vmem>> -> memref<256xf32, #tpu.memory_space<vmem>>
      tpu.wait_dma2 semaphore(%dma_wait3A_177 : memref<!tpu.dma_semaphore, #tpu.memory_space<semaphore_mem>>) src(%dma_wait3A_181 : memref<256xf32, #tpu.memory_space<vmem>>) dst(%dma_wait3A_179 : memref<256xf32, #tpu.memory_space<hbm>>)
      %dma_wait3A_182 = arith.constant 0 : i32
      %dma_wait3A_183 = arith.constant 0 : i32
      %dma_wait3A_184 = tpu.memref_slice %arg7[%dma_wait3A_183] : memref<65536xf32, #tpu.memory_space<vmem>> -> memref<256xf32, #tpu.memory_space<vmem>>
      %dma_wait3A_185 = arith.constant 0 : i32
      %dma_wait3A_186 = tpu.memref_slice %arg4[%dma_wait3A_185] : memref<16777216xf32, #tpu.memory_space<hbm>> -> memref<256xf32, #tpu.memory_space<hbm>>
      %dma_wait3A_187 = tpu.memref_slice %arg10[%dma_wait3A_182] : memref<2x!tpu.dma_semaphore, #tpu.memory_space<semaphore_mem>> -> memref<1x!tpu.dma_semaphore, #tpu.memory_space<semaphore_mem>>
      %dma_wait3A_188 = tpu.memref_squeeze %dma_wait3A_187 : memref<1x!tpu.dma_semaphore, #tpu.memory_space<semaphore_mem>> -> memref<!tpu.dma_semaphore, #tpu.memory_space<semaphore_mem>>
      %dma_wait3A_189 = arith.constant 0 : i32
      %dma_wait3A_190 = tpu.memref_slice %arg4[%dma_wait3A_189] : memref<16777216xf32, #tpu.memory_space<hbm>> -> memref<256xf32, #tpu.memory_space<hbm>>
      %dma_wait3A_191 = arith.constant 0 : i32
      %dma_wait3A_192 = tpu.memref_slice %arg7[%dma_wait3A_191] : memref<65536xf32, #tpu.memory_space<vmem>> -> memref<256xf32, #tpu.memory_space<vmem>>
      tpu.wait_dma2 semaphore(%dma_wait3A_188 : memref<!tpu.dma_semaphore, #tpu.memory_space<semaphore_mem>>) src(%dma_wait3A_192 : memref<256xf32, #tpu.memory_space<vmem>>) dst(%dma_wait3A_190 : memref<256xf32, #tpu.memory_space<hbm>>)
      %dma_wait3A_193 = arith.constant 0 : i32
      %dma_wait3A_194 = arith.constant 0 : i32
      %dma_wait3A_195 = tpu.memref_slice %arg7[%dma_wait3A_194] : memref<65536xf32, #tpu.memory_space<vmem>> -> memref<256xf32, #tpu.memory_space<vmem>>
      %dma_wait3A_196 = arith.constant 0 : i32
      %dma_wait3A_197 = tpu.memref_slice %arg4[%dma_wait3A_196] : memref<16777216xf32, #tpu.memory_space<hbm>> -> memref<256xf32, #tpu.memory_space<hbm>>
      %dma_wait3A_198 = tpu.memref_slice %arg10[%dma_wait3A_193] : memref<2x!tpu.dma_semaphore, #tpu.memory_space<semaphore_mem>> -> memref<1x!tpu.dma_semaphore, #tpu.memory_space<semaphore_mem>>
      %dma_wait3A_199 = tpu.memref_squeeze %dma_wait3A_198 : memref<1x!tpu.dma_semaphore, #tpu.memory_space<semaphore_mem>> -> memref<!tpu.dma_semaphore, #tpu.memory_space<semaphore_mem>>
      %dma_wait3A_200 = arith.constant 0 : i32
      %dma_wait3A_201 = tpu.memref_slice %arg4[%dma_wait3A_200] : memref<16777216xf32, #tpu.memory_space<hbm>> -> memref<256xf32, #tpu.memory_space<hbm>>
      %dma_wait3A_202 = arith.constant 0 : i32
      %dma_wait3A_203 = tpu.memref_slice %arg7[%dma_wait3A_202] : memref<65536xf32, #tpu.memory_space<vmem>> -> memref<256xf32, #tpu.memory_space<vmem>>
      tpu.wait_dma2 semaphore(%dma_wait3A_199 : memref<!tpu.dma_semaphore, #tpu.memory_space<semaphore_mem>>) src(%dma_wait3A_203 : memref<256xf32, #tpu.memory_space<vmem>>) dst(%dma_wait3A_201 : memref<256xf32, #tpu.memory_space<hbm>>)
    }
    %scan3A_21 = arith.constant 8 : i32
    %scan3A_22 = arith.constant 0 : i32
    %scan3A_23 = arith.constant 0 : i32
    %scan3A_24 = arith.constant 8 : i32
    %scan3A_25 = arith.addi %scan3A_23, %scan3A_24 : i32
    %scan3A_26 = arith.constant 1 : i32
    scf.for %scan3A_28 = %scan3A_23 to %scan3A_25 step %scan3A_26  : i32 {
      %dma_wait3A = arith.constant 1 : i32
      %dma_wait3A_29 = arith.constant 0 : i32
      %dma_wait3A_30 = tpu.memref_slice %arg7[%dma_wait3A_29] : memref<65536xf32, #tpu.memory_space<vmem>> -> memref<256xf32, #tpu.memory_space<vmem>>
      %dma_wait3A_31 = arith.constant 0 : i32
      %dma_wait3A_32 = tpu.memref_slice %arg4[%dma_wait3A_31] : memref<16777216xf32, #tpu.memory_space<hbm>> -> memref<256xf32, #tpu.memory_space<hbm>>
      %dma_wait3A_33 = tpu.memref_slice %arg10[%dma_wait3A] : memref<2x!tpu.dma_semaphore, #tpu.memory_space<semaphore_mem>> -> memref<1x!tpu.dma_semaphore, #tpu.memory_space<semaphore_mem>>
      %dma_wait3A_34 = tpu.memref_squeeze %dma_wait3A_33 : memref<1x!tpu.dma_semaphore, #tpu.memory_space<semaphore_mem>> -> memref<!tpu.dma_semaphore, #tpu.memory_space<semaphore_mem>>
      %dma_wait3A_35 = arith.constant 0 : i32
      %dma_wait3A_36 = tpu.memref_slice %arg4[%dma_wait3A_35] : memref<16777216xf32, #tpu.memory_space<hbm>> -> memref<256xf32, #tpu.memory_space<hbm>>
      %dma_wait3A_37 = arith.constant 0 : i32
      %dma_wait3A_38 = tpu.memref_slice %arg7[%dma_wait3A_37] : memref<65536xf32, #tpu.memory_space<vmem>> -> memref<256xf32, #tpu.memory_space<vmem>>
      tpu.wait_dma2 semaphore(%dma_wait3A_34 : memref<!tpu.dma_semaphore, #tpu.memory_space<semaphore_mem>>) src(%dma_wait3A_38 : memref<256xf32, #tpu.memory_space<vmem>>) dst(%dma_wait3A_36 : memref<256xf32, #tpu.memory_space<hbm>>)
      %dma_wait3A_39 = arith.constant 1 : i32
      %dma_wait3A_40 = arith.constant 0 : i32
      %dma_wait3A_41 = tpu.memref_slice %arg7[%dma_wait3A_40] : memref<65536xf32, #tpu.memory_space<vmem>> -> memref<256xf32, #tpu.memory_space<vmem>>
      %dma_wait3A_42 = arith.constant 0 : i32
      %dma_wait3A_43 = tpu.memref_slice %arg4[%dma_wait3A_42] : memref<16777216xf32, #tpu.memory_space<hbm>> -> memref<256xf32, #tpu.memory_space<hbm>>
      %dma_wait3A_44 = tpu.memref_slice %arg10[%dma_wait3A_39] : memref<2x!tpu.dma_semaphore, #tpu.memory_space<semaphore_mem>> -> memref<1x!tpu.dma_semaphore, #tpu.memory_space<semaphore_mem>>
      %dma_wait3A_45 = tpu.memref_squeeze %dma_wait3A_44 : memref<1x!tpu.dma_semaphore, #tpu.memory_space<semaphore_mem>> -> memref<!tpu.dma_semaphore, #tpu.memory_space<semaphore_mem>>
      %dma_wait3A_46 = arith.constant 0 : i32
      %dma_wait3A_47 = tpu.memref_slice %arg4[%dma_wait3A_46] : memref<16777216xf32, #tpu.memory_space<hbm>> -> memref<256xf32, #tpu.memory_space<hbm>>
      %dma_wait3A_48 = arith.constant 0 : i32
      %dma_wait3A_49 = tpu.memref_slice %arg7[%dma_wait3A_48] : memref<65536xf32, #tpu.memory_space<vmem>> -> memref<256xf32, #tpu.memory_space<vmem>>
      tpu.wait_dma2 semaphore(%dma_wait3A_45 : memref<!tpu.dma_semaphore, #tpu.memory_space<semaphore_mem>>) src(%dma_wait3A_49 : memref<256xf32, #tpu.memory_space<vmem>>) dst(%dma_wait3A_47 : memref<256xf32, #tpu.memory_space<hbm>>)
      %dma_wait3A_50 = arith.constant 1 : i32
      %dma_wait3A_51 = arith.constant 0 : i32
      %dma_wait3A_52 = tpu.memref_slice %arg7[%dma_wait3A_51] : memref<65536xf32, #tpu.memory_space<vmem>> -> memref<256xf32, #tpu.memory_space<vmem>>
      %dma_wait3A_53 = arith.constant 0 : i32
      %dma_wait3A_54 = tpu.memref_slice %arg4[%dma_wait3A_53] : memref<16777216xf32, #tpu.memory_space<hbm>> -> memref<256xf32, #tpu.memory_space<hbm>>
      %dma_wait3A_55 = tpu.memref_slice %arg10[%dma_wait3A_50] : memref<2x!tpu.dma_semaphore, #tpu.memory_space<semaphore_mem>> -> memref<1x!tpu.dma_semaphore, #tpu.memory_space<semaphore_mem>>
      %dma_wait3A_56 = tpu.memref_squeeze %dma_wait3A_55 : memref<1x!tpu.dma_semaphore, #tpu.memory_space<semaphore_mem>> -> memref<!tpu.dma_semaphore, #tpu.memory_space<semaphore_mem>>
      %dma_wait3A_57 = arith.constant 0 : i32
      %dma_wait3A_58 = tpu.memref_slice %arg4[%dma_wait3A_57] : memref<16777216xf32, #tpu.memory_space<hbm>> -> memref<256xf32, #tpu.memory_space<hbm>>
      %dma_wait3A_59 = arith.constant 0 : i32
      %dma_wait3A_60 = tpu.memref_slice %arg7[%dma_wait3A_59] : memref<65536xf32, #tpu.memory_space<vmem>> -> memref<256xf32, #tpu.memory_space<vmem>>
      tpu.wait_dma2 semaphore(%dma_wait3A_56 : memref<!tpu.dma_semaphore, #tpu.memory_space<semaphore_mem>>) src(%dma_wait3A_60 : memref<256xf32, #tpu.memory_space<vmem>>) dst(%dma_wait3A_58 : memref<256xf32, #tpu.memory_space<hbm>>)
      %dma_wait3A_61 = arith.constant 1 : i32
      %dma_wait3A_62 = arith.constant 0 : i32
      %dma_wait3A_63 = tpu.memref_slice %arg7[%dma_wait3A_62] : memref<65536xf32, #tpu.memory_space<vmem>> -> memref<256xf32, #tpu.memory_space<vmem>>
      %dma_wait3A_64 = arith.constant 0 : i32
      %dma_wait3A_65 = tpu.memref_slice %arg4[%dma_wait3A_64] : memref<16777216xf32, #tpu.memory_space<hbm>> -> memref<256xf32, #tpu.memory_space<hbm>>
      %dma_wait3A_66 = tpu.memref_slice %arg10[%dma_wait3A_61] : memref<2x!tpu.dma_semaphore, #tpu.memory_space<semaphore_mem>> -> memref<1x!tpu.dma_semaphore, #tpu.memory_space<semaphore_mem>>
      %dma_wait3A_67 = tpu.memref_squeeze %dma_wait3A_66 : memref<1x!tpu.dma_semaphore, #tpu.memory_space<semaphore_mem>> -> memref<!tpu.dma_semaphore, #tpu.memory_space<semaphore_mem>>
      %dma_wait3A_68 = arith.constant 0 : i32
      %dma_wait3A_69 = tpu.memref_slice %arg4[%dma_wait3A_68] : memref<16777216xf32, #tpu.memory_space<hbm>> -> memref<256xf32, #tpu.memory_space<hbm>>
      %dma_wait3A_70 = arith.constant 0 : i32
      %dma_wait3A_71 = tpu.memref_slice %arg7[%dma_wait3A_70] : memref<65536xf32, #tpu.memory_space<vmem>> -> memref<256xf32, #tpu.memory_space<vmem>>
      tpu.wait_dma2 semaphore(%dma_wait3A_67 : memref<!tpu.dma_semaphore, #tpu.memory_space<semaphore_mem>>) src(%dma_wait3A_71 : memref<256xf32, #tpu.memory_space<vmem>>) dst(%dma_wait3A_69 : memref<256xf32, #tpu.memory_space<hbm>>)
      %dma_wait3A_72 = arith.constant 1 : i32
      %dma_wait3A_73 = arith.constant 0 : i32
      %dma_wait3A_74 = tpu.memref_slice %arg7[%dma_wait3A_73] : memref<65536xf32, #tpu.memory_space<vmem>> -> memref<256xf32, #tpu.memory_space<vmem>>
      %dma_wait3A_75 = arith.constant 0 : i32
      %dma_wait3A_76 = tpu.memref_slice %arg4[%dma_wait3A_75] : memref<16777216xf32, #tpu.memory_space<hbm>> -> memref<256xf32, #tpu.memory_space<hbm>>
      %dma_wait3A_77 = tpu.memref_slice %arg10[%dma_wait3A_72] : memref<2x!tpu.dma_semaphore, #tpu.memory_space<semaphore_mem>> -> memref<1x!tpu.dma_semaphore, #tpu.memory_space<semaphore_mem>>
      %dma_wait3A_78 = tpu.memref_squeeze %dma_wait3A_77 : memref<1x!tpu.dma_semaphore, #tpu.memory_space<semaphore_mem>> -> memref<!tpu.dma_semaphore, #tpu.memory_space<semaphore_mem>>
      %dma_wait3A_79 = arith.constant 0 : i32
      %dma_wait3A_80 = tpu.memref_slice %arg4[%dma_wait3A_79] : memref<16777216xf32, #tpu.memory_space<hbm>> -> memref<256xf32, #tpu.memory_space<hbm>>
      %dma_wait3A_81 = arith.constant 0 : i32
      %dma_wait3A_82 = tpu.memref_slice %arg7[%dma_wait3A_81] : memref<65536xf32, #tpu.memory_space<vmem>> -> memref<256xf32, #tpu.memory_space<vmem>>
      tpu.wait_dma2 semaphore(%dma_wait3A_78 : memref<!tpu.dma_semaphore, #tpu.memory_space<semaphore_mem>>) src(%dma_wait3A_82 : memref<256xf32, #tpu.memory_space<vmem>>) dst(%dma_wait3A_80 : memref<256xf32, #tpu.memory_space<hbm>>)
      %dma_wait3A_83 = arith.constant 1 : i32
      %dma_wait3A_84 = arith.constant 0 : i32
      %dma_wait3A_85 = tpu.memref_slice %arg7[%dma_wait3A_84] : memref<65536xf32, #tpu.memory_space<vmem>> -> memref<256xf32, #tpu.memory_space<vmem>>
      %dma_wait3A_86 = arith.constant 0 : i32
      %dma_wait3A_87 = tpu.memref_slice %arg4[%dma_wait3A_86] : memref<16777216xf32, #tpu.memory_space<hbm>> -> memref<256xf32, #tpu.memory_space<hbm>>
      %dma_wait3A_88 = tpu.memref_slice %arg10[%dma_wait3A_83] : memref<2x!tpu.dma_semaphore, #tpu.memory_space<semaphore_mem>> -> memref<1x!tpu.dma_semaphore, #tpu.memory_space<semaphore_mem>>
      %dma_wait3A_89 = tpu.memref_squeeze %dma_wait3A_88 : memref<1x!tpu.dma_semaphore, #tpu.memory_space<semaphore_mem>> -> memref<!tpu.dma_semaphore, #tpu.memory_space<semaphore_mem>>
      %dma_wait3A_90 = arith.constant 0 : i32
      %dma_wait3A_91 = tpu.memref_slice %arg4[%dma_wait3A_90] : memref<16777216xf32, #tpu.memory_space<hbm>> -> memref<256xf32, #tpu.memory_space<hbm>>
      %dma_wait3A_92 = arith.constant 0 : i32
      %dma_wait3A_93 = tpu.memref_slice %arg7[%dma_wait3A_92] : memref<65536xf32, #tpu.memory_space<vmem>> -> memref<256xf32, #tpu.memory_space<vmem>>
      tpu.wait_dma2 semaphore(%dma_wait3A_89 : memref<!tpu.dma_semaphore, #tpu.memory_space<semaphore_mem>>) src(%dma_wait3A_93 : memref<256xf32, #tpu.memory_space<vmem>>) dst(%dma_wait3A_91 : memref<256xf32, #tpu.memory_space<hbm>>)
      %dma_wait3A_94 = arith.constant 1 : i32
      %dma_wait3A_95 = arith.constant 0 : i32
      %dma_wait3A_96 = tpu.memref_slice %arg7[%dma_wait3A_95] : memref<65536xf32, #tpu.memory_space<vmem>> -> memref<256xf32, #tpu.memory_space<vmem>>
      %dma_wait3A_97 = arith.constant 0 : i32
      %dma_wait3A_98 = tpu.memref_slice %arg4[%dma_wait3A_97] : memref<16777216xf32, #tpu.memory_space<hbm>> -> memref<256xf32, #tpu.memory_space<hbm>>
      %dma_wait3A_99 = tpu.memref_slice %arg10[%dma_wait3A_94] : memref<2x!tpu.dma_semaphore, #tpu.memory_space<semaphore_mem>> -> memref<1x!tpu.dma_semaphore, #tpu.memory_space<semaphore_mem>>
      %dma_wait3A_100 = tpu.memref_squeeze %dma_wait3A_99 : memref<1x!tpu.dma_semaphore, #tpu.memory_space<semaphore_mem>> -> memref<!tpu.dma_semaphore, #tpu.memory_space<semaphore_mem>>
      %dma_wait3A_101 = arith.constant 0 : i32
      %dma_wait3A_102 = tpu.memref_slice %arg4[%dma_wait3A_101] : memref<16777216xf32, #tpu.memory_space<hbm>> -> memref<256xf32, #tpu.memory_space<hbm>>
      %dma_wait3A_103 = arith.constant 0 : i32
      %dma_wait3A_104 = tpu.memref_slice %arg7[%dma_wait3A_103] : memref<65536xf32, #tpu.memory_space<vmem>> -> memref<256xf32, #tpu.memory_space<vmem>>
      tpu.wait_dma2 semaphore(%dma_wait3A_100 : memref<!tpu.dma_semaphore, #tpu.memory_space<semaphore_mem>>) src(%dma_wait3A_104 : memref<256xf32, #tpu.memory_space<vmem>>) dst(%dma_wait3A_102 : memref<256xf32, #tpu.memory_space<hbm>>)
      %dma_wait3A_105 = arith.constant 1 : i32
      %dma_wait3A_106 = arith.constant 0 : i32
      %dma_wait3A_107 = tpu.memref_slice %arg7[%dma_wait3A_106] : memref<65536xf32, #tpu.memory_space<vmem>> -> memref<256xf32, #tpu.memory_space<vmem>>
      %dma_wait3A_108 = arith.constant 0 : i32
      %dma_wait3A_109 = tpu.memref_slice %arg4[%dma_wait3A_108] : memref<16777216xf32, #tpu.memory_space<hbm>> -> memref<256xf32, #tpu.memory_space<hbm>>
      %dma_wait3A_110 = tpu.memref_slice %arg10[%dma_wait3A_105] : memref<2x!tpu.dma_semaphore, #tpu.memory_space<semaphore_mem>> -> memref<1x!tpu.dma_semaphore, #tpu.memory_space<semaphore_mem>>
      %dma_wait3A_111 = tpu.memref_squeeze %dma_wait3A_110 : memref<1x!tpu.dma_semaphore, #tpu.memory_space<semaphore_mem>> -> memref<!tpu.dma_semaphore, #tpu.memory_space<semaphore_mem>>
      %dma_wait3A_112 = arith.constant 0 : i32
      %dma_wait3A_113 = tpu.memref_slice %arg4[%dma_wait3A_112] : memref<16777216xf32, #tpu.memory_space<hbm>> -> memref<256xf32, #tpu.memory_space<hbm>>
      %dma_wait3A_114 = arith.constant 0 : i32
      %dma_wait3A_115 = tpu.memref_slice %arg7[%dma_wait3A_114] : memref<65536xf32, #tpu.memory_space<vmem>> -> memref<256xf32, #tpu.memory_space<vmem>>
      tpu.wait_dma2 semaphore(%dma_wait3A_111 : memref<!tpu.dma_semaphore, #tpu.memory_space<semaphore_mem>>) src(%dma_wait3A_115 : memref<256xf32, #tpu.memory_space<vmem>>) dst(%dma_wait3A_113 : memref<256xf32, #tpu.memory_space<hbm>>)
      %dma_wait3A_116 = arith.constant 1 : i32
      %dma_wait3A_117 = arith.constant 0 : i32
      %dma_wait3A_118 = tpu.memref_slice %arg7[%dma_wait3A_117] : memref<65536xf32, #tpu.memory_space<vmem>> -> memref<256xf32, #tpu.memory_space<vmem>>
      %dma_wait3A_119 = arith.constant 0 : i32
      %dma_wait3A_120 = tpu.memref_slice %arg4[%dma_wait3A_119] : memref<16777216xf32, #tpu.memory_space<hbm>> -> memref<256xf32, #tpu.memory_space<hbm>>
      %dma_wait3A_121 = tpu.memref_slice %arg10[%dma_wait3A_116] : memref<2x!tpu.dma_semaphore, #tpu.memory_space<semaphore_mem>> -> memref<1x!tpu.dma_semaphore, #tpu.memory_space<semaphore_mem>>
      %dma_wait3A_122 = tpu.memref_squeeze %dma_wait3A_121 : memref<1x!tpu.dma_semaphore, #tpu.memory_space<semaphore_mem>> -> memref<!tpu.dma_semaphore, #tpu.memory_space<semaphore_mem>>
      %dma_wait3A_123 = arith.constant 0 : i32
      %dma_wait3A_124 = tpu.memref_slice %arg4[%dma_wait3A_123] : memref<16777216xf32, #tpu.memory_space<hbm>> -> memref<256xf32, #tpu.memory_space<hbm>>
      %dma_wait3A_125 = arith.constant 0 : i32
      %dma_wait3A_126 = tpu.memref_slice %arg7[%dma_wait3A_125] : memref<65536xf32, #tpu.memory_space<vmem>> -> memref<256xf32, #tpu.memory_space<vmem>>
      tpu.wait_dma2 semaphore(%dma_wait3A_122 : memref<!tpu.dma_semaphore, #tpu.memory_space<semaphore_mem>>) src(%dma_wait3A_126 : memref<256xf32, #tpu.memory_space<vmem>>) dst(%dma_wait3A_124 : memref<256xf32, #tpu.memory_space<hbm>>)
      %dma_wait3A_127 = arith.constant 1 : i32
      %dma_wait3A_128 = arith.constant 0 : i32
      %dma_wait3A_129 = tpu.memref_slice %arg7[%dma_wait3A_128] : memref<65536xf32, #tpu.memory_space<vmem>> -> memref<256xf32, #tpu.memory_space<vmem>>
      %dma_wait3A_130 = arith.constant 0 : i32
      %dma_wait3A_131 = tpu.memref_slice %arg4[%dma_wait3A_130] : memref<16777216xf32, #tpu.memory_space<hbm>> -> memref<256xf32, #tpu.memory_space<hbm>>
      %dma_wait3A_132 = tpu.memref_slice %arg10[%dma_wait3A_127] : memref<2x!tpu.dma_semaphore, #tpu.memory_space<semaphore_mem>> -> memref<1x!tpu.dma_semaphore, #tpu.memory_space<semaphore_mem>>
      %dma_wait3A_133 = tpu.memref_squeeze %dma_wait3A_132 : memref<1x!tpu.dma_semaphore, #tpu.memory_space<semaphore_mem>> -> memref<!tpu.dma_semaphore, #tpu.memory_space<semaphore_mem>>
      %dma_wait3A_134 = arith.constant 0 : i32
      %dma_wait3A_135 = tpu.memref_slice %arg4[%dma_wait3A_134] : memref<16777216xf32, #tpu.memory_space<hbm>> -> memref<256xf32, #tpu.memory_space<hbm>>
      %dma_wait3A_136 = arith.constant 0 : i32
      %dma_wait3A_137 = tpu.memref_slice %arg7[%dma_wait3A_136] : memref<65536xf32, #tpu.memory_space<vmem>> -> memref<256xf32, #tpu.memory_space<vmem>>
      tpu.wait_dma2 semaphore(%dma_wait3A_133 : memref<!tpu.dma_semaphore, #tpu.memory_space<semaphore_mem>>) src(%dma_wait3A_137 : memref<256xf32, #tpu.memory_space<vmem>>) dst(%dma_wait3A_135 : memref<256xf32, #tpu.memory_space<hbm>>)
      %dma_wait3A_138 = arith.constant 1 : i32
      %dma_wait3A_139 = arith.constant 0 : i32
      %dma_wait3A_140 = tpu.memref_slice %arg7[%dma_wait3A_139] : memref<65536xf32, #tpu.memory_space<vmem>> -> memref<256xf32, #tpu.memory_space<vmem>>
      %dma_wait3A_141 = arith.constant 0 : i32
      %dma_wait3A_142 = tpu.memref_slice %arg4[%dma_wait3A_141] : memref<16777216xf32, #tpu.memory_space<hbm>> -> memref<256xf32, #tpu.memory_space<hbm>>
      %dma_wait3A_143 = tpu.memref_slice %arg10[%dma_wait3A_138] : memref<2x!tpu.dma_semaphore, #tpu.memory_space<semaphore_mem>> -> memref<1x!tpu.dma_semaphore, #tpu.memory_space<semaphore_mem>>
      %dma_wait3A_144 = tpu.memref_squeeze %dma_wait3A_143 : memref<1x!tpu.dma_semaphore, #tpu.memory_space<semaphore_mem>> -> memref<!tpu.dma_semaphore, #tpu.memory_space<semaphore_mem>>
      %dma_wait3A_145 = arith.constant 0 : i32
      %dma_wait3A_146 = tpu.memref_slice %arg4[%dma_wait3A_145] : memref<16777216xf32, #tpu.memory_space<hbm>> -> memref<256xf32, #tpu.memory_space<hbm>>
      %dma_wait3A_147 = arith.constant 0 : i32
      %dma_wait3A_148 = tpu.memref_slice %arg7[%dma_wait3A_147] : memref<65536xf32, #tpu.memory_space<vmem>> -> memref<256xf32, #tpu.memory_space<vmem>>
      tpu.wait_dma2 semaphore(%dma_wait3A_144 : memref<!tpu.dma_semaphore, #tpu.memory_space<semaphore_mem>>) src(%dma_wait3A_148 : memref<256xf32, #tpu.memory_space<vmem>>) dst(%dma_wait3A_146 : memref<256xf32, #tpu.memory_space<hbm>>)
      %dma_wait3A_149 = arith.constant 1 : i32
      %dma_wait3A_150 = arith.constant 0 : i32
      %dma_wait3A_151 = tpu.memref_slice %arg7[%dma_wait3A_150] : memref<65536xf32, #tpu.memory_space<vmem>> -> memref<256xf32, #tpu.memory_space<vmem>>
      %dma_wait3A_152 = arith.constant 0 : i32
      %dma_wait3A_153 = tpu.memref_slice %arg4[%dma_wait3A_152] : memref<16777216xf32, #tpu.memory_space<hbm>> -> memref<256xf32, #tpu.memory_space<hbm>>
      %dma_wait3A_154 = tpu.memref_slice %arg10[%dma_wait3A_149] : memref<2x!tpu.dma_semaphore, #tpu.memory_space<semaphore_mem>> -> memref<1x!tpu.dma_semaphore, #tpu.memory_space<semaphore_mem>>
      %dma_wait3A_155 = tpu.memref_squeeze %dma_wait3A_154 : memref<1x!tpu.dma_semaphore, #tpu.memory_space<semaphore_mem>> -> memref<!tpu.dma_semaphore, #tpu.memory_space<semaphore_mem>>
      %dma_wait3A_156 = arith.constant 0 : i32
      %dma_wait3A_157 = tpu.memref_slice %arg4[%dma_wait3A_156] : memref<16777216xf32, #tpu.memory_space<hbm>> -> memref<256xf32, #tpu.memory_space<hbm>>
      %dma_wait3A_158 = arith.constant 0 : i32
      %dma_wait3A_159 = tpu.memref_slice %arg7[%dma_wait3A_158] : memref<65536xf32, #tpu.memory_space<vmem>> -> memref<256xf32, #tpu.memory_space<vmem>>
      tpu.wait_dma2 semaphore(%dma_wait3A_155 : memref<!tpu.dma_semaphore, #tpu.memory_space<semaphore_mem>>) src(%dma_wait3A_159 : memref<256xf32, #tpu.memory_space<vmem>>) dst(%dma_wait3A_157 : memref<256xf32, #tpu.memory_space<hbm>>)
      %dma_wait3A_160 = arith.constant 1 : i32
      %dma_wait3A_161 = arith.constant 0 : i32
      %dma_wait3A_162 = tpu.memref_slice %arg7[%dma_wait3A_161] : memref<65536xf32, #tpu.memory_space<vmem>> -> memref<256xf32, #tpu.memory_space<vmem>>
      %dma_wait3A_163 = arith.constant 0 : i32
      %dma_wait3A_164 = tpu.memref_slice %arg4[%dma_wait3A_163] : memref<16777216xf32, #tpu.memory_space<hbm>> -> memref<256xf32, #tpu.memory_space<hbm>>
      %dma_wait3A_165 = tpu.memref_slice %arg10[%dma_wait3A_160] : memref<2x!tpu.dma_semaphore, #tpu.memory_space<semaphore_mem>> -> memref<1x!tpu.dma_semaphore, #tpu.memory_space<semaphore_mem>>
      %dma_wait3A_166 = tpu.memref_squeeze %dma_wait3A_165 : memref<1x!tpu.dma_semaphore, #tpu.memory_space<semaphore_mem>> -> memref<!tpu.dma_semaphore, #tpu.memory_space<semaphore_mem>>
      %dma_wait3A_167 = arith.constant 0 : i32
      %dma_wait3A_168 = tpu.memref_slice %arg4[%dma_wait3A_167] : memref<16777216xf32, #tpu.memory_space<hbm>> -> memref<256xf32, #tpu.memory_space<hbm>>
      %dma_wait3A_169 = arith.constant 0 : i32
      %dma_wait3A_170 = tpu.memref_slice %arg7[%dma_wait3A_169] : memref<65536xf32, #tpu.memory_space<vmem>> -> memref<256xf32, #tpu.memory_space<vmem>>
      tpu.wait_dma2 semaphore(%dma_wait3A_166 : memref<!tpu.dma_semaphore, #tpu.memory_space<semaphore_mem>>) src(%dma_wait3A_170 : memref<256xf32, #tpu.memory_space<vmem>>) dst(%dma_wait3A_168 : memref<256xf32, #tpu.memory_space<hbm>>)
      %dma_wait3A_171 = arith.constant 1 : i32
      %dma_wait3A_172 = arith.constant 0 : i32
      %dma_wait3A_173 = tpu.memref_slice %arg7[%dma_wait3A_172] : memref<65536xf32, #tpu.memory_space<vmem>> -> memref<256xf32, #tpu.memory_space<vmem>>
      %dma_wait3A_174 = arith.constant 0 : i32
      %dma_wait3A_175 = tpu.memref_slice %arg4[%dma_wait3A_174] : memref<16777216xf32, #tpu.memory_space<hbm>> -> memref<256xf32, #tpu.memory_space<hbm>>
      %dma_wait3A_176 = tpu.memref_slice %arg10[%dma_wait3A_171] : memref<2x!tpu.dma_semaphore, #tpu.memory_space<semaphore_mem>> -> memref<1x!tpu.dma_semaphore, #tpu.memory_space<semaphore_mem>>
      %dma_wait3A_177 = tpu.memref_squeeze %dma_wait3A_176 : memref<1x!tpu.dma_semaphore, #tpu.memory_space<semaphore_mem>> -> memref<!tpu.dma_semaphore, #tpu.memory_space<semaphore_mem>>
      %dma_wait3A_178 = arith.constant 0 : i32
      %dma_wait3A_179 = tpu.memref_slice %arg4[%dma_wait3A_178] : memref<16777216xf32, #tpu.memory_space<hbm>> -> memref<256xf32, #tpu.memory_space<hbm>>
      %dma_wait3A_180 = arith.constant 0 : i32
      %dma_wait3A_181 = tpu.memref_slice %arg7[%dma_wait3A_180] : memref<65536xf32, #tpu.memory_space<vmem>> -> memref<256xf32, #tpu.memory_space<vmem>>
      tpu.wait_dma2 semaphore(%dma_wait3A_177 : memref<!tpu.dma_semaphore, #tpu.memory_space<semaphore_mem>>) src(%dma_wait3A_181 : memref<256xf32, #tpu.memory_space<vmem>>) dst(%dma_wait3A_179 : memref<256xf32, #tpu.memory_space<hbm>>)
      %dma_wait3A_182 = arith.constant 1 : i32
      %dma_wait3A_183 = arith.constant 0 : i32
      %dma_wait3A_184 = tpu.memref_slice %arg7[%dma_wait3A_183] : memref<65536xf32, #tpu.memory_space<vmem>> -> memref<256xf32, #tpu.memory_space<vmem>>
      %dma_wait3A_185 = arith.constant 0 : i32
      %dma_wait3A_186 = tpu.memref_slice %arg4[%dma_wait3A_185] : memref<16777216xf32, #tpu.memory_space<hbm>> -> memref<256xf32, #tpu.memory_space<hbm>>
      %dma_wait3A_187 = tpu.memref_slice %arg10[%dma_wait3A_182] : memref<2x!tpu.dma_semaphore, #tpu.memory_space<semaphore_mem>> -> memref<1x!tpu.dma_semaphore, #tpu.memory_space<semaphore_mem>>
      %dma_wait3A_188 = tpu.memref_squeeze %dma_wait3A_187 : memref<1x!tpu.dma_semaphore, #tpu.memory_space<semaphore_mem>> -> memref<!tpu.dma_semaphore, #tpu.memory_space<semaphore_mem>>
      %dma_wait3A_189 = arith.constant 0 : i32
      %dma_wait3A_190 = tpu.memref_slice %arg4[%dma_wait3A_189] : memref<16777216xf32, #tpu.memory_space<hbm>> -> memref<256xf32, #tpu.memory_space<hbm>>
      %dma_wait3A_191 = arith.constant 0 : i32
      %dma_wait3A_192 = tpu.memref_slice %arg7[%dma_wait3A_191] : memref<65536xf32, #tpu.memory_space<vmem>> -> memref<256xf32, #tpu.memory_space<vmem>>
      tpu.wait_dma2 semaphore(%dma_wait3A_188 : memref<!tpu.dma_semaphore, #tpu.memory_space<semaphore_mem>>) src(%dma_wait3A_192 : memref<256xf32, #tpu.memory_space<vmem>>) dst(%dma_wait3A_190 : memref<256xf32, #tpu.memory_space<hbm>>)
      %dma_wait3A_193 = arith.constant 1 : i32
      %dma_wait3A_194 = arith.constant 0 : i32
      %dma_wait3A_195 = tpu.memref_slice %arg7[%dma_wait3A_194] : memref<65536xf32, #tpu.memory_space<vmem>> -> memref<256xf32, #tpu.memory_space<vmem>>
      %dma_wait3A_196 = arith.constant 0 : i32
      %dma_wait3A_197 = tpu.memref_slice %arg4[%dma_wait3A_196] : memref<16777216xf32, #tpu.memory_space<hbm>> -> memref<256xf32, #tpu.memory_space<hbm>>
      %dma_wait3A_198 = tpu.memref_slice %arg10[%dma_wait3A_193] : memref<2x!tpu.dma_semaphore, #tpu.memory_space<semaphore_mem>> -> memref<1x!tpu.dma_semaphore, #tpu.memory_space<semaphore_mem>>
      %dma_wait3A_199 = tpu.memref_squeeze %dma_wait3A_198 : memref<1x!tpu.dma_semaphore, #tpu.memory_space<semaphore_mem>> -> memref<!tpu.dma_semaphore, #tpu.memory_space<semaphore_mem>>
      %dma_wait3A_200 = arith.constant 0 : i32
      %dma_wait3A_201 = tpu.memref_slice %arg4[%dma_wait3A_200] : memref<16777216xf32, #tpu.memory_space<hbm>> -> memref<256xf32, #tpu.memory_space<hbm>>
      %dma_wait3A_202 = arith.constant 0 : i32
      %dma_wait3A_203 = tpu.memref_slice %arg7[%dma_wait3A_202] : memref<65536xf32, #tpu.memory_space<vmem>> -> memref<256xf32, #tpu.memory_space<vmem>>
      tpu.wait_dma2 semaphore(%dma_wait3A_199 : memref<!tpu.dma_semaphore, #tpu.memory_space<semaphore_mem>>) src(%dma_wait3A_203 : memref<256xf32, #tpu.memory_space<vmem>>) dst(%dma_wait3A_201 : memref<256xf32, #tpu.memory_space<hbm>>)
    }
    %scan3A_27 = arith.constant 8 : i32
    return
  }
}

module attributes {stable_mosaic.version = 14 : i64} {
  func.func @_pitch_kernel(%arg0: i32, %arg1: memref<1x512x256xf32, #tpu.memory_space<vmem>>, %arg2: memref<1x512x1xf32, #tpu.memory_space<vmem>>, %arg3: memref<1x512x1xf32, #tpu.memory_space<vmem>>, %arg4: memref<1x256xf32, #tpu.memory_space<vmem>>, %arg5: memref<256x256xf32, #tpu.memory_space<vmem>>, %arg6: memref<3x256x256xf32, #tpu.memory_space<vmem>>, %arg7: memref<1x256xf32, #tpu.memory_space<vmem>>, %arg8: memref<1x256xf32, #tpu.memory_space<vmem>>, %arg9: memref<1x256xf32, #tpu.memory_space<vmem>>, %arg10: memref<3x256x256xf32, #tpu.memory_space<vmem>>, %arg11: memref<1x256xf32, #tpu.memory_space<vmem>>, %arg12: memref<1x256xf32, #tpu.memory_space<vmem>>, %arg13: memref<1x256xf32, #tpu.memory_space<vmem>>, %arg14: memref<256x1xf32, #tpu.memory_space<vmem>>, %arg15: memref<1x1xf32, #tpu.memory_space<vmem>>, %arg16: memref<1x512x1xf32, #tpu.memory_space<vmem>>, %arg17: memref<1x512x256xf32, #tpu.memory_space<vmem>>) attributes {dimension_semantics = [#tpu.dimension_semantics<arbitrary>], iteration_bounds = array<i64: 16>, scalar_prefetch = 0 : i64, scratch_operands = 0 : i64, tpu.core_type = #tpu.core_type<tc>, window_params = [{transform_indices = @transform_0, window_bounds = array<i64: 1, 512, 256>}, {transform_indices = @transform_1, window_bounds = array<i64: 1, 512, 1>}, {transform_indices = @transform_2, window_bounds = array<i64: 1, 512, 1>}, {pipeline_mode = #tpu.pipeline_mode<synchronous>, transform_indices = @transform_3, window_bounds = array<i64: 1, 256>}, {pipeline_mode = #tpu.pipeline_mode<synchronous>, transform_indices = @transform_4, window_bounds = array<i64: 256, 256>}, {pipeline_mode = #tpu.pipeline_mode<synchronous>, transform_indices = @transform_5, window_bounds = array<i64: 3, 256, 256>}, {pipeline_mode = #tpu.pipeline_mode<synchronous>, transform_indices = @transform_6, window_bounds = array<i64: 1, 256>}, {pipeline_mode = #tpu.pipeline_mode<synchronous>, transform_indices = @transform_7, window_bounds = array<i64: 1, 256>}, {pipeline_mode = #tpu.pipeline_mode<synchronous>, transform_indices = @transform_8, window_bounds = array<i64: 1, 256>}, {pipeline_mode = #tpu.pipeline_mode<synchronous>, transform_indices = @transform_9, window_bounds = array<i64: 3, 256, 256>}, {pipeline_mode = #tpu.pipeline_mode<synchronous>, transform_indices = @transform_10, window_bounds = array<i64: 1, 256>}, {pipeline_mode = #tpu.pipeline_mode<synchronous>, transform_indices = @transform_11, window_bounds = array<i64: 1, 256>}, {pipeline_mode = #tpu.pipeline_mode<synchronous>, transform_indices = @transform_12, window_bounds = array<i64: 1, 256>}, {pipeline_mode = #tpu.pipeline_mode<synchronous>, transform_indices = @transform_13, window_bounds = array<i64: 256, 1>}, {pipeline_mode = #tpu.pipeline_mode<synchronous>, transform_indices = @transform_14, window_bounds = array<i64: 1, 1>}, {transform_indices = @transform_15, window_bounds = array<i64: 1, 512, 1>}, {transform_indices = @transform_16, window_bounds = array<i64: 1, 512, 256>}]} {
    %get3A = arith.constant 0 : index
    %get3A_0 = arith.constant 0 : index
    %get3A_1 = arith.constant 0 : index
    %get3A_2 = vector.load %arg1[%get3A, %get3A_0, %get3A_1] : memref<1x512x256xf32, #tpu.memory_space<vmem>>, vector<1x512x256xf32>
    %get3A_3 = vector.shape_cast %get3A_2 : vector<1x512x256xf32> to vector<512x256xf32>
    %get3A_4 = arith.constant 0 : index
    %get3A_5 = arith.constant 0 : index
    %get3A_6 = arith.constant 0 : index
    %get3A_7 = vector.load %arg2[%get3A_4, %get3A_5, %get3A_6] : memref<1x512x1xf32, #tpu.memory_space<vmem>>, vector<1x512x1xf32>
    %get3A_8 = vector.shape_cast %get3A_7 : vector<1x512x1xf32> to vector<512x1xf32>
    %sub3A = arith.constant 1.000000e+00 : f32
    %sub3A_9 = vector.broadcast %sub3A : f32 to vector<512x1xf32>
    %sub3A_10 = arith.subf %sub3A_9, %get3A_8 : vector<512x1xf32>
    %broadcast_in_dim3A = arith.constant 0.000000e+00 : f32
    %broadcast_in_dim3A_11 = vector.broadcast %broadcast_in_dim3A : f32 to vector<1x256xf32>
    %slice3A = vector.extract_strided_slice %get3A_3 {offsets = [0, 0], sizes = [511, 256], strides = [1, 1]} : vector<512x256xf32> to vector<511x256xf32>
    %concatenate3A = tpu.concatenate %broadcast_in_dim3A_11, %slice3A in 0 : vector<1x256xf32>, vector<511x256xf32> -> vector<512x256xf32>
    %slice3A_12 = vector.extract_strided_slice %get3A_3 {offsets = [1, 0], sizes = [511, 256], strides = [1, 1]} : vector<512x256xf32> to vector<511x256xf32>
    %concatenate3A_13 = tpu.concatenate %slice3A_12, %broadcast_in_dim3A_11 in 0 : vector<511x256xf32>, vector<1x256xf32> -> vector<512x256xf32>
    %get3A_14 = arith.constant 0 : index
    %get3A_15 = arith.constant 0 : index
    %get3A_16 = arith.constant 0 : index
    %get3A_17 = vector.load %arg6[%get3A_14, %get3A_15, %get3A_16] : memref<3x256x256xf32, #tpu.memory_space<vmem>>, vector<1x256x256xf32>
    %get3A_18 = vector.shape_cast %get3A_17 : vector<1x256x256xf32> to vector<256x256xf32>
    %dot_general3A = arith.constant dense<0.000000e+00> : vector<512x256xf32>
    %dot_general3A_19 = tpu.matmul %concatenate3A, %get3A_18, %dot_general3A {dimension_numbers = #tpu.dot_dimension_numbers<[1], [0], [0], [1], [0, 0, 1, 1], [], []>, transpose_lhs_hint = false} : vector<512x256xf32>, vector<256x256xf32>, vector<512x256xf32> -> vector<512x256xf32>
    %get3A_20 = arith.constant 1 : index
    %get3A_21 = arith.constant 0 : index
    %get3A_22 = arith.constant 0 : index
    %get3A_23 = vector.load %arg6[%get3A_20, %get3A_21, %get3A_22] : memref<3x256x256xf32, #tpu.memory_space<vmem>>, vector<1x256x256xf32>
    %get3A_24 = vector.shape_cast %get3A_23 : vector<1x256x256xf32> to vector<256x256xf32>
    %dot_general3A_25 = arith.constant dense<0.000000e+00> : vector<512x256xf32>
    %dot_general3A_26 = tpu.matmul %get3A_3, %get3A_24, %dot_general3A_25 {dimension_numbers = #tpu.dot_dimension_numbers<[1], [0], [0], [1], [0, 0, 1, 1], [], []>, transpose_lhs_hint = false} : vector<512x256xf32>, vector<256x256xf32>, vector<512x256xf32> -> vector<512x256xf32>
    %add3A = arith.addf %dot_general3A_19, %dot_general3A_26 : vector<512x256xf32>
    %get3A_27 = arith.constant 2 : index
    %get3A_28 = arith.constant 0 : index
    %get3A_29 = arith.constant 0 : index
    %get3A_30 = vector.load %arg6[%get3A_27, %get3A_28, %get3A_29] : memref<3x256x256xf32, #tpu.memory_space<vmem>>, vector<1x256x256xf32>
    %get3A_31 = vector.shape_cast %get3A_30 : vector<1x256x256xf32> to vector<256x256xf32>
    %dot_general3A_32 = arith.constant dense<0.000000e+00> : vector<512x256xf32>
    %dot_general3A_33 = tpu.matmul %concatenate3A_13, %get3A_31, %dot_general3A_32 {dimension_numbers = #tpu.dot_dimension_numbers<[1], [0], [0], [1], [0, 0, 1, 1], [], []>, transpose_lhs_hint = false} : vector<512x256xf32>, vector<256x256xf32>, vector<512x256xf32> -> vector<512x256xf32>
    %add3A_34 = arith.addf %add3A, %dot_general3A_33 : vector<512x256xf32>
    %get3A_35 = arith.constant 0 : index
    %get3A_36 = arith.constant 0 : index
    %get3A_37 = vector.load %arg7[%get3A_35, %get3A_36] : memref<1x256xf32, #tpu.memory_space<vmem>>, vector<1x256xf32>
    %add3A_38 = vector.broadcast %get3A_37 : vector<1x256xf32> to vector<512x256xf32>
    %add3A_39 = arith.addf %add3A_34, %add3A_38 : vector<512x256xf32>
    %max3A = arith.constant 0.000000e+00 : f32
    %max3A_40 = vector.broadcast %max3A : f32 to vector<512x256xf32>
    %max3A_41 = arith.maximumf %add3A_39, %max3A_40 : vector<512x256xf32>
    %get3A_42 = arith.constant 0 : index
    %get3A_43 = arith.constant 0 : index
    %get3A_44 = vector.load %arg8[%get3A_42, %get3A_43] : memref<1x256xf32, #tpu.memory_space<vmem>>, vector<1x256xf32>
    %get3A_45 = arith.constant 0 : index
    %get3A_46 = arith.constant 0 : index
    %get3A_47 = vector.load %arg9[%get3A_45, %get3A_46] : memref<1x256xf32, #tpu.memory_space<vmem>>, vector<1x256xf32>
    %reduce_sum3A = arith.constant dense<0.000000e+00> : vector<512xf32>
    %reduce_sum3A_48 = vector.multi_reduction <add>, %max3A_41, %reduce_sum3A [1] : vector<512x256xf32> to vector<512xf32>
    %broadcast_in_dim3A_49 = vector.shape_cast %reduce_sum3A_48 : vector<512xf32> to vector<512x1xf32>
    %div3A = arith.constant 2.560000e+02 : f32
    %div3A_50 = vector.broadcast %div3A : f32 to vector<512x1xf32>
    %div3A_51 = arith.divf %broadcast_in_dim3A_49, %div3A_50 : vector<512x1xf32>
    %jit3A = arith.constant 0 : i32
    %reduce_sum3A_52 = arith.constant dense<0.000000e+00> : vector<512xf32>
    %reduce_sum3A_53 = vector.multi_reduction <add>, %max3A_41, %reduce_sum3A_52 [1] : vector<512x256xf32> to vector<512xf32>
    %broadcast_in_dim3A_54 = vector.shape_cast %reduce_sum3A_53 : vector<512xf32> to vector<512x1xf32>
    %div3A_55 = arith.constant 2.560000e+02 : f32
    %div3A_56 = vector.broadcast %div3A_55 : f32 to vector<512x1xf32>
    %div3A_57 = arith.divf %broadcast_in_dim3A_54, %div3A_56 : vector<512x1xf32>
    %sub3A_58 = vector.broadcast %div3A_57 : vector<512x1xf32> to vector<512x256xf32>
    %sub3A_59 = arith.subf %max3A_41, %sub3A_58 : vector<512x256xf32>
    %square3A = arith.mulf %sub3A_59, %sub3A_59 : vector<512x256xf32>
    %convert_element_type3A = arith.sitofp %jit3A : i32 to f32
    %sub3A_60 = arith.constant 2.560000e+02 : f32
    %sub3A_61 = arith.subf %sub3A_60, %convert_element_type3A : f32
    %reduce_sum3A_62 = arith.constant dense<0.000000e+00> : vector<512xf32>
    %reduce_sum3A_63 = vector.multi_reduction <add>, %square3A, %reduce_sum3A_62 [1] : vector<512x256xf32> to vector<512xf32>
    %broadcast_in_dim3A_64 = vector.shape_cast %reduce_sum3A_63 : vector<512xf32> to vector<512x1xf32>
    %div3A_65 = vector.broadcast %sub3A_61 : f32 to vector<512x1xf32>
    %div3A_66 = arith.divf %broadcast_in_dim3A_64, %div3A_65 : vector<512x1xf32>
    %gt3A = arith.constant 0.000000e+00 : f32
    %gt3A_67 = arith.cmpf ogt, %sub3A_61, %gt3A : f32
    %jit3A_68 = arith.constant 0x7FC00000 : f32
    %broadcast_in_dim3A_69 = vector.broadcast %jit3A_68 : f32 to vector<512x1xf32>
    %select_n3A = arith.select %gt3A_67, %div3A_66, %broadcast_in_dim3A_69 : vector<512x1xf32>
    %sub3A_70 = vector.broadcast %div3A_51 : vector<512x1xf32> to vector<512x256xf32>
    %sub3A_71 = arith.subf %max3A_41, %sub3A_70 : vector<512x256xf32>
    %add3A_72 = arith.constant 9.99999974E-6 : f32
    %add3A_73 = vector.broadcast %add3A_72 : f32 to vector<512x1xf32>
    %add3A_74 = arith.addf %select_n3A, %add3A_73 : vector<512x1xf32>
    %sqrt3A = math.sqrt %add3A_74 : vector<512x1xf32>
    %div3A_75 = vector.broadcast %sqrt3A : vector<512x1xf32> to vector<512x256xf32>
    %div3A_76 = arith.divf %sub3A_71, %div3A_75 : vector<512x256xf32>
    %mul3A = vector.broadcast %get3A_44 : vector<1x256xf32> to vector<512x256xf32>
    %mul3A_77 = arith.mulf %div3A_76, %mul3A : vector<512x256xf32>
    %add3A_78 = vector.broadcast %get3A_47 : vector<1x256xf32> to vector<512x256xf32>
    %add3A_79 = arith.addf %mul3A_77, %add3A_78 : vector<512x256xf32>
    %broadcast_in_dim3A_80 = arith.constant 0.000000e+00 : f32
    %broadcast_in_dim3A_81 = vector.broadcast %broadcast_in_dim3A_80 : f32 to vector<1x256xf32>
    %slice3A_82 = vector.extract_strided_slice %add3A_79 {offsets = [0, 0], sizes = [511, 256], strides = [1, 1]} : vector<512x256xf32> to vector<511x256xf32>
    %concatenate3A_83 = tpu.concatenate %broadcast_in_dim3A_81, %slice3A_82 in 0 : vector<1x256xf32>, vector<511x256xf32> -> vector<512x256xf32>
    %slice3A_84 = vector.extract_strided_slice %add3A_79 {offsets = [1, 0], sizes = [511, 256], strides = [1, 1]} : vector<512x256xf32> to vector<511x256xf32>
    %concatenate3A_85 = tpu.concatenate %slice3A_84, %broadcast_in_dim3A_81 in 0 : vector<511x256xf32>, vector<1x256xf32> -> vector<512x256xf32>
    %get3A_86 = arith.constant 0 : index
    %get3A_87 = arith.constant 0 : index
    %get3A_88 = arith.constant 0 : index
    %get3A_89 = vector.load %arg10[%get3A_86, %get3A_87, %get3A_88] : memref<3x256x256xf32, #tpu.memory_space<vmem>>, vector<1x256x256xf32>
    %get3A_90 = vector.shape_cast %get3A_89 : vector<1x256x256xf32> to vector<256x256xf32>
    %dot_general3A_91 = arith.constant dense<0.000000e+00> : vector<512x256xf32>
    %dot_general3A_92 = tpu.matmul %concatenate3A_83, %get3A_90, %dot_general3A_91 {dimension_numbers = #tpu.dot_dimension_numbers<[1], [0], [0], [1], [0, 0, 1, 1], [], []>, transpose_lhs_hint = false} : vector<512x256xf32>, vector<256x256xf32>, vector<512x256xf32> -> vector<512x256xf32>
    %get3A_93 = arith.constant 1 : index
    %get3A_94 = arith.constant 0 : index
    %get3A_95 = arith.constant 0 : index
    %get3A_96 = vector.load %arg10[%get3A_93, %get3A_94, %get3A_95] : memref<3x256x256xf32, #tpu.memory_space<vmem>>, vector<1x256x256xf32>
    %get3A_97 = vector.shape_cast %get3A_96 : vector<1x256x256xf32> to vector<256x256xf32>
    %dot_general3A_98 = arith.constant dense<0.000000e+00> : vector<512x256xf32>
    %dot_general3A_99 = tpu.matmul %add3A_79, %get3A_97, %dot_general3A_98 {dimension_numbers = #tpu.dot_dimension_numbers<[1], [0], [0], [1], [0, 0, 1, 1], [], []>, transpose_lhs_hint = false} : vector<512x256xf32>, vector<256x256xf32>, vector<512x256xf32> -> vector<512x256xf32>
    %add3A_100 = arith.addf %dot_general3A_92, %dot_general3A_99 : vector<512x256xf32>
    %get3A_101 = arith.constant 2 : index
    %get3A_102 = arith.constant 0 : index
    %get3A_103 = arith.constant 0 : index
    %get3A_104 = vector.load %arg10[%get3A_101, %get3A_102, %get3A_103] : memref<3x256x256xf32, #tpu.memory_space<vmem>>, vector<1x256x256xf32>
    %get3A_105 = vector.shape_cast %get3A_104 : vector<1x256x256xf32> to vector<256x256xf32>
    %dot_general3A_106 = arith.constant dense<0.000000e+00> : vector<512x256xf32>
    %dot_general3A_107 = tpu.matmul %concatenate3A_85, %get3A_105, %dot_general3A_106 {dimension_numbers = #tpu.dot_dimension_numbers<[1], [0], [0], [1], [0, 0, 1, 1], [], []>, transpose_lhs_hint = false} : vector<512x256xf32>, vector<256x256xf32>, vector<512x256xf32> -> vector<512x256xf32>
    %add3A_108 = arith.addf %add3A_100, %dot_general3A_107 : vector<512x256xf32>
    %get3A_109 = arith.constant 0 : index
    %get3A_110 = arith.constant 0 : index
    %get3A_111 = vector.load %arg11[%get3A_109, %get3A_110] : memref<1x256xf32, #tpu.memory_space<vmem>>, vector<1x256xf32>
    %add3A_112 = vector.broadcast %get3A_111 : vector<1x256xf32> to vector<512x256xf32>
    %add3A_113 = arith.addf %add3A_108, %add3A_112 : vector<512x256xf32>
    %max3A_114 = arith.constant 0.000000e+00 : f32
    %max3A_115 = vector.broadcast %max3A_114 : f32 to vector<512x256xf32>
    %max3A_116 = arith.maximumf %add3A_113, %max3A_115 : vector<512x256xf32>
    %get3A_117 = arith.constant 0 : index
    %get3A_118 = arith.constant 0 : index
    %get3A_119 = vector.load %arg12[%get3A_117, %get3A_118] : memref<1x256xf32, #tpu.memory_space<vmem>>, vector<1x256xf32>
    %get3A_120 = arith.constant 0 : index
    %get3A_121 = arith.constant 0 : index
    %get3A_122 = vector.load %arg13[%get3A_120, %get3A_121] : memref<1x256xf32, #tpu.memory_space<vmem>>, vector<1x256xf32>
    %reduce_sum3A_123 = arith.constant dense<0.000000e+00> : vector<512xf32>
    %reduce_sum3A_124 = vector.multi_reduction <add>, %max3A_116, %reduce_sum3A_123 [1] : vector<512x256xf32> to vector<512xf32>
    %broadcast_in_dim3A_125 = vector.shape_cast %reduce_sum3A_124 : vector<512xf32> to vector<512x1xf32>
    %div3A_126 = arith.constant 2.560000e+02 : f32
    %div3A_127 = vector.broadcast %div3A_126 : f32 to vector<512x1xf32>
    %div3A_128 = arith.divf %broadcast_in_dim3A_125, %div3A_127 : vector<512x1xf32>
    %jit3A_129 = arith.constant 0 : i32
    %reduce_sum3A_130 = arith.constant dense<0.000000e+00> : vector<512xf32>
    %reduce_sum3A_131 = vector.multi_reduction <add>, %max3A_116, %reduce_sum3A_130 [1] : vector<512x256xf32> to vector<512xf32>
    %broadcast_in_dim3A_132 = vector.shape_cast %reduce_sum3A_131 : vector<512xf32> to vector<512x1xf32>
    %div3A_133 = arith.constant 2.560000e+02 : f32
    %div3A_134 = vector.broadcast %div3A_133 : f32 to vector<512x1xf32>
    %div3A_135 = arith.divf %broadcast_in_dim3A_132, %div3A_134 : vector<512x1xf32>
    %sub3A_136 = vector.broadcast %div3A_135 : vector<512x1xf32> to vector<512x256xf32>
    %sub3A_137 = arith.subf %max3A_116, %sub3A_136 : vector<512x256xf32>
    %square3A_138 = arith.mulf %sub3A_137, %sub3A_137 : vector<512x256xf32>
    %convert_element_type3A_139 = arith.sitofp %jit3A_129 : i32 to f32
    %sub3A_140 = arith.constant 2.560000e+02 : f32
    %sub3A_141 = arith.subf %sub3A_140, %convert_element_type3A_139 : f32
    %reduce_sum3A_142 = arith.constant dense<0.000000e+00> : vector<512xf32>
    %reduce_sum3A_143 = vector.multi_reduction <add>, %square3A_138, %reduce_sum3A_142 [1] : vector<512x256xf32> to vector<512xf32>
    %broadcast_in_dim3A_144 = vector.shape_cast %reduce_sum3A_143 : vector<512xf32> to vector<512x1xf32>
    %div3A_145 = vector.broadcast %sub3A_141 : f32 to vector<512x1xf32>
    %div3A_146 = arith.divf %broadcast_in_dim3A_144, %div3A_145 : vector<512x1xf32>
    %gt3A_147 = arith.constant 0.000000e+00 : f32
    %gt3A_148 = arith.cmpf ogt, %sub3A_141, %gt3A_147 : f32
    %jit3A_149 = arith.constant 0x7FC00000 : f32
    %broadcast_in_dim3A_150 = vector.broadcast %jit3A_149 : f32 to vector<512x1xf32>
    %select_n3A_151 = arith.select %gt3A_148, %div3A_146, %broadcast_in_dim3A_150 : vector<512x1xf32>
    %sub3A_152 = vector.broadcast %div3A_128 : vector<512x1xf32> to vector<512x256xf32>
    %sub3A_153 = arith.subf %max3A_116, %sub3A_152 : vector<512x256xf32>
    %add3A_154 = arith.constant 9.99999974E-6 : f32
    %add3A_155 = vector.broadcast %add3A_154 : f32 to vector<512x1xf32>
    %add3A_156 = arith.addf %select_n3A_151, %add3A_155 : vector<512x1xf32>
    %sqrt3A_157 = math.sqrt %add3A_156 : vector<512x1xf32>
    %div3A_158 = vector.broadcast %sqrt3A_157 : vector<512x1xf32> to vector<512x256xf32>
    %div3A_159 = arith.divf %sub3A_153, %div3A_158 : vector<512x256xf32>
    %mul3A_160 = vector.broadcast %get3A_119 : vector<1x256xf32> to vector<512x256xf32>
    %mul3A_161 = arith.mulf %div3A_159, %mul3A_160 : vector<512x256xf32>
    %add3A_162 = vector.broadcast %get3A_122 : vector<1x256xf32> to vector<512x256xf32>
    %add3A_163 = arith.addf %mul3A_161, %add3A_162 : vector<512x256xf32>
    %get3A_164 = arith.constant 0 : index
    %get3A_165 = arith.constant 0 : index
    %get3A_166 = vector.load %arg14[%get3A_164, %get3A_165] : memref<256x1xf32, #tpu.memory_space<vmem>>, vector<256x1xf32>
    %dot_general3A_167 = arith.constant dense<0.000000e+00> : vector<512x1xf32>
    %dot_general3A_168 = tpu.matmul %add3A_163, %get3A_166, %dot_general3A_167 {dimension_numbers = #tpu.dot_dimension_numbers<[1], [0], [0], [1], [0, 0, 1, 1], [], []>, transpose_lhs_hint = false} : vector<512x256xf32>, vector<256x1xf32>, vector<512x1xf32> -> vector<512x1xf32>
    %get3A_169 = arith.constant 0 : index
    %get3A_170 = arith.constant 0 : index
    %get3A_171 = vector.load %arg15[%get3A_169, %get3A_170] : memref<1x1xf32, #tpu.memory_space<vmem>>, vector<1x1xf32>
    %add3A_172 = vector.broadcast %get3A_171 : vector<1x1xf32> to vector<512x1xf32>
    %add3A_173 = arith.addf %dot_general3A_168, %add3A_172 : vector<512x1xf32>
    %mul3A_174 = arith.mulf %add3A_173, %sub3A_10 : vector<512x1xf32>
    %swap3A = arith.constant 0 : index
    %swap3A_175 = arith.constant 0 : index
    %swap3A_176 = arith.constant 0 : index
    %swap3A_177 = vector.load %arg16[%swap3A, %swap3A_175, %swap3A_176] : memref<1x512x1xf32, #tpu.memory_space<vmem>>, vector<1x512x1xf32>
    %swap3A_178 = vector.shape_cast %swap3A_177 : vector<1x512x1xf32> to vector<512x1xf32>
    %swap3A_179 = vector.shape_cast %mul3A_174 : vector<512x1xf32> to vector<1x512x1xf32>
    tpu.vector_store %arg16[%swap3A, %swap3A_175, %swap3A_176], %swap3A_179 {strides = array<i32>} : memref<1x512x1xf32, #tpu.memory_space<vmem>>, vector<1x512x1xf32>,
    %get3A_180 = arith.constant 0 : index
    %get3A_181 = arith.constant 0 : index
    %get3A_182 = arith.constant 0 : index
    %get3A_183 = vector.load %arg3[%get3A_180, %get3A_181, %get3A_182] : memref<1x512x1xf32, #tpu.memory_space<vmem>>, vector<1x512x1xf32>
    %get3A_184 = vector.shape_cast %get3A_183 : vector<1x512x1xf32> to vector<512x1xf32>
    %get3A_185 = arith.constant 0 : index
    %get3A_186 = arith.constant 0 : index
    %get3A_187 = vector.load %arg4[%get3A_185, %get3A_186] : memref<1x256xf32, #tpu.memory_space<vmem>>, vector<1x256xf32>
    %lt3A = vector.broadcast %get3A_187 : vector<1x256xf32> to vector<512x256xf32>
    %lt3A_188 = vector.broadcast %get3A_184 : vector<512x1xf32> to vector<512x256xf32>
    %lt3A_189 = arith.cmpf olt, %lt3A, %lt3A_188 : vector<512x256xf32>
    %convert_element_type3A_190 = arith.extui %lt3A_189 : vector<512x256xi1> to vector<512x256xi32>
    %reduce_sum3A_191 = arith.constant dense<0> : vector<512xi32>
    %reduce_sum3A_192 = vector.multi_reduction <add>, %convert_element_type3A_190, %reduce_sum3A_191 [1] : vector<512x256xi32> to vector<512xi32>
    %broadcast_in_dim3A_193 = vector.shape_cast %reduce_sum3A_192 : vector<512xi32> to vector<512x1xi32>
    %iota3A = tpu.iota {dimensions = array<i32: 1>} : vector<1x256xi32>
    %eq3A = vector.broadcast %broadcast_in_dim3A_193 : vector<512x1xi32> to vector<512x256xi32>
    %eq3A_194 = vector.broadcast %iota3A : vector<1x256xi32> to vector<512x256xi32>
    %eq3A_195 = arith.cmpi eq, %eq3A, %eq3A_194 : vector<512x256xi32>
    %convert_element_type3A_196 = arith.extui %eq3A_195 : vector<512x256xi1> to vector<512x256xi32>
    %convert_element_type3A_197 = arith.sitofp %convert_element_type3A_196 : vector<512x256xi32> to vector<512x256xf32>
    %get3A_198 = arith.constant 0 : index
    %get3A_199 = arith.constant 0 : index
    %get3A_200 = vector.load %arg5[%get3A_198, %get3A_199] : memref<256x256xf32, #tpu.memory_space<vmem>>, vector<256x256xf32>
    %dot_general3A_201 = arith.constant dense<0.000000e+00> : vector<512x256xf32>
    %dot_general3A_202 = tpu.matmul %convert_element_type3A_197, %get3A_200, %dot_general3A_201 {dimension_numbers = #tpu.dot_dimension_numbers<[1], [0], [0], [1], [0, 0, 1, 1], [], []>, transpose_lhs_hint = false} : vector<512x256xf32>, vector<256x256xf32>, vector<512x256xf32> -> vector<512x256xf32>
    %add3A_203 = arith.addf %get3A_3, %dot_general3A_202 : vector<512x256xf32>
    %swap3A_204 = arith.constant 0 : index
    %swap3A_205 = arith.constant 0 : index
    %swap3A_206 = arith.constant 0 : index
    %swap3A_207 = vector.load %arg17[%swap3A_204, %swap3A_205, %swap3A_206] : memref<1x512x256xf32, #tpu.memory_space<vmem>>, vector<1x512x256xf32>
    %swap3A_208 = vector.shape_cast %swap3A_207 : vector<1x512x256xf32> to vector<512x256xf32>
    %swap3A_209 = vector.shape_cast %add3A_203 : vector<512x256xf32> to vector<1x512x256xf32>
    tpu.vector_store %arg17[%swap3A_204, %swap3A_205, %swap3A_206], %swap3A_209 {strides = array<i32>} : memref<1x512x256xf32, #tpu.memory_space<vmem>>, vector<1x512x256xf32>,
    return
  }
  func.func @transform_0(%arg0: i32) -> (i32, i32, i32) {
    %c0_i32 = arith.constant 0 : i32
    %c0_i32_0 = arith.constant 0 : i32
    %c0_i32_1 = arith.constant 0 : i32
    return %arg0, %c0_i32, %c0_i32_0 : i32, i32, i32
  }
  func.func @transform_1(%arg0: i32) -> (i32, i32, i32) {
    %c0_i32 = arith.constant 0 : i32
    %c0_i32_0 = arith.constant 0 : i32
    %c0_i32_1 = arith.constant 0 : i32
    return %arg0, %c0_i32, %c0_i32_0 : i32, i32, i32
  }
  func.func @transform_2(%arg0: i32) -> (i32, i32, i32) {
    %c0_i32 = arith.constant 0 : i32
    %c0_i32_0 = arith.constant 0 : i32
    %c0_i32_1 = arith.constant 0 : i32
    return %arg0, %c0_i32, %c0_i32_0 : i32, i32, i32
  }
  func.func @transform_3(%arg0: i32) -> (i32, i32) {
    %c0_i32 = arith.constant 0 : i32
    %c0_i32_0 = arith.constant 0 : i32
    %c0_i32_1 = arith.constant 0 : i32
    return %c0_i32, %c0_i32_0 : i32, i32
  }
  func.func @transform_4(%arg0: i32) -> (i32, i32) {
    %c0_i32 = arith.constant 0 : i32
    %c0_i32_0 = arith.constant 0 : i32
    %c0_i32_1 = arith.constant 0 : i32
    return %c0_i32, %c0_i32_0 : i32, i32
  }
  func.func @transform_5(%arg0: i32) -> (i32, i32, i32) {
    %c0_i32 = arith.constant 0 : i32
    %c0_i32_0 = arith.constant 0 : i32
    %c0_i32_1 = arith.constant 0 : i32
    %c0_i32_2 = arith.constant 0 : i32
    return %c0_i32, %c0_i32_0, %c0_i32_1 : i32, i32, i32
  }
  func.func @transform_6(%arg0: i32) -> (i32, i32) {
    %c0_i32 = arith.constant 0 : i32
    %c0_i32_0 = arith.constant 0 : i32
    %c0_i32_1 = arith.constant 0 : i32
    return %c0_i32, %c0_i32_0 : i32, i32
  }
  func.func @transform_7(%arg0: i32) -> (i32, i32) {
    %c0_i32 = arith.constant 0 : i32
    %c0_i32_0 = arith.constant 0 : i32
    %c0_i32_1 = arith.constant 0 : i32
    return %c0_i32, %c0_i32_0 : i32, i32
  }
  func.func @transform_8(%arg0: i32) -> (i32, i32) {
    %c0_i32 = arith.constant 0 : i32
    %c0_i32_0 = arith.constant 0 : i32
    %c0_i32_1 = arith.constant 0 : i32
    return %c0_i32, %c0_i32_0 : i32, i32
  }
  func.func @transform_9(%arg0: i32) -> (i32, i32, i32) {
    %c0_i32 = arith.constant 0 : i32
    %c0_i32_0 = arith.constant 0 : i32
    %c0_i32_1 = arith.constant 0 : i32
    %c0_i32_2 = arith.constant 0 : i32
    return %c0_i32, %c0_i32_0, %c0_i32_1 : i32, i32, i32
  }
  func.func @transform_10(%arg0: i32) -> (i32, i32) {
    %c0_i32 = arith.constant 0 : i32
    %c0_i32_0 = arith.constant 0 : i32
    %c0_i32_1 = arith.constant 0 : i32
    return %c0_i32, %c0_i32_0 : i32, i32
  }
  func.func @transform_11(%arg0: i32) -> (i32, i32) {
    %c0_i32 = arith.constant 0 : i32
    %c0_i32_0 = arith.constant 0 : i32
    %c0_i32_1 = arith.constant 0 : i32
    return %c0_i32, %c0_i32_0 : i32, i32
  }
  func.func @transform_12(%arg0: i32) -> (i32, i32) {
    %c0_i32 = arith.constant 0 : i32
    %c0_i32_0 = arith.constant 0 : i32
    %c0_i32_1 = arith.constant 0 : i32
    return %c0_i32, %c0_i32_0 : i32, i32
  }
  func.func @transform_13(%arg0: i32) -> (i32, i32) {
    %c0_i32 = arith.constant 0 : i32
    %c0_i32_0 = arith.constant 0 : i32
    %c0_i32_1 = arith.constant 0 : i32
    return %c0_i32, %c0_i32_0 : i32, i32
  }
  func.func @transform_14(%arg0: i32) -> (i32, i32) {
    %c0_i32 = arith.constant 0 : i32
    %c0_i32_0 = arith.constant 0 : i32
    %c0_i32_1 = arith.constant 0 : i32
    return %c0_i32, %c0_i32_0 : i32, i32
  }
  func.func @transform_15(%arg0: i32) -> (i32, i32, i32) {
    %c0_i32 = arith.constant 0 : i32
    %c0_i32_0 = arith.constant 0 : i32
    %c0_i32_1 = arith.constant 0 : i32
    return %arg0, %c0_i32, %c0_i32_0 : i32, i32, i32
  }
  func.func @transform_16(%arg0: i32) -> (i32, i32, i32) {
    %c0_i32 = arith.constant 0 : i32
    %c0_i32_0 = arith.constant 0 : i32
    %c0_i32_1 = arith.constant 0 : i32
    return %arg0, %c0_i32, %c0_i32_0 : i32, i32, i32
  }
}

module attributes {stable_mosaic.version = 14 : i64} {
  func.func @_energy_kernel(%arg0: i32, %arg1: memref<1x512x256xf32, #tpu.memory_space<vmem>>, %arg2: memref<1x512x1xf32, #tpu.memory_space<vmem>>, %arg3: memref<1x512x1xf32, #tpu.memory_space<vmem>>, %arg4: memref<1x256xf32, #tpu.memory_space<vmem>>, %arg5: memref<256x256xf32, #tpu.memory_space<vmem>>, %arg6: memref<3x256x256xf32, #tpu.memory_space<vmem>>, %arg7: memref<1x256xf32, #tpu.memory_space<vmem>>, %arg8: memref<1x256xf32, #tpu.memory_space<vmem>>, %arg9: memref<1x256xf32, #tpu.memory_space<vmem>>, %arg10: memref<3x256x256xf32, #tpu.memory_space<vmem>>, %arg11: memref<1x256xf32, #tpu.memory_space<vmem>>, %arg12: memref<1x256xf32, #tpu.memory_space<vmem>>, %arg13: memref<1x256xf32, #tpu.memory_space<vmem>>, %arg14: memref<256x1xf32, #tpu.memory_space<vmem>>, %arg15: memref<1x1xf32, #tpu.memory_space<vmem>>, %arg16: memref<1x512x1xf32, #tpu.memory_space<vmem>>, %arg17: memref<512x256xf32, #tpu.memory_space<vmem>>) attributes {dimension_semantics = [#tpu.dimension_semantics<arbitrary>], iteration_bounds = array<i64: 17>, scalar_prefetch = 0 : i64, scratch_operands = 0 : i64, tpu.core_type = #tpu.core_type<tc>, window_params = [{transform_indices = @transform_0, window_bounds = array<i64: 1, 512, 256>}, {transform_indices = @transform_1, window_bounds = array<i64: 1, 512, 1>}, {transform_indices = @transform_2, window_bounds = array<i64: 1, 512, 1>}, {pipeline_mode = #tpu.pipeline_mode<synchronous>, transform_indices = @transform_3, window_bounds = array<i64: 1, 256>}, {pipeline_mode = #tpu.pipeline_mode<synchronous>, transform_indices = @transform_4, window_bounds = array<i64: 256, 256>}, {pipeline_mode = #tpu.pipeline_mode<synchronous>, transform_indices = @transform_5, window_bounds = array<i64: 3, 256, 256>}, {pipeline_mode = #tpu.pipeline_mode<synchronous>, transform_indices = @transform_6, window_bounds = array<i64: 1, 256>}, {pipeline_mode = #tpu.pipeline_mode<synchronous>, transform_indices = @transform_7, window_bounds = array<i64: 1, 256>}, {pipeline_mode = #tpu.pipeline_mode<synchronous>, transform_indices = @transform_8, window_bounds = array<i64: 1, 256>}, {pipeline_mode = #tpu.pipeline_mode<synchronous>, transform_indices = @transform_9, window_bounds = array<i64: 3, 256, 256>}, {pipeline_mode = #tpu.pipeline_mode<synchronous>, transform_indices = @transform_10, window_bounds = array<i64: 1, 256>}, {pipeline_mode = #tpu.pipeline_mode<synchronous>, transform_indices = @transform_11, window_bounds = array<i64: 1, 256>}, {pipeline_mode = #tpu.pipeline_mode<synchronous>, transform_indices = @transform_12, window_bounds = array<i64: 1, 256>}, {pipeline_mode = #tpu.pipeline_mode<synchronous>, transform_indices = @transform_13, window_bounds = array<i64: 256, 1>}, {pipeline_mode = #tpu.pipeline_mode<synchronous>, transform_indices = @transform_14, window_bounds = array<i64: 1, 1>}, {transform_indices = @transform_15, window_bounds = array<i64: 1, 512, 1>}, {transform_indices = @transform_16, window_bounds = array<i64: 512, 256>}]} {
    %get3A = arith.constant 0 : index
    %get3A_0 = arith.constant 0 : index
    %get3A_1 = arith.constant 0 : index
    %get3A_2 = vector.load %arg1[%get3A, %get3A_0, %get3A_1] : memref<1x512x256xf32, #tpu.memory_space<vmem>>, vector<1x512x256xf32>
    %get3A_3 = vector.shape_cast %get3A_2 : vector<1x512x256xf32> to vector<512x256xf32>
    %get3A_4 = arith.constant 0 : index
    %get3A_5 = arith.constant 0 : index
    %get3A_6 = arith.constant 0 : index
    %get3A_7 = vector.load %arg2[%get3A_4, %get3A_5, %get3A_6] : memref<1x512x1xf32, #tpu.memory_space<vmem>>, vector<1x512x1xf32>
    %get3A_8 = vector.shape_cast %get3A_7 : vector<1x512x1xf32> to vector<512x1xf32>
    %sub3A = arith.constant 1.000000e+00 : f32
    %sub3A_9 = vector.broadcast %sub3A : f32 to vector<512x1xf32>
    %sub3A_10 = arith.subf %sub3A_9, %get3A_8 : vector<512x1xf32>
    %broadcast_in_dim3A = arith.constant 0.000000e+00 : f32
    %broadcast_in_dim3A_11 = vector.broadcast %broadcast_in_dim3A : f32 to vector<1x256xf32>
    %slice3A = vector.extract_strided_slice %get3A_3 {offsets = [0, 0], sizes = [511, 256], strides = [1, 1]} : vector<512x256xf32> to vector<511x256xf32>
    %concatenate3A = tpu.concatenate %broadcast_in_dim3A_11, %slice3A in 0 : vector<1x256xf32>, vector<511x256xf32> -> vector<512x256xf32>
    %slice3A_12 = vector.extract_strided_slice %get3A_3 {offsets = [1, 0], sizes = [511, 256], strides = [1, 1]} : vector<512x256xf32> to vector<511x256xf32>
    %concatenate3A_13 = tpu.concatenate %slice3A_12, %broadcast_in_dim3A_11 in 0 : vector<511x256xf32>, vector<1x256xf32> -> vector<512x256xf32>
    %get3A_14 = arith.constant 0 : index
    %get3A_15 = arith.constant 0 : index
    %get3A_16 = arith.constant 0 : index
    %get3A_17 = vector.load %arg6[%get3A_14, %get3A_15, %get3A_16] : memref<3x256x256xf32, #tpu.memory_space<vmem>>, vector<1x256x256xf32>
    %get3A_18 = vector.shape_cast %get3A_17 : vector<1x256x256xf32> to vector<256x256xf32>
    %dot_general3A = arith.constant dense<0.000000e+00> : vector<512x256xf32>
    %dot_general3A_19 = tpu.matmul %concatenate3A, %get3A_18, %dot_general3A {dimension_numbers = #tpu.dot_dimension_numbers<[1], [0], [0], [1], [0, 0, 1, 1], [], []>, transpose_lhs_hint = false} : vector<512x256xf32>, vector<256x256xf32>, vector<512x256xf32> -> vector<512x256xf32>
    %get3A_20 = arith.constant 1 : index
    %get3A_21 = arith.constant 0 : index
    %get3A_22 = arith.constant 0 : index
    %get3A_23 = vector.load %arg6[%get3A_20, %get3A_21, %get3A_22] : memref<3x256x256xf32, #tpu.memory_space<vmem>>, vector<1x256x256xf32>
    %get3A_24 = vector.shape_cast %get3A_23 : vector<1x256x256xf32> to vector<256x256xf32>
    %dot_general3A_25 = arith.constant dense<0.000000e+00> : vector<512x256xf32>
    %dot_general3A_26 = tpu.matmul %get3A_3, %get3A_24, %dot_general3A_25 {dimension_numbers = #tpu.dot_dimension_numbers<[1], [0], [0], [1], [0, 0, 1, 1], [], []>, transpose_lhs_hint = false} : vector<512x256xf32>, vector<256x256xf32>, vector<512x256xf32> -> vector<512x256xf32>
    %add3A = arith.addf %dot_general3A_19, %dot_general3A_26 : vector<512x256xf32>
    %get3A_27 = arith.constant 2 : index
    %get3A_28 = arith.constant 0 : index
    %get3A_29 = arith.constant 0 : index
    %get3A_30 = vector.load %arg6[%get3A_27, %get3A_28, %get3A_29] : memref<3x256x256xf32, #tpu.memory_space<vmem>>, vector<1x256x256xf32>
    %get3A_31 = vector.shape_cast %get3A_30 : vector<1x256x256xf32> to vector<256x256xf32>
    %dot_general3A_32 = arith.constant dense<0.000000e+00> : vector<512x256xf32>
    %dot_general3A_33 = tpu.matmul %concatenate3A_13, %get3A_31, %dot_general3A_32 {dimension_numbers = #tpu.dot_dimension_numbers<[1], [0], [0], [1], [0, 0, 1, 1], [], []>, transpose_lhs_hint = false} : vector<512x256xf32>, vector<256x256xf32>, vector<512x256xf32> -> vector<512x256xf32>
    %add3A_34 = arith.addf %add3A, %dot_general3A_33 : vector<512x256xf32>
    %get3A_35 = arith.constant 0 : index
    %get3A_36 = arith.constant 0 : index
    %get3A_37 = vector.load %arg7[%get3A_35, %get3A_36] : memref<1x256xf32, #tpu.memory_space<vmem>>, vector<1x256xf32>
    %add3A_38 = vector.broadcast %get3A_37 : vector<1x256xf32> to vector<512x256xf32>
    %add3A_39 = arith.addf %add3A_34, %add3A_38 : vector<512x256xf32>
    %max3A = arith.constant 0.000000e+00 : f32
    %max3A_40 = vector.broadcast %max3A : f32 to vector<512x256xf32>
    %max3A_41 = arith.maximumf %add3A_39, %max3A_40 : vector<512x256xf32>
    %get3A_42 = arith.constant 0 : index
    %get3A_43 = arith.constant 0 : index
    %get3A_44 = vector.load %arg8[%get3A_42, %get3A_43] : memref<1x256xf32, #tpu.memory_space<vmem>>, vector<1x256xf32>
    %get3A_45 = arith.constant 0 : index
    %get3A_46 = arith.constant 0 : index
    %get3A_47 = vector.load %arg9[%get3A_45, %get3A_46] : memref<1x256xf32, #tpu.memory_space<vmem>>, vector<1x256xf32>
    %reduce_sum3A = arith.constant dense<0.000000e+00> : vector<512xf32>
    %reduce_sum3A_48 = vector.multi_reduction <add>, %max3A_41, %reduce_sum3A [1] : vector<512x256xf32> to vector<512xf32>
    %broadcast_in_dim3A_49 = vector.shape_cast %reduce_sum3A_48 : vector<512xf32> to vector<512x1xf32>
    %div3A = arith.constant 2.560000e+02 : f32
    %div3A_50 = vector.broadcast %div3A : f32 to vector<512x1xf32>
    %div3A_51 = arith.divf %broadcast_in_dim3A_49, %div3A_50 : vector<512x1xf32>
    %jit3A = arith.constant 0 : i32
    %reduce_sum3A_52 = arith.constant dense<0.000000e+00> : vector<512xf32>
    %reduce_sum3A_53 = vector.multi_reduction <add>, %max3A_41, %reduce_sum3A_52 [1] : vector<512x256xf32> to vector<512xf32>
    %broadcast_in_dim3A_54 = vector.shape_cast %reduce_sum3A_53 : vector<512xf32> to vector<512x1xf32>
    %div3A_55 = arith.constant 2.560000e+02 : f32
    %div3A_56 = vector.broadcast %div3A_55 : f32 to vector<512x1xf32>
    %div3A_57 = arith.divf %broadcast_in_dim3A_54, %div3A_56 : vector<512x1xf32>
    %sub3A_58 = vector.broadcast %div3A_57 : vector<512x1xf32> to vector<512x256xf32>
    %sub3A_59 = arith.subf %max3A_41, %sub3A_58 : vector<512x256xf32>
    %square3A = arith.mulf %sub3A_59, %sub3A_59 : vector<512x256xf32>
    %convert_element_type3A = arith.sitofp %jit3A : i32 to f32
    %sub3A_60 = arith.constant 2.560000e+02 : f32
    %sub3A_61 = arith.subf %sub3A_60, %convert_element_type3A : f32
    %reduce_sum3A_62 = arith.constant dense<0.000000e+00> : vector<512xf32>
    %reduce_sum3A_63 = vector.multi_reduction <add>, %square3A, %reduce_sum3A_62 [1] : vector<512x256xf32> to vector<512xf32>
    %broadcast_in_dim3A_64 = vector.shape_cast %reduce_sum3A_63 : vector<512xf32> to vector<512x1xf32>
    %div3A_65 = vector.broadcast %sub3A_61 : f32 to vector<512x1xf32>
    %div3A_66 = arith.divf %broadcast_in_dim3A_64, %div3A_65 : vector<512x1xf32>
    %gt3A = arith.constant 0.000000e+00 : f32
    %gt3A_67 = arith.cmpf ogt, %sub3A_61, %gt3A : f32
    %jit3A_68 = arith.constant 0x7FC00000 : f32
    %broadcast_in_dim3A_69 = vector.broadcast %jit3A_68 : f32 to vector<512x1xf32>
    %select_n3A = arith.select %gt3A_67, %div3A_66, %broadcast_in_dim3A_69 : vector<512x1xf32>
    %sub3A_70 = vector.broadcast %div3A_51 : vector<512x1xf32> to vector<512x256xf32>
    %sub3A_71 = arith.subf %max3A_41, %sub3A_70 : vector<512x256xf32>
    %add3A_72 = arith.constant 9.99999974E-6 : f32
    %add3A_73 = vector.broadcast %add3A_72 : f32 to vector<512x1xf32>
    %add3A_74 = arith.addf %select_n3A, %add3A_73 : vector<512x1xf32>
    %sqrt3A = math.sqrt %add3A_74 : vector<512x1xf32>
    %div3A_75 = vector.broadcast %sqrt3A : vector<512x1xf32> to vector<512x256xf32>
    %div3A_76 = arith.divf %sub3A_71, %div3A_75 : vector<512x256xf32>
    %mul3A = vector.broadcast %get3A_44 : vector<1x256xf32> to vector<512x256xf32>
    %mul3A_77 = arith.mulf %div3A_76, %mul3A : vector<512x256xf32>
    %add3A_78 = vector.broadcast %get3A_47 : vector<1x256xf32> to vector<512x256xf32>
    %add3A_79 = arith.addf %mul3A_77, %add3A_78 : vector<512x256xf32>
    %broadcast_in_dim3A_80 = arith.constant 0.000000e+00 : f32
    %broadcast_in_dim3A_81 = vector.broadcast %broadcast_in_dim3A_80 : f32 to vector<1x256xf32>
    %slice3A_82 = vector.extract_strided_slice %add3A_79 {offsets = [0, 0], sizes = [511, 256], strides = [1, 1]} : vector<512x256xf32> to vector<511x256xf32>
    %concatenate3A_83 = tpu.concatenate %broadcast_in_dim3A_81, %slice3A_82 in 0 : vector<1x256xf32>, vector<511x256xf32> -> vector<512x256xf32>
    %slice3A_84 = vector.extract_strided_slice %add3A_79 {offsets = [1, 0], sizes = [511, 256], strides = [1, 1]} : vector<512x256xf32> to vector<511x256xf32>
    %concatenate3A_85 = tpu.concatenate %slice3A_84, %broadcast_in_dim3A_81 in 0 : vector<511x256xf32>, vector<1x256xf32> -> vector<512x256xf32>
    %get3A_86 = arith.constant 0 : index
    %get3A_87 = arith.constant 0 : index
    %get3A_88 = arith.constant 0 : index
    %get3A_89 = vector.load %arg10[%get3A_86, %get3A_87, %get3A_88] : memref<3x256x256xf32, #tpu.memory_space<vmem>>, vector<1x256x256xf32>
    %get3A_90 = vector.shape_cast %get3A_89 : vector<1x256x256xf32> to vector<256x256xf32>
    %dot_general3A_91 = arith.constant dense<0.000000e+00> : vector<512x256xf32>
    %dot_general3A_92 = tpu.matmul %concatenate3A_83, %get3A_90, %dot_general3A_91 {dimension_numbers = #tpu.dot_dimension_numbers<[1], [0], [0], [1], [0, 0, 1, 1], [], []>, transpose_lhs_hint = false} : vector<512x256xf32>, vector<256x256xf32>, vector<512x256xf32> -> vector<512x256xf32>
    %get3A_93 = arith.constant 1 : index
    %get3A_94 = arith.constant 0 : index
    %get3A_95 = arith.constant 0 : index
    %get3A_96 = vector.load %arg10[%get3A_93, %get3A_94, %get3A_95] : memref<3x256x256xf32, #tpu.memory_space<vmem>>, vector<1x256x256xf32>
    %get3A_97 = vector.shape_cast %get3A_96 : vector<1x256x256xf32> to vector<256x256xf32>
    %dot_general3A_98 = arith.constant dense<0.000000e+00> : vector<512x256xf32>
    %dot_general3A_99 = tpu.matmul %add3A_79, %get3A_97, %dot_general3A_98 {dimension_numbers = #tpu.dot_dimension_numbers<[1], [0], [0], [1], [0, 0, 1, 1], [], []>, transpose_lhs_hint = false} : vector<512x256xf32>, vector<256x256xf32>, vector<512x256xf32> -> vector<512x256xf32>
    %add3A_100 = arith.addf %dot_general3A_92, %dot_general3A_99 : vector<512x256xf32>
    %get3A_101 = arith.constant 2 : index
    %get3A_102 = arith.constant 0 : index
    %get3A_103 = arith.constant 0 : index
    %get3A_104 = vector.load %arg10[%get3A_101, %get3A_102, %get3A_103] : memref<3x256x256xf32, #tpu.memory_space<vmem>>, vector<1x256x256xf32>
    %get3A_105 = vector.shape_cast %get3A_104 : vector<1x256x256xf32> to vector<256x256xf32>
    %dot_general3A_106 = arith.constant dense<0.000000e+00> : vector<512x256xf32>
    %dot_general3A_107 = tpu.matmul %concatenate3A_85, %get3A_105, %dot_general3A_106 {dimension_numbers = #tpu.dot_dimension_numbers<[1], [0], [0], [1], [0, 0, 1, 1], [], []>, transpose_lhs_hint = false} : vector<512x256xf32>, vector<256x256xf32>, vector<512x256xf32> -> vector<512x256xf32>
    %add3A_108 = arith.addf %add3A_100, %dot_general3A_107 : vector<512x256xf32>
    %get3A_109 = arith.constant 0 : index
    %get3A_110 = arith.constant 0 : index
    %get3A_111 = vector.load %arg11[%get3A_109, %get3A_110] : memref<1x256xf32, #tpu.memory_space<vmem>>, vector<1x256xf32>
    %add3A_112 = vector.broadcast %get3A_111 : vector<1x256xf32> to vector<512x256xf32>
    %add3A_113 = arith.addf %add3A_108, %add3A_112 : vector<512x256xf32>
    %max3A_114 = arith.constant 0.000000e+00 : f32
    %max3A_115 = vector.broadcast %max3A_114 : f32 to vector<512x256xf32>
    %max3A_116 = arith.maximumf %add3A_113, %max3A_115 : vector<512x256xf32>
    %get3A_117 = arith.constant 0 : index
    %get3A_118 = arith.constant 0 : index
    %get3A_119 = vector.load %arg12[%get3A_117, %get3A_118] : memref<1x256xf32, #tpu.memory_space<vmem>>, vector<1x256xf32>
    %get3A_120 = arith.constant 0 : index
    %get3A_121 = arith.constant 0 : index
    %get3A_122 = vector.load %arg13[%get3A_120, %get3A_121] : memref<1x256xf32, #tpu.memory_space<vmem>>, vector<1x256xf32>
    %reduce_sum3A_123 = arith.constant dense<0.000000e+00> : vector<512xf32>
    %reduce_sum3A_124 = vector.multi_reduction <add>, %max3A_116, %reduce_sum3A_123 [1] : vector<512x256xf32> to vector<512xf32>
    %broadcast_in_dim3A_125 = vector.shape_cast %reduce_sum3A_124 : vector<512xf32> to vector<512x1xf32>
    %div3A_126 = arith.constant 2.560000e+02 : f32
    %div3A_127 = vector.broadcast %div3A_126 : f32 to vector<512x1xf32>
    %div3A_128 = arith.divf %broadcast_in_dim3A_125, %div3A_127 : vector<512x1xf32>
    %jit3A_129 = arith.constant 0 : i32
    %reduce_sum3A_130 = arith.constant dense<0.000000e+00> : vector<512xf32>
    %reduce_sum3A_131 = vector.multi_reduction <add>, %max3A_116, %reduce_sum3A_130 [1] : vector<512x256xf32> to vector<512xf32>
    %broadcast_in_dim3A_132 = vector.shape_cast %reduce_sum3A_131 : vector<512xf32> to vector<512x1xf32>
    %div3A_133 = arith.constant 2.560000e+02 : f32
    %div3A_134 = vector.broadcast %div3A_133 : f32 to vector<512x1xf32>
    %div3A_135 = arith.divf %broadcast_in_dim3A_132, %div3A_134 : vector<512x1xf32>
    %sub3A_136 = vector.broadcast %div3A_135 : vector<512x1xf32> to vector<512x256xf32>
    %sub3A_137 = arith.subf %max3A_116, %sub3A_136 : vector<512x256xf32>
    %square3A_138 = arith.mulf %sub3A_137, %sub3A_137 : vector<512x256xf32>
    %convert_element_type3A_139 = arith.sitofp %jit3A_129 : i32 to f32
    %sub3A_140 = arith.constant 2.560000e+02 : f32
    %sub3A_141 = arith.subf %sub3A_140, %convert_element_type3A_139 : f32
    %reduce_sum3A_142 = arith.constant dense<0.000000e+00> : vector<512xf32>
    %reduce_sum3A_143 = vector.multi_reduction <add>, %square3A_138, %reduce_sum3A_142 [1] : vector<512x256xf32> to vector<512xf32>
    %broadcast_in_dim3A_144 = vector.shape_cast %reduce_sum3A_143 : vector<512xf32> to vector<512x1xf32>
    %div3A_145 = vector.broadcast %sub3A_141 : f32 to vector<512x1xf32>
    %div3A_146 = arith.divf %broadcast_in_dim3A_144, %div3A_145 : vector<512x1xf32>
    %gt3A_147 = arith.constant 0.000000e+00 : f32
    %gt3A_148 = arith.cmpf ogt, %sub3A_141, %gt3A_147 : f32
    %jit3A_149 = arith.constant 0x7FC00000 : f32
    %broadcast_in_dim3A_150 = vector.broadcast %jit3A_149 : f32 to vector<512x1xf32>
    %select_n3A_151 = arith.select %gt3A_148, %div3A_146, %broadcast_in_dim3A_150 : vector<512x1xf32>
    %sub3A_152 = vector.broadcast %div3A_128 : vector<512x1xf32> to vector<512x256xf32>
    %sub3A_153 = arith.subf %max3A_116, %sub3A_152 : vector<512x256xf32>
    %add3A_154 = arith.constant 9.99999974E-6 : f32
    %add3A_155 = vector.broadcast %add3A_154 : f32 to vector<512x1xf32>
    %add3A_156 = arith.addf %select_n3A_151, %add3A_155 : vector<512x1xf32>
    %sqrt3A_157 = math.sqrt %add3A_156 : vector<512x1xf32>
    %div3A_158 = vector.broadcast %sqrt3A_157 : vector<512x1xf32> to vector<512x256xf32>
    %div3A_159 = arith.divf %sub3A_153, %div3A_158 : vector<512x256xf32>
    %mul3A_160 = vector.broadcast %get3A_119 : vector<1x256xf32> to vector<512x256xf32>
    %mul3A_161 = arith.mulf %div3A_159, %mul3A_160 : vector<512x256xf32>
    %add3A_162 = vector.broadcast %get3A_122 : vector<1x256xf32> to vector<512x256xf32>
    %add3A_163 = arith.addf %mul3A_161, %add3A_162 : vector<512x256xf32>
    %get3A_164 = arith.constant 0 : index
    %get3A_165 = arith.constant 0 : index
    %get3A_166 = vector.load %arg14[%get3A_164, %get3A_165] : memref<256x1xf32, #tpu.memory_space<vmem>>, vector<256x1xf32>
    %dot_general3A_167 = arith.constant dense<0.000000e+00> : vector<512x1xf32>
    %dot_general3A_168 = tpu.matmul %add3A_163, %get3A_166, %dot_general3A_167 {dimension_numbers = #tpu.dot_dimension_numbers<[1], [0], [0], [1], [0, 0, 1, 1], [], []>, transpose_lhs_hint = false} : vector<512x256xf32>, vector<256x1xf32>, vector<512x1xf32> -> vector<512x1xf32>
    %get3A_169 = arith.constant 0 : index
    %get3A_170 = arith.constant 0 : index
    %get3A_171 = vector.load %arg15[%get3A_169, %get3A_170] : memref<1x1xf32, #tpu.memory_space<vmem>>, vector<1x1xf32>
    %add3A_172 = vector.broadcast %get3A_171 : vector<1x1xf32> to vector<512x1xf32>
    %add3A_173 = arith.addf %dot_general3A_168, %add3A_172 : vector<512x1xf32>
    %mul3A_174 = arith.mulf %add3A_173, %sub3A_10 : vector<512x1xf32>
    %swap3A = arith.constant 0 : index
    %swap3A_175 = arith.constant 0 : index
    %swap3A_176 = arith.constant 0 : index
    %swap3A_177 = vector.load %arg16[%swap3A, %swap3A_175, %swap3A_176] : memref<1x512x1xf32, #tpu.memory_space<vmem>>, vector<1x512x1xf32>
    %swap3A_178 = vector.shape_cast %swap3A_177 : vector<1x512x1xf32> to vector<512x1xf32>
    %swap3A_179 = vector.shape_cast %mul3A_174 : vector<512x1xf32> to vector<1x512x1xf32>
    tpu.vector_store %arg16[%swap3A, %swap3A_175, %swap3A_176], %swap3A_179 {strides = array<i32>} : memref<1x512x1xf32, #tpu.memory_space<vmem>>, vector<1x512x1xf32>,
    %lt3A = arith.constant 16 : i32
    %lt3A_180 = arith.cmpi slt, %arg0, %lt3A : i32
    %convert_element_type3A_181 = arith.extui %lt3A_180 : i1 to i32
    %convert_element_type3A_182 = arith.sitofp %convert_element_type3A_181 : i32 to f32
    %get3A_183 = arith.constant 0 : index
    %get3A_184 = arith.constant 0 : index
    %get3A_185 = arith.constant 0 : index
    %get3A_186 = vector.load %arg3[%get3A_183, %get3A_184, %get3A_185] : memref<1x512x1xf32, #tpu.memory_space<vmem>>, vector<1x512x1xf32>
    %get3A_187 = vector.shape_cast %get3A_186 : vector<1x512x1xf32> to vector<512x1xf32>
    %get3A_188 = arith.constant 0 : index
    %get3A_189 = arith.constant 0 : index
    %get3A_190 = vector.load %arg4[%get3A_188, %get3A_189] : memref<1x256xf32, #tpu.memory_space<vmem>>, vector<1x256xf32>
    %lt3A_191 = vector.broadcast %get3A_190 : vector<1x256xf32> to vector<512x256xf32>
    %lt3A_192 = vector.broadcast %get3A_187 : vector<512x1xf32> to vector<512x256xf32>
    %lt3A_193 = arith.cmpf olt, %lt3A_191, %lt3A_192 : vector<512x256xf32>
    %convert_element_type3A_194 = arith.extui %lt3A_193 : vector<512x256xi1> to vector<512x256xi32>
    %reduce_sum3A_195 = arith.constant dense<0> : vector<512xi32>
    %reduce_sum3A_196 = vector.multi_reduction <add>, %convert_element_type3A_194, %reduce_sum3A_195 [1] : vector<512x256xi32> to vector<512xi32>
    %broadcast_in_dim3A_197 = vector.shape_cast %reduce_sum3A_196 : vector<512xi32> to vector<512x1xi32>
    %iota3A = tpu.iota {dimensions = array<i32: 1>} : vector<1x256xi32>
    %eq3A = vector.broadcast %broadcast_in_dim3A_197 : vector<512x1xi32> to vector<512x256xi32>
    %eq3A_198 = vector.broadcast %iota3A : vector<1x256xi32> to vector<512x256xi32>
    %eq3A_199 = arith.cmpi eq, %eq3A, %eq3A_198 : vector<512x256xi32>
    %convert_element_type3A_200 = arith.extui %eq3A_199 : vector<512x256xi1> to vector<512x256xi32>
    %convert_element_type3A_201 = arith.sitofp %convert_element_type3A_200 : vector<512x256xi32> to vector<512x256xf32>
    %get3A_202 = arith.constant 0 : index
    %get3A_203 = arith.constant 0 : index
    %get3A_204 = vector.load %arg5[%get3A_202, %get3A_203] : memref<256x256xf32, #tpu.memory_space<vmem>>, vector<256x256xf32>
    %dot_general3A_205 = arith.constant dense<0.000000e+00> : vector<512x256xf32>
    %dot_general3A_206 = tpu.matmul %convert_element_type3A_201, %get3A_204, %dot_general3A_205 {dimension_numbers = #tpu.dot_dimension_numbers<[1], [0], [0], [1], [0, 0, 1, 1], [], []>, transpose_lhs_hint = false} : vector<512x256xf32>, vector<256x256xf32>, vector<512x256xf32> -> vector<512x256xf32>
    %add3A_207 = arith.addf %get3A_3, %dot_general3A_206 : vector<512x256xf32>
    %mul3A_208 = vector.broadcast %convert_element_type3A_182 : f32 to vector<512x256xf32>
    %mul3A_209 = arith.mulf %add3A_207, %mul3A_208 : vector<512x256xf32>
    %swap3A_210 = arith.constant 0 : index
    %swap3A_211 = arith.constant 0 : index
    %swap3A_212 = vector.load %arg17[%swap3A_210, %swap3A_211] : memref<512x256xf32, #tpu.memory_space<vmem>>, vector<512x256xf32>
    tpu.vector_store %arg17[%swap3A_210, %swap3A_211], %mul3A_209 {strides = array<i32>} : memref<512x256xf32, #tpu.memory_space<vmem>>, vector<512x256xf32>,
    return
  }
  func.func @transform_0(%arg0: i32) -> (i32, i32, i32) {
    %min3A = arith.constant 15 : i32
    %min3A_0 = arith.minsi %arg0, %min3A : i32
    %c0_i32 = arith.constant 0 : i32
    %c0_i32_1 = arith.constant 0 : i32
    %c0_i32_2 = arith.constant 0 : i32
    return %min3A_0, %c0_i32, %c0_i32_1 : i32, i32, i32
  }
  func.func @transform_1(%arg0: i32) -> (i32, i32, i32) {
    %min3A = arith.constant 15 : i32
    %min3A_0 = arith.minsi %arg0, %min3A : i32
    %c0_i32 = arith.constant 0 : i32
    %c0_i32_1 = arith.constant 0 : i32
    %c0_i32_2 = arith.constant 0 : i32
    return %min3A_0, %c0_i32, %c0_i32_1 : i32, i32, i32
  }
  func.func @transform_2(%arg0: i32) -> (i32, i32, i32) {
    %min3A = arith.constant 15 : i32
    %min3A_0 = arith.minsi %arg0, %min3A : i32
    %c0_i32 = arith.constant 0 : i32
    %c0_i32_1 = arith.constant 0 : i32
    %c0_i32_2 = arith.constant 0 : i32
    return %min3A_0, %c0_i32, %c0_i32_1 : i32, i32, i32
  }
  func.func @transform_3(%arg0: i32) -> (i32, i32) {
    %c0_i32 = arith.constant 0 : i32
    %c0_i32_0 = arith.constant 0 : i32
    %c0_i32_1 = arith.constant 0 : i32
    return %c0_i32, %c0_i32_0 : i32, i32
  }
  func.func @transform_4(%arg0: i32) -> (i32, i32) {
    %c0_i32 = arith.constant 0 : i32
    %c0_i32_0 = arith.constant 0 : i32
    %c0_i32_1 = arith.constant 0 : i32
    return %c0_i32, %c0_i32_0 : i32, i32
  }
  func.func @transform_5(%arg0: i32) -> (i32, i32, i32) {
    %c0_i32 = arith.constant 0 : i32
    %c0_i32_0 = arith.constant 0 : i32
    %c0_i32_1 = arith.constant 0 : i32
    %c0_i32_2 = arith.constant 0 : i32
    return %c0_i32, %c0_i32_0, %c0_i32_1 : i32, i32, i32
  }
  func.func @transform_6(%arg0: i32) -> (i32, i32) {
    %c0_i32 = arith.constant 0 : i32
    %c0_i32_0 = arith.constant 0 : i32
    %c0_i32_1 = arith.constant 0 : i32
    return %c0_i32, %c0_i32_0 : i32, i32
  }
  func.func @transform_7(%arg0: i32) -> (i32, i32) {
    %c0_i32 = arith.constant 0 : i32
    %c0_i32_0 = arith.constant 0 : i32
    %c0_i32_1 = arith.constant 0 : i32
    return %c0_i32, %c0_i32_0 : i32, i32
  }
  func.func @transform_8(%arg0: i32) -> (i32, i32) {
    %c0_i32 = arith.constant 0 : i32
    %c0_i32_0 = arith.constant 0 : i32
    %c0_i32_1 = arith.constant 0 : i32
    return %c0_i32, %c0_i32_0 : i32, i32
  }
  func.func @transform_9(%arg0: i32) -> (i32, i32, i32) {
    %c0_i32 = arith.constant 0 : i32
    %c0_i32_0 = arith.constant 0 : i32
    %c0_i32_1 = arith.constant 0 : i32
    %c0_i32_2 = arith.constant 0 : i32
    return %c0_i32, %c0_i32_0, %c0_i32_1 : i32, i32, i32
  }
  func.func @transform_10(%arg0: i32) -> (i32, i32) {
    %c0_i32 = arith.constant 0 : i32
    %c0_i32_0 = arith.constant 0 : i32
    %c0_i32_1 = arith.constant 0 : i32
    return %c0_i32, %c0_i32_0 : i32, i32
  }
  func.func @transform_11(%arg0: i32) -> (i32, i32) {
    %c0_i32 = arith.constant 0 : i32
    %c0_i32_0 = arith.constant 0 : i32
    %c0_i32_1 = arith.constant 0 : i32
    return %c0_i32, %c0_i32_0 : i32, i32
  }
  func.func @transform_12(%arg0: i32) -> (i32, i32) {
    %c0_i32 = arith.constant 0 : i32
    %c0_i32_0 = arith.constant 0 : i32
    %c0_i32_1 = arith.constant 0 : i32
    return %c0_i32, %c0_i32_0 : i32, i32
  }
  func.func @transform_13(%arg0: i32) -> (i32, i32) {
    %c0_i32 = arith.constant 0 : i32
    %c0_i32_0 = arith.constant 0 : i32
    %c0_i32_1 = arith.constant 0 : i32
    return %c0_i32, %c0_i32_0 : i32, i32
  }
  func.func @transform_14(%arg0: i32) -> (i32, i32) {
    %c0_i32 = arith.constant 0 : i32
    %c0_i32_0 = arith.constant 0 : i32
    %c0_i32_1 = arith.constant 0 : i32
    return %c0_i32, %c0_i32_0 : i32, i32
  }
  func.func @transform_15(%arg0: i32) -> (i32, i32, i32) {
    %min3A = arith.constant 15 : i32
    %min3A_0 = arith.minsi %arg0, %min3A : i32
    %c0_i32 = arith.constant 0 : i32
    %c0_i32_1 = arith.constant 0 : i32
    %c0_i32_2 = arith.constant 0 : i32
    return %min3A_0, %c0_i32, %c0_i32_1 : i32, i32, i32
  }
  func.func @transform_16(%arg0: i32) -> (i32, i32) {
    %c0_i32 = arith.constant 0 : i32
    %c0_i32_0 = arith.constant 0 : i32
    return %arg0, %c0_i32 : i32, i32
  }
}

module attributes {stable_mosaic.version = 14 : i64} {
  func.func @_index_body(%arg0: i32, %arg1: memref<1x1x512xf32, #tpu.memory_space<vmem>>, %arg2: memref<1x1xi32, #tpu.memory_space<smem>>, %arg3: memref<1x4096x1xi32, #tpu.memory_space<vmem>>, %arg4: memref<1x1x1xi32, #tpu.memory_space<vmem>>) attributes {dimension_semantics = [#tpu.dimension_semantics<arbitrary>], iteration_bounds = array<i64: 16>, scalar_prefetch = 0 : i64, scratch_operands = 0 : i64, tpu.core_type = #tpu.core_type<tc>, window_params = [{transform_indices = @transform_0, window_bounds = array<i64: 1, 1, 512>}, {transform_indices = @transform_1, window_bounds = array<i64: 1, 1>}, {transform_indices = @transform_2, window_bounds = array<i64: 1, 4096, 1>}, {transform_indices = @transform_3, window_bounds = array<i64: 1, 1, 1>}]} {
    %get3A = arith.constant 0 : index
    %get3A_0 = arith.constant 0 : index
    %get3A_1 = arith.constant 0 : index
    %get3A_2 = vector.load %arg1[%get3A, %get3A_0, %get3A_1] : memref<1x1x512xf32, #tpu.memory_space<vmem>>, vector<1x1x512xf32>
    %get3A_3 = vector.shape_cast %get3A_2 : vector<1x1x512xf32> to vector<1x512xf32>
    %iota3A = tpu.iota {dimensions = array<i32: 0>} : vector<512x512xi32>
    %iota3A_4 = tpu.iota {dimensions = array<i32: 1>} : vector<512x512xi32>
    %le3A = arith.cmpi sle, %iota3A, %iota3A_4 : vector<512x512xi32>
    %convert_element_type3A = arith.extui %le3A : vector<512x512xi1> to vector<512x512xi32>
    %convert_element_type3A_5 = arith.sitofp %convert_element_type3A : vector<512x512xi32> to vector<512x512xf32>
    %dot_general3A = arith.constant dense<0.000000e+00> : vector<1x512xf32>
    %dot_general3A_6 = tpu.matmul %get3A_3, %convert_element_type3A_5, %dot_general3A {dimension_numbers = #tpu.dot_dimension_numbers<[1], [0], [0], [1], [0, 0, 1, 1], [], []>, transpose_lhs_hint = false} : vector<1x512xf32>, vector<512x512xf32>, vector<1x512xf32> -> vector<1x512xf32>
    %slice3A = vector.extract_strided_slice %dot_general3A_6 {offsets = [0, 511], sizes = [1, 1], strides = [1, 1]} : vector<1x512xf32> to vector<1x1xf32>
    %convert_element_type3A_7 = arith.fptosi %slice3A : vector<1x1xf32> to vector<1x1xi32>
    %swap3A = arith.constant 0 : index
    %swap3A_8 = arith.constant 0 : index
    %swap3A_9 = arith.constant 0 : index
    %swap3A_10 = vector.load %arg4[%swap3A, %swap3A_8, %swap3A_9] : memref<1x1x1xi32, #tpu.memory_space<vmem>>, vector<1x1x1xi32>
    %swap3A_11 = vector.shape_cast %swap3A_10 : vector<1x1x1xi32> to vector<1x1xi32>
    %swap3A_12 = vector.shape_cast %convert_element_type3A_7 : vector<1x1xi32> to vector<1x1x1xi32>
    tpu.vector_store %arg4[%swap3A, %swap3A_8, %swap3A_9], %swap3A_12 {strides = array<i32>} : memref<1x1x1xi32, #tpu.memory_space<vmem>>, vector<1x1x1xi32>,
    %get3A_13 = arith.constant 0 : index
    %get3A_14 = arith.constant 0 : index
    %get3A_15 = memref.load %arg2[%get3A_13, %get3A_14] : memref<1x1xi32, #tpu.memory_space<smem>>
    %convert_element_type3A_16 = arith.sitofp %get3A_15 : i32 to f32
    %convert_element_type3A_17 = arith.sitofp %arg0 : i32 to f32
    %mul3A = arith.constant 5.120000e+02 : f32
    %mul3A_18 = arith.mulf %convert_element_type3A_17, %mul3A : f32
    %iota3A_19 = tpu.iota {dimensions = array<i32: 0>} : vector<512x1xi32>
    %convert_element_type3A_20 = arith.sitofp %iota3A_19 : vector<512x1xi32> to vector<512x1xf32>
    %add3A = arith.constant 0.000000e+00 : f32
    %add3A_21 = vector.broadcast %add3A : f32 to vector<512x1xf32>
    %add3A_22 = arith.addf %convert_element_type3A_20, %add3A_21 : vector<512x1xf32>
    %le3A_23 = vector.broadcast %dot_general3A_6 : vector<1x512xf32> to vector<512x512xf32>
    %le3A_24 = vector.broadcast %add3A_22 : vector<512x1xf32> to vector<512x512xf32>
    %le3A_25 = arith.cmpf ole, %le3A_23, %le3A_24 : vector<512x512xf32>
    %convert_element_type3A_26 = arith.extui %le3A_25 : vector<512x512xi1> to vector<512x512xi32>
    %convert_element_type3A_27 = arith.sitofp %convert_element_type3A_26 : vector<512x512xi32> to vector<512x512xf32>
    %reduce_sum3A = arith.constant dense<0.000000e+00> : vector<512xf32>
    %reduce_sum3A_28 = vector.multi_reduction <add>, %convert_element_type3A_27, %reduce_sum3A [1] : vector<512x512xf32> to vector<512xf32>
    %broadcast_in_dim3A = vector.shape_cast %reduce_sum3A_28 : vector<512xf32> to vector<512x1xf32>
    %lt3A = arith.constant 5.120000e+02 : f32
    %lt3A_29 = vector.broadcast %lt3A : f32 to vector<512x1xf32>
    %lt3A_30 = arith.cmpf olt, %broadcast_in_dim3A, %lt3A_29 : vector<512x1xf32>
    %lt3A_31 = vector.broadcast %convert_element_type3A_16 : f32 to vector<512x1xf32>
    %lt3A_32 = arith.cmpf olt, %add3A_22, %lt3A_31 : vector<512x1xf32>
    %and3A = arith.andi %lt3A_30, %lt3A_32 : vector<512x1xi1>
    %add3A_33 = vector.broadcast %mul3A_18 : f32 to vector<512x1xf32>
    %add3A_34 = arith.addf %broadcast_in_dim3A, %add3A_33 : vector<512x1xf32>
    %jit3A = arith.constant 8.192000e+03 : f32
    %broadcast_in_dim3A_35 = vector.broadcast %jit3A : f32 to vector<512x1xf32>
    %select_n3A = arith.select %and3A, %add3A_34, %broadcast_in_dim3A_35 : vector<512x1xi1>, vector<512x1xf32>
    %iota3A_36 = tpu.iota {dimensions = array<i32: 0>} : vector<512x1xi32>
    %convert_element_type3A_37 = arith.sitofp %iota3A_36 : vector<512x1xi32> to vector<512x1xf32>
    %add3A_38 = arith.constant 5.120000e+02 : f32
    %add3A_39 = vector.broadcast %add3A_38 : f32 to vector<512x1xf32>
    %add3A_40 = arith.addf %convert_element_type3A_37, %add3A_39 : vector<512x1xf32>
    %le3A_41 = vector.broadcast %dot_general3A_6 : vector<1x512xf32> to vector<512x512xf32>
    %le3A_42 = vector.broadcast %add3A_40 : vector<512x1xf32> to vector<512x512xf32>
    %le3A_43 = arith.cmpf ole, %le3A_41, %le3A_42 : vector<512x512xf32>
    %convert_element_type3A_44 = arith.extui %le3A_43 : vector<512x512xi1> to vector<512x512xi32>
    %convert_element_type3A_45 = arith.sitofp %convert_element_type3A_44 : vector<512x512xi32> to vector<512x512xf32>
    %reduce_sum3A_46 = arith.constant dense<0.000000e+00> : vector<512xf32>
    %reduce_sum3A_47 = vector.multi_reduction <add>, %convert_element_type3A_45, %reduce_sum3A_46 [1] : vector<512x512xf32> to vector<512xf32>
    %broadcast_in_dim3A_48 = vector.shape_cast %reduce_sum3A_47 : vector<512xf32> to vector<512x1xf32>
    %lt3A_49 = arith.constant 5.120000e+02 : f32
    %lt3A_50 = vector.broadcast %lt3A_49 : f32 to vector<512x1xf32>
    %lt3A_51 = arith.cmpf olt, %broadcast_in_dim3A_48, %lt3A_50 : vector<512x1xf32>
    %lt3A_52 = vector.broadcast %convert_element_type3A_16 : f32 to vector<512x1xf32>
    %lt3A_53 = arith.cmpf olt, %add3A_40, %lt3A_52 : vector<512x1xf32>
    %and3A_54 = arith.andi %lt3A_51, %lt3A_53 : vector<512x1xi1>
    %add3A_55 = vector.broadcast %mul3A_18 : f32 to vector<512x1xf32>
    %add3A_56 = arith.addf %broadcast_in_dim3A_48, %add3A_55 : vector<512x1xf32>
    %jit3A_57 = arith.constant 8.192000e+03 : f32
    %broadcast_in_dim3A_58 = vector.broadcast %jit3A_57 : f32 to vector<512x1xf32>
    %select_n3A_59 = arith.select %and3A_54, %add3A_56, %broadcast_in_dim3A_58 : vector<512x1xi1>, vector<512x1xf32>
    %iota3A_60 = tpu.iota {dimensions = array<i32: 0>} : vector<512x1xi32>
    %convert_element_type3A_61 = arith.sitofp %iota3A_60 : vector<512x1xi32> to vector<512x1xf32>
    %add3A_62 = arith.constant 1.024000e+03 : f32
    %add3A_63 = vector.broadcast %add3A_62 : f32 to vector<512x1xf32>
    %add3A_64 = arith.addf %convert_element_type3A_61, %add3A_63 : vector<512x1xf32>
    %le3A_65 = vector.broadcast %dot_general3A_6 : vector<1x512xf32> to vector<512x512xf32>
    %le3A_66 = vector.broadcast %add3A_64 : vector<512x1xf32> to vector<512x512xf32>
    %le3A_67 = arith.cmpf ole, %le3A_65, %le3A_66 : vector<512x512xf32>
    %convert_element_type3A_68 = arith.extui %le3A_67 : vector<512x512xi1> to vector<512x512xi32>
    %convert_element_type3A_69 = arith.sitofp %convert_element_type3A_68 : vector<512x512xi32> to vector<512x512xf32>
    %reduce_sum3A_70 = arith.constant dense<0.000000e+00> : vector<512xf32>
    %reduce_sum3A_71 = vector.multi_reduction <add>, %convert_element_type3A_69, %reduce_sum3A_70 [1] : vector<512x512xf32> to vector<512xf32>
    %broadcast_in_dim3A_72 = vector.shape_cast %reduce_sum3A_71 : vector<512xf32> to vector<512x1xf32>
    %lt3A_73 = arith.constant 5.120000e+02 : f32
    %lt3A_74 = vector.broadcast %lt3A_73 : f32 to vector<512x1xf32>
    %lt3A_75 = arith.cmpf olt, %broadcast_in_dim3A_72, %lt3A_74 : vector<512x1xf32>
    %lt3A_76 = vector.broadcast %convert_element_type3A_16 : f32 to vector<512x1xf32>
    %lt3A_77 = arith.cmpf olt, %add3A_64, %lt3A_76 : vector<512x1xf32>
    %and3A_78 = arith.andi %lt3A_75, %lt3A_77 : vector<512x1xi1>
    %add3A_79 = vector.broadcast %mul3A_18 : f32 to vector<512x1xf32>
    %add3A_80 = arith.addf %broadcast_in_dim3A_72, %add3A_79 : vector<512x1xf32>
    %jit3A_81 = arith.constant 8.192000e+03 : f32
    %broadcast_in_dim3A_82 = vector.broadcast %jit3A_81 : f32 to vector<512x1xf32>
    %select_n3A_83 = arith.select %and3A_78, %add3A_80, %broadcast_in_dim3A_82 : vector<512x1xi1>, vector<512x1xf32>
    %iota3A_84 = tpu.iota {dimensions = array<i32: 0>} : vector<512x1xi32>
    %convert_element_type3A_85 = arith.sitofp %iota3A_84 : vector<512x1xi32> to vector<512x1xf32>
    %add3A_86 = arith.constant 1.536000e+03 : f32
    %add3A_87 = vector.broadcast %add3A_86 : f32 to vector<512x1xf32>
    %add3A_88 = arith.addf %convert_element_type3A_85, %add3A_87 : vector<512x1xf32>
    %le3A_89 = vector.broadcast %dot_general3A_6 : vector<1x512xf32> to vector<512x512xf32>
    %le3A_90 = vector.broadcast %add3A_88 : vector<512x1xf32> to vector<512x512xf32>
    %le3A_91 = arith.cmpf ole, %le3A_89, %le3A_90 : vector<512x512xf32>
    %convert_element_type3A_92 = arith.extui %le3A_91 : vector<512x512xi1> to vector<512x512xi32>
    %convert_element_type3A_93 = arith.sitofp %convert_element_type3A_92 : vector<512x512xi32> to vector<512x512xf32>
    %reduce_sum3A_94 = arith.constant dense<0.000000e+00> : vector<512xf32>
    %reduce_sum3A_95 = vector.multi_reduction <add>, %convert_element_type3A_93, %reduce_sum3A_94 [1] : vector<512x512xf32> to vector<512xf32>
    %broadcast_in_dim3A_96 = vector.shape_cast %reduce_sum3A_95 : vector<512xf32> to vector<512x1xf32>
    %lt3A_97 = arith.constant 5.120000e+02 : f32
    %lt3A_98 = vector.broadcast %lt3A_97 : f32 to vector<512x1xf32>
    %lt3A_99 = arith.cmpf olt, %broadcast_in_dim3A_96, %lt3A_98 : vector<512x1xf32>
    %lt3A_100 = vector.broadcast %convert_element_type3A_16 : f32 to vector<512x1xf32>
    %lt3A_101 = arith.cmpf olt, %add3A_88, %lt3A_100 : vector<512x1xf32>
    %and3A_102 = arith.andi %lt3A_99, %lt3A_101 : vector<512x1xi1>
    %add3A_103 = vector.broadcast %mul3A_18 : f32 to vector<512x1xf32>
    %add3A_104 = arith.addf %broadcast_in_dim3A_96, %add3A_103 : vector<512x1xf32>
    %jit3A_105 = arith.constant 8.192000e+03 : f32
    %broadcast_in_dim3A_106 = vector.broadcast %jit3A_105 : f32 to vector<512x1xf32>
    %select_n3A_107 = arith.select %and3A_102, %add3A_104, %broadcast_in_dim3A_106 : vector<512x1xi1>, vector<512x1xf32>
    %iota3A_108 = tpu.iota {dimensions = array<i32: 0>} : vector<512x1xi32>
    %convert_element_type3A_109 = arith.sitofp %iota3A_108 : vector<512x1xi32> to vector<512x1xf32>
    %add3A_110 = arith.constant 2.048000e+03 : f32
    %add3A_111 = vector.broadcast %add3A_110 : f32 to vector<512x1xf32>
    %add3A_112 = arith.addf %convert_element_type3A_109, %add3A_111 : vector<512x1xf32>
    %le3A_113 = vector.broadcast %dot_general3A_6 : vector<1x512xf32> to vector<512x512xf32>
    %le3A_114 = vector.broadcast %add3A_112 : vector<512x1xf32> to vector<512x512xf32>
    %le3A_115 = arith.cmpf ole, %le3A_113, %le3A_114 : vector<512x512xf32>
    %convert_element_type3A_116 = arith.extui %le3A_115 : vector<512x512xi1> to vector<512x512xi32>
    %convert_element_type3A_117 = arith.sitofp %convert_element_type3A_116 : vector<512x512xi32> to vector<512x512xf32>
    %reduce_sum3A_118 = arith.constant dense<0.000000e+00> : vector<512xf32>
    %reduce_sum3A_119 = vector.multi_reduction <add>, %convert_element_type3A_117, %reduce_sum3A_118 [1] : vector<512x512xf32> to vector<512xf32>
    %broadcast_in_dim3A_120 = vector.shape_cast %reduce_sum3A_119 : vector<512xf32> to vector<512x1xf32>
    %lt3A_121 = arith.constant 5.120000e+02 : f32
    %lt3A_122 = vector.broadcast %lt3A_121 : f32 to vector<512x1xf32>
    %lt3A_123 = arith.cmpf olt, %broadcast_in_dim3A_120, %lt3A_122 : vector<512x1xf32>
    %lt3A_124 = vector.broadcast %convert_element_type3A_16 : f32 to vector<512x1xf32>
    %lt3A_125 = arith.cmpf olt, %add3A_112, %lt3A_124 : vector<512x1xf32>
    %and3A_126 = arith.andi %lt3A_123, %lt3A_125 : vector<512x1xi1>
    %add3A_127 = vector.broadcast %mul3A_18 : f32 to vector<512x1xf32>
    %add3A_128 = arith.addf %broadcast_in_dim3A_120, %add3A_127 : vector<512x1xf32>
    %jit3A_129 = arith.constant 8.192000e+03 : f32
    %broadcast_in_dim3A_130 = vector.broadcast %jit3A_129 : f32 to vector<512x1xf32>
    %select_n3A_131 = arith.select %and3A_126, %add3A_128, %broadcast_in_dim3A_130 : vector<512x1xi1>, vector<512x1xf32>
    %iota3A_132 = tpu.iota {dimensions = array<i32: 0>} : vector<512x1xi32>
    %convert_element_type3A_133 = arith.sitofp %iota3A_132 : vector<512x1xi32> to vector<512x1xf32>
    %add3A_134 = arith.constant 2.560000e+03 : f32
    %add3A_135 = vector.broadcast %add3A_134 : f32 to vector<512x1xf32>
    %add3A_136 = arith.addf %convert_element_type3A_133, %add3A_135 : vector<512x1xf32>
    %le3A_137 = vector.broadcast %dot_general3A_6 : vector<1x512xf32> to vector<512x512xf32>
    %le3A_138 = vector.broadcast %add3A_136 : vector<512x1xf32> to vector<512x512xf32>
    %le3A_139 = arith.cmpf ole, %le3A_137, %le3A_138 : vector<512x512xf32>
    %convert_element_type3A_140 = arith.extui %le3A_139 : vector<512x512xi1> to vector<512x512xi32>
    %convert_element_type3A_141 = arith.sitofp %convert_element_type3A_140 : vector<512x512xi32> to vector<512x512xf32>
    %reduce_sum3A_142 = arith.constant dense<0.000000e+00> : vector<512xf32>
    %reduce_sum3A_143 = vector.multi_reduction <add>, %convert_element_type3A_141, %reduce_sum3A_142 [1] : vector<512x512xf32> to vector<512xf32>
    %broadcast_in_dim3A_144 = vector.shape_cast %reduce_sum3A_143 : vector<512xf32> to vector<512x1xf32>
    %lt3A_145 = arith.constant 5.120000e+02 : f32
    %lt3A_146 = vector.broadcast %lt3A_145 : f32 to vector<512x1xf32>
    %lt3A_147 = arith.cmpf olt, %broadcast_in_dim3A_144, %lt3A_146 : vector<512x1xf32>
    %lt3A_148 = vector.broadcast %convert_element_type3A_16 : f32 to vector<512x1xf32>
    %lt3A_149 = arith.cmpf olt, %add3A_136, %lt3A_148 : vector<512x1xf32>
    %and3A_150 = arith.andi %lt3A_147, %lt3A_149 : vector<512x1xi1>
    %add3A_151 = vector.broadcast %mul3A_18 : f32 to vector<512x1xf32>
    %add3A_152 = arith.addf %broadcast_in_dim3A_144, %add3A_151 : vector<512x1xf32>
    %jit3A_153 = arith.constant 8.192000e+03 : f32
    %broadcast_in_dim3A_154 = vector.broadcast %jit3A_153 : f32 to vector<512x1xf32>
    %select_n3A_155 = arith.select %and3A_150, %add3A_152, %broadcast_in_dim3A_154 : vector<512x1xi1>, vector<512x1xf32>
    %iota3A_156 = tpu.iota {dimensions = array<i32: 0>} : vector<512x1xi32>
    %convert_element_type3A_157 = arith.sitofp %iota3A_156 : vector<512x1xi32> to vector<512x1xf32>
    %add3A_158 = arith.constant 3.072000e+03 : f32
    %add3A_159 = vector.broadcast %add3A_158 : f32 to vector<512x1xf32>
    %add3A_160 = arith.addf %convert_element_type3A_157, %add3A_159 : vector<512x1xf32>
    %le3A_161 = vector.broadcast %dot_general3A_6 : vector<1x512xf32> to vector<512x512xf32>
    %le3A_162 = vector.broadcast %add3A_160 : vector<512x1xf32> to vector<512x512xf32>
    %le3A_163 = arith.cmpf ole, %le3A_161, %le3A_162 : vector<512x512xf32>
    %convert_element_type3A_164 = arith.extui %le3A_163 : vector<512x512xi1> to vector<512x512xi32>
    %convert_element_type3A_165 = arith.sitofp %convert_element_type3A_164 : vector<512x512xi32> to vector<512x512xf32>
    %reduce_sum3A_166 = arith.constant dense<0.000000e+00> : vector<512xf32>
    %reduce_sum3A_167 = vector.multi_reduction <add>, %convert_element_type3A_165, %reduce_sum3A_166 [1] : vector<512x512xf32> to vector<512xf32>
    %broadcast_in_dim3A_168 = vector.shape_cast %reduce_sum3A_167 : vector<512xf32> to vector<512x1xf32>
    %lt3A_169 = arith.constant 5.120000e+02 : f32
    %lt3A_170 = vector.broadcast %lt3A_169 : f32 to vector<512x1xf32>
    %lt3A_171 = arith.cmpf olt, %broadcast_in_dim3A_168, %lt3A_170 : vector<512x1xf32>
    %lt3A_172 = vector.broadcast %convert_element_type3A_16 : f32 to vector<512x1xf32>
    %lt3A_173 = arith.cmpf olt, %add3A_160, %lt3A_172 : vector<512x1xf32>
    %and3A_174 = arith.andi %lt3A_171, %lt3A_173 : vector<512x1xi1>
    %add3A_175 = vector.broadcast %mul3A_18 : f32 to vector<512x1xf32>
    %add3A_176 = arith.addf %broadcast_in_dim3A_168, %add3A_175 : vector<512x1xf32>
    %jit3A_177 = arith.constant 8.192000e+03 : f32
    %broadcast_in_dim3A_178 = vector.broadcast %jit3A_177 : f32 to vector<512x1xf32>
    %select_n3A_179 = arith.select %and3A_174, %add3A_176, %broadcast_in_dim3A_178 : vector<512x1xi1>, vector<512x1xf32>
    %iota3A_180 = tpu.iota {dimensions = array<i32: 0>} : vector<512x1xi32>
    %convert_element_type3A_181 = arith.sitofp %iota3A_180 : vector<512x1xi32> to vector<512x1xf32>
    %add3A_182 = arith.constant 3.584000e+03 : f32
    %add3A_183 = vector.broadcast %add3A_182 : f32 to vector<512x1xf32>
    %add3A_184 = arith.addf %convert_element_type3A_181, %add3A_183 : vector<512x1xf32>
    %le3A_185 = vector.broadcast %dot_general3A_6 : vector<1x512xf32> to vector<512x512xf32>
    %le3A_186 = vector.broadcast %add3A_184 : vector<512x1xf32> to vector<512x512xf32>
    %le3A_187 = arith.cmpf ole, %le3A_185, %le3A_186 : vector<512x512xf32>
    %convert_element_type3A_188 = arith.extui %le3A_187 : vector<512x512xi1> to vector<512x512xi32>
    %convert_element_type3A_189 = arith.sitofp %convert_element_type3A_188 : vector<512x512xi32> to vector<512x512xf32>
    %reduce_sum3A_190 = arith.constant dense<0.000000e+00> : vector<512xf32>
    %reduce_sum3A_191 = vector.multi_reduction <add>, %convert_element_type3A_189, %reduce_sum3A_190 [1] : vector<512x512xf32> to vector<512xf32>
    %broadcast_in_dim3A_192 = vector.shape_cast %reduce_sum3A_191 : vector<512xf32> to vector<512x1xf32>
    %lt3A_193 = arith.constant 5.120000e+02 : f32
    %lt3A_194 = vector.broadcast %lt3A_193 : f32 to vector<512x1xf32>
    %lt3A_195 = arith.cmpf olt, %broadcast_in_dim3A_192, %lt3A_194 : vector<512x1xf32>
    %lt3A_196 = vector.broadcast %convert_element_type3A_16 : f32 to vector<512x1xf32>
    %lt3A_197 = arith.cmpf olt, %add3A_184, %lt3A_196 : vector<512x1xf32>
    %and3A_198 = arith.andi %lt3A_195, %lt3A_197 : vector<512x1xi1>
    %add3A_199 = vector.broadcast %mul3A_18 : f32 to vector<512x1xf32>
    %add3A_200 = arith.addf %broadcast_in_dim3A_192, %add3A_199 : vector<512x1xf32>
    %jit3A_201 = arith.constant 8.192000e+03 : f32
    %broadcast_in_dim3A_202 = vector.broadcast %jit3A_201 : f32 to vector<512x1xf32>
    %select_n3A_203 = arith.select %and3A_198, %add3A_200, %broadcast_in_dim3A_202 : vector<512x1xi1>, vector<512x1xf32>
    %concatenate3A = tpu.concatenate %select_n3A, %select_n3A_59, %select_n3A_83, %select_n3A_107, %select_n3A_131, %select_n3A_155, %select_n3A_179, %select_n3A_203 in 0 : vector<512x1xf32>, vector<512x1xf32>, vector<512x1xf32>, vector<512x1xf32>, vector<512x1xf32>, vector<512x1xf32>, vector<512x1xf32>, vector<512x1xf32> -> vector<4096x1xf32>
    %convert_element_type3A_204 = arith.fptosi %concatenate3A : vector<4096x1xf32> to vector<4096x1xi32>
    %swap3A_205 = arith.constant 0 : index
    %swap3A_206 = arith.constant 0 : index
    %swap3A_207 = arith.constant 0 : index
    %swap3A_208 = vector.load %arg3[%swap3A_205, %swap3A_206, %swap3A_207] : memref<1x4096x1xi32, #tpu.memory_space<vmem>>, vector<1x4096x1xi32>
    %swap3A_209 = vector.shape_cast %swap3A_208 : vector<1x4096x1xi32> to vector<4096x1xi32>
    %swap3A_210 = vector.shape_cast %convert_element_type3A_204 : vector<4096x1xi32> to vector<1x4096x1xi32>
    tpu.vector_store %arg3[%swap3A_205, %swap3A_206, %swap3A_207], %swap3A_210 {strides = array<i32>} : memref<1x4096x1xi32, #tpu.memory_space<vmem>>, vector<1x4096x1xi32>,
    return
  }
  func.func @transform_0(%arg0: i32) -> (i32, i32, i32) {
    %c0_i32 = arith.constant 0 : i32
    %c0_i32_0 = arith.constant 0 : i32
    %c0_i32_1 = arith.constant 0 : i32
    return %arg0, %c0_i32, %c0_i32_0 : i32, i32, i32
  }
  func.func @transform_1(%arg0: i32) -> (i32, i32) {
    %c0_i32 = arith.constant 0 : i32
    %c0_i32_0 = arith.constant 0 : i32
    %c0_i32_1 = arith.constant 0 : i32
    return %c0_i32, %c0_i32_0 : i32, i32
  }
  func.func @transform_2(%arg0: i32) -> (i32, i32, i32) {
    %c0_i32 = arith.constant 0 : i32
    %c0_i32_0 = arith.constant 0 : i32
    %c0_i32_1 = arith.constant 0 : i32
    return %arg0, %c0_i32, %c0_i32_0 : i32, i32, i32
  }
  func.func @transform_3(%arg0: i32) -> (i32, i32, i32) {
    %c0_i32 = arith.constant 0 : i32
    %c0_i32_0 = arith.constant 0 : i32
    %c0_i32_1 = arith.constant 0 : i32
    return %arg0, %c0_i32, %c0_i32_0 : i32, i32, i32
  }
}

module attributes {stable_mosaic.version = 14 : i64} {
  func.func @_dur_kernel(%arg0: i32, %arg1: memref<1x512x256xf32, #tpu.memory_space<vmem>>, %arg2: memref<1x512x1xf32, #tpu.memory_space<vmem>>, %arg3: memref<3x256x256xf32, #tpu.memory_space<vmem>>, %arg4: memref<1x256xf32, #tpu.memory_space<vmem>>, %arg5: memref<1x256xf32, #tpu.memory_space<vmem>>, %arg6: memref<1x256xf32, #tpu.memory_space<vmem>>, %arg7: memref<3x256x256xf32, #tpu.memory_space<vmem>>, %arg8: memref<1x256xf32, #tpu.memory_space<vmem>>, %arg9: memref<1x256xf32, #tpu.memory_space<vmem>>, %arg10: memref<1x256xf32, #tpu.memory_space<vmem>>, %arg11: memref<256x1xf32, #tpu.memory_space<vmem>>, %arg12: memref<1x1xf32, #tpu.memory_space<vmem>>, %arg13: memref<1x512x1xf32, #tpu.memory_space<vmem>>) attributes {dimension_semantics = [#tpu.dimension_semantics<arbitrary>], iteration_bounds = array<i64: 16>, scalar_prefetch = 0 : i64, scratch_operands = 0 : i64, tpu.core_type = #tpu.core_type<tc>, window_params = [{transform_indices = @transform_0, window_bounds = array<i64: 1, 512, 256>}, {transform_indices = @transform_1, window_bounds = array<i64: 1, 512, 1>}, {pipeline_mode = #tpu.pipeline_mode<synchronous>, transform_indices = @transform_2, window_bounds = array<i64: 3, 256, 256>}, {pipeline_mode = #tpu.pipeline_mode<synchronous>, transform_indices = @transform_3, window_bounds = array<i64: 1, 256>}, {pipeline_mode = #tpu.pipeline_mode<synchronous>, transform_indices = @transform_4, window_bounds = array<i64: 1, 256>}, {pipeline_mode = #tpu.pipeline_mode<synchronous>, transform_indices = @transform_5, window_bounds = array<i64: 1, 256>}, {pipeline_mode = #tpu.pipeline_mode<synchronous>, transform_indices = @transform_6, window_bounds = array<i64: 3, 256, 256>}, {pipeline_mode = #tpu.pipeline_mode<synchronous>, transform_indices = @transform_7, window_bounds = array<i64: 1, 256>}, {pipeline_mode = #tpu.pipeline_mode<synchronous>, transform_indices = @transform_8, window_bounds = array<i64: 1, 256>}, {pipeline_mode = #tpu.pipeline_mode<synchronous>, transform_indices = @transform_9, window_bounds = array<i64: 1, 256>}, {pipeline_mode = #tpu.pipeline_mode<synchronous>, transform_indices = @transform_10, window_bounds = array<i64: 256, 1>}, {pipeline_mode = #tpu.pipeline_mode<synchronous>, transform_indices = @transform_11, window_bounds = array<i64: 1, 1>}, {transform_indices = @transform_12, window_bounds = array<i64: 1, 512, 1>}]} {
    %get3A = arith.constant 0 : index
    %get3A_0 = arith.constant 0 : index
    %get3A_1 = arith.constant 0 : index
    %get3A_2 = vector.load %arg1[%get3A, %get3A_0, %get3A_1] : memref<1x512x256xf32, #tpu.memory_space<vmem>>, vector<1x512x256xf32>
    %get3A_3 = vector.shape_cast %get3A_2 : vector<1x512x256xf32> to vector<512x256xf32>
    %get3A_4 = arith.constant 0 : index
    %get3A_5 = arith.constant 0 : index
    %get3A_6 = arith.constant 0 : index
    %get3A_7 = vector.load %arg2[%get3A_4, %get3A_5, %get3A_6] : memref<1x512x1xf32, #tpu.memory_space<vmem>>, vector<1x512x1xf32>
    %get3A_8 = vector.shape_cast %get3A_7 : vector<1x512x1xf32> to vector<512x1xf32>
    %sub3A = arith.constant 1.000000e+00 : f32
    %sub3A_9 = vector.broadcast %sub3A : f32 to vector<512x1xf32>
    %sub3A_10 = arith.subf %sub3A_9, %get3A_8 : vector<512x1xf32>
    %broadcast_in_dim3A = arith.constant 0.000000e+00 : f32
    %broadcast_in_dim3A_11 = vector.broadcast %broadcast_in_dim3A : f32 to vector<1x256xf32>
    %slice3A = vector.extract_strided_slice %get3A_3 {offsets = [0, 0], sizes = [511, 256], strides = [1, 1]} : vector<512x256xf32> to vector<511x256xf32>
    %concatenate3A = tpu.concatenate %broadcast_in_dim3A_11, %slice3A in 0 : vector<1x256xf32>, vector<511x256xf32> -> vector<512x256xf32>
    %slice3A_12 = vector.extract_strided_slice %get3A_3 {offsets = [1, 0], sizes = [511, 256], strides = [1, 1]} : vector<512x256xf32> to vector<511x256xf32>
    %concatenate3A_13 = tpu.concatenate %slice3A_12, %broadcast_in_dim3A_11 in 0 : vector<511x256xf32>, vector<1x256xf32> -> vector<512x256xf32>
    %get3A_14 = arith.constant 0 : index
    %get3A_15 = arith.constant 0 : index
    %get3A_16 = arith.constant 0 : index
    %get3A_17 = vector.load %arg3[%get3A_14, %get3A_15, %get3A_16] : memref<3x256x256xf32, #tpu.memory_space<vmem>>, vector<1x256x256xf32>
    %get3A_18 = vector.shape_cast %get3A_17 : vector<1x256x256xf32> to vector<256x256xf32>
    %dot_general3A = arith.constant dense<0.000000e+00> : vector<512x256xf32>
    %dot_general3A_19 = tpu.matmul %concatenate3A, %get3A_18, %dot_general3A {dimension_numbers = #tpu.dot_dimension_numbers<[1], [0], [0], [1], [0, 0, 1, 1], [], []>, transpose_lhs_hint = false} : vector<512x256xf32>, vector<256x256xf32>, vector<512x256xf32> -> vector<512x256xf32>
    %get3A_20 = arith.constant 1 : index
    %get3A_21 = arith.constant 0 : index
    %get3A_22 = arith.constant 0 : index
    %get3A_23 = vector.load %arg3[%get3A_20, %get3A_21, %get3A_22] : memref<3x256x256xf32, #tpu.memory_space<vmem>>, vector<1x256x256xf32>
    %get3A_24 = vector.shape_cast %get3A_23 : vector<1x256x256xf32> to vector<256x256xf32>
    %dot_general3A_25 = arith.constant dense<0.000000e+00> : vector<512x256xf32>
    %dot_general3A_26 = tpu.matmul %get3A_3, %get3A_24, %dot_general3A_25 {dimension_numbers = #tpu.dot_dimension_numbers<[1], [0], [0], [1], [0, 0, 1, 1], [], []>, transpose_lhs_hint = false} : vector<512x256xf32>, vector<256x256xf32>, vector<512x256xf32> -> vector<512x256xf32>
    %add3A = arith.addf %dot_general3A_19, %dot_general3A_26 : vector<512x256xf32>
    %get3A_27 = arith.constant 2 : index
    %get3A_28 = arith.constant 0 : index
    %get3A_29 = arith.constant 0 : index
    %get3A_30 = vector.load %arg3[%get3A_27, %get3A_28, %get3A_29] : memref<3x256x256xf32, #tpu.memory_space<vmem>>, vector<1x256x256xf32>
    %get3A_31 = vector.shape_cast %get3A_30 : vector<1x256x256xf32> to vector<256x256xf32>
    %dot_general3A_32 = arith.constant dense<0.000000e+00> : vector<512x256xf32>
    %dot_general3A_33 = tpu.matmul %concatenate3A_13, %get3A_31, %dot_general3A_32 {dimension_numbers = #tpu.dot_dimension_numbers<[1], [0], [0], [1], [0, 0, 1, 1], [], []>, transpose_lhs_hint = false} : vector<512x256xf32>, vector<256x256xf32>, vector<512x256xf32> -> vector<512x256xf32>
    %add3A_34 = arith.addf %add3A, %dot_general3A_33 : vector<512x256xf32>
    %get3A_35 = arith.constant 0 : index
    %get3A_36 = arith.constant 0 : index
    %get3A_37 = vector.load %arg4[%get3A_35, %get3A_36] : memref<1x256xf32, #tpu.memory_space<vmem>>, vector<1x256xf32>
    %add3A_38 = vector.broadcast %get3A_37 : vector<1x256xf32> to vector<512x256xf32>
    %add3A_39 = arith.addf %add3A_34, %add3A_38 : vector<512x256xf32>
    %max3A = arith.constant 0.000000e+00 : f32
    %max3A_40 = vector.broadcast %max3A : f32 to vector<512x256xf32>
    %max3A_41 = arith.maximumf %add3A_39, %max3A_40 : vector<512x256xf32>
    %get3A_42 = arith.constant 0 : index
    %get3A_43 = arith.constant 0 : index
    %get3A_44 = vector.load %arg5[%get3A_42, %get3A_43] : memref<1x256xf32, #tpu.memory_space<vmem>>, vector<1x256xf32>
    %get3A_45 = arith.constant 0 : index
    %get3A_46 = arith.constant 0 : index
    %get3A_47 = vector.load %arg6[%get3A_45, %get3A_46] : memref<1x256xf32, #tpu.memory_space<vmem>>, vector<1x256xf32>
    %reduce_sum3A = arith.constant dense<0.000000e+00> : vector<512xf32>
    %reduce_sum3A_48 = vector.multi_reduction <add>, %max3A_41, %reduce_sum3A [1] : vector<512x256xf32> to vector<512xf32>
    %broadcast_in_dim3A_49 = vector.shape_cast %reduce_sum3A_48 : vector<512xf32> to vector<512x1xf32>
    %div3A = arith.constant 2.560000e+02 : f32
    %div3A_50 = vector.broadcast %div3A : f32 to vector<512x1xf32>
    %div3A_51 = arith.divf %broadcast_in_dim3A_49, %div3A_50 : vector<512x1xf32>
    %jit3A = arith.constant 0 : i32
    %reduce_sum3A_52 = arith.constant dense<0.000000e+00> : vector<512xf32>
    %reduce_sum3A_53 = vector.multi_reduction <add>, %max3A_41, %reduce_sum3A_52 [1] : vector<512x256xf32> to vector<512xf32>
    %broadcast_in_dim3A_54 = vector.shape_cast %reduce_sum3A_53 : vector<512xf32> to vector<512x1xf32>
    %div3A_55 = arith.constant 2.560000e+02 : f32
    %div3A_56 = vector.broadcast %div3A_55 : f32 to vector<512x1xf32>
    %div3A_57 = arith.divf %broadcast_in_dim3A_54, %div3A_56 : vector<512x1xf32>
    %sub3A_58 = vector.broadcast %div3A_57 : vector<512x1xf32> to vector<512x256xf32>
    %sub3A_59 = arith.subf %max3A_41, %sub3A_58 : vector<512x256xf32>
    %square3A = arith.mulf %sub3A_59, %sub3A_59 : vector<512x256xf32>
    %convert_element_type3A = arith.sitofp %jit3A : i32 to f32
    %sub3A_60 = arith.constant 2.560000e+02 : f32
    %sub3A_61 = arith.subf %sub3A_60, %convert_element_type3A : f32
    %reduce_sum3A_62 = arith.constant dense<0.000000e+00> : vector<512xf32>
    %reduce_sum3A_63 = vector.multi_reduction <add>, %square3A, %reduce_sum3A_62 [1] : vector<512x256xf32> to vector<512xf32>
    %broadcast_in_dim3A_64 = vector.shape_cast %reduce_sum3A_63 : vector<512xf32> to vector<512x1xf32>
    %div3A_65 = vector.broadcast %sub3A_61 : f32 to vector<512x1xf32>
    %div3A_66 = arith.divf %broadcast_in_dim3A_64, %div3A_65 : vector<512x1xf32>
    %gt3A = arith.constant 0.000000e+00 : f32
    %gt3A_67 = arith.cmpf ogt, %sub3A_61, %gt3A : f32
    %jit3A_68 = arith.constant 0x7FC00000 : f32
    %broadcast_in_dim3A_69 = vector.broadcast %jit3A_68 : f32 to vector<512x1xf32>
    %select_n3A = arith.select %gt3A_67, %div3A_66, %broadcast_in_dim3A_69 : vector<512x1xf32>
    %sub3A_70 = vector.broadcast %div3A_51 : vector<512x1xf32> to vector<512x256xf32>
    %sub3A_71 = arith.subf %max3A_41, %sub3A_70 : vector<512x256xf32>
    %add3A_72 = arith.constant 9.99999974E-6 : f32
    %add3A_73 = vector.broadcast %add3A_72 : f32 to vector<512x1xf32>
    %add3A_74 = arith.addf %select_n3A, %add3A_73 : vector<512x1xf32>
    %sqrt3A = math.sqrt %add3A_74 : vector<512x1xf32>
    %div3A_75 = vector.broadcast %sqrt3A : vector<512x1xf32> to vector<512x256xf32>
    %div3A_76 = arith.divf %sub3A_71, %div3A_75 : vector<512x256xf32>
    %mul3A = vector.broadcast %get3A_44 : vector<1x256xf32> to vector<512x256xf32>
    %mul3A_77 = arith.mulf %div3A_76, %mul3A : vector<512x256xf32>
    %add3A_78 = vector.broadcast %get3A_47 : vector<1x256xf32> to vector<512x256xf32>
    %add3A_79 = arith.addf %mul3A_77, %add3A_78 : vector<512x256xf32>
    %broadcast_in_dim3A_80 = arith.constant 0.000000e+00 : f32
    %broadcast_in_dim3A_81 = vector.broadcast %broadcast_in_dim3A_80 : f32 to vector<1x256xf32>
    %slice3A_82 = vector.extract_strided_slice %add3A_79 {offsets = [0, 0], sizes = [511, 256], strides = [1, 1]} : vector<512x256xf32> to vector<511x256xf32>
    %concatenate3A_83 = tpu.concatenate %broadcast_in_dim3A_81, %slice3A_82 in 0 : vector<1x256xf32>, vector<511x256xf32> -> vector<512x256xf32>
    %slice3A_84 = vector.extract_strided_slice %add3A_79 {offsets = [1, 0], sizes = [511, 256], strides = [1, 1]} : vector<512x256xf32> to vector<511x256xf32>
    %concatenate3A_85 = tpu.concatenate %slice3A_84, %broadcast_in_dim3A_81 in 0 : vector<511x256xf32>, vector<1x256xf32> -> vector<512x256xf32>
    %get3A_86 = arith.constant 0 : index
    %get3A_87 = arith.constant 0 : index
    %get3A_88 = arith.constant 0 : index
    %get3A_89 = vector.load %arg7[%get3A_86, %get3A_87, %get3A_88] : memref<3x256x256xf32, #tpu.memory_space<vmem>>, vector<1x256x256xf32>
    %get3A_90 = vector.shape_cast %get3A_89 : vector<1x256x256xf32> to vector<256x256xf32>
    %dot_general3A_91 = arith.constant dense<0.000000e+00> : vector<512x256xf32>
    %dot_general3A_92 = tpu.matmul %concatenate3A_83, %get3A_90, %dot_general3A_91 {dimension_numbers = #tpu.dot_dimension_numbers<[1], [0], [0], [1], [0, 0, 1, 1], [], []>, transpose_lhs_hint = false} : vector<512x256xf32>, vector<256x256xf32>, vector<512x256xf32> -> vector<512x256xf32>
    %get3A_93 = arith.constant 1 : index
    %get3A_94 = arith.constant 0 : index
    %get3A_95 = arith.constant 0 : index
    %get3A_96 = vector.load %arg7[%get3A_93, %get3A_94, %get3A_95] : memref<3x256x256xf32, #tpu.memory_space<vmem>>, vector<1x256x256xf32>
    %get3A_97 = vector.shape_cast %get3A_96 : vector<1x256x256xf32> to vector<256x256xf32>
    %dot_general3A_98 = arith.constant dense<0.000000e+00> : vector<512x256xf32>
    %dot_general3A_99 = tpu.matmul %add3A_79, %get3A_97, %dot_general3A_98 {dimension_numbers = #tpu.dot_dimension_numbers<[1], [0], [0], [1], [0, 0, 1, 1], [], []>, transpose_lhs_hint = false} : vector<512x256xf32>, vector<256x256xf32>, vector<512x256xf32> -> vector<512x256xf32>
    %add3A_100 = arith.addf %dot_general3A_92, %dot_general3A_99 : vector<512x256xf32>
    %get3A_101 = arith.constant 2 : index
    %get3A_102 = arith.constant 0 : index
    %get3A_103 = arith.constant 0 : index
    %get3A_104 = vector.load %arg7[%get3A_101, %get3A_102, %get3A_103] : memref<3x256x256xf32, #tpu.memory_space<vmem>>, vector<1x256x256xf32>
    %get3A_105 = vector.shape_cast %get3A_104 : vector<1x256x256xf32> to vector<256x256xf32>
    %dot_general3A_106 = arith.constant dense<0.000000e+00> : vector<512x256xf32>
    %dot_general3A_107 = tpu.matmul %concatenate3A_85, %get3A_105, %dot_general3A_106 {dimension_numbers = #tpu.dot_dimension_numbers<[1], [0], [0], [1], [0, 0, 1, 1], [], []>, transpose_lhs_hint = false} : vector<512x256xf32>, vector<256x256xf32>, vector<512x256xf32> -> vector<512x256xf32>
    %add3A_108 = arith.addf %add3A_100, %dot_general3A_107 : vector<512x256xf32>
    %get3A_109 = arith.constant 0 : index
    %get3A_110 = arith.constant 0 : index
    %get3A_111 = vector.load %arg8[%get3A_109, %get3A_110] : memref<1x256xf32, #tpu.memory_space<vmem>>, vector<1x256xf32>
    %add3A_112 = vector.broadcast %get3A_111 : vector<1x256xf32> to vector<512x256xf32>
    %add3A_113 = arith.addf %add3A_108, %add3A_112 : vector<512x256xf32>
    %max3A_114 = arith.constant 0.000000e+00 : f32
    %max3A_115 = vector.broadcast %max3A_114 : f32 to vector<512x256xf32>
    %max3A_116 = arith.maximumf %add3A_113, %max3A_115 : vector<512x256xf32>
    %get3A_117 = arith.constant 0 : index
    %get3A_118 = arith.constant 0 : index
    %get3A_119 = vector.load %arg9[%get3A_117, %get3A_118] : memref<1x256xf32, #tpu.memory_space<vmem>>, vector<1x256xf32>
    %get3A_120 = arith.constant 0 : index
    %get3A_121 = arith.constant 0 : index
    %get3A_122 = vector.load %arg10[%get3A_120, %get3A_121] : memref<1x256xf32, #tpu.memory_space<vmem>>, vector<1x256xf32>
    %reduce_sum3A_123 = arith.constant dense<0.000000e+00> : vector<512xf32>
    %reduce_sum3A_124 = vector.multi_reduction <add>, %max3A_116, %reduce_sum3A_123 [1] : vector<512x256xf32> to vector<512xf32>
    %broadcast_in_dim3A_125 = vector.shape_cast %reduce_sum3A_124 : vector<512xf32> to vector<512x1xf32>
    %div3A_126 = arith.constant 2.560000e+02 : f32
    %div3A_127 = vector.broadcast %div3A_126 : f32 to vector<512x1xf32>
    %div3A_128 = arith.divf %broadcast_in_dim3A_125, %div3A_127 : vector<512x1xf32>
    %jit3A_129 = arith.constant 0 : i32
    %reduce_sum3A_130 = arith.constant dense<0.000000e+00> : vector<512xf32>
    %reduce_sum3A_131 = vector.multi_reduction <add>, %max3A_116, %reduce_sum3A_130 [1] : vector<512x256xf32> to vector<512xf32>
    %broadcast_in_dim3A_132 = vector.shape_cast %reduce_sum3A_131 : vector<512xf32> to vector<512x1xf32>
    %div3A_133 = arith.constant 2.560000e+02 : f32
    %div3A_134 = vector.broadcast %div3A_133 : f32 to vector<512x1xf32>
    %div3A_135 = arith.divf %broadcast_in_dim3A_132, %div3A_134 : vector<512x1xf32>
    %sub3A_136 = vector.broadcast %div3A_135 : vector<512x1xf32> to vector<512x256xf32>
    %sub3A_137 = arith.subf %max3A_116, %sub3A_136 : vector<512x256xf32>
    %square3A_138 = arith.mulf %sub3A_137, %sub3A_137 : vector<512x256xf32>
    %convert_element_type3A_139 = arith.sitofp %jit3A_129 : i32 to f32
    %sub3A_140 = arith.constant 2.560000e+02 : f32
    %sub3A_141 = arith.subf %sub3A_140, %convert_element_type3A_139 : f32
    %reduce_sum3A_142 = arith.constant dense<0.000000e+00> : vector<512xf32>
    %reduce_sum3A_143 = vector.multi_reduction <add>, %square3A_138, %reduce_sum3A_142 [1] : vector<512x256xf32> to vector<512xf32>
    %broadcast_in_dim3A_144 = vector.shape_cast %reduce_sum3A_143 : vector<512xf32> to vector<512x1xf32>
    %div3A_145 = vector.broadcast %sub3A_141 : f32 to vector<512x1xf32>
    %div3A_146 = arith.divf %broadcast_in_dim3A_144, %div3A_145 : vector<512x1xf32>
    %gt3A_147 = arith.constant 0.000000e+00 : f32
    %gt3A_148 = arith.cmpf ogt, %sub3A_141, %gt3A_147 : f32
    %jit3A_149 = arith.constant 0x7FC00000 : f32
    %broadcast_in_dim3A_150 = vector.broadcast %jit3A_149 : f32 to vector<512x1xf32>
    %select_n3A_151 = arith.select %gt3A_148, %div3A_146, %broadcast_in_dim3A_150 : vector<512x1xf32>
    %sub3A_152 = vector.broadcast %div3A_128 : vector<512x1xf32> to vector<512x256xf32>
    %sub3A_153 = arith.subf %max3A_116, %sub3A_152 : vector<512x256xf32>
    %add3A_154 = arith.constant 9.99999974E-6 : f32
    %add3A_155 = vector.broadcast %add3A_154 : f32 to vector<512x1xf32>
    %add3A_156 = arith.addf %select_n3A_151, %add3A_155 : vector<512x1xf32>
    %sqrt3A_157 = math.sqrt %add3A_156 : vector<512x1xf32>
    %div3A_158 = vector.broadcast %sqrt3A_157 : vector<512x1xf32> to vector<512x256xf32>
    %div3A_159 = arith.divf %sub3A_153, %div3A_158 : vector<512x256xf32>
    %mul3A_160 = vector.broadcast %get3A_119 : vector<1x256xf32> to vector<512x256xf32>
    %mul3A_161 = arith.mulf %div3A_159, %mul3A_160 : vector<512x256xf32>
    %add3A_162 = vector.broadcast %get3A_122 : vector<1x256xf32> to vector<512x256xf32>
    %add3A_163 = arith.addf %mul3A_161, %add3A_162 : vector<512x256xf32>
    %get3A_164 = arith.constant 0 : index
    %get3A_165 = arith.constant 0 : index
    %get3A_166 = vector.load %arg11[%get3A_164, %get3A_165] : memref<256x1xf32, #tpu.memory_space<vmem>>, vector<256x1xf32>
    %dot_general3A_167 = arith.constant dense<0.000000e+00> : vector<512x1xf32>
    %dot_general3A_168 = tpu.matmul %add3A_163, %get3A_166, %dot_general3A_167 {dimension_numbers = #tpu.dot_dimension_numbers<[1], [0], [0], [1], [0, 0, 1, 1], [], []>, transpose_lhs_hint = false} : vector<512x256xf32>, vector<256x1xf32>, vector<512x1xf32> -> vector<512x1xf32>
    %get3A_169 = arith.constant 0 : index
    %get3A_170 = arith.constant 0 : index
    %get3A_171 = vector.load %arg12[%get3A_169, %get3A_170] : memref<1x1xf32, #tpu.memory_space<vmem>>, vector<1x1xf32>
    %add3A_172 = vector.broadcast %get3A_171 : vector<1x1xf32> to vector<512x1xf32>
    %add3A_173 = arith.addf %dot_general3A_168, %add3A_172 : vector<512x1xf32>
    %mul3A_174 = arith.mulf %add3A_173, %sub3A_10 : vector<512x1xf32>
    %swap3A = arith.constant 0 : index
    %swap3A_175 = arith.constant 0 : index
    %swap3A_176 = arith.constant 0 : index
    %swap3A_177 = vector.load %arg13[%swap3A, %swap3A_175, %swap3A_176] : memref<1x512x1xf32, #tpu.memory_space<vmem>>, vector<1x512x1xf32>
    %swap3A_178 = vector.shape_cast %swap3A_177 : vector<1x512x1xf32> to vector<512x1xf32>
    %swap3A_179 = vector.shape_cast %mul3A_174 : vector<512x1xf32> to vector<1x512x1xf32>
    tpu.vector_store %arg13[%swap3A, %swap3A_175, %swap3A_176], %swap3A_179 {strides = array<i32>} : memref<1x512x1xf32, #tpu.memory_space<vmem>>, vector<1x512x1xf32>,
    return
  }
  func.func @transform_0(%arg0: i32) -> (i32, i32, i32) {
    %c0_i32 = arith.constant 0 : i32
    %c0_i32_0 = arith.constant 0 : i32
    %c0_i32_1 = arith.constant 0 : i32
    return %arg0, %c0_i32, %c0_i32_0 : i32, i32, i32
  }
  func.func @transform_1(%arg0: i32) -> (i32, i32, i32) {
    %c0_i32 = arith.constant 0 : i32
    %c0_i32_0 = arith.constant 0 : i32
    %c0_i32_1 = arith.constant 0 : i32
    return %arg0, %c0_i32, %c0_i32_0 : i32, i32, i32
  }
  func.func @transform_2(%arg0: i32) -> (i32, i32, i32) {
    %c0_i32 = arith.constant 0 : i32
    %c0_i32_0 = arith.constant 0 : i32
    %c0_i32_1 = arith.constant 0 : i32
    %c0_i32_2 = arith.constant 0 : i32
    return %c0_i32, %c0_i32_0, %c0_i32_1 : i32, i32, i32
  }
  func.func @transform_3(%arg0: i32) -> (i32, i32) {
    %c0_i32 = arith.constant 0 : i32
    %c0_i32_0 = arith.constant 0 : i32
    %c0_i32_1 = arith.constant 0 : i32
    return %c0_i32, %c0_i32_0 : i32, i32
  }
  func.func @transform_4(%arg0: i32) -> (i32, i32) {
    %c0_i32 = arith.constant 0 : i32
    %c0_i32_0 = arith.constant 0 : i32
    %c0_i32_1 = arith.constant 0 : i32
    return %c0_i32, %c0_i32_0 : i32, i32
  }
  func.func @transform_5(%arg0: i32) -> (i32, i32) {
    %c0_i32 = arith.constant 0 : i32
    %c0_i32_0 = arith.constant 0 : i32
    %c0_i32_1 = arith.constant 0 : i32
    return %c0_i32, %c0_i32_0 : i32, i32
  }
  func.func @transform_6(%arg0: i32) -> (i32, i32, i32) {
    %c0_i32 = arith.constant 0 : i32
    %c0_i32_0 = arith.constant 0 : i32
    %c0_i32_1 = arith.constant 0 : i32
    %c0_i32_2 = arith.constant 0 : i32
    return %c0_i32, %c0_i32_0, %c0_i32_1 : i32, i32, i32
  }
  func.func @transform_7(%arg0: i32) -> (i32, i32) {
    %c0_i32 = arith.constant 0 : i32
    %c0_i32_0 = arith.constant 0 : i32
    %c0_i32_1 = arith.constant 0 : i32
    return %c0_i32, %c0_i32_0 : i32, i32
  }
  func.func @transform_8(%arg0: i32) -> (i32, i32) {
    %c0_i32 = arith.constant 0 : i32
    %c0_i32_0 = arith.constant 0 : i32
    %c0_i32_1 = arith.constant 0 : i32
    return %c0_i32, %c0_i32_0 : i32, i32
  }
  func.func @transform_9(%arg0: i32) -> (i32, i32) {
    %c0_i32 = arith.constant 0 : i32
    %c0_i32_0 = arith.constant 0 : i32
    %c0_i32_1 = arith.constant 0 : i32
    return %c0_i32, %c0_i32_0 : i32, i32
  }
  func.func @transform_10(%arg0: i32) -> (i32, i32) {
    %c0_i32 = arith.constant 0 : i32
    %c0_i32_0 = arith.constant 0 : i32
    %c0_i32_1 = arith.constant 0 : i32
    return %c0_i32, %c0_i32_0 : i32, i32
  }
  func.func @transform_11(%arg0: i32) -> (i32, i32) {
    %c0_i32 = arith.constant 0 : i32
    %c0_i32_0 = arith.constant 0 : i32
    %c0_i32_1 = arith.constant 0 : i32
    return %c0_i32, %c0_i32_0 : i32, i32
  }
  func.func @transform_12(%arg0: i32) -> (i32, i32, i32) {
    %c0_i32 = arith.constant 0 : i32
    %c0_i32_0 = arith.constant 0 : i32
    %c0_i32_1 = arith.constant 0 : i32
    return %arg0, %c0_i32, %c0_i32_0 : i32, i32, i32
  }
}

</mosaic_0001>

<sc_bundles>
// kernel: kernel.7.cloned.1.call-start
scs
__scs_entry_jumppad:
0x0: {  	(pc) =	sbr.rel $0x88, $3  }
0x1: {  	(tag) =	ssettag $0x0;
	lr =	simm.s32 $0x1  }
0x2: {  	[smem:$0x3F79] =	sst lr;
	_ =	strace $0xD0000000  }
0x3: {  	_ = 	snop  }
0x4: {  	_ = 	snop  }
0x5: {  	_ = 	snop  }
0x6: {  	_ = 	snop  }
0x7: {  	_ = 	snop  }
__scs_overlays_trampoline_lowered:
0x8: {  	[smem:$0x3F88] =	sst s0  }
0x9: {  	[smem:$0x3F89] =	sst s1  }
0xa: {  	[smem:$0x3F8A] =	sst s2  }
0xb: {  	[smem:$0x3F8B] =	sst s3  }
0xc: {  	[smem:$0x3F8C] =	sst s4  }
0xd: {  	[smem:$0x3F8D] =	sst s5  }
0xe: {  	[smem:$0x3F8E] =	sst s6  }
0xf: {  	[smem:$0x3F8F] =	sst s7  }
0x10: {  	[smem:$0x3F90] =	sst s8  }
0x11: {  	[smem:$0x3F91] =	sst s9;
	s0 =	simm.s32 @!p0 $0x0  }
0x12: {  	s1 =	sld [smem:$0x3F77];
	s0 =	simm.s32 @p0 $0x1  }
0x13: {  	[smem:$0x3F92] =	sst s0;
	s0 =	simm.s32 @!p1 $0x0  }
0x14: {  	s2 =	sld [smem:$0x3F76];
	s0 =	simm.s32 @p1 $0x1  }
0x15: {  	[smem:$0x3F93] =	sst s0;
	s0 =	simm.s32 @!p2 $0x0  }
0x16: {  	s3 =	sld [smem:$0x3FDB];
	s0 =	simm.s32 @p2 $0x1  }
0x17: {  	s4 =	simm.s32 $0x1BF5;
	[smem:$0x3F95] =	sst s0  }
0x18: {  	s0 =	sld [smem:$0x3F78];
	_ =	swait.ge [sflag:s4], $0x0  }
0x19: {  	s7 =	sld [smem:$0x3F79]  }
0x1a: {  	s8 =	sadd.s32 $0xFFFFE003, lr  }
0x1b: {  	s9 =	sadd.s32 $0xFFFFFEF7, lr;
	s5 =	simm.s32 $0xFFFFFFFF;
	p2 =	slt.u32 s8, $0xFFFFF086  }
0x1c: {  	p1 =	slt.u32 s9, $0xF7A;
	s5 =	simm.s32 @!p2 $0x0  }
0x1d: {  	s5 =	simm.s32 @p1 $0x1;
	p0 =	seq.s32 s7, s2  }
0x1e: {  	s7 =	smul.u32 @!p0 $0xF7A, s2;
	p2 =	seq.s32 @!p0 s5, $0x0  }
0x1f: {  	s9 =	smul.u32 $0xF7A, s1;
	s8 =	simm.s32 @!p0 $0x1BF5;
	p2 =	por !p2, p0  }
0x20: {  	[sflag:s8] =	ssyncset.s32 @!p0 $0xFFFFF086;
	s6 =	sadd.s32 @!p0 s3, s7;
	s7 =	simm.s32 @!p0 $0x108  }
0x21: {  	s3 =	sadd.s32 s3, s9;
	s6 =	sadd.s32 @!p0 $0x88, s6;
	s7 =	simm.s32 @p2 $0x1082  }
0x22: {  	[simem:s7], [sflag:s8] =	dma.local @!p0 [hbm:s6], $0xF7A  }
0x23: {  	s9 =	sor.u32 $0xD0000000, s2;
	s6 =	simm.s32 $0x108;
	_ =	swait.ge @!p0 [sflag:s8], $0x0  }
0x24: {  	s3 =	sadd.s32 $0x88, s3;
	s6 =	simm.s32 @!p1 $0x1082;
	[sflag:s4] =	ssyncset.s32 $0xFFFFF086  }
0x25: {  	[simem:s6], [sflag:s4] =	dma.local [hbm:s3], $0xF7A  }
0x26: {  	[smem:$0x3F79] =	sst s1;
	(tag) =	ssettag s2;
	_ =	strace s9  }
0x27: {  	s1 =	sld [smem:$0x3F89]  }
0x28: {  	s2 =	sld [smem:$0x3F8A]  }
0x29: {  	s4 =	sld [smem:$0x3F8C]  }
0x2a: {  	p0 =	seq.s32 s5, $0x0;
	s5 =	sld [smem:$0x3F8D]  }
0x2b: {  	s6 =	sld [smem:$0x3F8E]  }
0x2c: {  	s7 =	sld [smem:$0x3F8F]  }
0x2d: {  	s3 =	simm.s32 $0x108;
	s8 =	sld [smem:$0x3F90]  }
0x2e: {  	s3 =	simm.s32 @!p0 $0x1082;
	s9 =	sld [smem:$0x3F91]  }
0x2f: {  	lr =	sadd.s32 s0, s3;
	s0 =	sld [smem:$0x3F88]  }
0x30: {  	s3 =	sld [smem:$0x3F8B]  }
0x31: {  	[smem:$0x3F94] =	sst s10  }
0x32: {  	s10 =	sld [smem:$0x3F92];
	_ =	sdelay $0x3  }
0x33: {  	p0 =	seq.s32 s10, $0x1;
	s10 =	sld [smem:$0x3F94];
	_ =	sdelay $0x3  }
0x34: {  	[smem:$0x3F94] =	sst s10  }
0x35: {  	s10 =	sld [smem:$0x3F93];
	_ =	sdelay $0x3  }
0x36: {  	p1 =	seq.s32 s10, $0x1;
	s10 =	sld [smem:$0x3F94];
	_ =	sdelay $0x3  }
0x37: {  	[smem:$0x3F94] =	sst s10  }
0x38: {  	s10 =	sld [smem:$0x3F95]  }
0x39: {  	_ = 	snop;
	(pc) =	sbr.ind lr, $3  }
0x3a: {  	_ = 	snop  }
0x3b: {  	_ = 	snop  }
0x3c: {  	p2 =	seq.s32 s10, $0x1;
	s10 =	sld [smem:$0x3F94]  }
0x3d: {  	_ =	shalt  }
0x3e: {  	_ =	shalt  }
0x3f: {  	_ =	shalt  }
0x40: {  	_ =	shalt  }
0x41: {  	_ =	shalt  }
0x42: {  	_ =	shalt  }
0x43: {  	_ =	shalt  }
0x44: {  	_ =	shalt  }
0x45: {  	_ =	shalt  }
0x46: {  	_ =	shalt  }
0x47: {  	_ =	shalt  }
0x48: {  	_ =	shalt  }
0x49: {  	_ =	shalt  }
0x4a: {  	_ =	shalt  }
0x4b: {  	_ =	shalt  }
0x4c: {  	_ =	shalt  }
0x4d: {  	_ =	shalt  }
0x4e: {  	_ =	shalt  }
0x4f: {  	_ =	shalt  }
0x50: {  	_ =	shalt  }
0x51: {  	_ =	shalt  }
0x52: {  	_ =	shalt  }
0x53: {  	_ =	shalt  }
0x54: {  	_ =	shalt  }
0x55: {  	_ =	shalt  }
0x56: {  	_ =	shalt  }
0x57: {  	_ =	shalt  }
0x58: {  	_ =	shalt  }
0x59: {  	_ =	shalt  }
0x5a: {  	_ =	shalt  }
0x5b: {  	_ =	shalt  }
0x5c: {  	_ =	shalt  }
0x5d: {  	_ =	shalt  }
0x5e: {  	_ =	shalt  }
0x5f: {  	_ =	shalt  }
0x60: {  	_ =	shalt  }
0x61: {  	_ =	shalt  }
0x62: {  	_ =	shalt  }
0x63: {  	_ =	shalt  }
0x64: {  	_ =	shalt  }
0x65: {  	_ =	shalt  }
0x66: {  	_ =	shalt  }
0x67: {  	_ =	shalt  }
0x68: {  	_ =	shalt  }
0x69: {  	_ =	shalt  }
0x6a: {  	_ =	shalt  }
0x6b: {  	_ =	shalt  }
0x6c: {  	_ =	shalt  }
0x6d: {  	_ =	shalt  }
0x6e: {  	_ =	shalt  }
0x6f: {  	_ =	shalt  }
0x70: {  	_ =	shalt  }
0x71: {  	_ =	shalt  }
0x72: {  	_ =	shalt  }
0x73: {  	_ =	shalt  }
0x74: {  	_ =	shalt  }
0x75: {  	_ =	shalt  }
0x76: {  	_ =	shalt  }
0x77: {  	_ =	shalt  }
0x78: {  	_ =	shalt  }
0x79: {  	_ =	shalt  }
0x7a: {  	_ =	shalt  }
0x7b: {  	_ =	shalt  }
0x7c: {  	_ =	shalt  }
0x7d: {  	_ =	shalt  }
0x7e: {  	_ =	shalt  }
0x7f: {  	_ =	shalt  }
0x80: {  	_ =	shalt  }
0x81: {  	_ =	shalt  }
0x82: {  	_ =	shalt  }
0x83: {  	_ =	shalt  }
0x84: {  	_ =	shalt  }
0x85: {  	_ =	shalt  }
0x86: {  	_ =	shalt  }
0x87: {  	_ =	shalt  }
.Lfunc_end0:
.L_simem_size_0:
called_computation_lowered:
.L_overlay_start_0:
0x88: {  	s2 =	sld [smem:$0x3FD9]  }
0x89: {  	s3 =	sld [smem:$0x3FFE];
	_ =	sdelay $0x1  }
0x8a: {  	s1 =	srdreg.scid  }
0x8b: {  	s0 =	sand.u32 $0x1, s1  }
0x8c: {  	s14 =	sshll.u32 s0, $0xA;
	s2 =	sadd.s32 s3, s2  }
0x8d: {  	s2 =	sadd.s32 s2, s14  }
0x8e: {  	[smem:$0x3FA0] =	sst s2  }
0x8f: {  	_ = 	snop  }
0x90: {  	s2 =	sld [smem:$0x3FD0];
	_ =	sdelay $0x2  }
0x91: {  	s15 =	simm.s32 $0xA;
	s4 =	simm.s32 $0x10  }
0x92: {  	[smem:s4], [sflag:s15] =	dma.local [hbm:s2], $0x1  }
0x93: {  	_ =	swait.eq [sflag:s15], $0x1  }
0x94: {  	[sflag:s15] =	ssyncset.done $0x0  }
0x95: {  	[sflag:s15] =	ssyncadd.s32 $0xFFFFFFFF  }
0x96: {  	s16 =	sld [smem:$0x10];
	(tm) =	ssettm $0x1  }
0x97: {  	s17 =	sld [smem:$0x3FFB];
	_ =	sdelay $0x3  }
0x98: {  	_ =	strace s17  }
0x99: {  	s3 =	sld [smem:$0x3FFC];
	_ =	sdelay $0x3  }
0x9a: {  	_ =	strace s3  }
0x9b: {  	s3 =	sld [smem:$0x3FFD];
	_ =	sdelay $0x3  }
0x9c: {  	_ =	strace s3  }
0x9d: {  	_ =	strace $0x8FFFFFFF  }
0x9e: {  	s18 =	sld [smem:$0x3FDB];
	_ =	sdelay $0x1  }
0x9f: {  	s19 =	simm.s32 $_scs_section_size  }
0xa0: {  	s5 =	simm.s32 $_size__tile_overlayer_lowered;
	s6 =	simm.s32 $_tile_overlayer_lowered  }
0xa1: {  	s22 =	simm.s32 $0x1BFF;
	s21 =	sshll.u32 s6, $0x1;
	s3 =	sadd.s32 s19, s18  }
0xa2: {  	s7 =	simm.s32 $0x0;
	s20 =	sshll.u32 s5, $0x1;
	s5 =	sadd.s32 s21, s3  }
0xa3: {  	[timem:s7], [sflag:s22] =	dma.local [hbm:s5], s20  }
0xa4: {  	_ =	swait.ge [sflag:s22], s20  }
0xa5: {  	s4 =	ssub.s32 $0x0, s20;
	[sflag:s22] =	ssyncset.done $0x0  }
0xa6: {  	[sflag:s22] =	ssyncadd.s32 s4;
	_ =	sdelay $0x1  }
0xa7: {  	s23 =	simm.s32 $0x1B8B  }
0xa8: {  	_ =	swait.ge [sflag:s23], $0x1  }
0xa9: {  	[sflag:s23] =	ssyncset.done $0x0  }
0xaa: {  	s25 =	simm.s32 $0x1B8E;
	s24 =	sld [smem:$0x3FFE];
	[sflag:s23] =	ssyncadd.s32 $0xFFFFFFFF  }
0xab: {  	s26 =	simm.s32 $execute0_lowered;
	[smem:$0x3FD2] =	sst s25  }
0xac: {  	s5 =	sshll.u32 s26, $0x1;
	_ =	strace $0x80000046;
	[dreg:$0x1] =	wrdreg $0xFFFFFFFF  }
0xad: {  	s28 =	simm.s32 $_size_execute0_lowered;
	s3 =	sadd.s32 s3, s5;
	[dreg:$0x0] =	wrdreg $0x0  }
0xae: {  	s5 =	sshll.u32 s28, $0x1;
	[dreg:$0x2] =	wrdreg s3  }
0xaf: {  	[dreg:$0x3] =	wrdreg s5  }
0xb0: {  	[dreg:$0x4] =	wrdreg $0xC0  }
0xb1: {  	_ =	task [dreg:s7], $0x5FFFF  }
0xb2: {  	[dreg:$0x1] =	wrdreg $0xFFFFFFFF  }
0xb3: {  	[dreg:$0x0] =	wrdreg $0x60  }
0xb4: {  	[dreg:$0x2] =	wrdreg s24  }
0xb5: {  	[dreg:$0x3] =	wrdreg s16  }
0xb6: {  	[dreg:$0x4] =	wrdreg $0x9  }
0xb7: {  	_ =	task.clear_ibuf [dreg:s7], $0x5FFFF;
	_ =	strace $0x90000046  }
0xb8: {  	s29 =	simm.s32 $0x9;
	_ =	strace $0x80000048  }
0xb9: {  	_ =	swait.ge [sflag:s29], $0x1  }
0xba: {  	[sflag:s29] =	ssyncadd.s32 $0xFFFFFFFF  }
0xbb: {  	_ =	strace $0x90000048  }
0xbc: {  	_ =	sfence  }
0xbd: {  	s30 =	sld [smem:$0x0];
	_ =	sdelay $0x2  }
0xbe: {  	s31 =	sshll.u32 s1, $0xD;
	s1 =	sshrl.u32 s1, $0x2  }
0xbf: {  	s3 =	sand.u32 $0x4000, s31;
	s1 =	sadd.s32 s1, s30  }
0xc0: {  	s0 =	sor.u32 s3, s0;
	s1 =	sshll.u32 s1, $0x11  }
0xc1: {  	s0 =	sor.u32 s1, s0  }
0xc2: {  	s0 =	sadd.s32 $0x8F2B, s0  }
0xc3: {  	[sflag:s0] =	ssyncadd.remote.s32 $0x1  }
0xc4: {  	_ =	sfence.sel $0xFFFF  }
0xc5: {  	[dreg:$0x0] =	wrdreg $0xFFFFFFFF;
	(pc) =	sbr.abs _section_cstart, $3  }
0xc6: {  	[dreg:$0x1] =	wrdreg $0xFFFFFFFF  }
0xc7: {  	_ =	task.clear_ibuf [dreg:s7], $0x2FFFF;
	_ =	strace $0x9FFFFFFF  }
0xc8: {  	(tm) =	ssettm $0x7FFFFFFF  }
0xc9: {  	_ =	shalt  }
tec
execute0_lowered:
.L_overlay_start_1:
0x0: {  	(tag) =	ssettag $0x1  }
0x1: {  	s7 =	rddreg [dreg:$0x0]  }
0x2: {  	s1 =	rddreg [dreg:$0x1]  }
0x3: {  	s0 =	rddreg [dreg:$0x2];
	s2 =	simm.s32 $0x0  }
0x4: {  	s3 =	srdreg.scid;
	[smem:$0x7FF] =	sst s2  }
0x5: {  	s4 =	sadd.s32 $0x3A00, s7;
	s6 =	sand.u32 $0x1, s3;
	s5 =	sadd.s32 $0x47A00, s7  }
0x6: {  	s3 =	stileid.u32;
	s7 =	sadd.s32 $0x43A00, s7;
	_ =	strace $0x80000047  }
0x7: {  	s8 =	ssub.s32 $0x2, s6;
	s10 =	sshll.u32 s3, $0x10;
	s11 =	sshll.u32 s6, $0xF  }
0x8: {  	s12 =	sshll.u32 s3, $0x5;
	s6 =	sshll.u32 s6, $0x4;
	s9 =	sshrl.u32 s8, $0x1  }
0x9: {  	s10 =	sor.u32 s11, s10;
	s6 =	sor.u32 s6, s12;
	s9 =	ssub.s32 s8, s9  }
0xa: {  	s24 =	sor.u32 $0xE00, s10;
	s11 =	sor.u32 $0xD00, s10;
	s26 =	sor.u32 $0xC00, s10  }
0xb: {  	s29 =	sor.u32 $0xB00, s10;
	s31 =	sor.u32 $0xA00, s10;
	s12 =	sor.u32 $0x900, s10  }
0xc: {  	s14 =	sor.u32 $0x800, s10;
	s16 =	sor.u32 $0x700, s10;
	s8 =	sshrl.u32 s24, $0x3  }
0xd: {  	s18 =	sor.u32 $0x600, s10;
	s25 =	sshrl.u32 s11, $0x3;
	[dreg:$0x3] =	wrdreg s8  }
0xe: {  	s20 =	sor.u32 $0x500, s10;
	s28 =	sshrl.u32 s26, $0x3;
	[dreg:$0x4] =	wrdreg s25  }
0xf: {  	s22 =	sor.u32 $0x400, s10;
	s30 =	sshrl.u32 s29, $0x3;
	[dreg:$0x5] =	wrdreg s28  }
0x10: {  	s11 =	sshrl.u32 s31, $0x3;
	s13 =	sshrl.u32 s12, $0x3;
	[dreg:$0x6] =	wrdreg s30  }
0x11: {  	s15 =	sshrl.u32 s14, $0x3;
	s17 =	sshrl.u32 s16, $0x3;
	[dreg:$0x7] =	wrdreg s11  }
0x12: {  	s19 =	sshrl.u32 s18, $0x3;
	s21 =	sshrl.u32 s20, $0x3;
	[dreg:$0x8] =	wrdreg s13  }
0x13: {  	s23 =	sshrl.u32 s22, $0x3;
	s24 =	sor.u32 $0x300, s10;
	[dreg:$0x9] =	wrdreg s15  }
0x14: {  	s26 =	sor.u32 $0x200, s10;
	s29 =	sor.u32 $0x100, s10;
	[dreg:$0xa] =	wrdreg s17  }
0x15: {  	s9 =	smax.u32 s9, $0x1;
	s12 =	simm.s32 $0x18800;
	[dreg:$0xb] =	wrdreg s19  }
0x16: {  	s14 =	simm.s32 $0x4;
	s16 =	simm.s32 $0x0;
	[dreg:$0xc] =	wrdreg s21  }
0x17: {  	[dreg:$0xd] =	wrdreg s23;
	s25 =	sshrl.u32 s24, $0x3;
	s28 =	sshrl.u32 s26, $0x3  }
0x18: {  	s11 =	sshrl.u32 s29, $0x3;
	s30 =	sor.u32 $0xF00, s10;
	[dreg:$0xe] =	wrdreg s25  }
0x19: {  	s8 =	sshrl.u32 s10, $0x3;
	s13 =	simm.s32 $0x3;
	[dreg:$0xf] =	wrdreg s28  }
0x1a: {  	s15 =	simm.s32 $0x5;
	[dreg:$0x10] =	wrdreg s11;
	s31 =	sshrl.u32 s30, $0x3  }
0x1b: {  	s10 =	sadd.s32 s8, s5;
	s11 =	simm.s32 $0x6;
	[dreg:$0x11] =	wrdreg s31  }
.LBB2_1:
0x1c: {  	s17 =	sadd.s32 $0x0, s1  }
0x1d: {  	s18 =	simm.s32 $0x0;
	s17 =	sadd.s32 s6, s17  }
0x1e: {  	[tilespmem:s18], [sflag:$0x6] =	stream.linear.gather [hbm4b:s17+s2], $0x80, $0x38;
	[tilespmem:$0x18900] =	vst v63  }
0x1f: {  	s17 =	simm.s32 $0x200;
	_ =	swait.ge [sflag:s11], $0x80  }
.LBB2_2:
0x20: {  	s18 =	sadd.s32 s17, s1  }
0x21: {  	[sflag:s11] =	ssyncset.done $0x0;
	s19 =	sshra.s32 s17, $0x2;
	p0 =	sne.s32 s17, $0x1E00  }
.Ltmp0:
0x22: {  	s18 =	sadd.s32 s6, s18;
	[sflag:s11] =	ssyncadd.s32 $0xFFFFFF80;
	(pc) =	sbr.rel @p0 .LBB2_2-.Ltmp0, $3  }
0x23: {  	[tilespmem:s19], [sflag:$0x6] =	stream.linear.gather [hbm4b:s18+s2], $0x80, $0x38;
	[tilespmem:$0x18900] =	vst v63  }
0x24: {  	s17 =	sadd.s32 $0x200, s17;
	_ =	sdelay $0x1  }
0x25: {  	_ =	swait.ge [sflag:s11], $0x80  }
0x26: {  	[sflag:s11] =	ssyncset.done $0x0  }
0x27: {  	[sflag:s11] =	ssyncadd.s32 $0xFFFFFF80  }
0x28: {  	[tilespmem:s12], [sflag:$0x6] =	stream.linear.gather [hbm4b:s7+s2], $0x100, $0x38;
	[tilespmem:$0x18900] =	vst v63  }
0x29: {  	_ =	swait.ge [sflag:s11], $0x100  }
0x2a: {  	[sflag:s11] =	ssyncset.done $0x0  }
0x2b: {  	[sflag:s11] =	ssyncadd.s32 $0xFFFFFF00  }
0x2c: {  	v0 =	vld [tilespmem:$0x0];
	_ =	sdelay $0x4  }
0x2d: {  	(v2sf) =	vpush v0, $0x0;
	_ =	sdelay $0xe  }
0x2e: {  	s17 =	spop (v2sf)  }
0x2f: {  	p0 =	sgt.s32 s17, $0x1FFF  }
0x30: {  	s17 =	sshll.u32 @!p0 s17, $0x5  }
.Ltmp1:
0x31: {  	s17 =	sand.u32 @!p0 $0x1FFFFFE0, s17;
	(pc) =	sbr.rel .LBB2_4-.Ltmp1, $4  }
0x32: {  	s18 =	simm.s32 @!p0 $0x0;
	s19 =	simm.s32 @!p0 $0x800;
	s17 =	sadd.s32 @!p0 s4, s17  }
0x33: {  	[tilespmem:s19], [sflag:$0x1] =	stream.linear.gather @!p0 [hbm4b:s17+s18], $0x4000, $0x38;
	[tilespmem:$0x18900] =	vst v63  }
0x34: {  	s20 =	smov.u32 s10;
	s19 =	simm.s32 $0x0  }
0x35: {  	p0 =	por $0x0, $0x0;
	s17 =	smov.u32 s5;
	s18 =	simm.s32 $0x0  }
.LBB2_26:
0x36: {  	p1 =	sne.s32 s19, $0x10  }
.Ltmp2:
0x37: {  	_ = 	snop;
	(pc) =	sbr.rel @!p1 .LBB2_27-.Ltmp2, $3  }
0x38: {  	_ =	sdelay $0x1  }
0x39: {  	s20 =	sadd.s32 $0x20000, s20;
	p0 =	por !p0, !p0  }
0x3a: {  	s18 =	sadd.s32 $0x80, s18;
	s17 =	sadd.s32 $0x20000, s17;
	s21 =	simm.s32 $0x8  }
.LBB2_4:
0x3b: {  	p1 =	seq.s32 s19, $0x0  }
.Ltmp3:
0x3c: {  	_ = 	snop;
	(pc) =	sbr.rel @p1 .LBB2_9-.Ltmp3, $2  }
0x3d: {  	_ =	sdelay $0x2  }
0x3e: {  	s22 =	smov.u32 s19;
	s21 =	sand.u32 $0x1, s19;
	s19 =	sadd.s32 $0x1, s19  }
0x3f: {  	p1 =	seq.s32 s22, $0xF  }
.Ltmp4:
0x40: {  	_ = 	snop;
	(pc) =	sbr.rel @p1 .LBB2_10-.Ltmp4, $1  }
0x41: {  	_ =	sdelay $0x3  }
0x42: {  	s23 =	sxor.u32 $0x1, s21  }
0x43: {  	s23 =	sadd.s32 $0x3, s23  }
0x44: {  	_ =	swait.ge [sflag:s23], $0x100  }
0x45: {  	[sflag:s23] =	ssyncset.done $0x0  }
0x46: {  	[sflag:s23] =	ssyncadd.s32 $0xFFFFFF00  }
0x47: {  	_ =	swait.ge [sflag:s23], $0x100  }
0x48: {  	[sflag:s23] =	ssyncset.done $0x0  }
0x49: {  	[sflag:s23] =	ssyncadd.s32 $0xFFFFFF00  }
0x4a: {  	_ =	swait.ge [sflag:s23], $0x100  }
0x4b: {  	[sflag:s23] =	ssyncset.done $0x0  }
0x4c: {  	[sflag:s23] =	ssyncadd.s32 $0xFFFFFF00  }
0x4d: {  	_ =	swait.ge [sflag:s23], $0x100  }
0x4e: {  	[sflag:s23] =	ssyncset.done $0x0  }
0x4f: {  	[sflag:s23] =	ssyncadd.s32 $0xFFFFFF00  }
0x50: {  	_ =	swait.ge [sflag:s23], $0x100  }
0x51: {  	[sflag:s23] =	ssyncset.done $0x0  }
0x52: {  	[sflag:s23] =	ssyncadd.s32 $0xFFFFFF00  }
0x53: {  	_ =	swait.ge [sflag:s23], $0x100  }
0x54: {  	[sflag:s23] =	ssyncset.done $0x0  }
0x55: {  	[sflag:s23] =	ssyncadd.s32 $0xFFFFFF00  }
0x56: {  	_ =	swait.ge [sflag:s23], $0x100  }
0x57: {  	[sflag:s23] =	ssyncset.done $0x0  }
0x58: {  	[sflag:s23] =	ssyncadd.s32 $0xFFFFFF00  }
0x59: {  	_ =	swait.ge [sflag:s23], $0x100  }
0x5a: {  	[sflag:s23] =	ssyncset.done $0x0  }
0x5b: {  	[sflag:s23] =	ssyncadd.s32 $0xFFFFFF00  }
0x5c: {  	_ =	swait.ge [sflag:s23], $0x100  }
0x5d: {  	[sflag:s23] =	ssyncset.done $0x0  }
0x5e: {  	[sflag:s23] =	ssyncadd.s32 $0xFFFFFF00  }
0x5f: {  	_ =	swait.ge [sflag:s23], $0x100  }
0x60: {  	[sflag:s23] =	ssyncset.done $0x0  }
0x61: {  	[sflag:s23] =	ssyncadd.s32 $0xFFFFFF00  }
0x62: {  	_ =	swait.ge [sflag:s23], $0x100  }
0x63: {  	[sflag:s23] =	ssyncset.done $0x0  }
0x64: {  	[sflag:s23] =	ssyncadd.s32 $0xFFFFFF00  }
0x65: {  	_ =	swait.ge [sflag:s23], $0x100  }
0x66: {  	[sflag:s23] =	ssyncset.done $0x0  }
0x67: {  	[sflag:s23] =	ssyncadd.s32 $0xFFFFFF00  }
0x68: {  	_ =	swait.ge [sflag:s23], $0x100  }
0x69: {  	[sflag:s23] =	ssyncset.done $0x0  }
0x6a: {  	[sflag:s23] =	ssyncadd.s32 $0xFFFFFF00  }
0x6b: {  	_ =	swait.ge [sflag:s23], $0x100  }
0x6c: {  	[sflag:s23] =	ssyncset.done $0x0  }
0x6d: {  	[sflag:s23] =	ssyncadd.s32 $0xFFFFFF00  }
0x6e: {  	_ =	swait.ge [sflag:s23], $0x100  }
0x6f: {  	[sflag:s23] =	ssyncset.done $0x0  }
0x70: {  	[sflag:s23] =	ssyncadd.s32 $0xFFFFFF00  }
0x71: {  	_ =	swait.ge [sflag:s23], $0x100  }
0x72: {  	s24 =	simm.s32 $0x7;
	[sflag:s23] =	ssyncset.done $0x0  }
.LBB2_7:
0x73: {  	p2 =	sne.s32 s24, $0x1;
	s24 =	sadd.s32 $0xFFFFFFFF, s24;
	[sflag:s23] =	ssyncadd.s32 $0xFFFFFF00  }
0x74: {  	_ =	swait.ge [sflag:s23], $0x100  }
0x75: {  	[sflag:s23] =	ssyncset.done $0x0  }
0x76: {  	[sflag:s23] =	ssyncadd.s32 $0xFFFFFF00  }
0x77: {  	_ =	swait.ge [sflag:s23], $0x100  }
0x78: {  	[sflag:s23] =	ssyncset.done $0x0  }
0x79: {  	[sflag:s23] =	ssyncadd.s32 $0xFFFFFF00  }
0x7a: {  	_ =	swait.ge [sflag:s23], $0x100  }
0x7b: {  	[sflag:s23] =	ssyncset.done $0x0  }
0x7c: {  	[sflag:s23] =	ssyncadd.s32 $0xFFFFFF00  }
0x7d: {  	_ =	swait.ge [sflag:s23], $0x100  }
0x7e: {  	[sflag:s23] =	ssyncset.done $0x0  }
0x7f: {  	[sflag:s23] =	ssyncadd.s32 $0xFFFFFF00  }
0x80: {  	_ =	swait.ge [sflag:s23], $0x100  }
0x81: {  	[sflag:s23] =	ssyncset.done $0x0  }
0x82: {  	[sflag:s23] =	ssyncadd.s32 $0xFFFFFF00  }
0x83: {  	_ =	swait.ge [sflag:s23], $0x100  }
0x84: {  	[sflag:s23] =	ssyncset.done $0x0  }
0x85: {  	[sflag:s23] =	ssyncadd.s32 $0xFFFFFF00  }
0x86: {  	_ =	swait.ge [sflag:s23], $0x100  }
0x87: {  	[sflag:s23] =	ssyncset.done $0x0  }
0x88: {  	[sflag:s23] =	ssyncadd.s32 $0xFFFFFF00  }
0x89: {  	_ =	swait.ge [sflag:s23], $0x100  }
0x8a: {  	[sflag:s23] =	ssyncset.done $0x0  }
0x8b: {  	[sflag:s23] =	ssyncadd.s32 $0xFFFFFF00  }
0x8c: {  	_ =	swait.ge [sflag:s23], $0x100  }
0x8d: {  	[sflag:s23] =	ssyncset.done $0x0  }
0x8e: {  	[sflag:s23] =	ssyncadd.s32 $0xFFFFFF00  }
0x8f: {  	_ =	swait.ge [sflag:s23], $0x100  }
0x90: {  	[sflag:s23] =	ssyncset.done $0x0  }
0x91: {  	[sflag:s23] =	ssyncadd.s32 $0xFFFFFF00  }
0x92: {  	_ =	swait.ge [sflag:s23], $0x100  }
0x93: {  	[sflag:s23] =	ssyncset.done $0x0  }
0x94: {  	[sflag:s23] =	ssyncadd.s32 $0xFFFFFF00  }
0x95: {  	_ =	swait.ge [sflag:s23], $0x100  }
0x96: {  	[sflag:s23] =	ssyncset.done $0x0  }
0x97: {  	[sflag:s23] =	ssyncadd.s32 $0xFFFFFF00  }
0x98: {  	_ =	swait.ge [sflag:s23], $0x100  }
0x99: {  	[sflag:s23] =	ssyncset.done $0x0  }
0x9a: {  	[sflag:s23] =	ssyncadd.s32 $0xFFFFFF00  }
0x9b: {  	_ =	swait.ge [sflag:s23], $0x100  }
0x9c: {  	[sflag:s23] =	ssyncset.done $0x0  }
0x9d: {  	[sflag:s23] =	ssyncadd.s32 $0xFFFFFF00  }
.Ltmp5:
0x9e: {  	_ =	swait.ge [sflag:s23], $0x100;
	(pc) =	sbr.rel @p2 .LBB2_7-.Ltmp5, $4  }
0x9f: {  	[sflag:s23] =	ssyncset.done $0x0  }
0xa0: {  	[sflag:s23] =	ssyncadd.s32 $0xFFFFFF00  }
0xa1: {  	_ =	swait.ge [sflag:s23], $0x100  }
0xa2: {  	[sflag:s23] =	ssyncset.done $0x0  }
.Ltmp6:
0xa3: {  	(pc) =	sbr.rel @p1 .LBB2_10-.Ltmp6, $2  }
0xa4: {  	_ =	sdelay $0x2  }
0xa5: {  	[sflag:s23] =	ssyncadd.s32 $0xFFFFFF00  }
.LBB2_9:
0xa6: {  	s23 =	sshll.u32 s19, $0x7  }
0xa7: {  	s23 =	sand.u32 $0x3FFFFF80, s23  }
0xa8: {  	v0 =	vld [tilespmem:s23+$0x0];
	_ =	sdelay $0x4  }
0xa9: {  	(v2sf) =	vpush v0, $0x0;
	_ =	sdelay $0xe  }
0xaa: {  	s23 =	spop (v2sf)  }
0xab: {  	p1 =	sgt.s32 s23, $0x1FFF  }
0xac: {  	s24 =	sxor.u32 @!p1 $0x1, s21;
	s23 =	sshll.u32 @!p1 s23, $0x5  }
0xad: {  	s26 =	simm.s32 @!p1 $0x0;
	s25 =	sshll.u32 @!p1 s24, $0xE;
	s23 =	sand.u32 @!p1 $0x1FFFFFE0, s23  }
0xae: {  	s24 =	sadd.s32 @!p1 $0x1, s24;
	s25 =	sor.u32 @!p1 $0x800, s25;
	s23 =	sadd.s32 @!p1 s4, s23  }
0xaf: {  	[tilespmem:s25], [sflag:s24] =	stream.linear.gather @!p1 [hbm4b:s23+s26], $0x4000, $0x38;
	[tilespmem:$0x18900] =	vst v63  }
.LBB2_10:
0xb0: {  	s22 =	sshll.u32 s22, $0x7  }
0xb1: {  	s23 =	sand.u32 $0x3FFFFF80, s22  }
0xb2: {  	v0 =	vld [tilespmem:s23+$0x0];
	_ =	sdelay $0x4  }
0xb3: {  	(v2sf) =	vpush v0, $0x0;
	_ =	sdelay $0xe  }
0xb4: {  	s22 =	spop (v2sf)  }
0xb5: {  	p1 =	sgt.s32 s22, $0x1FFF  }
0xb6: {  	s24 =	sadd.s32 @!p1 $0x1, s21  }
0xb7: {  	_ =	swait.ge @!p1 [sflag:s24], $0x4000  }
0xb8: {  	[sflag:s24] =	ssyncset.done @!p1 $0x0  }
0xb9: {  	[sflag:s24] =	ssyncadd.s32 @!p1 $0xFFFFC000  }
0xba: {  	v1 =	vld [tilespmem:s23+$0x70];
	_ =	sdelay $0x4  }
0xbb: {  	(v2sf) =	vpush v1, $0xF;
	_ =	sdelay $0xe  }
0xbc: {  	s31 =	spop (v2sf)  }
0xbd: {  	s23 =	ssub.s32 s31, s22  }
0xbe: {  	p2 =	sgt.s32 @!p1 s23, $0x3F  }
0xbf: {  	p2 =	por p1, p2  }
.Ltmp7:
0xc0: {  	_ = 	snop;
	(pc) =	sbr.rel @p2 .LBB2_14-.Ltmp7, $1  }
0xc1: {  	_ =	sdelay $0x3  }
0xc2: {  	v1 =	vld [tilespmem:s18+$0x0];
	_ =	sdelay $0x2  }
0xc3: {  	v0 =	vbroadcast v0, $0x0;
	_ =	sdelay $0x1  }
0xc4: {  	s22 =	sshll.u32 s21, $0xE;
	v2 =	vsub.s32 v1, v0  }
0xc5: {  	v1 =	vmov s22;
	v2 =	vshll.u32 v2, $0x8  }
0xc6: {  	v2 =	vadd.s32 v1, v2  }
0xc7: {  	v2 =	vadd.s32 $0x800, v2  }
0xc8: {  	(v2sf) =	vpush v2, $0x0;
	_ =	sdelay $0x1  }
0xc9: {  	(v2sf) =	vpush v2, $0x1;
	_ =	sdelay $0x1  }
0xca: {  	(v2sf) =	vpush v2, $0x2;
	_ =	sdelay $0x1  }
0xcb: {  	(v2sf) =	vpush v2, $0x3;
	_ =	sdelay $0x1  }
0xcc: {  	(v2sf) =	vpush v2, $0x4;
	_ =	sdelay $0x1  }
0xcd: {  	(v2sf) =	vpush v2, $0x5;
	_ =	sdelay $0x1  }
0xce: {  	(v2sf) =	vpush v2, $0x6;
	_ =	sdelay $0x1  }
0xcf: {  	(v2sf) =	vpush v2, $0x7  }
0xd0: {  	s21 =	sadd.s32 $0x3, s21;
	s23 =	sadd.s32 $0x0, s20;
	s28 =	spop (v2sf)  }
0xd1: {  	(v2sf) =	vpush v2, $0x8;
	[hbm4b:s23+s2] =	stream.linear.scatter [tilespmem:s28], [sflag:s21], $0x100, $0x38;
	[tilespmem:$0x18900] =	vst v63  }
0xd2: {  	s29 =	sadd.s32 $0x20, s23;
	s24 =	spop (v2sf);
	(v2sf) =	vpush v2, $0x9  }
0xd3: {  	[hbm4b:s29+s2] =	stream.linear.scatter [tilespmem:s24], [sflag:s21], $0x100, $0x38;
	[tilespmem:$0x18900] =	vst v63  }
0xd4: {  	s30 =	sadd.s32 $0x40, s23;
	s31 =	spop (v2sf);
	(v2sf) =	vpush v2, $0xA  }
0xd5: {  	[hbm4b:s30+s2] =	stream.linear.scatter [tilespmem:s31], [sflag:s21], $0x100, $0x38;
	[tilespmem:$0x18900] =	vst v63  }
0xd6: {  	s25 =	sadd.s32 $0x60, s23;
	s26 =	spop (v2sf);
	(v2sf) =	vpush v2, $0xB  }
0xd7: {  	[hbm4b:s25+s2] =	stream.linear.scatter [tilespmem:s26], [sflag:s21], $0x100, $0x38;
	[tilespmem:$0x18900] =	vst v63  }
0xd8: {  	s28 =	sadd.s32 $0x80, s23;
	s29 =	spop (v2sf);
	(v2sf) =	vpush v2, $0xC  }
0xd9: {  	[hbm4b:s28+s2] =	stream.linear.scatter [tilespmem:s29], [sflag:s21], $0x100, $0x38;
	[tilespmem:$0x18900] =	vst v63  }
0xda: {  	s30 =	sadd.s32 $0xA0, s23;
	s31 =	spop (v2sf);
	(v2sf) =	vpush v2, $0xD  }
0xdb: {  	[hbm4b:s30+s2] =	stream.linear.scatter [tilespmem:s31], [sflag:s21], $0x100, $0x38;
	[tilespmem:$0x18900] =	vst v63  }
0xdc: {  	s25 =	sadd.s32 $0xC0, s23;
	s26 =	spop (v2sf);
	(v2sf) =	vpush v2, $0xE  }
0xdd: {  	[hbm4b:s25+s2] =	stream.linear.scatter [tilespmem:s26], [sflag:s21], $0x100, $0x38;
	[tilespmem:$0x18900] =	vst v63  }
0xde: {  	s28 =	sadd.s32 $0xE0, s23;
	s29 =	spop (v2sf);
	(v2sf) =	vpush v2, $0xF  }
0xdf: {  	[hbm4b:s28+s2] =	stream.linear.scatter [tilespmem:s29], [sflag:s21], $0x100, $0x38;
	[tilespmem:$0x18900] =	vst v63  }
0xe0: {  	s31 =	spop (v2sf)  }
0xe1: {  	s30 =	sadd.s32 $0x100, s23;
	s26 =	spop (v2sf)  }
0xe2: {  	[hbm4b:s30+s2] =	stream.linear.scatter [tilespmem:s31], [sflag:s21], $0x100, $0x38;
	[tilespmem:$0x18900] =	vst v63  }
0xe3: {  	s25 =	sadd.s32 $0x120, s23;
	s29 =	spop (v2sf)  }
0xe4: {  	[hbm4b:s25+s2] =	stream.linear.scatter [tilespmem:s26], [sflag:s21], $0x100, $0x38;
	[tilespmem:$0x18900] =	vst v63  }
0xe5: {  	s28 =	sadd.s32 $0x140, s23;
	s31 =	spop (v2sf)  }
0xe6: {  	[hbm4b:s28+s2] =	stream.linear.scatter [tilespmem:s29], [sflag:s21], $0x100, $0x38;
	[tilespmem:$0x18900] =	vst v63  }
0xe7: {  	s30 =	sadd.s32 $0x160, s23;
	s26 =	spop (v2sf)  }
0xe8: {  	[hbm4b:s30+s2] =	stream.linear.scatter [tilespmem:s31], [sflag:s21], $0x100, $0x38;
	[tilespmem:$0x18900] =	vst v63  }
0xe9: {  	s22 =	simm.s32 $0x200;
	s25 =	sadd.s32 $0x180, s23;
	s29 =	spop (v2sf)  }
0xea: {  	[hbm4b:s25+s2] =	stream.linear.scatter [tilespmem:s26], [sflag:s21], $0x100, $0x38;
	[tilespmem:$0x18900] =	vst v63  }
0xeb: {  	s24 =	sadd.s32 $0x1E0, s23;
	s28 =	sadd.s32 $0x1A0, s23;
	s31 =	spop (v2sf)  }
0xec: {  	[hbm4b:s28+s2] =	stream.linear.scatter [tilespmem:s29], [sflag:s21], $0x100, $0x38;
	[tilespmem:$0x18900] =	vst v63  }
0xed: {  	s30 =	sadd.s32 $0x1C0, s23;
	s23 =	sadd.s32 $0x10, s18;
	s25 =	spop (v2sf)  }
0xee: {  	[hbm4b:s30+s2] =	stream.linear.scatter [tilespmem:s31], [sflag:s21], $0x100, $0x38;
	[tilespmem:$0x18900] =	vst v63  }
.LBB2_12:
0xef: {  	[hbm4b:s24+s2] =	stream.linear.scatter [tilespmem:s25], [sflag:s21], $0x100, $0x38;
	[tilespmem:$0x18900] =	vst v63  }
0xf0: {  	p1 =	seq.s32 s22, $0xE00;
	s24 =	smov.u32 s22;
	s22 =	sadd.s32 $0x200, s22;
	v2 =	vld [tilespmem:s23+$0x0]  }
0xf1: {  	_ =	sdelay $0x3  }
0xf2: {  	v2 =	vsub.s32 v2, v0  }
0xf3: {  	v2 =	vshll.u32 v2, $0x8  }
0xf4: {  	v2 =	vadd.s32 v1, v2  }
0xf5: {  	v2 =	vadd.s32 $0x800, v2  }
0xf6: {  	(v2sf) =	vpush v2, $0x0;
	_ =	sdelay $0x1  }
0xf7: {  	(v2sf) =	vpush v2, $0x1;
	_ =	sdelay $0x1  }
0xf8: {  	(v2sf) =	vpush v2, $0x2;
	_ =	sdelay $0x1  }
0xf9: {  	(v2sf) =	vpush v2, $0x3;
	_ =	sdelay $0x1  }
0xfa: {  	(v2sf) =	vpush v2, $0x4;
	_ =	sdelay $0x1  }
0xfb: {  	(v2sf) =	vpush v2, $0x5;
	_ =	sdelay $0x1  }
0xfc: {  	(v2sf) =	vpush v2, $0x6;
	_ =	sdelay $0x1  }
0xfd: {  	(v2sf) =	vpush v2, $0x7  }
0xfe: {  	s24 =	sadd.s32 s24, s20;
	s25 =	spop (v2sf)  }
0xff: {  	[hbm4b:s24+s2] =	stream.linear.scatter [tilespmem:s25], [sflag:s21], $0x100, $0x38;
	(v2sf) =	vpush v2, $0x8;
	[tilespmem:$0x18900] =	vst v63  }
0x100: {  	s25 =	sadd.s32 $0x20, s24;
	s26 =	spop (v2sf)  }
0x101: {  	[hbm4b:s25+s2] =	stream.linear.scatter [tilespmem:s26], [sflag:s21], $0x100, $0x38;
	(v2sf) =	vpush v2, $0x9;
	[tilespmem:$0x18900] =	vst v63  }
0x102: {  	s25 =	sadd.s32 $0x40, s24;
	s26 =	spop (v2sf)  }
0x103: {  	[hbm4b:s25+s2] =	stream.linear.scatter [tilespmem:s26], [sflag:s21], $0x100, $0x38;
	(v2sf) =	vpush v2, $0xA;
	[tilespmem:$0x18900] =	vst v63  }
0x104: {  	s25 =	sadd.s32 $0x60, s24;
	s26 =	spop (v2sf)  }
0x105: {  	[hbm4b:s25+s2] =	stream.linear.scatter [tilespmem:s26], [sflag:s21], $0x100, $0x38;
	(v2sf) =	vpush v2, $0xB;
	[tilespmem:$0x18900] =	vst v63  }
0x106: {  	s25 =	sadd.s32 $0x80, s24;
	s26 =	spop (v2sf)  }
0x107: {  	[hbm4b:s25+s2] =	stream.linear.scatter [tilespmem:s26], [sflag:s21], $0x100, $0x38;
	(v2sf) =	vpush v2, $0xC;
	[tilespmem:$0x18900] =	vst v63  }
0x108: {  	s25 =	sadd.s32 $0xA0, s24;
	s26 =	spop (v2sf)  }
0x109: {  	[hbm4b:s25+s2] =	stream.linear.scatter [tilespmem:s26], [sflag:s21], $0x100, $0x38;
	(v2sf) =	vpush v2, $0xD;
	[tilespmem:$0x18900] =	vst v63  }
0x10a: {  	s25 =	sadd.s32 $0xC0, s24;
	s26 =	spop (v2sf)  }
0x10b: {  	[hbm4b:s25+s2] =	stream.linear.scatter [tilespmem:s26], [sflag:s21], $0x100, $0x38;
	(v2sf) =	vpush v2, $0xE;
	[tilespmem:$0x18900] =	vst v63  }
0x10c: {  	s25 =	sadd.s32 $0xE0, s24;
	s26 =	spop (v2sf)  }
0x10d: {  	[hbm4b:s25+s2] =	stream.linear.scatter [tilespmem:s26], [sflag:s21], $0x100, $0x38;
	(v2sf) =	vpush v2, $0xF;
	[tilespmem:$0x18900] =	vst v63  }
0x10e: {  	s25 =	sadd.s32 $0x100, s24;
	s26 =	spop (v2sf)  }
0x10f: {  	[hbm4b:s25+s2] =	stream.linear.scatter [tilespmem:s26], [sflag:s21], $0x100, $0x38;
	[tilespmem:$0x18900] =	vst v63  }
0x110: {  	s25 =	sadd.s32 $0x120, s24;
	s26 =	spop (v2sf)  }
0x111: {  	[hbm4b:s25+s2] =	stream.linear.scatter [tilespmem:s26], [sflag:s21], $0x100, $0x38;
	[tilespmem:$0x18900] =	vst v63  }
0x112: {  	s25 =	sadd.s32 $0x140, s24;
	s26 =	spop (v2sf)  }
0x113: {  	[hbm4b:s25+s2] =	stream.linear.scatter [tilespmem:s26], [sflag:s21], $0x100, $0x38;
	[tilespmem:$0x18900] =	vst v63  }
0x114: {  	s25 =	sadd.s32 $0x160, s24;
	s26 =	spop (v2sf)  }
0x115: {  	[hbm4b:s25+s2] =	stream.linear.scatter [tilespmem:s26], [sflag:s21], $0x100, $0x38;
	[tilespmem:$0x18900] =	vst v63  }
0x116: {  	s25 =	sadd.s32 $0x180, s24;
	s26 =	spop (v2sf)  }
0x117: {  	[hbm4b:s25+s2] =	stream.linear.scatter [tilespmem:s26], [sflag:s21], $0x100, $0x38;
	[tilespmem:$0x18900] =	vst v63  }
.Ltmp8:
0x118: {  	s25 =	sadd.s32 $0x1A0, s24;
	s26 =	spop (v2sf);
	(pc) =	sbr.rel @!p1 .LBB2_12-.Ltmp8, $4  }
0x119: {  	[hbm4b:s25+s2] =	stream.linear.scatter [tilespmem:s26], [sflag:s21], $0x100, $0x38;
	[tilespmem:$0x18900] =	vst v63  }
0x11a: {  	s25 =	sadd.s32 $0x1C0, s24;
	s26 =	spop (v2sf)  }
0x11b: {  	[hbm4b:s25+s2] =	stream.linear.scatter [tilespmem:s26], [sflag:s21], $0x100, $0x38;
	[tilespmem:$0x18900] =	vst v63  }
0x11c: {  	s23 =	sadd.s32 $0x10, s23;
	s24 =	sadd.s32 $0x1E0, s24;
	s25 =	spop (v2sf)  }
.Ltmp9:
0x11d: {  	(pc) =	sbr.rel .LBB2_26-.Ltmp9, $2  }
0x11e: {  	_ =	sdelay $0x2  }
0x11f: {  	[hbm4b:s24+s2] =	stream.linear.scatter [tilespmem:s25], [sflag:s21], $0x100, $0x38;
	[tilespmem:$0x18900] =	vst v63  }
.LBB2_14:
0x120: {  	p2 =	slt.s32 @!p1 s23, $0x40  }
0x121: {  	p1 =	por p1, p2  }
.Ltmp10:
0x122: {  	_ = 	snop;
	(pc) =	sbr.rel @p1 .LBB2_22-.Ltmp10, $1  }
0x123: {  	_ =	sdelay $0x3  }
0x124: {  	v0 =	vld [tilespmem:s18+$0x0];
	_ =	sdelay $0x4  }
0x125: {  	v0 =	vshll.u32 v0, $0x8  }
0x126: {  	v0 =	vshrl.u32 v0, $0x3  }
0x127: {  	v0 =	vadd.s32 s4, v0  }
0x128: {  	(v2sf) =	vpush v0, $0x0;
	_ =	sdelay $0x1  }
0x129: {  	(v2sf) =	vpush v0, $0x1;
	_ =	sdelay $0x1  }
0x12a: {  	(v2sf) =	vpush v0, $0x2;
	_ =	sdelay $0x1  }
0x12b: {  	(v2sf) =	vpush v0, $0x3;
	_ =	sdelay $0x1  }
0x12c: {  	(v2sf) =	vpush v0, $0x4;
	_ =	sdelay $0x1  }
0x12d: {  	(v2sf) =	vpush v0, $0x5  }
0x12e: {  	s22 =	simm.s32 $0x1  }
0x12f: {  	s22 =	simm.s32 @!p0 $0x0;
	(v2sf) =	vpush v0, $0x6  }
0x130: {  	s22 =	sshll.u32 s22, $0xF  }
0x131: {  	s22 =	sadd.s32 $0x8800, s22;
	(v2sf) =	vpush v0, $0x7  }
0x132: {  	s24 =	sadd.s32 $0x0, s22;
	s23 =	spop (v2sf)  }
0x133: {  	(v2sf) =	vpush v0, $0x8;
	[tilespmem:s24], [sflag:$0x5] =	stream.linear.gather [hbm4b:s23+s2], $0x100, $0x38;
	[tilespmem:$0x18900] =	vst v63  }
0x134: {  	s29 =	sadd.s32 $0x100, s24;
	s25 =	spop (v2sf)  }
0x135: {  	(v2sf) =	vpush v0, $0x9;
	[tilespmem:s29], [sflag:$0x5] =	stream.linear.gather [hbm4b:s25+s2], $0x100, $0x38;
	[tilespmem:$0x18900] =	vst v63  }
0x136: {  	s30 =	sadd.s32 $0x200, s24;
	s31 =	spop (v2sf)  }
0x137: {  	(v2sf) =	vpush v0, $0xA;
	[tilespmem:s30], [sflag:$0x5] =	stream.linear.gather [hbm4b:s31+s2], $0x100, $0x38;
	[tilespmem:$0x18900] =	vst v63  }
0x138: {  	s25 =	sadd.s32 $0x300, s24;
	s26 =	spop (v2sf)  }
0x139: {  	(v2sf) =	vpush v0, $0xB;
	[tilespmem:s25], [sflag:$0x5] =	stream.linear.gather [hbm4b:s26+s2], $0x100, $0x38;
	[tilespmem:$0x18900] =	vst v63  }
0x13a: {  	s28 =	sadd.s32 $0x400, s24;
	s29 =	spop (v2sf)  }
0x13b: {  	(v2sf) =	vpush v0, $0xC;
	[tilespmem:s28], [sflag:$0x5] =	stream.linear.gather [hbm4b:s29+s2], $0x100, $0x38;
	[tilespmem:$0x18900] =	vst v63  }
0x13c: {  	s30 =	sadd.s32 $0x500, s24;
	s31 =	spop (v2sf)  }
0x13d: {  	(v2sf) =	vpush v0, $0xD;
	[tilespmem:s30], [sflag:$0x5] =	stream.linear.gather [hbm4b:s31+s2], $0x100, $0x38;
	[tilespmem:$0x18900] =	vst v63  }
0x13e: {  	s25 =	sadd.s32 $0x600, s24;
	s26 =	spop (v2sf);
	(v2sf) =	vpush v0, $0xE  }
0x13f: {  	[tilespmem:s25], [sflag:$0x5] =	stream.linear.gather [hbm4b:s26+s2], $0x100, $0x38;
	[tilespmem:$0x18900] =	vst v63  }
0x140: {  	s28 =	sadd.s32 $0x700, s24;
	s29 =	spop (v2sf);
	(v2sf) =	vpush v0, $0xF  }
0x141: {  	[tilespmem:s28], [sflag:$0x5] =	stream.linear.gather [hbm4b:s29+s2], $0x100, $0x38;
	[tilespmem:$0x18900] =	vst v63  }
0x142: {  	s30 =	sadd.s32 $0x800, s24;
	s31 =	spop (v2sf)  }
0x143: {  	[tilespmem:s30], [sflag:$0x5] =	stream.linear.gather [hbm4b:s31+s2], $0x100, $0x38;
	[tilespmem:$0x18900] =	vst v63  }
0x144: {  	s25 =	sadd.s32 $0x900, s24;
	s26 =	spop (v2sf)  }
0x145: {  	[tilespmem:s25], [sflag:$0x5] =	stream.linear.gather [hbm4b:s26+s2], $0x100, $0x38;
	[tilespmem:$0x18900] =	vst v63  }
0x146: {  	s28 =	sadd.s32 $0xA00, s24;
	s29 =	spop (v2sf)  }
0x147: {  	[tilespmem:s28], [sflag:$0x5] =	stream.linear.gather [hbm4b:s29+s2], $0x100, $0x38;
	[tilespmem:$0x18900] =	vst v63  }
0x148: {  	s30 =	sadd.s32 $0xB00, s24;
	s31 =	spop (v2sf)  }
0x149: {  	[tilespmem:s30], [sflag:$0x5] =	stream.linear.gather [hbm4b:s31+s2], $0x100, $0x38;
	[tilespmem:$0x18900] =	vst v63  }
0x14a: {  	p1 =	por $0x0, $0x0;
	s25 =	sadd.s32 $0xC00, s24;
	s26 =	spop (v2sf)  }
0x14b: {  	[tilespmem:s25], [sflag:$0x5] =	stream.linear.gather [hbm4b:s26+s2], $0x100, $0x38;
	[tilespmem:$0x18900] =	vst v63  }
.Ltmp11:
0x14c: {  	s23 =	simm.s32 $0x4000;
	s29 =	spop (v2sf);
	(pc) =	sbr.rel @p1 .LBB2_17-.Ltmp11, $4  }
0x14d: {  	s28 =	sadd.s32 $0xD00, s24;
	s30 =	sadd.s32 $0xE00, s24;
	s31 =	spop (v2sf)  }
0x14e: {  	[tilespmem:s28], [sflag:$0x5] =	stream.linear.gather [hbm4b:s29+s2], $0x100, $0x38;
	[tilespmem:$0x18900] =	vst v63  }
0x14f: {  	s25 =	sadd.s32 $0xF00, s24;
	s24 =	sadd.s32 $0x10, s18;
	s26 =	spop (v2sf)  }
0x150: {  	[tilespmem:s30], [sflag:$0x5] =	stream.linear.gather [hbm4b:s31+s2], $0x100, $0x38;
	[tilespmem:$0x18900] =	vst v63  }
.LBB2_16:
0x151: {  	[tilespmem:s25], [sflag:$0x5] =	stream.linear.gather [hbm4b:s26+s2], $0x100, $0x38;
	[tilespmem:$0x18900] =	vst v63  }
0x152: {  	p1 =	seq.s32 s23, $0x1C000;
	s25 =	smov.u32 s23;
	s23 =	sadd.s32 $0x4000, s23;
	v0 =	vld [tilespmem:s24+$0x0]  }
0x153: {  	_ =	sdelay $0x3  }
0x154: {  	v0 =	vshll.u32 v0, $0x8  }
0x155: {  	v0 =	vshrl.u32 v0, $0x3  }
0x156: {  	v0 =	vadd.s32 s4, v0  }
0x157: {  	(v2sf) =	vpush v0, $0x0;
	_ =	sdelay $0x1  }
0x158: {  	(v2sf) =	vpush v0, $0x1;
	_ =	sdelay $0x1  }
0x159: {  	(v2sf) =	vpush v0, $0x2;
	_ =	sdelay $0x1  }
0x15a: {  	(v2sf) =	vpush v0, $0x3;
	_ =	sdelay $0x1  }
0x15b: {  	(v2sf) =	vpush v0, $0x4;
	_ =	sdelay $0x1  }
0x15c: {  	(v2sf) =	vpush v0, $0x5;
	_ =	sdelay $0x1  }
0x15d: {  	(v2sf) =	vpush v0, $0x6;
	_ =	sdelay $0x1  }
0x15e: {  	s25 =	sshra.s32 s25, $0x2;
	(v2sf) =	vpush v0, $0x7  }
0x15f: {  	s25 =	sadd.s32 s25, s22;
	s26 =	spop (v2sf)  }
0x160: {  	[tilespmem:s25], [sflag:$0x5] =	stream.linear.gather [hbm4b:s26+s2], $0x100, $0x38;
	(v2sf) =	vpush v0, $0x8;
	[tilespmem:$0x18900] =	vst v63  }
0x161: {  	s26 =	sadd.s32 $0x100, s25;
	s28 =	spop (v2sf)  }
0x162: {  	[tilespmem:s26], [sflag:$0x5] =	stream.linear.gather [hbm4b:s28+s2], $0x100, $0x38;
	(v2sf) =	vpush v0, $0x9;
	[tilespmem:$0x18900] =	vst v63  }
0x163: {  	s26 =	sadd.s32 $0x200, s25;
	s28 =	spop (v2sf)  }
0x164: {  	[tilespmem:s26], [sflag:$0x5] =	stream.linear.gather [hbm4b:s28+s2], $0x100, $0x38;
	(v2sf) =	vpush v0, $0xA;
	[tilespmem:$0x18900] =	vst v63  }
0x165: {  	s26 =	sadd.s32 $0x300, s25;
	s28 =	spop (v2sf)  }
0x166: {  	[tilespmem:s26], [sflag:$0x5] =	stream.linear.gather [hbm4b:s28+s2], $0x100, $0x38;
	(v2sf) =	vpush v0, $0xB;
	[tilespmem:$0x18900] =	vst v63  }
0x167: {  	s26 =	sadd.s32 $0x400, s25;
	s28 =	spop (v2sf)  }
0x168: {  	[tilespmem:s26], [sflag:$0x5] =	stream.linear.gather [hbm4b:s28+s2], $0x100, $0x38;
	(v2sf) =	vpush v0, $0xC;
	[tilespmem:$0x18900] =	vst v63  }
0x169: {  	s26 =	sadd.s32 $0x500, s25;
	s28 =	spop (v2sf)  }
0x16a: {  	[tilespmem:s26], [sflag:$0x5] =	stream.linear.gather [hbm4b:s28+s2], $0x100, $0x38;
	(v2sf) =	vpush v0, $0xD;
	[tilespmem:$0x18900] =	vst v63  }
0x16b: {  	s26 =	sadd.s32 $0x600, s25;
	s28 =	spop (v2sf)  }
0x16c: {  	[tilespmem:s26], [sflag:$0x5] =	stream.linear.gather [hbm4b:s28+s2], $0x100, $0x38;
	(v2sf) =	vpush v0, $0xE;
	[tilespmem:$0x18900] =	vst v63  }
0x16d: {  	s26 =	sadd.s32 $0x700, s25;
	s28 =	spop (v2sf)  }
0x16e: {  	[tilespmem:s26], [sflag:$0x5] =	stream.linear.gather [hbm4b:s28+s2], $0x100, $0x38;
	(v2sf) =	vpush v0, $0xF;
	[tilespmem:$0x18900] =	vst v63  }
0x16f: {  	s26 =	sadd.s32 $0x800, s25;
	s28 =	spop (v2sf)  }
0x170: {  	[tilespmem:s26], [sflag:$0x5] =	stream.linear.gather [hbm4b:s28+s2], $0x100, $0x38;
	[tilespmem:$0x18900] =	vst v63  }
0x171: {  	s26 =	sadd.s32 $0x900, s25;
	s28 =	spop (v2sf)  }
0x172: {  	[tilespmem:s26], [sflag:$0x5] =	stream.linear.gather [hbm4b:s28+s2], $0x100, $0x38;
	[tilespmem:$0x18900] =	vst v63  }
0x173: {  	s26 =	sadd.s32 $0xA00, s25;
	s28 =	spop (v2sf)  }
0x174: {  	[tilespmem:s26], [sflag:$0x5] =	stream.linear.gather [hbm4b:s28+s2], $0x100, $0x38;
	[tilespmem:$0x18900] =	vst v63  }
0x175: {  	s26 =	sadd.s32 $0xB00, s25;
	s28 =	spop (v2sf)  }
0x176: {  	[tilespmem:s26], [sflag:$0x5] =	stream.linear.gather [hbm4b:s28+s2], $0x100, $0x38;
	[tilespmem:$0x18900] =	vst v63  }
0x177: {  	s26 =	sadd.s32 $0xC00, s25;
	s28 =	spop (v2sf)  }
0x178: {  	[tilespmem:s26], [sflag:$0x5] =	stream.linear.gather [hbm4b:s28+s2], $0x100, $0x38;
	[tilespmem:$0x18900] =	vst v63  }
.Ltmp12:
0x179: {  	s26 =	sadd.s32 $0xD00, s25;
	s28 =	spop (v2sf);
	(pc) =	sbr.rel @!p1 .LBB2_16-.Ltmp12, $4  }
0x17a: {  	[tilespmem:s26], [sflag:$0x5] =	stream.linear.gather [hbm4b:s28+s2], $0x100, $0x38;
	[tilespmem:$0x18900] =	vst v63  }
0x17b: {  	s26 =	sadd.s32 $0xE00, s25;
	s28 =	spop (v2sf)  }
0x17c: {  	[tilespmem:s26], [sflag:$0x5] =	stream.linear.gather [hbm4b:s28+s2], $0x100, $0x38;
	[tilespmem:$0x18900] =	vst v63  }
0x17d: {  	s24 =	sadd.s32 $0x10, s24;
	s25 =	sadd.s32 $0xF00, s25;
	s26 =	spop (v2sf)  }
.LBB2_17:
0x17e: {  	[tilespmem:s25], [sflag:$0x5] =	stream.linear.gather [hbm4b:s26+s2], $0x100, $0x38;
	[tilespmem:$0x18900] =	vst v63  }
0x17f: {  	_ =	swait.ge [sflag:s15], $0x100  }
0x180: {  	[sflag:s15] =	ssyncset.done $0x0  }
0x181: {  	[sflag:s15] =	ssyncadd.s32 $0xFFFFFF00  }
0x182: {  	_ =	swait.ge [sflag:s15], $0x100  }
0x183: {  	[sflag:s15] =	ssyncset.done $0x0  }
0x184: {  	[sflag:s15] =	ssyncadd.s32 $0xFFFFFF00  }
0x185: {  	_ =	swait.ge [sflag:s15], $0x100  }
0x186: {  	[sflag:s15] =	ssyncset.done $0x0  }
0x187: {  	[sflag:s15] =	ssyncadd.s32 $0xFFFFFF00  }
0x188: {  	_ =	swait.ge [sflag:s15], $0x100  }
0x189: {  	[sflag:s15] =	ssyncset.done $0x0  }
0x18a: {  	[sflag:s15] =	ssyncadd.s32 $0xFFFFFF00  }
0x18b: {  	_ =	swait.ge [sflag:s15], $0x100  }
0x18c: {  	[sflag:s15] =	ssyncset.done $0x0  }
0x18d: {  	[sflag:s15] =	ssyncadd.s32 $0xFFFFFF00  }
0x18e: {  	_ =	swait.ge [sflag:s15], $0x100  }
0x18f: {  	[sflag:s15] =	ssyncset.done $0x0  }
0x190: {  	[sflag:s15] =	ssyncadd.s32 $0xFFFFFF00  }
0x191: {  	_ =	swait.ge [sflag:s15], $0x100  }
0x192: {  	[sflag:s15] =	ssyncset.done $0x0  }
0x193: {  	[sflag:s15] =	ssyncadd.s32 $0xFFFFFF00  }
0x194: {  	_ =	swait.ge [sflag:s15], $0x100  }
0x195: {  	[sflag:s15] =	ssyncset.done $0x0  }
0x196: {  	[sflag:s15] =	ssyncadd.s32 $0xFFFFFF00  }
0x197: {  	_ =	swait.ge [sflag:s15], $0x100  }
0x198: {  	[sflag:s15] =	ssyncset.done $0x0  }
0x199: {  	[sflag:s15] =	ssyncadd.s32 $0xFFFFFF00  }
0x19a: {  	_ =	swait.ge [sflag:s15], $0x100  }
0x19b: {  	[sflag:s15] =	ssyncset.done $0x0  }
0x19c: {  	[sflag:s15] =	ssyncadd.s32 $0xFFFFFF00  }
0x19d: {  	_ =	swait.ge [sflag:s15], $0x100  }
0x19e: {  	[sflag:s15] =	ssyncset.done $0x0  }
0x19f: {  	[sflag:s15] =	ssyncadd.s32 $0xFFFFFF00  }
0x1a0: {  	_ =	swait.ge [sflag:s15], $0x100  }
0x1a1: {  	[sflag:s15] =	ssyncset.done $0x0  }
0x1a2: {  	[sflag:s15] =	ssyncadd.s32 $0xFFFFFF00  }
0x1a3: {  	_ =	swait.ge [sflag:s15], $0x100  }
0x1a4: {  	[sflag:s15] =	ssyncset.done $0x0  }
0x1a5: {  	[sflag:s15] =	ssyncadd.s32 $0xFFFFFF00  }
0x1a6: {  	_ =	swait.ge [sflag:s15], $0x100  }
0x1a7: {  	[sflag:s15] =	ssyncset.done $0x0  }
0x1a8: {  	[sflag:s15] =	ssyncadd.s32 $0xFFFFFF00  }
0x1a9: {  	_ =	swait.ge [sflag:s15], $0x100  }
0x1aa: {  	[sflag:s15] =	ssyncset.done $0x0  }
0x1ab: {  	[sflag:s15] =	ssyncadd.s32 $0xFFFFFF00  }
0x1ac: {  	_ =	swait.ge [sflag:s15], $0x100  }
0x1ad: {  	s23 =	simm.s32 $0x7;
	[sflag:s15] =	ssyncset.done $0x0  }
.LBB2_18:
0x1ae: {  	p1 =	seq.s32 s23, $0x1;
	s23 =	sadd.s32 $0xFFFFFFFF, s23;
	[sflag:s15] =	ssyncadd.s32 $0xFFFFFF00  }
0x1af: {  	_ =	swait.ge [sflag:s15], $0x100  }
0x1b0: {  	[sflag:s15] =	ssyncset.done $0x0  }
0x1b1: {  	[sflag:s15] =	ssyncadd.s32 $0xFFFFFF00  }
0x1b2: {  	_ =	swait.ge [sflag:s15], $0x100  }
0x1b3: {  	[sflag:s15] =	ssyncset.done $0x0  }
0x1b4: {  	[sflag:s15] =	ssyncadd.s32 $0xFFFFFF00  }
0x1b5: {  	_ =	swait.ge [sflag:s15], $0x100  }
0x1b6: {  	[sflag:s15] =	ssyncset.done $0x0  }
0x1b7: {  	[sflag:s15] =	ssyncadd.s32 $0xFFFFFF00  }
0x1b8: {  	_ =	swait.ge [sflag:s15], $0x100  }
0x1b9: {  	[sflag:s15] =	ssyncset.done $0x0  }
0x1ba: {  	[sflag:s15] =	ssyncadd.s32 $0xFFFFFF00  }
0x1bb: {  	_ =	swait.ge [sflag:s15], $0x100  }
0x1bc: {  	[sflag:s15] =	ssyncset.done $0x0  }
0x1bd: {  	[sflag:s15] =	ssyncadd.s32 $0xFFFFFF00  }
0x1be: {  	_ =	swait.ge [sflag:s15], $0x100  }
0x1bf: {  	[sflag:s15] =	ssyncset.done $0x0  }
0x1c0: {  	[sflag:s15] =	ssyncadd.s32 $0xFFFFFF00  }
0x1c1: {  	_ =	swait.ge [sflag:s15], $0x100  }
0x1c2: {  	[sflag:s15] =	ssyncset.done $0x0  }
0x1c3: {  	[sflag:s15] =	ssyncadd.s32 $0xFFFFFF00  }
0x1c4: {  	_ =	swait.ge [sflag:s15], $0x100  }
0x1c5: {  	[sflag:s15] =	ssyncset.done $0x0  }
0x1c6: {  	[sflag:s15] =	ssyncadd.s32 $0xFFFFFF00  }
0x1c7: {  	_ =	swait.ge [sflag:s15], $0x100  }
0x1c8: {  	[sflag:s15] =	ssyncset.done $0x0  }
0x1c9: {  	[sflag:s15] =	ssyncadd.s32 $0xFFFFFF00  }
0x1ca: {  	_ =	swait.ge [sflag:s15], $0x100  }
0x1cb: {  	[sflag:s15] =	ssyncset.done $0x0  }
0x1cc: {  	[sflag:s15] =	ssyncadd.s32 $0xFFFFFF00  }
0x1cd: {  	_ =	swait.ge [sflag:s15], $0x100  }
0x1ce: {  	[sflag:s15] =	ssyncset.done $0x0  }
0x1cf: {  	[sflag:s15] =	ssyncadd.s32 $0xFFFFFF00  }
0x1d0: {  	_ =	swait.ge [sflag:s15], $0x100  }
0x1d1: {  	[sflag:s15] =	ssyncset.done $0x0  }
0x1d2: {  	[sflag:s15] =	ssyncadd.s32 $0xFFFFFF00  }
0x1d3: {  	_ =	swait.ge [sflag:s15], $0x100  }
0x1d4: {  	[sflag:s15] =	ssyncset.done $0x0  }
0x1d5: {  	[sflag:s15] =	ssyncadd.s32 $0xFFFFFF00  }
0x1d6: {  	_ =	swait.ge [sflag:s15], $0x100  }
0x1d7: {  	[sflag:s15] =	ssyncset.done $0x0  }
0x1d8: {  	[sflag:s15] =	ssyncadd.s32 $0xFFFFFF00  }
.Ltmp13:
0x1d9: {  	_ =	swait.ge [sflag:s15], $0x100;
	(pc) =	sbr.rel @!p1 .LBB2_18-.Ltmp13, $4  }
0x1da: {  	[sflag:s15] =	ssyncset.done $0x0  }
0x1db: {  	[sflag:s15] =	ssyncadd.s32 $0xFFFFFF00  }
0x1dc: {  	_ =	swait.ge [sflag:s15], $0x100  }
0x1dd: {  	[sflag:s15] =	ssyncset.done $0x0  }
0x1de: {  	[sflag:s15] =	ssyncadd.s32 $0xFFFFFF00;
	s21 =	sadd.s32 $0x3, s21;
	s23 =	rddreg [dreg:$0x10]  }
0x1df: {  	s24 =	sadd.s32 s17, s8;
	s26 =	sadd.s32 $0x0, s22;
	s25 =	rddreg [dreg:$0xf]  }
0x1e0: {  	[hbm4b:s24+s2] =	stream.linear.scatter [tilespmem:s26], [sflag:s21], $0x100, $0x38;
	[tilespmem:$0x18900] =	vst v63  }
0x1e1: {  	s28 =	rddreg [dreg:$0xe];
	s23 =	sadd.s32 s17, s23;
	s31 =	sadd.s32 $0x100, s26  }
0x1e2: {  	[hbm4b:s23+s2] =	stream.linear.scatter [tilespmem:s31], [sflag:s21], $0x100, $0x38;
	[tilespmem:$0x18900] =	vst v63  }
0x1e3: {  	s24 =	sadd.s32 s17, s25;
	s29 =	sadd.s32 $0x200, s26;
	s25 =	rddreg [dreg:$0xd]  }
0x1e4: {  	[hbm4b:s24+s2] =	stream.linear.scatter [tilespmem:s29], [sflag:s21], $0x100, $0x38;
	[tilespmem:$0x18900] =	vst v63  }
0x1e5: {  	s30 =	sadd.s32 s17, s28;
	s29 =	rddreg [dreg:$0xc]  }
0x1e6: {  	s28 =	rddreg [dreg:$0x4];
	s31 =	sadd.s32 $0x300, s26;
	s29 =	sadd.s32 s17, s29  }
0x1e7: {  	[hbm4b:s30+s2] =	stream.linear.scatter [tilespmem:s31], [sflag:s21], $0x100, $0x38;
	[tilespmem:$0x18900] =	vst v63  }
0x1e8: {  	s30 =	sadd.s32 s17, s25;
	s31 =	sadd.s32 $0x400, s26;
	s25 =	rddreg [dreg:$0xb]  }
0x1e9: {  	[hbm4b:s30+s2] =	stream.linear.scatter [tilespmem:s31], [sflag:s21], $0x100, $0x38;
	[tilespmem:$0x18900] =	vst v63  }
0x1ea: {  	s24 =	sadd.s32 s17, s25;
	s25 =	rddreg [dreg:$0x9];
	s30 =	sadd.s32 $0x500, s26  }
0x1eb: {  	[hbm4b:s29+s2] =	stream.linear.scatter [tilespmem:s30], [sflag:s21], $0x100, $0x38;
	[tilespmem:$0x18900] =	vst v63  }
0x1ec: {  	s31 =	rddreg [dreg:$0xa];
	s29 =	sadd.s32 $0x600, s26  }
0x1ed: {  	[hbm4b:s24+s2] =	stream.linear.scatter [tilespmem:s29], [sflag:s21], $0x100, $0x38;
	[tilespmem:$0x18900] =	vst v63  }
0x1ee: {  	s23 =	simm.s32 $0x4000;
	s29 =	rddreg [dreg:$0x8]  }
0x1ef: {  	s30 =	sadd.s32 s17, s31;
	s31 =	sadd.s32 $0x700, s26;
	s29 =	sadd.s32 s17, s29  }
0x1f0: {  	[hbm4b:s30+s2] =	stream.linear.scatter [tilespmem:s31], [sflag:s21], $0x100, $0x38;
	[tilespmem:$0x18900] =	vst v63  }
0x1f1: {  	s30 =	sadd.s32 s17, s25;
	s31 =	sadd.s32 $0x800, s26;
	s25 =	rddreg [dreg:$0x7]  }
0x1f2: {  	[hbm4b:s30+s2] =	stream.linear.scatter [tilespmem:s31], [sflag:s21], $0x100, $0x38;
	[tilespmem:$0x18900] =	vst v63  }
0x1f3: {  	s24 =	sadd.s32 s17, s25;
	s30 =	sadd.s32 $0x900, s26;
	s31 =	rddreg [dreg:$0x6]  }
0x1f4: {  	[hbm4b:s29+s2] =	stream.linear.scatter [tilespmem:s30], [sflag:s21], $0x100, $0x38;
	[tilespmem:$0x18900] =	vst v63  }
0x1f5: {  	s25 =	sadd.s32 $0xA00, s26;
	s29 =	rddreg [dreg:$0x5];
	s30 =	sadd.s32 s17, s31  }
0x1f6: {  	[hbm4b:s24+s2] =	stream.linear.scatter [tilespmem:s25], [sflag:s21], $0x100, $0x38;
	[tilespmem:$0x18900] =	vst v63  }
0x1f7: {  	s31 =	sadd.s32 $0xB00, s26;
	s29 =	sadd.s32 s17, s29;
	s24 =	sadd.s32 s17, s28  }
0x1f8: {  	[hbm4b:s30+s2] =	stream.linear.scatter [tilespmem:s31], [sflag:s21], $0x100, $0x38;
	[tilespmem:$0x18900] =	vst v63  }
0x1f9: {  	s28 =	sadd.s32 $0xD00, s26;
	s30 =	sadd.s32 $0xC00, s26;
	s31 =	rddreg [dreg:$0x3]  }
0x1fa: {  	[hbm4b:s29+s2] =	stream.linear.scatter [tilespmem:s30], [sflag:s21], $0x100, $0x38;
	[tilespmem:$0x18900] =	vst v63  }
0x1fb: {  	s29 =	rddreg [dreg:$0x11];
	s30 =	sadd.s32 s17, s31;
	s31 =	sadd.s32 $0xE00, s26  }
0x1fc: {  	[hbm4b:s24+s2] =	stream.linear.scatter [tilespmem:s28], [sflag:s21], $0x100, $0x38;
	[tilespmem:$0x18900] =	vst v63  }
0x1fd: {  	s26 =	sadd.s32 $0xF00, s26;
	s25 =	sadd.s32 s17, s29;
	s24 =	sadd.s32 $0x200, s17  }
0x1fe: {  	[hbm4b:s30+s2] =	stream.linear.scatter [tilespmem:s31], [sflag:s21], $0x100, $0x38;
	[tilespmem:$0x18900] =	vst v63  }
.LBB2_20:
0x1ff: {  	[hbm4b:s25+s2] =	stream.linear.scatter [tilespmem:s26], [sflag:s21], $0x100, $0x38;
	[tilespmem:$0x18900] =	vst v63  }
0x200: {  	s30 =	smov.u32 s23;
	s25 =	rddreg [dreg:$0x11]  }
0x201: {  	p1 =	seq.s32 s23, $0x1C000;
	s23 =	sadd.s32 $0x4000, s23;
	s26 =	sshra.s32 s30, $0x2  }
0x202: {  	s28 =	rddreg [dreg:$0x10];
	s29 =	sadd.s32 s24, s8;
	s26 =	sadd.s32 s26, s22  }
0x203: {  	[hbm4b:s29+s2] =	stream.linear.scatter [tilespmem:s26], [sflag:s21], $0x100, $0x38;
	[tilespmem:$0x18900] =	vst v63  }
0x204: {  	s30 =	rddreg [dreg:$0xf];
	s28 =	sadd.s32 s24, s28;
	s29 =	sadd.s32 $0x100, s26  }
0x205: {  	[hbm4b:s28+s2] =	stream.linear.scatter [tilespmem:s29], [sflag:s21], $0x100, $0x38;
	[tilespmem:$0x18900] =	vst v63  }
0x206: {  	s31 =	rddreg [dreg:$0xe];
	s28 =	sadd.s32 s24, s30;
	s29 =	sadd.s32 $0x200, s26  }
0x207: {  	[hbm4b:s28+s2] =	stream.linear.scatter [tilespmem:s29], [sflag:s21], $0x100, $0x38;
	[tilespmem:$0x18900] =	vst v63  }
0x208: {  	s30 =	rddreg [dreg:$0xd];
	s28 =	sadd.s32 s24, s31;
	s29 =	sadd.s32 $0x300, s26  }
0x209: {  	[hbm4b:s28+s2] =	stream.linear.scatter [tilespmem:s29], [sflag:s21], $0x100, $0x38;
	[tilespmem:$0x18900] =	vst v63  }
0x20a: {  	s31 =	rddreg [dreg:$0xc];
	s28 =	sadd.s32 s24, s30;
	s29 =	sadd.s32 $0x400, s26  }
0x20b: {  	[hbm4b:s28+s2] =	stream.linear.scatter [tilespmem:s29], [sflag:s21], $0x100, $0x38;
	[tilespmem:$0x18900] =	vst v63  }
0x20c: {  	s30 =	rddreg [dreg:$0xb];
	s28 =	sadd.s32 s24, s31;
	s29 =	sadd.s32 $0x500, s26  }
0x20d: {  	[hbm4b:s28+s2] =	stream.linear.scatter [tilespmem:s29], [sflag:s21], $0x100, $0x38;
	[tilespmem:$0x18900] =	vst v63  }
0x20e: {  	s31 =	rddreg [dreg:$0xa];
	s28 =	sadd.s32 s24, s30;
	s29 =	sadd.s32 $0x600, s26  }
0x20f: {  	[hbm4b:s28+s2] =	stream.linear.scatter [tilespmem:s29], [sflag:s21], $0x100, $0x38;
	[tilespmem:$0x18900] =	vst v63  }
0x210: {  	s30 =	rddreg [dreg:$0x9];
	s28 =	sadd.s32 s24, s31;
	s29 =	sadd.s32 $0x700, s26  }
0x211: {  	[hbm4b:s28+s2] =	stream.linear.scatter [tilespmem:s29], [sflag:s21], $0x100, $0x38;
	[tilespmem:$0x18900] =	vst v63  }
0x212: {  	s31 =	rddreg [dreg:$0x8];
	s28 =	sadd.s32 s24, s30;
	s29 =	sadd.s32 $0x800, s26  }
0x213: {  	[hbm4b:s28+s2] =	stream.linear.scatter [tilespmem:s29], [sflag:s21], $0x100, $0x38;
	[tilespmem:$0x18900] =	vst v63  }
0x214: {  	s30 =	rddreg [dreg:$0x7];
	s28 =	sadd.s32 s24, s31;
	s29 =	sadd.s32 $0x900, s26  }
0x215: {  	[hbm4b:s28+s2] =	stream.linear.scatter [tilespmem:s29], [sflag:s21], $0x100, $0x38;
	[tilespmem:$0x18900] =	vst v63  }
0x216: {  	s31 =	rddreg [dreg:$0x6];
	s28 =	sadd.s32 s24, s30;
	s29 =	sadd.s32 $0xA00, s26  }
0x217: {  	[hbm4b:s28+s2] =	stream.linear.scatter [tilespmem:s29], [sflag:s21], $0x100, $0x38;
	[tilespmem:$0x18900] =	vst v63  }
0x218: {  	s30 =	rddreg [dreg:$0x5];
	s28 =	sadd.s32 s24, s31;
	s29 =	sadd.s32 $0xB00, s26  }
0x219: {  	[hbm4b:s28+s2] =	stream.linear.scatter [tilespmem:s29], [sflag:s21], $0x100, $0x38;
	[tilespmem:$0x18900] =	vst v63  }
0x21a: {  	s31 =	rddreg [dreg:$0x4];
	s28 =	sadd.s32 s24, s30;
	s29 =	sadd.s32 $0xC00, s26  }
0x21b: {  	[hbm4b:s28+s2] =	stream.linear.scatter [tilespmem:s29], [sflag:s21], $0x100, $0x38;
	[tilespmem:$0x18900] =	vst v63  }
.Ltmp14:
0x21c: {  	s25 =	sadd.s32 s24, s25;
	s30 =	rddreg [dreg:$0x3];
	(pc) =	sbr.rel @!p1 .LBB2_20-.Ltmp14, $4  }
0x21d: {  	s30 =	sadd.s32 s24, s30;
	s28 =	sadd.s32 s24, s31;
	s31 =	sadd.s32 $0xD00, s26  }
0x21e: {  	[hbm4b:s28+s2] =	stream.linear.scatter [tilespmem:s31], [sflag:s21], $0x100, $0x38;
	[tilespmem:$0x18900] =	vst v63  }
0x21f: {  	s24 =	sadd.s32 $0x200, s24;
	s31 =	sadd.s32 $0xE00, s26;
	s26 =	sadd.s32 $0xF00, s26  }
0x220: {  	[hbm4b:s30+s2] =	stream.linear.scatter [tilespmem:s31], [sflag:s21], $0x100, $0x38;
	[tilespmem:$0x18900] =	vst v63  }
.Ltmp15:
0x221: {  	(pc) =	sbr.rel .LBB2_26-.Ltmp15, $2  }
0x222: {  	_ =	sdelay $0x2  }
0x223: {  	[hbm4b:s25+s2] =	stream.linear.scatter [tilespmem:s26], [sflag:s21], $0x100, $0x38;
	[tilespmem:$0x18900] =	vst v63  }
.LBB2_22:
0x224: {  	p1 =	slt.s32 s22, $0x2000  }
.Ltmp16:
0x225: {  	_ = 	snop;
	(pc) =	sbr.rel @p1 .LBB2_26-.Ltmp16, $1  }
0x226: {  	_ =	sdelay $0x3  }
0x227: {  	s21 =	sadd.s32 $0x3, s21;
	s23 =	sadd.s32 $0x0, s20  }
0x228: {  	[hbm4b:s23+s2] =	stream.linear.scatter [tilespmem:s12], [sflag:s21], $0x100, $0x38;
	[tilespmem:$0x18900] =	vst v63  }
0x229: {  	s22 =	sadd.s32 $0x20, s23  }
0x22a: {  	[hbm4b:s22+s2] =	stream.linear.scatter [tilespmem:s12], [sflag:s21], $0x100, $0x38;
	[tilespmem:$0x18900] =	vst v63  }
0x22b: {  	s25 =	sadd.s32 $0x40, s23  }
0x22c: {  	[hbm4b:s25+s2] =	stream.linear.scatter [tilespmem:s12], [sflag:s21], $0x100, $0x38;
	[tilespmem:$0x18900] =	vst v63  }
0x22d: {  	s26 =	sadd.s32 $0x60, s23  }
0x22e: {  	[hbm4b:s26+s2] =	stream.linear.scatter [tilespmem:s12], [sflag:s21], $0x100, $0x38;
	[tilespmem:$0x18900] =	vst v63  }
0x22f: {  	s28 =	sadd.s32 $0x80, s23  }
0x230: {  	[hbm4b:s28+s2] =	stream.linear.scatter [tilespmem:s12], [sflag:s21], $0x100, $0x38;
	[tilespmem:$0x18900] =	vst v63  }
0x231: {  	s29 =	sadd.s32 $0xA0, s23  }
0x232: {  	[hbm4b:s29+s2] =	stream.linear.scatter [tilespmem:s12], [sflag:s21], $0x100, $0x38;
	[tilespmem:$0x18900] =	vst v63  }
0x233: {  	s30 =	sadd.s32 $0xC0, s23  }
0x234: {  	[hbm4b:s30+s2] =	stream.linear.scatter [tilespmem:s12], [sflag:s21], $0x100, $0x38;
	[tilespmem:$0x18900] =	vst v63  }
0x235: {  	s31 =	sadd.s32 $0xE0, s23  }
0x236: {  	[hbm4b:s31+s2] =	stream.linear.scatter [tilespmem:s12], [sflag:s21], $0x100, $0x38;
	[tilespmem:$0x18900] =	vst v63  }
0x237: {  	s24 =	sadd.s32 $0x100, s23  }
0x238: {  	[hbm4b:s24+s2] =	stream.linear.scatter [tilespmem:s12], [sflag:s21], $0x100, $0x38;
	[tilespmem:$0x18900] =	vst v63  }
0x239: {  	s25 =	sadd.s32 $0x120, s23  }
0x23a: {  	[hbm4b:s25+s2] =	stream.linear.scatter [tilespmem:s12], [sflag:s21], $0x100, $0x38;
	[tilespmem:$0x18900] =	vst v63  }
0x23b: {  	s26 =	sadd.s32 $0x140, s23  }
0x23c: {  	[hbm4b:s26+s2] =	stream.linear.scatter [tilespmem:s12], [sflag:s21], $0x100, $0x38;
	[tilespmem:$0x18900] =	vst v63  }
0x23d: {  	s28 =	sadd.s32 $0x160, s23  }
0x23e: {  	[hbm4b:s28+s2] =	stream.linear.scatter [tilespmem:s12], [sflag:s21], $0x100, $0x38;
	[tilespmem:$0x18900] =	vst v63  }
0x23f: {  	s29 =	sadd.s32 $0x180, s23  }
0x240: {  	[hbm4b:s29+s2] =	stream.linear.scatter [tilespmem:s12], [sflag:s21], $0x100, $0x38;
	[tilespmem:$0x18900] =	vst v63  }
0x241: {  	s30 =	sadd.s32 $0x1A0, s23  }
0x242: {  	[hbm4b:s30+s2] =	stream.linear.scatter [tilespmem:s12], [sflag:s21], $0x100, $0x38;
	[tilespmem:$0x18900] =	vst v63  }
0x243: {  	s22 =	simm.s32 $0x200;
	s31 =	sadd.s32 $0x1C0, s23;
	s23 =	sadd.s32 $0x1E0, s23  }
0x244: {  	[hbm4b:s31+s2] =	stream.linear.scatter [tilespmem:s12], [sflag:s21], $0x100, $0x38;
	[tilespmem:$0x18900] =	vst v63  }
.LBB2_24:
0x245: {  	[hbm4b:s23+s2] =	stream.linear.scatter [tilespmem:s12], [sflag:s21], $0x100, $0x38;
	[tilespmem:$0x18900] =	vst v63  }
0x246: {  	s23 =	sadd.s32 s22, s20;
	p1 =	sne.s32 s22, $0xE00;
	s22 =	sadd.s32 $0x200, s22  }
0x247: {  	[hbm4b:s23+s2] =	stream.linear.scatter [tilespmem:s12], [sflag:s21], $0x100, $0x38;
	[tilespmem:$0x18900] =	vst v63  }
0x248: {  	s24 =	sadd.s32 $0x20, s23  }
0x249: {  	[hbm4b:s24+s2] =	stream.linear.scatter [tilespmem:s12], [sflag:s21], $0x100, $0x38;
	[tilespmem:$0x18900] =	vst v63  }
0x24a: {  	s24 =	sadd.s32 $0x40, s23  }
0x24b: {  	[hbm4b:s24+s2] =	stream.linear.scatter [tilespmem:s12], [sflag:s21], $0x100, $0x38;
	[tilespmem:$0x18900] =	vst v63  }
0x24c: {  	s24 =	sadd.s32 $0x60, s23  }
0x24d: {  	[hbm4b:s24+s2] =	stream.linear.scatter [tilespmem:s12], [sflag:s21], $0x100, $0x38;
	[tilespmem:$0x18900] =	vst v63  }
0x24e: {  	s24 =	sadd.s32 $0x80, s23  }
0x24f: {  	[hbm4b:s24+s2] =	stream.linear.scatter [tilespmem:s12], [sflag:s21], $0x100, $0x38;
	[tilespmem:$0x18900] =	vst v63  }
0x250: {  	s24 =	sadd.s32 $0xA0, s23  }
0x251: {  	[hbm4b:s24+s2] =	stream.linear.scatter [tilespmem:s12], [sflag:s21], $0x100, $0x38;
	[tilespmem:$0x18900] =	vst v63  }
0x252: {  	s24 =	sadd.s32 $0xC0, s23  }
0x253: {  	[hbm4b:s24+s2] =	stream.linear.scatter [tilespmem:s12], [sflag:s21], $0x100, $0x38;
	[tilespmem:$0x18900] =	vst v63  }
0x254: {  	s24 =	sadd.s32 $0xE0, s23  }
0x255: {  	[hbm4b:s24+s2] =	stream.linear.scatter [tilespmem:s12], [sflag:s21], $0x100, $0x38;
	[tilespmem:$0x18900] =	vst v63  }
0x256: {  	s24 =	sadd.s32 $0x100, s23  }
0x257: {  	[hbm4b:s24+s2] =	stream.linear.scatter [tilespmem:s12], [sflag:s21], $0x100, $0x38;
	[tilespmem:$0x18900] =	vst v63  }
0x258: {  	s24 =	sadd.s32 $0x120, s23  }
0x259: {  	[hbm4b:s24+s2] =	stream.linear.scatter [tilespmem:s12], [sflag:s21], $0x100, $0x38;
	[tilespmem:$0x18900] =	vst v63  }
0x25a: {  	s24 =	sadd.s32 $0x140, s23  }
0x25b: {  	[hbm4b:s24+s2] =	stream.linear.scatter [tilespmem:s12], [sflag:s21], $0x100, $0x38;
	[tilespmem:$0x18900] =	vst v63  }
0x25c: {  	s24 =	sadd.s32 $0x160, s23  }
0x25d: {  	[hbm4b:s24+s2] =	stream.linear.scatter [tilespmem:s12], [sflag:s21], $0x100, $0x38;
	[tilespmem:$0x18900] =	vst v63  }
0x25e: {  	s24 =	sadd.s32 $0x180, s23  }
0x25f: {  	[hbm4b:s24+s2] =	stream.linear.scatter [tilespmem:s12], [sflag:s21], $0x100, $0x38;
	[tilespmem:$0x18900] =	vst v63  }
.Ltmp17:
0x260: {  	s24 =	sadd.s32 $0x1A0, s23;
	(pc) =	sbr.rel @p1 .LBB2_24-.Ltmp17, $4  }
0x261: {  	[hbm4b:s24+s2] =	stream.linear.scatter [tilespmem:s12], [sflag:s21], $0x100, $0x38;
	[tilespmem:$0x18900] =	vst v63  }
0x262: {  	s24 =	sadd.s32 $0x1C0, s23  }
0x263: {  	[hbm4b:s24+s2] =	stream.linear.scatter [tilespmem:s12], [sflag:s21], $0x100, $0x38;
	[tilespmem:$0x18900] =	vst v63  }
0x264: {  	s23 =	sadd.s32 $0x1E0, s23  }
.Ltmp18:
0x265: {  	(pc) =	sbr.rel .LBB2_26-.Ltmp18, $2  }
0x266: {  	_ =	sdelay $0x2  }
0x267: {  	[hbm4b:s23+s2] =	stream.linear.scatter [tilespmem:s12], [sflag:s21], $0x100, $0x38;
	[tilespmem:$0x18900] =	vst v63  }
.LBB2_27:
0x268: {  	_ =	swait.ge [sflag:s13], $0x100  }
0x269: {  	[sflag:s13] =	ssyncset.done $0x0  }
0x26a: {  	[sflag:s13] =	ssyncadd.s32 $0xFFFFFF00  }
0x26b: {  	_ =	swait.ge [sflag:s13], $0x100  }
0x26c: {  	[sflag:s13] =	ssyncset.done $0x0  }
0x26d: {  	[sflag:s13] =	ssyncadd.s32 $0xFFFFFF00  }
0x26e: {  	_ =	swait.ge [sflag:s13], $0x100  }
0x26f: {  	[sflag:s13] =	ssyncset.done $0x0  }
0x270: {  	[sflag:s13] =	ssyncadd.s32 $0xFFFFFF00  }
0x271: {  	_ =	swait.ge [sflag:s13], $0x100  }
0x272: {  	[sflag:s13] =	ssyncset.done $0x0  }
0x273: {  	[sflag:s13] =	ssyncadd.s32 $0xFFFFFF00  }
0x274: {  	_ =	swait.ge [sflag:s13], $0x100  }
0x275: {  	[sflag:s13] =	ssyncset.done $0x0  }
0x276: {  	[sflag:s13] =	ssyncadd.s32 $0xFFFFFF00  }
0x277: {  	_ =	swait.ge [sflag:s13], $0x100  }
0x278: {  	[sflag:s13] =	ssyncset.done $0x0  }
0x279: {  	[sflag:s13] =	ssyncadd.s32 $0xFFFFFF00  }
0x27a: {  	_ =	swait.ge [sflag:s13], $0x100  }
0x27b: {  	[sflag:s13] =	ssyncset.done $0x0  }
0x27c: {  	[sflag:s13] =	ssyncadd.s32 $0xFFFFFF00  }
0x27d: {  	_ =	swait.ge [sflag:s13], $0x100  }
0x27e: {  	[sflag:s13] =	ssyncset.done $0x0  }
0x27f: {  	[sflag:s13] =	ssyncadd.s32 $0xFFFFFF00  }
0x280: {  	_ =	swait.ge [sflag:s13], $0x100  }
0x281: {  	[sflag:s13] =	ssyncset.done $0x0  }
0x282: {  	[sflag:s13] =	ssyncadd.s32 $0xFFFFFF00  }
0x283: {  	_ =	swait.ge [sflag:s13], $0x100  }
0x284: {  	[sflag:s13] =	ssyncset.done $0x0  }
0x285: {  	[sflag:s13] =	ssyncadd.s32 $0xFFFFFF00  }
0x286: {  	_ =	swait.ge [sflag:s13], $0x100  }
0x287: {  	[sflag:s13] =	ssyncset.done $0x0  }
0x288: {  	[sflag:s13] =	ssyncadd.s32 $0xFFFFFF00  }
0x289: {  	_ =	swait.ge [sflag:s13], $0x100  }
0x28a: {  	[sflag:s13] =	ssyncset.done $0x0  }
0x28b: {  	[sflag:s13] =	ssyncadd.s32 $0xFFFFFF00  }
0x28c: {  	_ =	swait.ge [sflag:s13], $0x100  }
0x28d: {  	[sflag:s13] =	ssyncset.done $0x0  }
0x28e: {  	[sflag:s13] =	ssyncadd.s32 $0xFFFFFF00  }
0x28f: {  	_ =	swait.ge [sflag:s13], $0x100  }
0x290: {  	[sflag:s13] =	ssyncset.done $0x0  }
0x291: {  	[sflag:s13] =	ssyncadd.s32 $0xFFFFFF00  }
0x292: {  	_ =	swait.ge [sflag:s13], $0x100  }
0x293: {  	[sflag:s13] =	ssyncset.done $0x0  }
0x294: {  	[sflag:s13] =	ssyncadd.s32 $0xFFFFFF00  }
0x295: {  	_ =	swait.ge [sflag:s13], $0x100  }
0x296: {  	s17 =	sadd.s32 $0xFFFFFFFF, s21;
	[sflag:s13] =	ssyncset.done $0x0  }
.LBB2_28:
0x297: {  	p0 =	sne.s32 s17, $0x1;
	s17 =	sadd.s32 $0xFFFFFFFF, s17;
	[sflag:s13] =	ssyncadd.s32 $0xFFFFFF00  }
0x298: {  	_ =	swait.ge [sflag:s13], $0x100  }
0x299: {  	[sflag:s13] =	ssyncset.done $0x0  }
0x29a: {  	[sflag:s13] =	ssyncadd.s32 $0xFFFFFF00  }
0x29b: {  	_ =	swait.ge [sflag:s13], $0x100  }
0x29c: {  	[sflag:s13] =	ssyncset.done $0x0  }
0x29d: {  	[sflag:s13] =	ssyncadd.s32 $0xFFFFFF00  }
0x29e: {  	_ =	swait.ge [sflag:s13], $0x100  }
0x29f: {  	[sflag:s13] =	ssyncset.done $0x0  }
0x2a0: {  	[sflag:s13] =	ssyncadd.s32 $0xFFFFFF00  }
0x2a1: {  	_ =	swait.ge [sflag:s13], $0x100  }
0x2a2: {  	[sflag:s13] =	ssyncset.done $0x0  }
0x2a3: {  	[sflag:s13] =	ssyncadd.s32 $0xFFFFFF00  }
0x2a4: {  	_ =	swait.ge [sflag:s13], $0x100  }
0x2a5: {  	[sflag:s13] =	ssyncset.done $0x0  }
0x2a6: {  	[sflag:s13] =	ssyncadd.s32 $0xFFFFFF00  }
0x2a7: {  	_ =	swait.ge [sflag:s13], $0x100  }
0x2a8: {  	[sflag:s13] =	ssyncset.done $0x0  }
0x2a9: {  	[sflag:s13] =	ssyncadd.s32 $0xFFFFFF00  }
0x2aa: {  	_ =	swait.ge [sflag:s13], $0x100  }
0x2ab: {  	[sflag:s13] =	ssyncset.done $0x0  }
0x2ac: {  	[sflag:s13] =	ssyncadd.s32 $0xFFFFFF00  }
0x2ad: {  	_ =	swait.ge [sflag:s13], $0x100  }
0x2ae: {  	[sflag:s13] =	ssyncset.done $0x0  }
0x2af: {  	[sflag:s13] =	ssyncadd.s32 $0xFFFFFF00  }
0x2b0: {  	_ =	swait.ge [sflag:s13], $0x100  }
0x2b1: {  	[sflag:s13] =	ssyncset.done $0x0  }
0x2b2: {  	[sflag:s13] =	ssyncadd.s32 $0xFFFFFF00  }
0x2b3: {  	_ =	swait.ge [sflag:s13], $0x100  }
0x2b4: {  	[sflag:s13] =	ssyncset.done $0x0  }
0x2b5: {  	[sflag:s13] =	ssyncadd.s32 $0xFFFFFF00  }
0x2b6: {  	_ =	swait.ge [sflag:s13], $0x100  }
0x2b7: {  	[sflag:s13] =	ssyncset.done $0x0  }
0x2b8: {  	[sflag:s13] =	ssyncadd.s32 $0xFFFFFF00  }
0x2b9: {  	_ =	swait.ge [sflag:s13], $0x100  }
0x2ba: {  	[sflag:s13] =	ssyncset.done $0x0  }
0x2bb: {  	[sflag:s13] =	ssyncadd.s32 $0xFFFFFF00  }
0x2bc: {  	_ =	swait.ge [sflag:s13], $0x100  }
0x2bd: {  	[sflag:s13] =	ssyncset.done $0x0  }
0x2be: {  	[sflag:s13] =	ssyncadd.s32 $0xFFFFFF00  }
0x2bf: {  	_ =	swait.ge [sflag:s13], $0x100  }
0x2c0: {  	[sflag:s13] =	ssyncset.done $0x0  }
0x2c1: {  	[sflag:s13] =	ssyncadd.s32 $0xFFFFFF00  }
.Ltmp19:
0x2c2: {  	_ =	swait.ge [sflag:s13], $0x100;
	(pc) =	sbr.rel @p0 .LBB2_28-.Ltmp19, $4  }
0x2c3: {  	[sflag:s13] =	ssyncset.done $0x0  }
0x2c4: {  	[sflag:s13] =	ssyncadd.s32 $0xFFFFFF00  }
0x2c5: {  	_ =	swait.ge [sflag:s13], $0x100  }
0x2c6: {  	[sflag:s13] =	ssyncset.done $0x0  }
0x2c7: {  	[sflag:s13] =	ssyncadd.s32 $0xFFFFFF00  }
0x2c8: {  	_ =	swait.ge [sflag:s14], $0x100  }
0x2c9: {  	[sflag:s14] =	ssyncset.done $0x0  }
0x2ca: {  	[sflag:s14] =	ssyncadd.s32 $0xFFFFFF00  }
0x2cb: {  	_ =	swait.ge [sflag:s14], $0x100  }
0x2cc: {  	[sflag:s14] =	ssyncset.done $0x0  }
0x2cd: {  	[sflag:s14] =	ssyncadd.s32 $0xFFFFFF00  }
0x2ce: {  	_ =	swait.ge [sflag:s14], $0x100  }
0x2cf: {  	[sflag:s14] =	ssyncset.done $0x0  }
0x2d0: {  	[sflag:s14] =	ssyncadd.s32 $0xFFFFFF00  }
0x2d1: {  	_ =	swait.ge [sflag:s14], $0x100  }
0x2d2: {  	[sflag:s14] =	ssyncset.done $0x0  }
0x2d3: {  	[sflag:s14] =	ssyncadd.s32 $0xFFFFFF00  }
0x2d4: {  	_ =	swait.ge [sflag:s14], $0x100  }
0x2d5: {  	[sflag:s14] =	ssyncset.done $0x0  }
0x2d6: {  	[sflag:s14] =	ssyncadd.s32 $0xFFFFFF00  }
0x2d7: {  	_ =	swait.ge [sflag:s14], $0x100  }
0x2d8: {  	[sflag:s14] =	ssyncset.done $0x0  }
0x2d9: {  	[sflag:s14] =	ssyncadd.s32 $0xFFFFFF00  }
0x2da: {  	_ =	swait.ge [sflag:s14], $0x100  }
0x2db: {  	[sflag:s14] =	ssyncset.done $0x0  }
0x2dc: {  	[sflag:s14] =	ssyncadd.s32 $0xFFFFFF00  }
0x2dd: {  	_ =	swait.ge [sflag:s14], $0x100  }
0x2de: {  	[sflag:s14] =	ssyncset.done $0x0  }
0x2df: {  	[sflag:s14] =	ssyncadd.s32 $0xFFFFFF00  }
0x2e0: {  	_ =	swait.ge [sflag:s14], $0x100  }
0x2e1: {  	[sflag:s14] =	ssyncset.done $0x0  }
0x2e2: {  	[sflag:s14] =	ssyncadd.s32 $0xFFFFFF00  }
0x2e3: {  	_ =	swait.ge [sflag:s14], $0x100  }
0x2e4: {  	[sflag:s14] =	ssyncset.done $0x0  }
0x2e5: {  	[sflag:s14] =	ssyncadd.s32 $0xFFFFFF00  }
0x2e6: {  	_ =	swait.ge [sflag:s14], $0x100  }
0x2e7: {  	[sflag:s14] =	ssyncset.done $0x0  }
0x2e8: {  	[sflag:s14] =	ssyncadd.s32 $0xFFFFFF00  }
0x2e9: {  	_ =	swait.ge [sflag:s14], $0x100  }
0x2ea: {  	[sflag:s14] =	ssyncset.done $0x0  }
0x2eb: {  	[sflag:s14] =	ssyncadd.s32 $0xFFFFFF00  }
0x2ec: {  	_ =	swait.ge [sflag:s14], $0x100  }
0x2ed: {  	[sflag:s14] =	ssyncset.done $0x0  }
0x2ee: {  	[sflag:s14] =	ssyncadd.s32 $0xFFFFFF00  }
0x2ef: {  	_ =	swait.ge [sflag:s14], $0x100  }
0x2f0: {  	[sflag:s14] =	ssyncset.done $0x0  }
0x2f1: {  	[sflag:s14] =	ssyncadd.s32 $0xFFFFFF00  }
0x2f2: {  	_ =	swait.ge [sflag:s14], $0x100  }
0x2f3: {  	[sflag:s14] =	ssyncset.done $0x0  }
0x2f4: {  	[sflag:s14] =	ssyncadd.s32 $0xFFFFFF00  }
0x2f5: {  	_ =	swait.ge [sflag:s14], $0x100  }
0x2f6: {  	s17 =	simm.s32 $0x7;
	[sflag:s14] =	ssyncset.done $0x0  }
.LBB2_30:
0x2f7: {  	p0 =	sne.s32 s17, $0x1;
	s17 =	sadd.s32 $0xFFFFFFFF, s17;
	[sflag:s14] =	ssyncadd.s32 $0xFFFFFF00  }
0x2f8: {  	_ =	swait.ge [sflag:s14], $0x100  }
0x2f9: {  	[sflag:s14] =	ssyncset.done $0x0  }
0x2fa: {  	[sflag:s14] =	ssyncadd.s32 $0xFFFFFF00  }
0x2fb: {  	_ =	swait.ge [sflag:s14], $0x100  }
0x2fc: {  	[sflag:s14] =	ssyncset.done $0x0  }
0x2fd: {  	[sflag:s14] =	ssyncadd.s32 $0xFFFFFF00  }
0x2fe: {  	_ =	swait.ge [sflag:s14], $0x100  }
0x2ff: {  	[sflag:s14] =	ssyncset.done $0x0  }
0x300: {  	[sflag:s14] =	ssyncadd.s32 $0xFFFFFF00  }
0x301: {  	_ =	swait.ge [sflag:s14], $0x100  }
0x302: {  	[sflag:s14] =	ssyncset.done $0x0  }
0x303: {  	[sflag:s14] =	ssyncadd.s32 $0xFFFFFF00  }
0x304: {  	_ =	swait.ge [sflag:s14], $0x100  }
0x305: {  	[sflag:s14] =	ssyncset.done $0x0  }
0x306: {  	[sflag:s14] =	ssyncadd.s32 $0xFFFFFF00  }
0x307: {  	_ =	swait.ge [sflag:s14], $0x100  }
0x308: {  	[sflag:s14] =	ssyncset.done $0x0  }
0x309: {  	[sflag:s14] =	ssyncadd.s32 $0xFFFFFF00  }
0x30a: {  	_ =	swait.ge [sflag:s14], $0x100  }
0x30b: {  	[sflag:s14] =	ssyncset.done $0x0  }
0x30c: {  	[sflag:s14] =	ssyncadd.s32 $0xFFFFFF00  }
0x30d: {  	_ =	swait.ge [sflag:s14], $0x100  }
0x30e: {  	[sflag:s14] =	ssyncset.done $0x0  }
0x30f: {  	[sflag:s14] =	ssyncadd.s32 $0xFFFFFF00  }
0x310: {  	_ =	swait.ge [sflag:s14], $0x100  }
0x311: {  	[sflag:s14] =	ssyncset.done $0x0  }
0x312: {  	[sflag:s14] =	ssyncadd.s32 $0xFFFFFF00  }
0x313: {  	_ =	swait.ge [sflag:s14], $0x100  }
0x314: {  	[sflag:s14] =	ssyncset.done $0x0  }
0x315: {  	[sflag:s14] =	ssyncadd.s32 $0xFFFFFF00  }
0x316: {  	_ =	swait.ge [sflag:s14], $0x100  }
0x317: {  	[sflag:s14] =	ssyncset.done $0x0  }
0x318: {  	[sflag:s14] =	ssyncadd.s32 $0xFFFFFF00  }
0x319: {  	_ =	swait.ge [sflag:s14], $0x100  }
0x31a: {  	[sflag:s14] =	ssyncset.done $0x0  }
0x31b: {  	[sflag:s14] =	ssyncadd.s32 $0xFFFFFF00  }
0x31c: {  	_ =	swait.ge [sflag:s14], $0x100  }
0x31d: {  	[sflag:s14] =	ssyncset.done $0x0  }
0x31e: {  	[sflag:s14] =	ssyncadd.s32 $0xFFFFFF00  }
0x31f: {  	_ =	swait.ge [sflag:s14], $0x100  }
0x320: {  	[sflag:s14] =	ssyncset.done $0x0  }
0x321: {  	[sflag:s14] =	ssyncadd.s32 $0xFFFFFF00  }
.Ltmp20:
0x322: {  	_ =	swait.ge [sflag:s14], $0x100;
	(pc) =	sbr.rel @p0 .LBB2_30-.Ltmp20, $4  }
0x323: {  	[sflag:s14] =	ssyncset.done $0x0  }
0x324: {  	[sflag:s14] =	ssyncadd.s32 $0xFFFFFF00  }
0x325: {  	_ =	swait.ge [sflag:s14], $0x100  }
0x326: {  	[sflag:s14] =	ssyncset.done $0x0  }
0x327: {  	s16 =	sadd.s32 $0x1, s16  }
0x328: {  	p0 =	sne.s32 s16, s9  }
.Ltmp21:
0x329: {  	_ = 	snop;
	(pc) =	sbr.rel @p0 .LBB2_1-.Ltmp21, $2  }
0x32a: {  	_ =	sdelay $0x2  }
0x32b: {  	[sflag:s14] =	ssyncadd.s32 $0xFFFFFF00  }
0x32c: {  	_ =	sfence.sel $0x180000  }
0x32d: {  	[bflag:$0x0] =	sbarrier.arrive $0xFFFF  }
0x32e: {  	p0 =	sne.s32 s3, $0x0;
	_ =	strace $0x90000047  }
0x32f: {  	s0 =	sadd.s32 @!p0 $0x100000, s0;
	[bflag:$0x2] =	sbarrier.arrive $0xFFFF  }
0x330: {  	[sflag:s0] =	ssyncadd.tile.s32 @!p0 $0x1;
	_ =	shalt  }
.Lfunc_end2:
_tile_overlayer_lowered:
.L_overlay_start_2:
0x331: {  	(tag) =	ssettag $0x2  }
0x332: {  	s0 =	rddreg [dreg:$0x0];
	s2 =	stileid.u32  }
0x333: {  	s1 =	rddreg [dreg:$0x1];
	p0 =	sne.s32 s2, $0x0  }
0x334: {  	s3 =	rddreg [dreg:$0x2];
	[bflag:$0x3] =	sbarrier.arrive $0xFFFF;
	s2 =	simm.s32 @!p0 $0x1C06  }
0x335: {  	[timem:s3], [sflag:s2] =	dma.local @!p0 [hbm:s0], s1  }
0x336: {  	s0 =	simm.s32 @!p0 $0x6  }
0x337: {  	_ =	swait.ge @!p0 [sflag:s0], s1  }
0x338: {  	s1 =	ssub.s32 @!p0 $0x0, s1;
	[sflag:s0] =	ssyncset.done @!p0 $0x0  }
0x339: {  	[sflag:s0] =	ssyncadd.s32 @!p0 s1  }
0x33a: {  	[bflag:$0x3] =	sbarrier.arrive $0xFFFF  }
0x33b: {  	_ =	shalt  }

</sc_bundles>
